<compile_context>
chip_gen: v7x
topology: tpu7x:2x2x1
jax: 0.10.2.dev20260603
libtpu: 0.0.44.dev20260713+nightly
codegen_flags: <defaults>
</compile_context>

<pallas_src>
import jax
import jax.numpy as jnp
from jax import lax
from jax.experimental import pallas as pl
from jax.experimental.pallas import tpu as pltpu
from jax.experimental.pallas import tpu_sc as plsc

TOPK = 8
NUM_WORKERS = 32


def _copy_kernel(xt_ref, out_ref):
    out_ref[...] = xt_ref[...]


def _topk_kernel(sim_ref, idx_ref, rs_ref):
    b, p = sim_ref.shape
    sim = sim_ref[...]
    iota = lax.broadcasted_iota(jnp.int32, (b, p), 1)
    kiota = lax.broadcasted_iota(jnp.int32, (b, TOPK), 1)
    vals = sim
    idx_acc = jnp.zeros((b, TOPK), jnp.int32)
    ssum = jnp.float32(0.0)
    for k in range(TOPK):
        m = jnp.max(vals, axis=1, keepdims=True)
        im = jnp.min(jnp.where(vals == m, iota, jnp.int32(p)),
                     axis=1, keepdims=True)
        idx_acc = jnp.where(kiota == k, im, idx_acc)
        ssum = ssum + jnp.sum(m)
        vals = jnp.where(iota == im, -jnp.inf, vals)
    idx_ref[...] = idx_acc
    rs_ref[...] = jnp.full((1, 1), ssum / jnp.float32(b), jnp.float32)


def _make_assemble(b, n, c, p, length):
    grows = TOPK * length
    out_rows = grows + n
    qsz = b // 8
    nq = b // qsz
    lanes = 16
    gpw = grows // NUM_WORKERS
    bpw = b // NUM_WORKERS

    mesh = plsc.VectorSubcoreMesh(core_axis_name="c", subcore_axis_name="s",
                                  num_cores=2, num_subcores=16)

    def body(prompt_hbm, pn_hbm, idx_hbm, kcm_hbm, bqm_hbm, out_hbm,
             bkn_hbm):
        wid = lax.axis_index("s") * 2 + lax.axis_index("c")

        def run(h0, h1, h2, idxv2, idxg, idxb, kcv, bqv, gsem, wsem):
            bufs = (h0, h1, h2)
            nbuf = len(bufs)
            pltpu.sync_copy(kcm_hbm, kcv)
            pltpu.sync_copy(bqm_hbm, bqv)
            pltpu.sync_copy(idx_hbm, idxv2)

            for i in range(gpw):
                g = wid * gpw + i
                kk = g // jnp.int32(length)
                rr = g - kk * jnp.int32(length)
                kv = jnp.broadcast_to(kk, (lanes,))
                for ch in range(b // lanes):
                    bbv = lax.iota(jnp.int32, lanes) + jnp.int32(ch * lanes)
                    vals = plsc.load_gather(idxv2, [bbv, kv])
                    idxg[pl.ds(i * b + ch * lanes, lanes)] = (
                        rr * jnp.int32(p) + vals)
            for grp in range(bpw // 4):
                bb0 = wid * bpw + grp * 4
                for ch in range(2):
                    bv = jnp.broadcast_to(bb0 + 2 * ch, (lanes,)) + bqv[...]
                    vals = plsc.load_gather(idxv2, [bv, kcv[...]])
                    idxb[pl.ds(grp * 32 + ch * lanes, lanes)] = vals

            chunks = []
            for i in range(gpw):
                g = wid * gpw + i
                for q in range(nq):
                    chunks.append((
                        lambda i=i, q=q: prompt_hbm.at[
                            idxg.at[pl.ds(i * b + q * qsz, qsz)]],
                        lambda g=g, q=q: out_hbm.at[g, pl.ds(q * qsz, qsz), :],
                        None,
                    ))
            for grp in range(bpw // 4):
                bb0 = wid * bpw + grp * 4
                chunks.append((
                    lambda grp=grp: pn_hbm.at[
                        idxb.at[pl.ds(grp * 32, 32)]],
                    lambda bb0=bb0: bkn_hbm.at[pl.ds(bb0 * TOPK, 32), :],
                    32,
                ))

            pend = [None] * nbuf
            for t, (src_fn, dst_fn, rows) in enumerate(chunks):
                buf = bufs[t % nbuf]
                if rows is not None:
                    buf = buf.at[pl.ds(0, rows), :]
                if pend[t % nbuf] is not None:
                    pend[t % nbuf].wait()
                pltpu.async_copy(src_fn(), buf, gsem).wait()
                pend[t % nbuf] = pltpu.async_copy(buf, dst_fn(), wsem)
            for w in pend:
                if w is not None:
                    w.wait()

        pl.run_scoped(run,
                      pltpu.VMEM((qsz, c), jnp.float32),
                      pltpu.VMEM((qsz, c), jnp.float32),
                      pltpu.VMEM((qsz, c), jnp.float32),
                      pltpu.VMEM((b, TOPK), jnp.int32),
                      pltpu.VMEM((gpw * b,), jnp.int32),
                      pltpu.VMEM((2 * 32,), jnp.int32),
                      pltpu.VMEM((lanes,), jnp.int32),
                      pltpu.VMEM((lanes,), jnp.int32),
                      pltpu.SemaphoreType.DMA,
                      pltpu.SemaphoreType.DMA)

    return pl.kernel(
        body,
        out_type=jax.ShapeDtypeStruct((b * TOPK, c), jnp.float32),
        mesh=mesh,
        compiler_params=pltpu.CompilerParams(needs_layout_passes=False),
    )


def kernel(x_embed, prompt_key, prompt):
    b, n, c = x_embed.shape
    p = prompt_key.shape[0]
    length = prompt.shape[1]
    grows = TOPK * length
    out_rows = grows + n

    xt = jnp.transpose(x_embed, (1, 0, 2))
    prompt_t = jnp.transpose(prompt, (1, 0, 2))
    prompt2d = prompt_t.reshape(length * p, c)

    outt0 = pl.pallas_call(
        _copy_kernel,
        grid=(n // 4,),
        in_specs=[pl.BlockSpec((4, b, c), lambda i: (i, 0, 0))],
        out_specs=pl.BlockSpec((4, b, c), lambda i: (grows // 4 + i, 0, 0)),
        out_shape=jax.ShapeDtypeStruct((out_rows, b, c), jnp.float32),
    )(xt)

    x_mean = jnp.mean(x_embed, axis=1)
    xss = jnp.sum(x_mean ** 2, axis=1, keepdims=True)
    xn = x_mean * lax.rsqrt(jnp.maximum(xss, jnp.asarray(1e-12, jnp.float32)))
    pss = jnp.sum(prompt_key ** 2, axis=1, keepdims=True)
    pn = prompt_key * lax.rsqrt(
        jnp.maximum(pss, jnp.asarray(1e-12, jnp.float32)))
    sim = jnp.matmul(xn, pn.T)

    idx, rs = pl.pallas_call(
        _topk_kernel,
        out_shape=(
            jax.ShapeDtypeStruct((b, TOPK), jnp.int32),
            jax.ShapeDtypeStruct((1, 1), jnp.float32),
        ),
    )(sim)

    kcm = jnp.arange(16, dtype=jnp.int32) % jnp.int32(TOPK)
    bqm = jnp.arange(16, dtype=jnp.int32) // jnp.int32(TOPK)
    out_ref = jax.new_ref(outt0)
    assemble = _make_assemble(b, n, c, p, length)
    bkn2 = assemble(prompt2d, pn, idx, kcm, bqm, out_ref)
    bkn = bkn2.reshape(b, TOPK, c)
    prompted = jnp.transpose(out_ref[...], (1, 0, 2))

    return (prompted,
            sim,
            rs.reshape(()),
            idx,
            pn,
            xn,
            bkn)

# --- scband reference (transcript-rebuilt; emitter-appended) ---
"""Pipeline reference for scband-buffer-prompt-90134183673907 (READ-ONLY COPY).

The authoritative reference and input builder live on the scoring server;
editing this copy changes nothing except your own understanding.
"""

import jax, jax.numpy as jnp
import numpy as np

TOP_K = 8


def l2_normalize(x, axis):
    square_sum = jnp.sum(x ** 2, axis=axis, keepdims=True)
    x_inv_norm = jax.lax.rsqrt(jnp.maximum(square_sum, jnp.asarray(1e-12, dtype=x.dtype)))
    return x * x_inv_norm


def setup_inputs(seed: int = 0) -> dict:
    key = jax.random.key(seed)
    k1, k2, k3 = jax.random.split(key, 3)
    x_embed = jax.random.normal(k1, (256, 196, 768), dtype=jnp.float32)
    prompt_key = jax.random.normal(k2, (512, 768), dtype=jnp.float32)
    prompt = jax.random.normal(k3, (512, 20, 768), dtype=jnp.float32)
    return {"x_embed": x_embed, "prompt_key": prompt_key, "prompt": prompt}


def reference(x_embed, prompt_key, prompt):
    # embedding_key == 'mean'
    x_embed_mean = jnp.mean(x_embed, axis=1)  # [B, C]
    prompt_norm = l2_normalize(prompt_key, axis=1)  # [P, C]
    x_embed_norm = l2_normalize(x_embed_mean, axis=1)  # [B, C]
    similarity = jnp.matmul(x_embed_norm, prompt_norm.T)  # [B, P]
    # prompt_mask is None, batchwise_prompt False -> plain per-sample top-k
    _, idx = jax.lax.top_k(similarity, TOP_K)  # [B, top_k]
    batched_prompt_raw = prompt[idx]  # [B, top_k, length, C]
    batch_size, top_k, length, c = batched_prompt_raw.shape
    batched_prompt = batched_prompt_raw.reshape(batch_size, top_k * length, c)
    batched_key_norm = prompt_norm[idx]  # [B, top_k, C]
    x_embed_norm_e = x_embed_norm[:, None, :]  # [B, 1, C]
    sim = batched_key_norm * x_embed_norm_e
    reduce_sim = jnp.sum(sim) / x_embed.shape[0]
    prompted_embedding = jnp.concatenate([batched_prompt, x_embed], axis=1)  # [B, top_k*length + N, C]
    return (prompted_embedding, similarity, reduce_sim, idx, prompt_norm, x_embed_norm, batched_key_norm)

if __name__ == "__main__":
    import jax
    _d = setup_inputs()
    print(jax.jit(kernel)(*tuple(_d.values())))

</pallas_src>

<mosaic_0001>
#map = affine_map<(d0, d1) -> (0, 0)>
#map1 = affine_map<(d0, d1) -> (0)>
#map2 = affine_map<(d0, d1) -> (0, 0, 0)>
module attributes {stable_mosaic.version = 14 : i64} {
  func.func @new_body(%arg0: i32, %arg1: i32, %arg2: memref<10240x768xf32, #tpu.memory_space<hbm>>, %arg3: memref<512x768xf32, #tpu.memory_space<hbm>>, %arg4: memref<256x8xi32, #tpu.memory_space<hbm>>, %arg5: memref<16xi32, #tpu.memory_space<hbm>>, %arg6: memref<16xi32, #tpu.memory_space<hbm>>, %arg7: memref<356x256x768xf32, #tpu.memory_space<hbm>>, %arg8: memref<2048x768xf32, #tpu.memory_space<hbm>>, %arg9: memref<356x256x768xf32, #tpu.memory_space<hbm>>) attributes {dimension_semantics = [#tpu.dimension_semantics<core_parallel>, #tpu.dimension_semantics<subcore_parallel>], iteration_bounds = array<i64: 2, 16>, scalar_prefetch = 0 : i64, scratch_operands = 0 : i64, tpu.core_type = #tpu.core_type<sc_vector_subcore>, window_params = [{transform_indices = #map}, {transform_indices = #map}, {transform_indices = #map}, {transform_indices = #map1}, {transform_indices = #map1}, {transform_indices = #map2}, {transform_indices = #map}, {transform_indices = #map2}]} {
    %mul3A = arith.constant 2 : i32
    %mul3A_0 = arith.muli %arg1, %mul3A : i32
    %add3A = arith.addi %mul3A_0, %arg0 : i32
    "tpu.region"() ({
      %run_scoped3A = memref.alloca() : memref<32x768xf32, #tpu.memory_space<vmem>>
      %run_scoped3A_1 = memref.alloca() : memref<32x768xf32, #tpu.memory_space<vmem>>
      %run_scoped3A_2 = memref.alloca() : memref<32x768xf32, #tpu.memory_space<vmem>>
      %run_scoped3A_3 = memref.alloca() : memref<256x8xi32, #tpu.memory_space<vmem>>
      %run_scoped3A_4 = memref.alloca() : memref<1280xi32, #tpu.memory_space<vmem>>
      %run_scoped3A_5 = memref.alloca() : memref<64xi32, #tpu.memory_space<vmem>>
      %run_scoped3A_6 = memref.alloca() : memref<16xi32, #tpu.memory_space<vmem>>
      %run_scoped3A_7 = memref.alloca() : memref<16xi32, #tpu.memory_space<vmem>>
      %run_scoped3A_8 = tpu.sem_alloc : memref<!tpu.dma_semaphore, #tpu.memory_space<semaphore_mem>>
      %run_scoped3A_9 = tpu.sem_alloc : memref<!tpu.dma_semaphore, #tpu.memory_space<semaphore_mem>>
      "tpu.region"() ({
        %run_scoped3A_2231 = tpu.sem_alloc : memref<!tpu.dma_semaphore, #tpu.memory_space<semaphore_mem>>
        tpu.enqueue_dma source(%arg5 : memref<16xi32, #tpu.memory_space<hbm>>) target(%run_scoped3A_6 : memref<16xi32, #tpu.memory_space<vmem>>) target_semaphore(%run_scoped3A_2231 : memref<!tpu.dma_semaphore, #tpu.memory_space<semaphore_mem>>)
        tpu.wait_dma2 semaphore(%run_scoped3A_2231 : memref<!tpu.dma_semaphore, #tpu.memory_space<semaphore_mem>>) src(%arg5 : memref<16xi32, #tpu.memory_space<hbm>>) dst(%run_scoped3A_6 : memref<16xi32, #tpu.memory_space<vmem>>)
        tpu.yield
      }) : () -> ()
      "tpu.region"() ({
        %run_scoped3A_2231 = tpu.sem_alloc : memref<!tpu.dma_semaphore, #tpu.memory_space<semaphore_mem>>
        tpu.enqueue_dma source(%arg6 : memref<16xi32, #tpu.memory_space<hbm>>) target(%run_scoped3A_7 : memref<16xi32, #tpu.memory_space<vmem>>) target_semaphore(%run_scoped3A_2231 : memref<!tpu.dma_semaphore, #tpu.memory_space<semaphore_mem>>)
        tpu.wait_dma2 semaphore(%run_scoped3A_2231 : memref<!tpu.dma_semaphore, #tpu.memory_space<semaphore_mem>>) src(%arg6 : memref<16xi32, #tpu.memory_space<hbm>>) dst(%run_scoped3A_7 : memref<16xi32, #tpu.memory_space<vmem>>)
        tpu.yield
      }) : () -> ()
      "tpu.region"() ({
        %run_scoped3A_2231 = tpu.sem_alloc : memref<!tpu.dma_semaphore, #tpu.memory_space<semaphore_mem>>
        tpu.enqueue_dma source(%arg4 : memref<256x8xi32, #tpu.memory_space<hbm>>) target(%run_scoped3A_3 : memref<256x8xi32, #tpu.memory_space<vmem>>) target_semaphore(%run_scoped3A_2231 : memref<!tpu.dma_semaphore, #tpu.memory_space<semaphore_mem>>)
        tpu.wait_dma2 semaphore(%run_scoped3A_2231 : memref<!tpu.dma_semaphore, #tpu.memory_space<semaphore_mem>>) src(%arg4 : memref<256x8xi32, #tpu.memory_space<hbm>>) dst(%run_scoped3A_3 : memref<256x8xi32, #tpu.memory_space<vmem>>)
        tpu.yield
      }) : () -> ()
      %mul3A_10 = arith.constant 5 : i32
      %mul3A_11 = arith.muli %add3A, %mul3A_10 : i32
      %add3A_12 = arith.constant 0 : i32
      %add3A_13 = arith.addi %mul3A_11, %add3A_12 : i32
      %jit3A = arith.constant 20 : i32
      %div3A = arith.divsi %add3A_13, %jit3A : i32
      %sign3A = arith.constant 0 : i32
      %sign3A_14 = arith.cmpi sgt, %add3A_13, %sign3A : i32
      %sign3A_15 = arith.extui %sign3A_14 : i1 to i32
      %sign3A_16 = arith.constant 0 : i32
      %sign3A_17 = arith.cmpi slt, %add3A_13, %sign3A_16 : i32
      %sign3A_18 = arith.extui %sign3A_17 : i1 to i32
      %sign3A_19 = arith.subi %sign3A_15, %sign3A_18 : i32
      %sign3A_20 = arith.constant 0 : i32
      %sign3A_21 = arith.cmpi sgt, %jit3A, %sign3A_20 : i32
      %sign3A_22 = arith.extui %sign3A_21 : i1 to i32
      %sign3A_23 = arith.constant 0 : i32
      %sign3A_24 = arith.cmpi slt, %jit3A, %sign3A_23 : i32
      %sign3A_25 = arith.extui %sign3A_24 : i1 to i32
      %sign3A_26 = arith.subi %sign3A_22, %sign3A_25 : i32
      %ne3A = arith.cmpi ne, %sign3A_19, %sign3A_26 : i32
      %rem3A = arith.remsi %add3A_13, %jit3A : i32
      %ne3A_27 = arith.constant 0 : i32
      %ne3A_28 = arith.cmpi ne, %rem3A, %ne3A_27 : i32
      %and3A = arith.andi %ne3A, %ne3A_28 : i1
      %sub3A = arith.constant 1 : i32
      %sub3A_29 = arith.subi %div3A, %sub3A : i32
      %select_n3A = arith.select %and3A, %sub3A_29, %div3A : i32
      %mul3A_30 = arith.constant 20 : i32
      %mul3A_31 = arith.muli %select_n3A, %mul3A_30 : i32
      %sub3A_32 = arith.subi %add3A_13, %mul3A_31 : i32
      %broadcast_in_dim3A = vector.broadcast %select_n3A : i32 to vector<16xi32>
      %iota3A = tpu.iota {dimensions = array<i32: 0>} : vector<16xi32>
      %add3A_33 = arith.constant 0 : i32
      %add3A_34 = vector.broadcast %add3A_33 : i32 to vector<16xi32>
      %add3A_35 = arith.addi %iota3A, %add3A_34 : vector<16xi32>
      %gather3A = tpu.vector_load_idx %run_scoped3A_3[%add3A_35, %broadcast_in_dim3A] : memref<256x8xi32, #tpu.memory_space<vmem>>[vector<16xi32>, vector<16xi32>], vector<16xi32>,
      %mul3A_36 = arith.constant 512 : i32
      %mul3A_37 = arith.muli %sub3A_32, %mul3A_36 : i32
      %add3A_38 = vector.broadcast %mul3A_37 : i32 to vector<16xi32>
      %add3A_39 = arith.addi %add3A_38, %gather3A : vector<16xi32>
      %swap3A = arith.constant 0 : index
      %swap3A_40 = tpu.vector_load %run_scoped3A_4[%swap3A] {strides = array<i32>} : memref<1280xi32, #tpu.memory_space<vmem>>, vector<16xi32>,
      tpu.vector_store %run_scoped3A_4[%swap3A], %add3A_39 {strides = array<i32>} : memref<1280xi32, #tpu.memory_space<vmem>>, vector<16xi32>,
      %iota3A_41 = tpu.iota {dimensions = array<i32: 0>} : vector<16xi32>
      %add3A_42 = arith.constant 16 : i32
      %add3A_43 = vector.broadcast %add3A_42 : i32 to vector<16xi32>
      %add3A_44 = arith.addi %iota3A_41, %add3A_43 : vector<16xi32>
      %gather3A_45 = tpu.vector_load_idx %run_scoped3A_3[%add3A_44, %broadcast_in_dim3A] : memref<256x8xi32, #tpu.memory_space<vmem>>[vector<16xi32>, vector<16xi32>], vector<16xi32>,
      %mul3A_46 = arith.constant 512 : i32
      %mul3A_47 = arith.muli %sub3A_32, %mul3A_46 : i32
      %add3A_48 = vector.broadcast %mul3A_47 : i32 to vector<16xi32>
      %add3A_49 = arith.addi %add3A_48, %gather3A_45 : vector<16xi32>
      %swap3A_50 = arith.constant 16 : index
      %swap3A_51 = tpu.vector_load %run_scoped3A_4[%swap3A_50] {strides = array<i32>} : memref<1280xi32, #tpu.memory_space<vmem>>, vector<16xi32>,
      tpu.vector_store %run_scoped3A_4[%swap3A_50], %add3A_49 {strides = array<i32>} : memref<1280xi32, #tpu.memory_space<vmem>>, vector<16xi32>,
      %iota3A_52 = tpu.iota {dimensions = array<i32: 0>} : vector<16xi32>
      %add3A_53 = arith.constant 32 : i32
      %add3A_54 = vector.broadcast %add3A_53 : i32 to vector<16xi32>
      %add3A_55 = arith.addi %iota3A_52, %add3A_54 : vector<16xi32>
      %gather3A_56 = tpu.vector_load_idx %run_scoped3A_3[%add3A_55, %broadcast_in_dim3A] : memref<256x8xi32, #tpu.memory_space<vmem>>[vector<16xi32>, vector<16xi32>], vector<16xi32>,
      %mul3A_57 = arith.constant 512 : i32
      %mul3A_58 = arith.muli %sub3A_32, %mul3A_57 : i32
      %add3A_59 = vector.broadcast %mul3A_58 : i32 to vector<16xi32>
      %add3A_60 = arith.addi %add3A_59, %gather3A_56 : vector<16xi32>
      %swap3A_61 = arith.constant 32 : index
      %swap3A_62 = tpu.vector_load %run_scoped3A_4[%swap3A_61] {strides = array<i32>} : memref<1280xi32, #tpu.memory_space<vmem>>, vector<16xi32>,
      tpu.vector_store %run_scoped3A_4[%swap3A_61], %add3A_60 {strides = array<i32>} : memref<1280xi32, #tpu.memory_space<vmem>>, vector<16xi32>,
      %iota3A_63 = tpu.iota {dimensions = array<i32: 0>} : vector<16xi32>
      %add3A_64 = arith.constant 48 : i32
      %add3A_65 = vector.broadcast %add3A_64 : i32 to vector<16xi32>
      %add3A_66 = arith.addi %iota3A_63, %add3A_65 : vector<16xi32>
      %gather3A_67 = tpu.vector_load_idx %run_scoped3A_3[%add3A_66, %broadcast_in_dim3A] : memref<256x8xi32, #tpu.memory_space<vmem>>[vector<16xi32>, vector<16xi32>], vector<16xi32>,
      %mul3A_68 = arith.constant 512 : i32
      %mul3A_69 = arith.muli %sub3A_32, %mul3A_68 : i32
      %add3A_70 = vector.broadcast %mul3A_69 : i32 to vector<16xi32>
      %add3A_71 = arith.addi %add3A_70, %gather3A_67 : vector<16xi32>
      %swap3A_72 = arith.constant 48 : index
      %swap3A_73 = tpu.vector_load %run_scoped3A_4[%swap3A_72] {strides = array<i32>} : memref<1280xi32, #tpu.memory_space<vmem>>, vector<16xi32>,
      tpu.vector_store %run_scoped3A_4[%swap3A_72], %add3A_71 {strides = array<i32>} : memref<1280xi32, #tpu.memory_space<vmem>>, vector<16xi32>,
      %iota3A_74 = tpu.iota {dimensions = array<i32: 0>} : vector<16xi32>
      %add3A_75 = arith.constant 64 : i32
      %add3A_76 = vector.broadcast %add3A_75 : i32 to vector<16xi32>
      %add3A_77 = arith.addi %iota3A_74, %add3A_76 : vector<16xi32>
      %gather3A_78 = tpu.vector_load_idx %run_scoped3A_3[%add3A_77, %broadcast_in_dim3A] : memref<256x8xi32, #tpu.memory_space<vmem>>[vector<16xi32>, vector<16xi32>], vector<16xi32>,
      %mul3A_79 = arith.constant 512 : i32
      %mul3A_80 = arith.muli %sub3A_32, %mul3A_79 : i32
      %add3A_81 = vector.broadcast %mul3A_80 : i32 to vector<16xi32>
      %add3A_82 = arith.addi %add3A_81, %gather3A_78 : vector<16xi32>
      %swap3A_83 = arith.constant 64 : index
      %swap3A_84 = tpu.vector_load %run_scoped3A_4[%swap3A_83] {strides = array<i32>} : memref<1280xi32, #tpu.memory_space<vmem>>, vector<16xi32>,
      tpu.vector_store %run_scoped3A_4[%swap3A_83], %add3A_82 {strides = array<i32>} : memref<1280xi32, #tpu.memory_space<vmem>>, vector<16xi32>,
      %iota3A_85 = tpu.iota {dimensions = array<i32: 0>} : vector<16xi32>
      %add3A_86 = arith.constant 80 : i32
      %add3A_87 = vector.broadcast %add3A_86 : i32 to vector<16xi32>
      %add3A_88 = arith.addi %iota3A_85, %add3A_87 : vector<16xi32>
      %gather3A_89 = tpu.vector_load_idx %run_scoped3A_3[%add3A_88, %broadcast_in_dim3A] : memref<256x8xi32, #tpu.memory_space<vmem>>[vector<16xi32>, vector<16xi32>], vector<16xi32>,
      %mul3A_90 = arith.constant 512 : i32
      %mul3A_91 = arith.muli %sub3A_32, %mul3A_90 : i32
      %add3A_92 = vector.broadcast %mul3A_91 : i32 to vector<16xi32>
      %add3A_93 = arith.addi %add3A_92, %gather3A_89 : vector<16xi32>
      %swap3A_94 = arith.constant 80 : index
      %swap3A_95 = tpu.vector_load %run_scoped3A_4[%swap3A_94] {strides = array<i32>} : memref<1280xi32, #tpu.memory_space<vmem>>, vector<16xi32>,
      tpu.vector_store %run_scoped3A_4[%swap3A_94], %add3A_93 {strides = array<i32>} : memref<1280xi32, #tpu.memory_space<vmem>>, vector<16xi32>,
      %iota3A_96 = tpu.iota {dimensions = array<i32: 0>} : vector<16xi32>
      %add3A_97 = arith.constant 96 : i32
      %add3A_98 = vector.broadcast %add3A_97 : i32 to vector<16xi32>
      %add3A_99 = arith.addi %iota3A_96, %add3A_98 : vector<16xi32>
      %gather3A_100 = tpu.vector_load_idx %run_scoped3A_3[%add3A_99, %broadcast_in_dim3A] : memref<256x8xi32, #tpu.memory_space<vmem>>[vector<16xi32>, vector<16xi32>], vector<16xi32>,
      %mul3A_101 = arith.constant 512 : i32
      %mul3A_102 = arith.muli %sub3A_32, %mul3A_101 : i32
      %add3A_103 = vector.broadcast %mul3A_102 : i32 to vector<16xi32>
      %add3A_104 = arith.addi %add3A_103, %gather3A_100 : vector<16xi32>
      %swap3A_105 = arith.constant 96 : index
      %swap3A_106 = tpu.vector_load %run_scoped3A_4[%swap3A_105] {strides = array<i32>} : memref<1280xi32, #tpu.memory_space<vmem>>, vector<16xi32>,
      tpu.vector_store %run_scoped3A_4[%swap3A_105], %add3A_104 {strides = array<i32>} : memref<1280xi32, #tpu.memory_space<vmem>>, vector<16xi32>,
      %iota3A_107 = tpu.iota {dimensions = array<i32: 0>} : vector<16xi32>
      %add3A_108 = arith.constant 112 : i32
      %add3A_109 = vector.broadcast %add3A_108 : i32 to vector<16xi32>
      %add3A_110 = arith.addi %iota3A_107, %add3A_109 : vector<16xi32>
      %gather3A_111 = tpu.vector_load_idx %run_scoped3A_3[%add3A_110, %broadcast_in_dim3A] : memref<256x8xi32, #tpu.memory_space<vmem>>[vector<16xi32>, vector<16xi32>], vector<16xi32>,
      %mul3A_112 = arith.constant 512 : i32
      %mul3A_113 = arith.muli %sub3A_32, %mul3A_112 : i32
      %add3A_114 = vector.broadcast %mul3A_113 : i32 to vector<16xi32>
      %add3A_115 = arith.addi %add3A_114, %gather3A_111 : vector<16xi32>
      %swap3A_116 = arith.constant 112 : index
      %swap3A_117 = tpu.vector_load %run_scoped3A_4[%swap3A_116] {strides = array<i32>} : memref<1280xi32, #tpu.memory_space<vmem>>, vector<16xi32>,
      tpu.vector_store %run_scoped3A_4[%swap3A_116], %add3A_115 {strides = array<i32>} : memref<1280xi32, #tpu.memory_space<vmem>>, vector<16xi32>,
      %iota3A_118 = tpu.iota {dimensions = array<i32: 0>} : vector<16xi32>
      %add3A_119 = arith.constant 128 : i32
      %add3A_120 = vector.broadcast %add3A_119 : i32 to vector<16xi32>
      %add3A_121 = arith.addi %iota3A_118, %add3A_120 : vector<16xi32>
      %gather3A_122 = tpu.vector_load_idx %run_scoped3A_3[%add3A_121, %broadcast_in_dim3A] : memref<256x8xi32, #tpu.memory_space<vmem>>[vector<16xi32>, vector<16xi32>], vector<16xi32>,
      %mul3A_123 = arith.constant 512 : i32
      %mul3A_124 = arith.muli %sub3A_32, %mul3A_123 : i32
      %add3A_125 = vector.broadcast %mul3A_124 : i32 to vector<16xi32>
      %add3A_126 = arith.addi %add3A_125, %gather3A_122 : vector<16xi32>
      %swap3A_127 = arith.constant 128 : index
      %swap3A_128 = tpu.vector_load %run_scoped3A_4[%swap3A_127] {strides = array<i32>} : memref<1280xi32, #tpu.memory_space<vmem>>, vector<16xi32>,
      tpu.vector_store %run_scoped3A_4[%swap3A_127], %add3A_126 {strides = array<i32>} : memref<1280xi32, #tpu.memory_space<vmem>>, vector<16xi32>,
      %iota3A_129 = tpu.iota {dimensions = array<i32: 0>} : vector<16xi32>
      %add3A_130 = arith.constant 144 : i32
      %add3A_131 = vector.broadcast %add3A_130 : i32 to vector<16xi32>
      %add3A_132 = arith.addi %iota3A_129, %add3A_131 : vector<16xi32>
      %gather3A_133 = tpu.vector_load_idx %run_scoped3A_3[%add3A_132, %broadcast_in_dim3A] : memref<256x8xi32, #tpu.memory_space<vmem>>[vector<16xi32>, vector<16xi32>], vector<16xi32>,
      %mul3A_134 = arith.constant 512 : i32
      %mul3A_135 = arith.muli %sub3A_32, %mul3A_134 : i32
      %add3A_136 = vector.broadcast %mul3A_135 : i32 to vector<16xi32>
      %add3A_137 = arith.addi %add3A_136, %gather3A_133 : vector<16xi32>
      %swap3A_138 = arith.constant 144 : index
      %swap3A_139 = tpu.vector_load %run_scoped3A_4[%swap3A_138] {strides = array<i32>} : memref<1280xi32, #tpu.memory_space<vmem>>, vector<16xi32>,
      tpu.vector_store %run_scoped3A_4[%swap3A_138], %add3A_137 {strides = array<i32>} : memref<1280xi32, #tpu.memory_space<vmem>>, vector<16xi32>,
      %iota3A_140 = tpu.iota {dimensions = array<i32: 0>} : vector<16xi32>
      %add3A_141 = arith.constant 160 : i32
      %add3A_142 = vector.broadcast %add3A_141 : i32 to vector<16xi32>
      %add3A_143 = arith.addi %iota3A_140, %add3A_142 : vector<16xi32>
      %gather3A_144 = tpu.vector_load_idx %run_scoped3A_3[%add3A_143, %broadcast_in_dim3A] : memref<256x8xi32, #tpu.memory_space<vmem>>[vector<16xi32>, vector<16xi32>], vector<16xi32>,
      %mul3A_145 = arith.constant 512 : i32
      %mul3A_146 = arith.muli %sub3A_32, %mul3A_145 : i32
      %add3A_147 = vector.broadcast %mul3A_146 : i32 to vector<16xi32>
      %add3A_148 = arith.addi %add3A_147, %gather3A_144 : vector<16xi32>
      %swap3A_149 = arith.constant 160 : index
      %swap3A_150 = tpu.vector_load %run_scoped3A_4[%swap3A_149] {strides = array<i32>} : memref<1280xi32, #tpu.memory_space<vmem>>, vector<16xi32>,
      tpu.vector_store %run_scoped3A_4[%swap3A_149], %add3A_148 {strides = array<i32>} : memref<1280xi32, #tpu.memory_space<vmem>>, vector<16xi32>,
      %iota3A_151 = tpu.iota {dimensions = array<i32: 0>} : vector<16xi32>
      %add3A_152 = arith.constant 176 : i32
      %add3A_153 = vector.broadcast %add3A_152 : i32 to vector<16xi32>
      %add3A_154 = arith.addi %iota3A_151, %add3A_153 : vector<16xi32>
      %gather3A_155 = tpu.vector_load_idx %run_scoped3A_3[%add3A_154, %broadcast_in_dim3A] : memref<256x8xi32, #tpu.memory_space<vmem>>[vector<16xi32>, vector<16xi32>], vector<16xi32>,
      %mul3A_156 = arith.constant 512 : i32
      %mul3A_157 = arith.muli %sub3A_32, %mul3A_156 : i32
      %add3A_158 = vector.broadcast %mul3A_157 : i32 to vector<16xi32>
      %add3A_159 = arith.addi %add3A_158, %gather3A_155 : vector<16xi32>
      %swap3A_160 = arith.constant 176 : index
      %swap3A_161 = tpu.vector_load %run_scoped3A_4[%swap3A_160] {strides = array<i32>} : memref<1280xi32, #tpu.memory_space<vmem>>, vector<16xi32>,
      tpu.vector_store %run_scoped3A_4[%swap3A_160], %add3A_159 {strides = array<i32>} : memref<1280xi32, #tpu.memory_space<vmem>>, vector<16xi32>,
      %iota3A_162 = tpu.iota {dimensions = array<i32: 0>} : vector<16xi32>
      %add3A_163 = arith.constant 192 : i32
      %add3A_164 = vector.broadcast %add3A_163 : i32 to vector<16xi32>
      %add3A_165 = arith.addi %iota3A_162, %add3A_164 : vector<16xi32>
      %gather3A_166 = tpu.vector_load_idx %run_scoped3A_3[%add3A_165, %broadcast_in_dim3A] : memref<256x8xi32, #tpu.memory_space<vmem>>[vector<16xi32>, vector<16xi32>], vector<16xi32>,
      %mul3A_167 = arith.constant 512 : i32
      %mul3A_168 = arith.muli %sub3A_32, %mul3A_167 : i32
      %add3A_169 = vector.broadcast %mul3A_168 : i32 to vector<16xi32>
      %add3A_170 = arith.addi %add3A_169, %gather3A_166 : vector<16xi32>
      %swap3A_171 = arith.constant 192 : index
      %swap3A_172 = tpu.vector_load %run_scoped3A_4[%swap3A_171] {strides = array<i32>} : memref<1280xi32, #tpu.memory_space<vmem>>, vector<16xi32>,
      tpu.vector_store %run_scoped3A_4[%swap3A_171], %add3A_170 {strides = array<i32>} : memref<1280xi32, #tpu.memory_space<vmem>>, vector<16xi32>,
      %iota3A_173 = tpu.iota {dimensions = array<i32: 0>} : vector<16xi32>
      %add3A_174 = arith.constant 208 : i32
      %add3A_175 = vector.broadcast %add3A_174 : i32 to vector<16xi32>
      %add3A_176 = arith.addi %iota3A_173, %add3A_175 : vector<16xi32>
      %gather3A_177 = tpu.vector_load_idx %run_scoped3A_3[%add3A_176, %broadcast_in_dim3A] : memref<256x8xi32, #tpu.memory_space<vmem>>[vector<16xi32>, vector<16xi32>], vector<16xi32>,
      %mul3A_178 = arith.constant 512 : i32
      %mul3A_179 = arith.muli %sub3A_32, %mul3A_178 : i32
      %add3A_180 = vector.broadcast %mul3A_179 : i32 to vector<16xi32>
      %add3A_181 = arith.addi %add3A_180, %gather3A_177 : vector<16xi32>
      %swap3A_182 = arith.constant 208 : index
      %swap3A_183 = tpu.vector_load %run_scoped3A_4[%swap3A_182] {strides = array<i32>} : memref<1280xi32, #tpu.memory_space<vmem>>, vector<16xi32>,
      tpu.vector_store %run_scoped3A_4[%swap3A_182], %add3A_181 {strides = array<i32>} : memref<1280xi32, #tpu.memory_space<vmem>>, vector<16xi32>,
      %iota3A_184 = tpu.iota {dimensions = array<i32: 0>} : vector<16xi32>
      %add3A_185 = arith.constant 224 : i32
      %add3A_186 = vector.broadcast %add3A_185 : i32 to vector<16xi32>
      %add3A_187 = arith.addi %iota3A_184, %add3A_186 : vector<16xi32>
      %gather3A_188 = tpu.vector_load_idx %run_scoped3A_3[%add3A_187, %broadcast_in_dim3A] : memref<256x8xi32, #tpu.memory_space<vmem>>[vector<16xi32>, vector<16xi32>], vector<16xi32>,
      %mul3A_189 = arith.constant 512 : i32
      %mul3A_190 = arith.muli %sub3A_32, %mul3A_189 : i32
      %add3A_191 = vector.broadcast %mul3A_190 : i32 to vector<16xi32>
      %add3A_192 = arith.addi %add3A_191, %gather3A_188 : vector<16xi32>
      %swap3A_193 = arith.constant 224 : index
      %swap3A_194 = tpu.vector_load %run_scoped3A_4[%swap3A_193] {strides = array<i32>} : memref<1280xi32, #tpu.memory_space<vmem>>, vector<16xi32>,
      tpu.vector_store %run_scoped3A_4[%swap3A_193], %add3A_192 {strides = array<i32>} : memref<1280xi32, #tpu.memory_space<vmem>>, vector<16xi32>,
      %iota3A_195 = tpu.iota {dimensions = array<i32: 0>} : vector<16xi32>
      %add3A_196 = arith.constant 240 : i32
      %add3A_197 = vector.broadcast %add3A_196 : i32 to vector<16xi32>
      %add3A_198 = arith.addi %iota3A_195, %add3A_197 : vector<16xi32>
      %gather3A_199 = tpu.vector_load_idx %run_scoped3A_3[%add3A_198, %broadcast_in_dim3A] : memref<256x8xi32, #tpu.memory_space<vmem>>[vector<16xi32>, vector<16xi32>], vector<16xi32>,
      %mul3A_200 = arith.constant 512 : i32
      %mul3A_201 = arith.muli %sub3A_32, %mul3A_200 : i32
      %add3A_202 = vector.broadcast %mul3A_201 : i32 to vector<16xi32>
      %add3A_203 = arith.addi %add3A_202, %gather3A_199 : vector<16xi32>
      %swap3A_204 = arith.constant 240 : index
      %swap3A_205 = tpu.vector_load %run_scoped3A_4[%swap3A_204] {strides = array<i32>} : memref<1280xi32, #tpu.memory_space<vmem>>, vector<16xi32>,
      tpu.vector_store %run_scoped3A_4[%swap3A_204], %add3A_203 {strides = array<i32>} : memref<1280xi32, #tpu.memory_space<vmem>>, vector<16xi32>,
      %mul3A_206 = arith.constant 5 : i32
      %mul3A_207 = arith.muli %add3A, %mul3A_206 : i32
      %add3A_208 = arith.constant 1 : i32
      %add3A_209 = arith.addi %mul3A_207, %add3A_208 : i32
      %jit3A_210 = arith.constant 20 : i32
      %div3A_211 = arith.divsi %add3A_209, %jit3A_210 : i32
      %sign3A_212 = arith.constant 0 : i32
      %sign3A_213 = arith.cmpi sgt, %add3A_209, %sign3A_212 : i32
      %sign3A_214 = arith.extui %sign3A_213 : i1 to i32
      %sign3A_215 = arith.constant 0 : i32
      %sign3A_216 = arith.cmpi slt, %add3A_209, %sign3A_215 : i32
      %sign3A_217 = arith.extui %sign3A_216 : i1 to i32
      %sign3A_218 = arith.subi %sign3A_214, %sign3A_217 : i32
      %sign3A_219 = arith.constant 0 : i32
      %sign3A_220 = arith.cmpi sgt, %jit3A_210, %sign3A_219 : i32
      %sign3A_221 = arith.extui %sign3A_220 : i1 to i32
      %sign3A_222 = arith.constant 0 : i32
      %sign3A_223 = arith.cmpi slt, %jit3A_210, %sign3A_222 : i32
      %sign3A_224 = arith.extui %sign3A_223 : i1 to i32
      %sign3A_225 = arith.subi %sign3A_221, %sign3A_224 : i32
      %ne3A_226 = arith.cmpi ne, %sign3A_218, %sign3A_225 : i32
      %rem3A_227 = arith.remsi %add3A_209, %jit3A_210 : i32
      %ne3A_228 = arith.constant 0 : i32
      %ne3A_229 = arith.cmpi ne, %rem3A_227, %ne3A_228 : i32
      %and3A_230 = arith.andi %ne3A_226, %ne3A_229 : i1
      %sub3A_231 = arith.constant 1 : i32
      %sub3A_232 = arith.subi %div3A_211, %sub3A_231 : i32
      %select_n3A_233 = arith.select %and3A_230, %sub3A_232, %div3A_211 : i32
      %mul3A_234 = arith.constant 20 : i32
      %mul3A_235 = arith.muli %select_n3A_233, %mul3A_234 : i32
      %sub3A_236 = arith.subi %add3A_209, %mul3A_235 : i32
      %broadcast_in_dim3A_237 = vector.broadcast %select_n3A_233 : i32 to vector<16xi32>
      %iota3A_238 = tpu.iota {dimensions = array<i32: 0>} : vector<16xi32>
      %add3A_239 = arith.constant 0 : i32
      %add3A_240 = vector.broadcast %add3A_239 : i32 to vector<16xi32>
      %add3A_241 = arith.addi %iota3A_238, %add3A_240 : vector<16xi32>
      %gather3A_242 = tpu.vector_load_idx %run_scoped3A_3[%add3A_241, %broadcast_in_dim3A_237] : memref<256x8xi32, #tpu.memory_space<vmem>>[vector<16xi32>, vector<16xi32>], vector<16xi32>,
      %mul3A_243 = arith.constant 512 : i32
      %mul3A_244 = arith.muli %sub3A_236, %mul3A_243 : i32
      %add3A_245 = vector.broadcast %mul3A_244 : i32 to vector<16xi32>
      %add3A_246 = arith.addi %add3A_245, %gather3A_242 : vector<16xi32>
      %swap3A_247 = arith.constant 256 : index
      %swap3A_248 = tpu.vector_load %run_scoped3A_4[%swap3A_247] {strides = array<i32>} : memref<1280xi32, #tpu.memory_space<vmem>>, vector<16xi32>,
      tpu.vector_store %run_scoped3A_4[%swap3A_247], %add3A_246 {strides = array<i32>} : memref<1280xi32, #tpu.memory_space<vmem>>, vector<16xi32>,
      %iota3A_249 = tpu.iota {dimensions = array<i32: 0>} : vector<16xi32>
      %add3A_250 = arith.constant 16 : i32
      %add3A_251 = vector.broadcast %add3A_250 : i32 to vector<16xi32>
      %add3A_252 = arith.addi %iota3A_249, %add3A_251 : vector<16xi32>
      %gather3A_253 = tpu.vector_load_idx %run_scoped3A_3[%add3A_252, %broadcast_in_dim3A_237] : memref<256x8xi32, #tpu.memory_space<vmem>>[vector<16xi32>, vector<16xi32>], vector<16xi32>,
      %mul3A_254 = arith.constant 512 : i32
      %mul3A_255 = arith.muli %sub3A_236, %mul3A_254 : i32
      %add3A_256 = vector.broadcast %mul3A_255 : i32 to vector<16xi32>
      %add3A_257 = arith.addi %add3A_256, %gather3A_253 : vector<16xi32>
      %swap3A_258 = arith.constant 272 : index
      %swap3A_259 = tpu.vector_load %run_scoped3A_4[%swap3A_258] {strides = array<i32>} : memref<1280xi32, #tpu.memory_space<vmem>>, vector<16xi32>,
      tpu.vector_store %run_scoped3A_4[%swap3A_258], %add3A_257 {strides = array<i32>} : memref<1280xi32, #tpu.memory_space<vmem>>, vector<16xi32>,
      %iota3A_260 = tpu.iota {dimensions = array<i32: 0>} : vector<16xi32>
      %add3A_261 = arith.constant 32 : i32
      %add3A_262 = vector.broadcast %add3A_261 : i32 to vector<16xi32>
      %add3A_263 = arith.addi %iota3A_260, %add3A_262 : vector<16xi32>
      %gather3A_264 = tpu.vector_load_idx %run_scoped3A_3[%add3A_263, %broadcast_in_dim3A_237] : memref<256x8xi32, #tpu.memory_space<vmem>>[vector<16xi32>, vector<16xi32>], vector<16xi32>,
      %mul3A_265 = arith.constant 512 : i32
      %mul3A_266 = arith.muli %sub3A_236, %mul3A_265 : i32
      %add3A_267 = vector.broadcast %mul3A_266 : i32 to vector<16xi32>
      %add3A_268 = arith.addi %add3A_267, %gather3A_264 : vector<16xi32>
      %swap3A_269 = arith.constant 288 : index
      %swap3A_270 = tpu.vector_load %run_scoped3A_4[%swap3A_269] {strides = array<i32>} : memref<1280xi32, #tpu.memory_space<vmem>>, vector<16xi32>,
      tpu.vector_store %run_scoped3A_4[%swap3A_269], %add3A_268 {strides = array<i32>} : memref<1280xi32, #tpu.memory_space<vmem>>, vector<16xi32>,
      %iota3A_271 = tpu.iota {dimensions = array<i32: 0>} : vector<16xi32>
      %add3A_272 = arith.constant 48 : i32
      %add3A_273 = vector.broadcast %add3A_272 : i32 to vector<16xi32>
      %add3A_274 = arith.addi %iota3A_271, %add3A_273 : vector<16xi32>
      %gather3A_275 = tpu.vector_load_idx %run_scoped3A_3[%add3A_274, %broadcast_in_dim3A_237] : memref<256x8xi32, #tpu.memory_space<vmem>>[vector<16xi32>, vector<16xi32>], vector<16xi32>,
      %mul3A_276 = arith.constant 512 : i32
      %mul3A_277 = arith.muli %sub3A_236, %mul3A_276 : i32
      %add3A_278 = vector.broadcast %mul3A_277 : i32 to vector<16xi32>
      %add3A_279 = arith.addi %add3A_278, %gather3A_275 : vector<16xi32>
      %swap3A_280 = arith.constant 304 : index
      %swap3A_281 = tpu.vector_load %run_scoped3A_4[%swap3A_280] {strides = array<i32>} : memref<1280xi32, #tpu.memory_space<vmem>>, vector<16xi32>,
      tpu.vector_store %run_scoped3A_4[%swap3A_280], %add3A_279 {strides = array<i32>} : memref<1280xi32, #tpu.memory_space<vmem>>, vector<16xi32>,
      %iota3A_282 = tpu.iota {dimensions = array<i32: 0>} : vector<16xi32>
      %add3A_283 = arith.constant 64 : i32
      %add3A_284 = vector.broadcast %add3A_283 : i32 to vector<16xi32>
      %add3A_285 = arith.addi %iota3A_282, %add3A_284 : vector<16xi32>
      %gather3A_286 = tpu.vector_load_idx %run_scoped3A_3[%add3A_285, %broadcast_in_dim3A_237] : memref<256x8xi32, #tpu.memory_space<vmem>>[vector<16xi32>, vector<16xi32>], vector<16xi32>,
      %mul3A_287 = arith.constant 512 : i32
      %mul3A_288 = arith.muli %sub3A_236, %mul3A_287 : i32
      %add3A_289 = vector.broadcast %mul3A_288 : i32 to vector<16xi32>
      %add3A_290 = arith.addi %add3A_289, %gather3A_286 : vector<16xi32>
      %swap3A_291 = arith.constant 320 : index
      %swap3A_292 = tpu.vector_load %run_scoped3A_4[%swap3A_291] {strides = array<i32>} : memref<1280xi32, #tpu.memory_space<vmem>>, vector<16xi32>,
      tpu.vector_store %run_scoped3A_4[%swap3A_291], %add3A_290 {strides = array<i32>} : memref<1280xi32, #tpu.memory_space<vmem>>, vector<16xi32>,
      %iota3A_293 = tpu.iota {dimensions = array<i32: 0>} : vector<16xi32>
      %add3A_294 = arith.constant 80 : i32
      %add3A_295 = vector.broadcast %add3A_294 : i32 to vector<16xi32>
      %add3A_296 = arith.addi %iota3A_293, %add3A_295 : vector<16xi32>
      %gather3A_297 = tpu.vector_load_idx %run_scoped3A_3[%add3A_296, %broadcast_in_dim3A_237] : memref<256x8xi32, #tpu.memory_space<vmem>>[vector<16xi32>, vector<16xi32>], vector<16xi32>,
      %mul3A_298 = arith.constant 512 : i32
      %mul3A_299 = arith.muli %sub3A_236, %mul3A_298 : i32
      %add3A_300 = vector.broadcast %mul3A_299 : i32 to vector<16xi32>
      %add3A_301 = arith.addi %add3A_300, %gather3A_297 : vector<16xi32>
      %swap3A_302 = arith.constant 336 : index
      %swap3A_303 = tpu.vector_load %run_scoped3A_4[%swap3A_302] {strides = array<i32>} : memref<1280xi32, #tpu.memory_space<vmem>>, vector<16xi32>,
      tpu.vector_store %run_scoped3A_4[%swap3A_302], %add3A_301 {strides = array<i32>} : memref<1280xi32, #tpu.memory_space<vmem>>, vector<16xi32>,
      %iota3A_304 = tpu.iota {dimensions = array<i32: 0>} : vector<16xi32>
      %add3A_305 = arith.constant 96 : i32
      %add3A_306 = vector.broadcast %add3A_305 : i32 to vector<16xi32>
      %add3A_307 = arith.addi %iota3A_304, %add3A_306 : vector<16xi32>
      %gather3A_308 = tpu.vector_load_idx %run_scoped3A_3[%add3A_307, %broadcast_in_dim3A_237] : memref<256x8xi32, #tpu.memory_space<vmem>>[vector<16xi32>, vector<16xi32>], vector<16xi32>,
      %mul3A_309 = arith.constant 512 : i32
      %mul3A_310 = arith.muli %sub3A_236, %mul3A_309 : i32
      %add3A_311 = vector.broadcast %mul3A_310 : i32 to vector<16xi32>
      %add3A_312 = arith.addi %add3A_311, %gather3A_308 : vector<16xi32>
      %swap3A_313 = arith.constant 352 : index
      %swap3A_314 = tpu.vector_load %run_scoped3A_4[%swap3A_313] {strides = array<i32>} : memref<1280xi32, #tpu.memory_space<vmem>>, vector<16xi32>,
      tpu.vector_store %run_scoped3A_4[%swap3A_313], %add3A_312 {strides = array<i32>} : memref<1280xi32, #tpu.memory_space<vmem>>, vector<16xi32>,
      %iota3A_315 = tpu.iota {dimensions = array<i32: 0>} : vector<16xi32>
      %add3A_316 = arith.constant 112 : i32
      %add3A_317 = vector.broadcast %add3A_316 : i32 to vector<16xi32>
      %add3A_318 = arith.addi %iota3A_315, %add3A_317 : vector<16xi32>
      %gather3A_319 = tpu.vector_load_idx %run_scoped3A_3[%add3A_318, %broadcast_in_dim3A_237] : memref<256x8xi32, #tpu.memory_space<vmem>>[vector<16xi32>, vector<16xi32>], vector<16xi32>,
      %mul3A_320 = arith.constant 512 : i32
      %mul3A_321 = arith.muli %sub3A_236, %mul3A_320 : i32
      %add3A_322 = vector.broadcast %mul3A_321 : i32 to vector<16xi32>
      %add3A_323 = arith.addi %add3A_322, %gather3A_319 : vector<16xi32>
      %swap3A_324 = arith.constant 368 : index
      %swap3A_325 = tpu.vector_load %run_scoped3A_4[%swap3A_324] {strides = array<i32>} : memref<1280xi32, #tpu.memory_space<vmem>>, vector<16xi32>,
      tpu.vector_store %run_scoped3A_4[%swap3A_324], %add3A_323 {strides = array<i32>} : memref<1280xi32, #tpu.memory_space<vmem>>, vector<16xi32>,
      %iota3A_326 = tpu.iota {dimensions = array<i32: 0>} : vector<16xi32>
      %add3A_327 = arith.constant 128 : i32
      %add3A_328 = vector.broadcast %add3A_327 : i32 to vector<16xi32>
      %add3A_329 = arith.addi %iota3A_326, %add3A_328 : vector<16xi32>
      %gather3A_330 = tpu.vector_load_idx %run_scoped3A_3[%add3A_329, %broadcast_in_dim3A_237] : memref<256x8xi32, #tpu.memory_space<vmem>>[vector<16xi32>, vector<16xi32>], vector<16xi32>,
      %mul3A_331 = arith.constant 512 : i32
      %mul3A_332 = arith.muli %sub3A_236, %mul3A_331 : i32
      %add3A_333 = vector.broadcast %mul3A_332 : i32 to vector<16xi32>
      %add3A_334 = arith.addi %add3A_333, %gather3A_330 : vector<16xi32>
      %swap3A_335 = arith.constant 384 : index
      %swap3A_336 = tpu.vector_load %run_scoped3A_4[%swap3A_335] {strides = array<i32>} : memref<1280xi32, #tpu.memory_space<vmem>>, vector<16xi32>,
      tpu.vector_store %run_scoped3A_4[%swap3A_335], %add3A_334 {strides = array<i32>} : memref<1280xi32, #tpu.memory_space<vmem>>, vector<16xi32>,
      %iota3A_337 = tpu.iota {dimensions = array<i32: 0>} : vector<16xi32>
      %add3A_338 = arith.constant 144 : i32
      %add3A_339 = vector.broadcast %add3A_338 : i32 to vector<16xi32>
      %add3A_340 = arith.addi %iota3A_337, %add3A_339 : vector<16xi32>
      %gather3A_341 = tpu.vector_load_idx %run_scoped3A_3[%add3A_340, %broadcast_in_dim3A_237] : memref<256x8xi32, #tpu.memory_space<vmem>>[vector<16xi32>, vector<16xi32>], vector<16xi32>,
      %mul3A_342 = arith.constant 512 : i32
      %mul3A_343 = arith.muli %sub3A_236, %mul3A_342 : i32
      %add3A_344 = vector.broadcast %mul3A_343 : i32 to vector<16xi32>
      %add3A_345 = arith.addi %add3A_344, %gather3A_341 : vector<16xi32>
      %swap3A_346 = arith.constant 400 : index
      %swap3A_347 = tpu.vector_load %run_scoped3A_4[%swap3A_346] {strides = array<i32>} : memref<1280xi32, #tpu.memory_space<vmem>>, vector<16xi32>,
      tpu.vector_store %run_scoped3A_4[%swap3A_346], %add3A_345 {strides = array<i32>} : memref<1280xi32, #tpu.memory_space<vmem>>, vector<16xi32>,
      %iota3A_348 = tpu.iota {dimensions = array<i32: 0>} : vector<16xi32>
      %add3A_349 = arith.constant 160 : i32
      %add3A_350 = vector.broadcast %add3A_349 : i32 to vector<16xi32>
      %add3A_351 = arith.addi %iota3A_348, %add3A_350 : vector<16xi32>
      %gather3A_352 = tpu.vector_load_idx %run_scoped3A_3[%add3A_351, %broadcast_in_dim3A_237] : memref<256x8xi32, #tpu.memory_space<vmem>>[vector<16xi32>, vector<16xi32>], vector<16xi32>,
      %mul3A_353 = arith.constant 512 : i32
      %mul3A_354 = arith.muli %sub3A_236, %mul3A_353 : i32
      %add3A_355 = vector.broadcast %mul3A_354 : i32 to vector<16xi32>
      %add3A_356 = arith.addi %add3A_355, %gather3A_352 : vector<16xi32>
      %swap3A_357 = arith.constant 416 : index
      %swap3A_358 = tpu.vector_load %run_scoped3A_4[%swap3A_357] {strides = array<i32>} : memref<1280xi32, #tpu.memory_space<vmem>>, vector<16xi32>,
      tpu.vector_store %run_scoped3A_4[%swap3A_357], %add3A_356 {strides = array<i32>} : memref<1280xi32, #tpu.memory_space<vmem>>, vector<16xi32>,
      %iota3A_359 = tpu.iota {dimensions = array<i32: 0>} : vector<16xi32>
      %add3A_360 = arith.constant 176 : i32
      %add3A_361 = vector.broadcast %add3A_360 : i32 to vector<16xi32>
      %add3A_362 = arith.addi %iota3A_359, %add3A_361 : vector<16xi32>
      %gather3A_363 = tpu.vector_load_idx %run_scoped3A_3[%add3A_362, %broadcast_in_dim3A_237] : memref<256x8xi32, #tpu.memory_space<vmem>>[vector<16xi32>, vector<16xi32>], vector<16xi32>,
      %mul3A_364 = arith.constant 512 : i32
      %mul3A_365 = arith.muli %sub3A_236, %mul3A_364 : i32
      %add3A_366 = vector.broadcast %mul3A_365 : i32 to vector<16xi32>
      %add3A_367 = arith.addi %add3A_366, %gather3A_363 : vector<16xi32>
      %swap3A_368 = arith.constant 432 : index
      %swap3A_369 = tpu.vector_load %run_scoped3A_4[%swap3A_368] {strides = array<i32>} : memref<1280xi32, #tpu.memory_space<vmem>>, vector<16xi32>,
      tpu.vector_store %run_scoped3A_4[%swap3A_368], %add3A_367 {strides = array<i32>} : memref<1280xi32, #tpu.memory_space<vmem>>, vector<16xi32>,
      %iota3A_370 = tpu.iota {dimensions = array<i32: 0>} : vector<16xi32>
      %add3A_371 = arith.constant 192 : i32
      %add3A_372 = vector.broadcast %add3A_371 : i32 to vector<16xi32>
      %add3A_373 = arith.addi %iota3A_370, %add3A_372 : vector<16xi32>
      %gather3A_374 = tpu.vector_load_idx %run_scoped3A_3[%add3A_373, %broadcast_in_dim3A_237] : memref<256x8xi32, #tpu.memory_space<vmem>>[vector<16xi32>, vector<16xi32>], vector<16xi32>,
      %mul3A_375 = arith.constant 512 : i32
      %mul3A_376 = arith.muli %sub3A_236, %mul3A_375 : i32
      %add3A_377 = vector.broadcast %mul3A_376 : i32 to vector<16xi32>
      %add3A_378 = arith.addi %add3A_377, %gather3A_374 : vector<16xi32>
      %swap3A_379 = arith.constant 448 : index
      %swap3A_380 = tpu.vector_load %run_scoped3A_4[%swap3A_379] {strides = array<i32>} : memref<1280xi32, #tpu.memory_space<vmem>>, vector<16xi32>,
      tpu.vector_store %run_scoped3A_4[%swap3A_379], %add3A_378 {strides = array<i32>} : memref<1280xi32, #tpu.memory_space<vmem>>, vector<16xi32>,
      %iota3A_381 = tpu.iota {dimensions = array<i32: 0>} : vector<16xi32>
      %add3A_382 = arith.constant 208 : i32
      %add3A_383 = vector.broadcast %add3A_382 : i32 to vector<16xi32>
      %add3A_384 = arith.addi %iota3A_381, %add3A_383 : vector<16xi32>
      %gather3A_385 = tpu.vector_load_idx %run_scoped3A_3[%add3A_384, %broadcast_in_dim3A_237] : memref<256x8xi32, #tpu.memory_space<vmem>>[vector<16xi32>, vector<16xi32>], vector<16xi32>,
      %mul3A_386 = arith.constant 512 : i32
      %mul3A_387 = arith.muli %sub3A_236, %mul3A_386 : i32
      %add3A_388 = vector.broadcast %mul3A_387 : i32 to vector<16xi32>
      %add3A_389 = arith.addi %add3A_388, %gather3A_385 : vector<16xi32>
      %swap3A_390 = arith.constant 464 : index
      %swap3A_391 = tpu.vector_load %run_scoped3A_4[%swap3A_390] {strides = array<i32>} : memref<1280xi32, #tpu.memory_space<vmem>>, vector<16xi32>,
      tpu.vector_store %run_scoped3A_4[%swap3A_390], %add3A_389 {strides = array<i32>} : memref<1280xi32, #tpu.memory_space<vmem>>, vector<16xi32>,
      %iota3A_392 = tpu.iota {dimensions = array<i32: 0>} : vector<16xi32>
      %add3A_393 = arith.constant 224 : i32
      %add3A_394 = vector.broadcast %add3A_393 : i32 to vector<16xi32>
      %add3A_395 = arith.addi %iota3A_392, %add3A_394 : vector<16xi32>
      %gather3A_396 = tpu.vector_load_idx %run_scoped3A_3[%add3A_395, %broadcast_in_dim3A_237] : memref<256x8xi32, #tpu.memory_space<vmem>>[vector<16xi32>, vector<16xi32>], vector<16xi32>,
      %mul3A_397 = arith.constant 512 : i32
      %mul3A_398 = arith.muli %sub3A_236, %mul3A_397 : i32
      %add3A_399 = vector.broadcast %mul3A_398 : i32 to vector<16xi32>
      %add3A_400 = arith.addi %add3A_399, %gather3A_396 : vector<16xi32>
      %swap3A_401 = arith.constant 480 : index
      %swap3A_402 = tpu.vector_load %run_scoped3A_4[%swap3A_401] {strides = array<i32>} : memref<1280xi32, #tpu.memory_space<vmem>>, vector<16xi32>,
      tpu.vector_store %run_scoped3A_4[%swap3A_401], %add3A_400 {strides = array<i32>} : memref<1280xi32, #tpu.memory_space<vmem>>, vector<16xi32>,
      %iota3A_403 = tpu.iota {dimensions = array<i32: 0>} : vector<16xi32>
      %add3A_404 = arith.constant 240 : i32
      %add3A_405 = vector.broadcast %add3A_404 : i32 to vector<16xi32>
      %add3A_406 = arith.addi %iota3A_403, %add3A_405 : vector<16xi32>
      %gather3A_407 = tpu.vector_load_idx %run_scoped3A_3[%add3A_406, %broadcast_in_dim3A_237] : memref<256x8xi32, #tpu.memory_space<vmem>>[vector<16xi32>, vector<16xi32>], vector<16xi32>,
      %mul3A_408 = arith.constant 512 : i32
      %mul3A_409 = arith.muli %sub3A_236, %mul3A_408 : i32
      %add3A_410 = vector.broadcast %mul3A_409 : i32 to vector<16xi32>
      %add3A_411 = arith.addi %add3A_410, %gather3A_407 : vector<16xi32>
      %swap3A_412 = arith.constant 496 : index
      %swap3A_413 = tpu.vector_load %run_scoped3A_4[%swap3A_412] {strides = array<i32>} : memref<1280xi32, #tpu.memory_space<vmem>>, vector<16xi32>,
      tpu.vector_store %run_scoped3A_4[%swap3A_412], %add3A_411 {strides = array<i32>} : memref<1280xi32, #tpu.memory_space<vmem>>, vector<16xi32>,
      %mul3A_414 = arith.constant 5 : i32
      %mul3A_415 = arith.muli %add3A, %mul3A_414 : i32
      %add3A_416 = arith.constant 2 : i32
      %add3A_417 = arith.addi %mul3A_415, %add3A_416 : i32
      %jit3A_418 = arith.constant 20 : i32
      %div3A_419 = arith.divsi %add3A_417, %jit3A_418 : i32
      %sign3A_420 = arith.constant 0 : i32
      %sign3A_421 = arith.cmpi sgt, %add3A_417, %sign3A_420 : i32
      %sign3A_422 = arith.extui %sign3A_421 : i1 to i32
      %sign3A_423 = arith.constant 0 : i32
      %sign3A_424 = arith.cmpi slt, %add3A_417, %sign3A_423 : i32
      %sign3A_425 = arith.extui %sign3A_424 : i1 to i32
      %sign3A_426 = arith.subi %sign3A_422, %sign3A_425 : i32
      %sign3A_427 = arith.constant 0 : i32
      %sign3A_428 = arith.cmpi sgt, %jit3A_418, %sign3A_427 : i32
      %sign3A_429 = arith.extui %sign3A_428 : i1 to i32
      %sign3A_430 = arith.constant 0 : i32
      %sign3A_431 = arith.cmpi slt, %jit3A_418, %sign3A_430 : i32
      %sign3A_432 = arith.extui %sign3A_431 : i1 to i32
      %sign3A_433 = arith.subi %sign3A_429, %sign3A_432 : i32
      %ne3A_434 = arith.cmpi ne, %sign3A_426, %sign3A_433 : i32
      %rem3A_435 = arith.remsi %add3A_417, %jit3A_418 : i32
      %ne3A_436 = arith.constant 0 : i32
      %ne3A_437 = arith.cmpi ne, %rem3A_435, %ne3A_436 : i32
      %and3A_438 = arith.andi %ne3A_434, %ne3A_437 : i1
      %sub3A_439 = arith.constant 1 : i32
      %sub3A_440 = arith.subi %div3A_419, %sub3A_439 : i32
      %select_n3A_441 = arith.select %and3A_438, %sub3A_440, %div3A_419 : i32
      %mul3A_442 = arith.constant 20 : i32
      %mul3A_443 = arith.muli %select_n3A_441, %mul3A_442 : i32
      %sub3A_444 = arith.subi %add3A_417, %mul3A_443 : i32
      %broadcast_in_dim3A_445 = vector.broadcast %select_n3A_441 : i32 to vector<16xi32>
      %iota3A_446 = tpu.iota {dimensions = array<i32: 0>} : vector<16xi32>
      %add3A_447 = arith.constant 0 : i32
      %add3A_448 = vector.broadcast %add3A_447 : i32 to vector<16xi32>
      %add3A_449 = arith.addi %iota3A_446, %add3A_448 : vector<16xi32>
      %gather3A_450 = tpu.vector_load_idx %run_scoped3A_3[%add3A_449, %broadcast_in_dim3A_445] : memref<256x8xi32, #tpu.memory_space<vmem>>[vector<16xi32>, vector<16xi32>], vector<16xi32>,
      %mul3A_451 = arith.constant 512 : i32
      %mul3A_452 = arith.muli %sub3A_444, %mul3A_451 : i32
      %add3A_453 = vector.broadcast %mul3A_452 : i32 to vector<16xi32>
      %add3A_454 = arith.addi %add3A_453, %gather3A_450 : vector<16xi32>
      %swap3A_455 = arith.constant 512 : index
      %swap3A_456 = tpu.vector_load %run_scoped3A_4[%swap3A_455] {strides = array<i32>} : memref<1280xi32, #tpu.memory_space<vmem>>, vector<16xi32>,
      tpu.vector_store %run_scoped3A_4[%swap3A_455], %add3A_454 {strides = array<i32>} : memref<1280xi32, #tpu.memory_space<vmem>>, vector<16xi32>,
      %iota3A_457 = tpu.iota {dimensions = array<i32: 0>} : vector<16xi32>
      %add3A_458 = arith.constant 16 : i32
      %add3A_459 = vector.broadcast %add3A_458 : i32 to vector<16xi32>
      %add3A_460 = arith.addi %iota3A_457, %add3A_459 : vector<16xi32>
      %gather3A_461 = tpu.vector_load_idx %run_scoped3A_3[%add3A_460, %broadcast_in_dim3A_445] : memref<256x8xi32, #tpu.memory_space<vmem>>[vector<16xi32>, vector<16xi32>], vector<16xi32>,
      %mul3A_462 = arith.constant 512 : i32
      %mul3A_463 = arith.muli %sub3A_444, %mul3A_462 : i32
      %add3A_464 = vector.broadcast %mul3A_463 : i32 to vector<16xi32>
      %add3A_465 = arith.addi %add3A_464, %gather3A_461 : vector<16xi32>
      %swap3A_466 = arith.constant 528 : index
      %swap3A_467 = tpu.vector_load %run_scoped3A_4[%swap3A_466] {strides = array<i32>} : memref<1280xi32, #tpu.memory_space<vmem>>, vector<16xi32>,
      tpu.vector_store %run_scoped3A_4[%swap3A_466], %add3A_465 {strides = array<i32>} : memref<1280xi32, #tpu.memory_space<vmem>>, vector<16xi32>,
      %iota3A_468 = tpu.iota {dimensions = array<i32: 0>} : vector<16xi32>
      %add3A_469 = arith.constant 32 : i32
      %add3A_470 = vector.broadcast %add3A_469 : i32 to vector<16xi32>
      %add3A_471 = arith.addi %iota3A_468, %add3A_470 : vector<16xi32>
      %gather3A_472 = tpu.vector_load_idx %run_scoped3A_3[%add3A_471, %broadcast_in_dim3A_445] : memref<256x8xi32, #tpu.memory_space<vmem>>[vector<16xi32>, vector<16xi32>], vector<16xi32>,
      %mul3A_473 = arith.constant 512 : i32
      %mul3A_474 = arith.muli %sub3A_444, %mul3A_473 : i32
      %add3A_475 = vector.broadcast %mul3A_474 : i32 to vector<16xi32>
      %add3A_476 = arith.addi %add3A_475, %gather3A_472 : vector<16xi32>
      %swap3A_477 = arith.constant 544 : index
      %swap3A_478 = tpu.vector_load %run_scoped3A_4[%swap3A_477] {strides = array<i32>} : memref<1280xi32, #tpu.memory_space<vmem>>, vector<16xi32>,
      tpu.vector_store %run_scoped3A_4[%swap3A_477], %add3A_476 {strides = array<i32>} : memref<1280xi32, #tpu.memory_space<vmem>>, vector<16xi32>,
      %iota3A_479 = tpu.iota {dimensions = array<i32: 0>} : vector<16xi32>
      %add3A_480 = arith.constant 48 : i32
      %add3A_481 = vector.broadcast %add3A_480 : i32 to vector<16xi32>
      %add3A_482 = arith.addi %iota3A_479, %add3A_481 : vector<16xi32>
      %gather3A_483 = tpu.vector_load_idx %run_scoped3A_3[%add3A_482, %broadcast_in_dim3A_445] : memref<256x8xi32, #tpu.memory_space<vmem>>[vector<16xi32>, vector<16xi32>], vector<16xi32>,
      %mul3A_484 = arith.constant 512 : i32
      %mul3A_485 = arith.muli %sub3A_444, %mul3A_484 : i32
      %add3A_486 = vector.broadcast %mul3A_485 : i32 to vector<16xi32>
      %add3A_487 = arith.addi %add3A_486, %gather3A_483 : vector<16xi32>
      %swap3A_488 = arith.constant 560 : index
      %swap3A_489 = tpu.vector_load %run_scoped3A_4[%swap3A_488] {strides = array<i32>} : memref<1280xi32, #tpu.memory_space<vmem>>, vector<16xi32>,
      tpu.vector_store %run_scoped3A_4[%swap3A_488], %add3A_487 {strides = array<i32>} : memref<1280xi32, #tpu.memory_space<vmem>>, vector<16xi32>,
      %iota3A_490 = tpu.iota {dimensions = array<i32: 0>} : vector<16xi32>
      %add3A_491 = arith.constant 64 : i32
      %add3A_492 = vector.broadcast %add3A_491 : i32 to vector<16xi32>
      %add3A_493 = arith.addi %iota3A_490, %add3A_492 : vector<16xi32>
      %gather3A_494 = tpu.vector_load_idx %run_scoped3A_3[%add3A_493, %broadcast_in_dim3A_445] : memref<256x8xi32, #tpu.memory_space<vmem>>[vector<16xi32>, vector<16xi32>], vector<16xi32>,
      %mul3A_495 = arith.constant 512 : i32
      %mul3A_496 = arith.muli %sub3A_444, %mul3A_495 : i32
      %add3A_497 = vector.broadcast %mul3A_496 : i32 to vector<16xi32>
      %add3A_498 = arith.addi %add3A_497, %gather3A_494 : vector<16xi32>
      %swap3A_499 = arith.constant 576 : index
      %swap3A_500 = tpu.vector_load %run_scoped3A_4[%swap3A_499] {strides = array<i32>} : memref<1280xi32, #tpu.memory_space<vmem>>, vector<16xi32>,
      tpu.vector_store %run_scoped3A_4[%swap3A_499], %add3A_498 {strides = array<i32>} : memref<1280xi32, #tpu.memory_space<vmem>>, vector<16xi32>,
      %iota3A_501 = tpu.iota {dimensions = array<i32: 0>} : vector<16xi32>
      %add3A_502 = arith.constant 80 : i32
      %add3A_503 = vector.broadcast %add3A_502 : i32 to vector<16xi32>
      %add3A_504 = arith.addi %iota3A_501, %add3A_503 : vector<16xi32>
      %gather3A_505 = tpu.vector_load_idx %run_scoped3A_3[%add3A_504, %broadcast_in_dim3A_445] : memref<256x8xi32, #tpu.memory_space<vmem>>[vector<16xi32>, vector<16xi32>], vector<16xi32>,
      %mul3A_506 = arith.constant 512 : i32
      %mul3A_507 = arith.muli %sub3A_444, %mul3A_506 : i32
      %add3A_508 = vector.broadcast %mul3A_507 : i32 to vector<16xi32>
      %add3A_509 = arith.addi %add3A_508, %gather3A_505 : vector<16xi32>
      %swap3A_510 = arith.constant 592 : index
      %swap3A_511 = tpu.vector_load %run_scoped3A_4[%swap3A_510] {strides = array<i32>} : memref<1280xi32, #tpu.memory_space<vmem>>, vector<16xi32>,
      tpu.vector_store %run_scoped3A_4[%swap3A_510], %add3A_509 {strides = array<i32>} : memref<1280xi32, #tpu.memory_space<vmem>>, vector<16xi32>,
      %iota3A_512 = tpu.iota {dimensions = array<i32: 0>} : vector<16xi32>
      %add3A_513 = arith.constant 96 : i32
      %add3A_514 = vector.broadcast %add3A_513 : i32 to vector<16xi32>
      %add3A_515 = arith.addi %iota3A_512, %add3A_514 : vector<16xi32>
      %gather3A_516 = tpu.vector_load_idx %run_scoped3A_3[%add3A_515, %broadcast_in_dim3A_445] : memref<256x8xi32, #tpu.memory_space<vmem>>[vector<16xi32>, vector<16xi32>], vector<16xi32>,
      %mul3A_517 = arith.constant 512 : i32
      %mul3A_518 = arith.muli %sub3A_444, %mul3A_517 : i32
      %add3A_519 = vector.broadcast %mul3A_518 : i32 to vector<16xi32>
      %add3A_520 = arith.addi %add3A_519, %gather3A_516 : vector<16xi32>
      %swap3A_521 = arith.constant 608 : index
      %swap3A_522 = tpu.vector_load %run_scoped3A_4[%swap3A_521] {strides = array<i32>} : memref<1280xi32, #tpu.memory_space<vmem>>, vector<16xi32>,
      tpu.vector_store %run_scoped3A_4[%swap3A_521], %add3A_520 {strides = array<i32>} : memref<1280xi32, #tpu.memory_space<vmem>>, vector<16xi32>,
      %iota3A_523 = tpu.iota {dimensions = array<i32: 0>} : vector<16xi32>
      %add3A_524 = arith.constant 112 : i32
      %add3A_525 = vector.broadcast %add3A_524 : i32 to vector<16xi32>
      %add3A_526 = arith.addi %iota3A_523, %add3A_525 : vector<16xi32>
      %gather3A_527 = tpu.vector_load_idx %run_scoped3A_3[%add3A_526, %broadcast_in_dim3A_445] : memref<256x8xi32, #tpu.memory_space<vmem>>[vector<16xi32>, vector<16xi32>], vector<16xi32>,
      %mul3A_528 = arith.constant 512 : i32
      %mul3A_529 = arith.muli %sub3A_444, %mul3A_528 : i32
      %add3A_530 = vector.broadcast %mul3A_529 : i32 to vector<16xi32>
      %add3A_531 = arith.addi %add3A_530, %gather3A_527 : vector<16xi32>
      %swap3A_532 = arith.constant 624 : index
      %swap3A_533 = tpu.vector_load %run_scoped3A_4[%swap3A_532] {strides = array<i32>} : memref<1280xi32, #tpu.memory_space<vmem>>, vector<16xi32>,
      tpu.vector_store %run_scoped3A_4[%swap3A_532], %add3A_531 {strides = array<i32>} : memref<1280xi32, #tpu.memory_space<vmem>>, vector<16xi32>,
      %iota3A_534 = tpu.iota {dimensions = array<i32: 0>} : vector<16xi32>
      %add3A_535 = arith.constant 128 : i32
      %add3A_536 = vector.broadcast %add3A_535 : i32 to vector<16xi32>
      %add3A_537 = arith.addi %iota3A_534, %add3A_536 : vector<16xi32>
      %gather3A_538 = tpu.vector_load_idx %run_scoped3A_3[%add3A_537, %broadcast_in_dim3A_445] : memref<256x8xi32, #tpu.memory_space<vmem>>[vector<16xi32>, vector<16xi32>], vector<16xi32>,
      %mul3A_539 = arith.constant 512 : i32
      %mul3A_540 = arith.muli %sub3A_444, %mul3A_539 : i32
      %add3A_541 = vector.broadcast %mul3A_540 : i32 to vector<16xi32>
      %add3A_542 = arith.addi %add3A_541, %gather3A_538 : vector<16xi32>
      %swap3A_543 = arith.constant 640 : index
      %swap3A_544 = tpu.vector_load %run_scoped3A_4[%swap3A_543] {strides = array<i32>} : memref<1280xi32, #tpu.memory_space<vmem>>, vector<16xi32>,
      tpu.vector_store %run_scoped3A_4[%swap3A_543], %add3A_542 {strides = array<i32>} : memref<1280xi32, #tpu.memory_space<vmem>>, vector<16xi32>,
      %iota3A_545 = tpu.iota {dimensions = array<i32: 0>} : vector<16xi32>
      %add3A_546 = arith.constant 144 : i32
      %add3A_547 = vector.broadcast %add3A_546 : i32 to vector<16xi32>
      %add3A_548 = arith.addi %iota3A_545, %add3A_547 : vector<16xi32>
      %gather3A_549 = tpu.vector_load_idx %run_scoped3A_3[%add3A_548, %broadcast_in_dim3A_445] : memref<256x8xi32, #tpu.memory_space<vmem>>[vector<16xi32>, vector<16xi32>], vector<16xi32>,
      %mul3A_550 = arith.constant 512 : i32
      %mul3A_551 = arith.muli %sub3A_444, %mul3A_550 : i32
      %add3A_552 = vector.broadcast %mul3A_551 : i32 to vector<16xi32>
      %add3A_553 = arith.addi %add3A_552, %gather3A_549 : vector<16xi32>
      %swap3A_554 = arith.constant 656 : index
      %swap3A_555 = tpu.vector_load %run_scoped3A_4[%swap3A_554] {strides = array<i32>} : memref<1280xi32, #tpu.memory_space<vmem>>, vector<16xi32>,
      tpu.vector_store %run_scoped3A_4[%swap3A_554], %add3A_553 {strides = array<i32>} : memref<1280xi32, #tpu.memory_space<vmem>>, vector<16xi32>,
      %iota3A_556 = tpu.iota {dimensions = array<i32: 0>} : vector<16xi32>
      %add3A_557 = arith.constant 160 : i32
      %add3A_558 = vector.broadcast %add3A_557 : i32 to vector<16xi32>
      %add3A_559 = arith.addi %iota3A_556, %add3A_558 : vector<16xi32>
      %gather3A_560 = tpu.vector_load_idx %run_scoped3A_3[%add3A_559, %broadcast_in_dim3A_445] : memref<256x8xi32, #tpu.memory_space<vmem>>[vector<16xi32>, vector<16xi32>], vector<16xi32>,
      %mul3A_561 = arith.constant 512 : i32
      %mul3A_562 = arith.muli %sub3A_444, %mul3A_561 : i32
      %add3A_563 = vector.broadcast %mul3A_562 : i32 to vector<16xi32>
      %add3A_564 = arith.addi %add3A_563, %gather3A_560 : vector<16xi32>
      %swap3A_565 = arith.constant 672 : index
      %swap3A_566 = tpu.vector_load %run_scoped3A_4[%swap3A_565] {strides = array<i32>} : memref<1280xi32, #tpu.memory_space<vmem>>, vector<16xi32>,
      tpu.vector_store %run_scoped3A_4[%swap3A_565], %add3A_564 {strides = array<i32>} : memref<1280xi32, #tpu.memory_space<vmem>>, vector<16xi32>,
      %iota3A_567 = tpu.iota {dimensions = array<i32: 0>} : vector<16xi32>
      %add3A_568 = arith.constant 176 : i32
      %add3A_569 = vector.broadcast %add3A_568 : i32 to vector<16xi32>
      %add3A_570 = arith.addi %iota3A_567, %add3A_569 : vector<16xi32>
      %gather3A_571 = tpu.vector_load_idx %run_scoped3A_3[%add3A_570, %broadcast_in_dim3A_445] : memref<256x8xi32, #tpu.memory_space<vmem>>[vector<16xi32>, vector<16xi32>], vector<16xi32>,
      %mul3A_572 = arith.constant 512 : i32
      %mul3A_573 = arith.muli %sub3A_444, %mul3A_572 : i32
      %add3A_574 = vector.broadcast %mul3A_573 : i32 to vector<16xi32>
      %add3A_575 = arith.addi %add3A_574, %gather3A_571 : vector<16xi32>
      %swap3A_576 = arith.constant 688 : index
      %swap3A_577 = tpu.vector_load %run_scoped3A_4[%swap3A_576] {strides = array<i32>} : memref<1280xi32, #tpu.memory_space<vmem>>, vector<16xi32>,
      tpu.vector_store %run_scoped3A_4[%swap3A_576], %add3A_575 {strides = array<i32>} : memref<1280xi32, #tpu.memory_space<vmem>>, vector<16xi32>,
      %iota3A_578 = tpu.iota {dimensions = array<i32: 0>} : vector<16xi32>
      %add3A_579 = arith.constant 192 : i32
      %add3A_580 = vector.broadcast %add3A_579 : i32 to vector<16xi32>
      %add3A_581 = arith.addi %iota3A_578, %add3A_580 : vector<16xi32>
      %gather3A_582 = tpu.vector_load_idx %run_scoped3A_3[%add3A_581, %broadcast_in_dim3A_445] : memref<256x8xi32, #tpu.memory_space<vmem>>[vector<16xi32>, vector<16xi32>], vector<16xi32>,
      %mul3A_583 = arith.constant 512 : i32
      %mul3A_584 = arith.muli %sub3A_444, %mul3A_583 : i32
      %add3A_585 = vector.broadcast %mul3A_584 : i32 to vector<16xi32>
      %add3A_586 = arith.addi %add3A_585, %gather3A_582 : vector<16xi32>
      %swap3A_587 = arith.constant 704 : index
      %swap3A_588 = tpu.vector_load %run_scoped3A_4[%swap3A_587] {strides = array<i32>} : memref<1280xi32, #tpu.memory_space<vmem>>, vector<16xi32>,
      tpu.vector_store %run_scoped3A_4[%swap3A_587], %add3A_586 {strides = array<i32>} : memref<1280xi32, #tpu.memory_space<vmem>>, vector<16xi32>,
      %iota3A_589 = tpu.iota {dimensions = array<i32: 0>} : vector<16xi32>
      %add3A_590 = arith.constant 208 : i32
      %add3A_591 = vector.broadcast %add3A_590 : i32 to vector<16xi32>
      %add3A_592 = arith.addi %iota3A_589, %add3A_591 : vector<16xi32>
      %gather3A_593 = tpu.vector_load_idx %run_scoped3A_3[%add3A_592, %broadcast_in_dim3A_445] : memref<256x8xi32, #tpu.memory_space<vmem>>[vector<16xi32>, vector<16xi32>], vector<16xi32>,
      %mul3A_594 = arith.constant 512 : i32
      %mul3A_595 = arith.muli %sub3A_444, %mul3A_594 : i32
      %add3A_596 = vector.broadcast %mul3A_595 : i32 to vector<16xi32>
      %add3A_597 = arith.addi %add3A_596, %gather3A_593 : vector<16xi32>
      %swap3A_598 = arith.constant 720 : index
      %swap3A_599 = tpu.vector_load %run_scoped3A_4[%swap3A_598] {strides = array<i32>} : memref<1280xi32, #tpu.memory_space<vmem>>, vector<16xi32>,
      tpu.vector_store %run_scoped3A_4[%swap3A_598], %add3A_597 {strides = array<i32>} : memref<1280xi32, #tpu.memory_space<vmem>>, vector<16xi32>,
      %iota3A_600 = tpu.iota {dimensions = array<i32: 0>} : vector<16xi32>
      %add3A_601 = arith.constant 224 : i32
      %add3A_602 = vector.broadcast %add3A_601 : i32 to vector<16xi32>
      %add3A_603 = arith.addi %iota3A_600, %add3A_602 : vector<16xi32>
      %gather3A_604 = tpu.vector_load_idx %run_scoped3A_3[%add3A_603, %broadcast_in_dim3A_445] : memref<256x8xi32, #tpu.memory_space<vmem>>[vector<16xi32>, vector<16xi32>], vector<16xi32>,
      %mul3A_605 = arith.constant 512 : i32
      %mul3A_606 = arith.muli %sub3A_444, %mul3A_605 : i32
      %add3A_607 = vector.broadcast %mul3A_606 : i32 to vector<16xi32>
      %add3A_608 = arith.addi %add3A_607, %gather3A_604 : vector<16xi32>
      %swap3A_609 = arith.constant 736 : index
      %swap3A_610 = tpu.vector_load %run_scoped3A_4[%swap3A_609] {strides = array<i32>} : memref<1280xi32, #tpu.memory_space<vmem>>, vector<16xi32>,
      tpu.vector_store %run_scoped3A_4[%swap3A_609], %add3A_608 {strides = array<i32>} : memref<1280xi32, #tpu.memory_space<vmem>>, vector<16xi32>,
      %iota3A_611 = tpu.iota {dimensions = array<i32: 0>} : vector<16xi32>
      %add3A_612 = arith.constant 240 : i32
      %add3A_613 = vector.broadcast %add3A_612 : i32 to vector<16xi32>
      %add3A_614 = arith.addi %iota3A_611, %add3A_613 : vector<16xi32>
      %gather3A_615 = tpu.vector_load_idx %run_scoped3A_3[%add3A_614, %broadcast_in_dim3A_445] : memref<256x8xi32, #tpu.memory_space<vmem>>[vector<16xi32>, vector<16xi32>], vector<16xi32>,
      %mul3A_616 = arith.constant 512 : i32
      %mul3A_617 = arith.muli %sub3A_444, %mul3A_616 : i32
      %add3A_618 = vector.broadcast %mul3A_617 : i32 to vector<16xi32>
      %add3A_619 = arith.addi %add3A_618, %gather3A_615 : vector<16xi32>
      %swap3A_620 = arith.constant 752 : index
      %swap3A_621 = tpu.vector_load %run_scoped3A_4[%swap3A_620] {strides = array<i32>} : memref<1280xi32, #tpu.memory_space<vmem>>, vector<16xi32>,
      tpu.vector_store %run_scoped3A_4[%swap3A_620], %add3A_619 {strides = array<i32>} : memref<1280xi32, #tpu.memory_space<vmem>>, vector<16xi32>,
      %mul3A_622 = arith.constant 5 : i32
      %mul3A_623 = arith.muli %add3A, %mul3A_622 : i32
      %add3A_624 = arith.constant 3 : i32
      %add3A_625 = arith.addi %mul3A_623, %add3A_624 : i32
      %jit3A_626 = arith.constant 20 : i32
      %div3A_627 = arith.divsi %add3A_625, %jit3A_626 : i32
      %sign3A_628 = arith.constant 0 : i32
      %sign3A_629 = arith.cmpi sgt, %add3A_625, %sign3A_628 : i32
      %sign3A_630 = arith.extui %sign3A_629 : i1 to i32
      %sign3A_631 = arith.constant 0 : i32
      %sign3A_632 = arith.cmpi slt, %add3A_625, %sign3A_631 : i32
      %sign3A_633 = arith.extui %sign3A_632 : i1 to i32
      %sign3A_634 = arith.subi %sign3A_630, %sign3A_633 : i32
      %sign3A_635 = arith.constant 0 : i32
      %sign3A_636 = arith.cmpi sgt, %jit3A_626, %sign3A_635 : i32
      %sign3A_637 = arith.extui %sign3A_636 : i1 to i32
      %sign3A_638 = arith.constant 0 : i32
      %sign3A_639 = arith.cmpi slt, %jit3A_626, %sign3A_638 : i32
      %sign3A_640 = arith.extui %sign3A_639 : i1 to i32
      %sign3A_641 = arith.subi %sign3A_637, %sign3A_640 : i32
      %ne3A_642 = arith.cmpi ne, %sign3A_634, %sign3A_641 : i32
      %rem3A_643 = arith.remsi %add3A_625, %jit3A_626 : i32
      %ne3A_644 = arith.constant 0 : i32
      %ne3A_645 = arith.cmpi ne, %rem3A_643, %ne3A_644 : i32
      %and3A_646 = arith.andi %ne3A_642, %ne3A_645 : i1
      %sub3A_647 = arith.constant 1 : i32
      %sub3A_648 = arith.subi %div3A_627, %sub3A_647 : i32
      %select_n3A_649 = arith.select %and3A_646, %sub3A_648, %div3A_627 : i32
      %mul3A_650 = arith.constant 20 : i32
      %mul3A_651 = arith.muli %select_n3A_649, %mul3A_650 : i32
      %sub3A_652 = arith.subi %add3A_625, %mul3A_651 : i32
      %broadcast_in_dim3A_653 = vector.broadcast %select_n3A_649 : i32 to vector<16xi32>
      %iota3A_654 = tpu.iota {dimensions = array<i32: 0>} : vector<16xi32>
      %add3A_655 = arith.constant 0 : i32
      %add3A_656 = vector.broadcast %add3A_655 : i32 to vector<16xi32>
      %add3A_657 = arith.addi %iota3A_654, %add3A_656 : vector<16xi32>
      %gather3A_658 = tpu.vector_load_idx %run_scoped3A_3[%add3A_657, %broadcast_in_dim3A_653] : memref<256x8xi32, #tpu.memory_space<vmem>>[vector<16xi32>, vector<16xi32>], vector<16xi32>,
      %mul3A_659 = arith.constant 512 : i32
      %mul3A_660 = arith.muli %sub3A_652, %mul3A_659 : i32
      %add3A_661 = vector.broadcast %mul3A_660 : i32 to vector<16xi32>
      %add3A_662 = arith.addi %add3A_661, %gather3A_658 : vector<16xi32>
      %swap3A_663 = arith.constant 768 : index
      %swap3A_664 = tpu.vector_load %run_scoped3A_4[%swap3A_663] {strides = array<i32>} : memref<1280xi32, #tpu.memory_space<vmem>>, vector<16xi32>,
      tpu.vector_store %run_scoped3A_4[%swap3A_663], %add3A_662 {strides = array<i32>} : memref<1280xi32, #tpu.memory_space<vmem>>, vector<16xi32>,
      %iota3A_665 = tpu.iota {dimensions = array<i32: 0>} : vector<16xi32>
      %add3A_666 = arith.constant 16 : i32
      %add3A_667 = vector.broadcast %add3A_666 : i32 to vector<16xi32>
      %add3A_668 = arith.addi %iota3A_665, %add3A_667 : vector<16xi32>
      %gather3A_669 = tpu.vector_load_idx %run_scoped3A_3[%add3A_668, %broadcast_in_dim3A_653] : memref<256x8xi32, #tpu.memory_space<vmem>>[vector<16xi32>, vector<16xi32>], vector<16xi32>,
      %mul3A_670 = arith.constant 512 : i32
      %mul3A_671 = arith.muli %sub3A_652, %mul3A_670 : i32
      %add3A_672 = vector.broadcast %mul3A_671 : i32 to vector<16xi32>
      %add3A_673 = arith.addi %add3A_672, %gather3A_669 : vector<16xi32>
      %swap3A_674 = arith.constant 784 : index
      %swap3A_675 = tpu.vector_load %run_scoped3A_4[%swap3A_674] {strides = array<i32>} : memref<1280xi32, #tpu.memory_space<vmem>>, vector<16xi32>,
      tpu.vector_store %run_scoped3A_4[%swap3A_674], %add3A_673 {strides = array<i32>} : memref<1280xi32, #tpu.memory_space<vmem>>, vector<16xi32>,
      %iota3A_676 = tpu.iota {dimensions = array<i32: 0>} : vector<16xi32>
      %add3A_677 = arith.constant 32 : i32
      %add3A_678 = vector.broadcast %add3A_677 : i32 to vector<16xi32>
      %add3A_679 = arith.addi %iota3A_676, %add3A_678 : vector<16xi32>
      %gather3A_680 = tpu.vector_load_idx %run_scoped3A_3[%add3A_679, %broadcast_in_dim3A_653] : memref<256x8xi32, #tpu.memory_space<vmem>>[vector<16xi32>, vector<16xi32>], vector<16xi32>,
      %mul3A_681 = arith.constant 512 : i32
      %mul3A_682 = arith.muli %sub3A_652, %mul3A_681 : i32
      %add3A_683 = vector.broadcast %mul3A_682 : i32 to vector<16xi32>
      %add3A_684 = arith.addi %add3A_683, %gather3A_680 : vector<16xi32>
      %swap3A_685 = arith.constant 800 : index
      %swap3A_686 = tpu.vector_load %run_scoped3A_4[%swap3A_685] {strides = array<i32>} : memref<1280xi32, #tpu.memory_space<vmem>>, vector<16xi32>,
      tpu.vector_store %run_scoped3A_4[%swap3A_685], %add3A_684 {strides = array<i32>} : memref<1280xi32, #tpu.memory_space<vmem>>, vector<16xi32>,
      %iota3A_687 = tpu.iota {dimensions = array<i32: 0>} : vector<16xi32>
      %add3A_688 = arith.constant 48 : i32
      %add3A_689 = vector.broadcast %add3A_688 : i32 to vector<16xi32>
      %add3A_690 = arith.addi %iota3A_687, %add3A_689 : vector<16xi32>
      %gather3A_691 = tpu.vector_load_idx %run_scoped3A_3[%add3A_690, %broadcast_in_dim3A_653] : memref<256x8xi32, #tpu.memory_space<vmem>>[vector<16xi32>, vector<16xi32>], vector<16xi32>,
      %mul3A_692 = arith.constant 512 : i32
      %mul3A_693 = arith.muli %sub3A_652, %mul3A_692 : i32
      %add3A_694 = vector.broadcast %mul3A_693 : i32 to vector<16xi32>
      %add3A_695 = arith.addi %add3A_694, %gather3A_691 : vector<16xi32>
      %swap3A_696 = arith.constant 816 : index
      %swap3A_697 = tpu.vector_load %run_scoped3A_4[%swap3A_696] {strides = array<i32>} : memref<1280xi32, #tpu.memory_space<vmem>>, vector<16xi32>,
      tpu.vector_store %run_scoped3A_4[%swap3A_696], %add3A_695 {strides = array<i32>} : memref<1280xi32, #tpu.memory_space<vmem>>, vector<16xi32>,
      %iota3A_698 = tpu.iota {dimensions = array<i32: 0>} : vector<16xi32>
      %add3A_699 = arith.constant 64 : i32
      %add3A_700 = vector.broadcast %add3A_699 : i32 to vector<16xi32>
      %add3A_701 = arith.addi %iota3A_698, %add3A_700 : vector<16xi32>
      %gather3A_702 = tpu.vector_load_idx %run_scoped3A_3[%add3A_701, %broadcast_in_dim3A_653] : memref<256x8xi32, #tpu.memory_space<vmem>>[vector<16xi32>, vector<16xi32>], vector<16xi32>,
      %mul3A_703 = arith.constant 512 : i32
      %mul3A_704 = arith.muli %sub3A_652, %mul3A_703 : i32
      %add3A_705 = vector.broadcast %mul3A_704 : i32 to vector<16xi32>
      %add3A_706 = arith.addi %add3A_705, %gather3A_702 : vector<16xi32>
      %swap3A_707 = arith.constant 832 : index
      %swap3A_708 = tpu.vector_load %run_scoped3A_4[%swap3A_707] {strides = array<i32>} : memref<1280xi32, #tpu.memory_space<vmem>>, vector<16xi32>,
      tpu.vector_store %run_scoped3A_4[%swap3A_707], %add3A_706 {strides = array<i32>} : memref<1280xi32, #tpu.memory_space<vmem>>, vector<16xi32>,
      %iota3A_709 = tpu.iota {dimensions = array<i32: 0>} : vector<16xi32>
      %add3A_710 = arith.constant 80 : i32
      %add3A_711 = vector.broadcast %add3A_710 : i32 to vector<16xi32>
      %add3A_712 = arith.addi %iota3A_709, %add3A_711 : vector<16xi32>
      %gather3A_713 = tpu.vector_load_idx %run_scoped3A_3[%add3A_712, %broadcast_in_dim3A_653] : memref<256x8xi32, #tpu.memory_space<vmem>>[vector<16xi32>, vector<16xi32>], vector<16xi32>,
      %mul3A_714 = arith.constant 512 : i32
      %mul3A_715 = arith.muli %sub3A_652, %mul3A_714 : i32
      %add3A_716 = vector.broadcast %mul3A_715 : i32 to vector<16xi32>
      %add3A_717 = arith.addi %add3A_716, %gather3A_713 : vector<16xi32>
      %swap3A_718 = arith.constant 848 : index
      %swap3A_719 = tpu.vector_load %run_scoped3A_4[%swap3A_718] {strides = array<i32>} : memref<1280xi32, #tpu.memory_space<vmem>>, vector<16xi32>,
      tpu.vector_store %run_scoped3A_4[%swap3A_718], %add3A_717 {strides = array<i32>} : memref<1280xi32, #tpu.memory_space<vmem>>, vector<16xi32>,
      %iota3A_720 = tpu.iota {dimensions = array<i32: 0>} : vector<16xi32>
      %add3A_721 = arith.constant 96 : i32
      %add3A_722 = vector.broadcast %add3A_721 : i32 to vector<16xi32>
      %add3A_723 = arith.addi %iota3A_720, %add3A_722 : vector<16xi32>
      %gather3A_724 = tpu.vector_load_idx %run_scoped3A_3[%add3A_723, %broadcast_in_dim3A_653] : memref<256x8xi32, #tpu.memory_space<vmem>>[vector<16xi32>, vector<16xi32>], vector<16xi32>,
      %mul3A_725 = arith.constant 512 : i32
      %mul3A_726 = arith.muli %sub3A_652, %mul3A_725 : i32
      %add3A_727 = vector.broadcast %mul3A_726 : i32 to vector<16xi32>
      %add3A_728 = arith.addi %add3A_727, %gather3A_724 : vector<16xi32>
      %swap3A_729 = arith.constant 864 : index
      %swap3A_730 = tpu.vector_load %run_scoped3A_4[%swap3A_729] {strides = array<i32>} : memref<1280xi32, #tpu.memory_space<vmem>>, vector<16xi32>,
      tpu.vector_store %run_scoped3A_4[%swap3A_729], %add3A_728 {strides = array<i32>} : memref<1280xi32, #tpu.memory_space<vmem>>, vector<16xi32>,
      %iota3A_731 = tpu.iota {dimensions = array<i32: 0>} : vector<16xi32>
      %add3A_732 = arith.constant 112 : i32
      %add3A_733 = vector.broadcast %add3A_732 : i32 to vector<16xi32>
      %add3A_734 = arith.addi %iota3A_731, %add3A_733 : vector<16xi32>
      %gather3A_735 = tpu.vector_load_idx %run_scoped3A_3[%add3A_734, %broadcast_in_dim3A_653] : memref<256x8xi32, #tpu.memory_space<vmem>>[vector<16xi32>, vector<16xi32>], vector<16xi32>,
      %mul3A_736 = arith.constant 512 : i32
      %mul3A_737 = arith.muli %sub3A_652, %mul3A_736 : i32
      %add3A_738 = vector.broadcast %mul3A_737 : i32 to vector<16xi32>
      %add3A_739 = arith.addi %add3A_738, %gather3A_735 : vector<16xi32>
      %swap3A_740 = arith.constant 880 : index
      %swap3A_741 = tpu.vector_load %run_scoped3A_4[%swap3A_740] {strides = array<i32>} : memref<1280xi32, #tpu.memory_space<vmem>>, vector<16xi32>,
      tpu.vector_store %run_scoped3A_4[%swap3A_740], %add3A_739 {strides = array<i32>} : memref<1280xi32, #tpu.memory_space<vmem>>, vector<16xi32>,
      %iota3A_742 = tpu.iota {dimensions = array<i32: 0>} : vector<16xi32>
      %add3A_743 = arith.constant 128 : i32
      %add3A_744 = vector.broadcast %add3A_743 : i32 to vector<16xi32>
      %add3A_745 = arith.addi %iota3A_742, %add3A_744 : vector<16xi32>
      %gather3A_746 = tpu.vector_load_idx %run_scoped3A_3[%add3A_745, %broadcast_in_dim3A_653] : memref<256x8xi32, #tpu.memory_space<vmem>>[vector<16xi32>, vector<16xi32>], vector<16xi32>,
      %mul3A_747 = arith.constant 512 : i32
      %mul3A_748 = arith.muli %sub3A_652, %mul3A_747 : i32
      %add3A_749 = vector.broadcast %mul3A_748 : i32 to vector<16xi32>
      %add3A_750 = arith.addi %add3A_749, %gather3A_746 : vector<16xi32>
      %swap3A_751 = arith.constant 896 : index
      %swap3A_752 = tpu.vector_load %run_scoped3A_4[%swap3A_751] {strides = array<i32>} : memref<1280xi32, #tpu.memory_space<vmem>>, vector<16xi32>,
      tpu.vector_store %run_scoped3A_4[%swap3A_751], %add3A_750 {strides = array<i32>} : memref<1280xi32, #tpu.memory_space<vmem>>, vector<16xi32>,
      %iota3A_753 = tpu.iota {dimensions = array<i32: 0>} : vector<16xi32>
      %add3A_754 = arith.constant 144 : i32
      %add3A_755 = vector.broadcast %add3A_754 : i32 to vector<16xi32>
      %add3A_756 = arith.addi %iota3A_753, %add3A_755 : vector<16xi32>
      %gather3A_757 = tpu.vector_load_idx %run_scoped3A_3[%add3A_756, %broadcast_in_dim3A_653] : memref<256x8xi32, #tpu.memory_space<vmem>>[vector<16xi32>, vector<16xi32>], vector<16xi32>,
      %mul3A_758 = arith.constant 512 : i32
      %mul3A_759 = arith.muli %sub3A_652, %mul3A_758 : i32
      %add3A_760 = vector.broadcast %mul3A_759 : i32 to vector<16xi32>
      %add3A_761 = arith.addi %add3A_760, %gather3A_757 : vector<16xi32>
      %swap3A_762 = arith.constant 912 : index
      %swap3A_763 = tpu.vector_load %run_scoped3A_4[%swap3A_762] {strides = array<i32>} : memref<1280xi32, #tpu.memory_space<vmem>>, vector<16xi32>,
      tpu.vector_store %run_scoped3A_4[%swap3A_762], %add3A_761 {strides = array<i32>} : memref<1280xi32, #tpu.memory_space<vmem>>, vector<16xi32>,
      %iota3A_764 = tpu.iota {dimensions = array<i32: 0>} : vector<16xi32>
      %add3A_765 = arith.constant 160 : i32
      %add3A_766 = vector.broadcast %add3A_765 : i32 to vector<16xi32>
      %add3A_767 = arith.addi %iota3A_764, %add3A_766 : vector<16xi32>
      %gather3A_768 = tpu.vector_load_idx %run_scoped3A_3[%add3A_767, %broadcast_in_dim3A_653] : memref<256x8xi32, #tpu.memory_space<vmem>>[vector<16xi32>, vector<16xi32>], vector<16xi32>,
      %mul3A_769 = arith.constant 512 : i32
      %mul3A_770 = arith.muli %sub3A_652, %mul3A_769 : i32
      %add3A_771 = vector.broadcast %mul3A_770 : i32 to vector<16xi32>
      %add3A_772 = arith.addi %add3A_771, %gather3A_768 : vector<16xi32>
      %swap3A_773 = arith.constant 928 : index
      %swap3A_774 = tpu.vector_load %run_scoped3A_4[%swap3A_773] {strides = array<i32>} : memref<1280xi32, #tpu.memory_space<vmem>>, vector<16xi32>,
      tpu.vector_store %run_scoped3A_4[%swap3A_773], %add3A_772 {strides = array<i32>} : memref<1280xi32, #tpu.memory_space<vmem>>, vector<16xi32>,
      %iota3A_775 = tpu.iota {dimensions = array<i32: 0>} : vector<16xi32>
      %add3A_776 = arith.constant 176 : i32
      %add3A_777 = vector.broadcast %add3A_776 : i32 to vector<16xi32>
      %add3A_778 = arith.addi %iota3A_775, %add3A_777 : vector<16xi32>
      %gather3A_779 = tpu.vector_load_idx %run_scoped3A_3[%add3A_778, %broadcast_in_dim3A_653] : memref<256x8xi32, #tpu.memory_space<vmem>>[vector<16xi32>, vector<16xi32>], vector<16xi32>,
      %mul3A_780 = arith.constant 512 : i32
      %mul3A_781 = arith.muli %sub3A_652, %mul3A_780 : i32
      %add3A_782 = vector.broadcast %mul3A_781 : i32 to vector<16xi32>
      %add3A_783 = arith.addi %add3A_782, %gather3A_779 : vector<16xi32>
      %swap3A_784 = arith.constant 944 : index
      %swap3A_785 = tpu.vector_load %run_scoped3A_4[%swap3A_784] {strides = array<i32>} : memref<1280xi32, #tpu.memory_space<vmem>>, vector<16xi32>,
      tpu.vector_store %run_scoped3A_4[%swap3A_784], %add3A_783 {strides = array<i32>} : memref<1280xi32, #tpu.memory_space<vmem>>, vector<16xi32>,
      %iota3A_786 = tpu.iota {dimensions = array<i32: 0>} : vector<16xi32>
      %add3A_787 = arith.constant 192 : i32
      %add3A_788 = vector.broadcast %add3A_787 : i32 to vector<16xi32>
      %add3A_789 = arith.addi %iota3A_786, %add3A_788 : vector<16xi32>
      %gather3A_790 = tpu.vector_load_idx %run_scoped3A_3[%add3A_789, %broadcast_in_dim3A_653] : memref<256x8xi32, #tpu.memory_space<vmem>>[vector<16xi32>, vector<16xi32>], vector<16xi32>,
      %mul3A_791 = arith.constant 512 : i32
      %mul3A_792 = arith.muli %sub3A_652, %mul3A_791 : i32
      %add3A_793 = vector.broadcast %mul3A_792 : i32 to vector<16xi32>
      %add3A_794 = arith.addi %add3A_793, %gather3A_790 : vector<16xi32>
      %swap3A_795 = arith.constant 960 : index
      %swap3A_796 = tpu.vector_load %run_scoped3A_4[%swap3A_795] {strides = array<i32>} : memref<1280xi32, #tpu.memory_space<vmem>>, vector<16xi32>,
      tpu.vector_store %run_scoped3A_4[%swap3A_795], %add3A_794 {strides = array<i32>} : memref<1280xi32, #tpu.memory_space<vmem>>, vector<16xi32>,
      %iota3A_797 = tpu.iota {dimensions = array<i32: 0>} : vector<16xi32>
      %add3A_798 = arith.constant 208 : i32
      %add3A_799 = vector.broadcast %add3A_798 : i32 to vector<16xi32>
      %add3A_800 = arith.addi %iota3A_797, %add3A_799 : vector<16xi32>
      %gather3A_801 = tpu.vector_load_idx %run_scoped3A_3[%add3A_800, %broadcast_in_dim3A_653] : memref<256x8xi32, #tpu.memory_space<vmem>>[vector<16xi32>, vector<16xi32>], vector<16xi32>,
      %mul3A_802 = arith.constant 512 : i32
      %mul3A_803 = arith.muli %sub3A_652, %mul3A_802 : i32
      %add3A_804 = vector.broadcast %mul3A_803 : i32 to vector<16xi32>
      %add3A_805 = arith.addi %add3A_804, %gather3A_801 : vector<16xi32>
      %swap3A_806 = arith.constant 976 : index
      %swap3A_807 = tpu.vector_load %run_scoped3A_4[%swap3A_806] {strides = array<i32>} : memref<1280xi32, #tpu.memory_space<vmem>>, vector<16xi32>,
      tpu.vector_store %run_scoped3A_4[%swap3A_806], %add3A_805 {strides = array<i32>} : memref<1280xi32, #tpu.memory_space<vmem>>, vector<16xi32>,
      %iota3A_808 = tpu.iota {dimensions = array<i32: 0>} : vector<16xi32>
      %add3A_809 = arith.constant 224 : i32
      %add3A_810 = vector.broadcast %add3A_809 : i32 to vector<16xi32>
      %add3A_811 = arith.addi %iota3A_808, %add3A_810 : vector<16xi32>
      %gather3A_812 = tpu.vector_load_idx %run_scoped3A_3[%add3A_811, %broadcast_in_dim3A_653] : memref<256x8xi32, #tpu.memory_space<vmem>>[vector<16xi32>, vector<16xi32>], vector<16xi32>,
      %mul3A_813 = arith.constant 512 : i32
      %mul3A_814 = arith.muli %sub3A_652, %mul3A_813 : i32
      %add3A_815 = vector.broadcast %mul3A_814 : i32 to vector<16xi32>
      %add3A_816 = arith.addi %add3A_815, %gather3A_812 : vector<16xi32>
      %swap3A_817 = arith.constant 992 : index
      %swap3A_818 = tpu.vector_load %run_scoped3A_4[%swap3A_817] {strides = array<i32>} : memref<1280xi32, #tpu.memory_space<vmem>>, vector<16xi32>,
      tpu.vector_store %run_scoped3A_4[%swap3A_817], %add3A_816 {strides = array<i32>} : memref<1280xi32, #tpu.memory_space<vmem>>, vector<16xi32>,
      %iota3A_819 = tpu.iota {dimensions = array<i32: 0>} : vector<16xi32>
      %add3A_820 = arith.constant 240 : i32
      %add3A_821 = vector.broadcast %add3A_820 : i32 to vector<16xi32>
      %add3A_822 = arith.addi %iota3A_819, %add3A_821 : vector<16xi32>
      %gather3A_823 = tpu.vector_load_idx %run_scoped3A_3[%add3A_822, %broadcast_in_dim3A_653] : memref<256x8xi32, #tpu.memory_space<vmem>>[vector<16xi32>, vector<16xi32>], vector<16xi32>,
      %mul3A_824 = arith.constant 512 : i32
      %mul3A_825 = arith.muli %sub3A_652, %mul3A_824 : i32
      %add3A_826 = vector.broadcast %mul3A_825 : i32 to vector<16xi32>
      %add3A_827 = arith.addi %add3A_826, %gather3A_823 : vector<16xi32>
      %swap3A_828 = arith.constant 1008 : index
      %swap3A_829 = tpu.vector_load %run_scoped3A_4[%swap3A_828] {strides = array<i32>} : memref<1280xi32, #tpu.memory_space<vmem>>, vector<16xi32>,
      tpu.vector_store %run_scoped3A_4[%swap3A_828], %add3A_827 {strides = array<i32>} : memref<1280xi32, #tpu.memory_space<vmem>>, vector<16xi32>,
      %mul3A_830 = arith.constant 5 : i32
      %mul3A_831 = arith.muli %add3A, %mul3A_830 : i32
      %add3A_832 = arith.constant 4 : i32
      %add3A_833 = arith.addi %mul3A_831, %add3A_832 : i32
      %jit3A_834 = arith.constant 20 : i32
      %div3A_835 = arith.divsi %add3A_833, %jit3A_834 : i32
      %sign3A_836 = arith.constant 0 : i32
      %sign3A_837 = arith.cmpi sgt, %add3A_833, %sign3A_836 : i32
      %sign3A_838 = arith.extui %sign3A_837 : i1 to i32
      %sign3A_839 = arith.constant 0 : i32
      %sign3A_840 = arith.cmpi slt, %add3A_833, %sign3A_839 : i32
      %sign3A_841 = arith.extui %sign3A_840 : i1 to i32
      %sign3A_842 = arith.subi %sign3A_838, %sign3A_841 : i32
      %sign3A_843 = arith.constant 0 : i32
      %sign3A_844 = arith.cmpi sgt, %jit3A_834, %sign3A_843 : i32
      %sign3A_845 = arith.extui %sign3A_844 : i1 to i32
      %sign3A_846 = arith.constant 0 : i32
      %sign3A_847 = arith.cmpi slt, %jit3A_834, %sign3A_846 : i32
      %sign3A_848 = arith.extui %sign3A_847 : i1 to i32
      %sign3A_849 = arith.subi %sign3A_845, %sign3A_848 : i32
      %ne3A_850 = arith.cmpi ne, %sign3A_842, %sign3A_849 : i32
      %rem3A_851 = arith.remsi %add3A_833, %jit3A_834 : i32
      %ne3A_852 = arith.constant 0 : i32
      %ne3A_853 = arith.cmpi ne, %rem3A_851, %ne3A_852 : i32
      %and3A_854 = arith.andi %ne3A_850, %ne3A_853 : i1
      %sub3A_855 = arith.constant 1 : i32
      %sub3A_856 = arith.subi %div3A_835, %sub3A_855 : i32
      %select_n3A_857 = arith.select %and3A_854, %sub3A_856, %div3A_835 : i32
      %mul3A_858 = arith.constant 20 : i32
      %mul3A_859 = arith.muli %select_n3A_857, %mul3A_858 : i32
      %sub3A_860 = arith.subi %add3A_833, %mul3A_859 : i32
      %broadcast_in_dim3A_861 = vector.broadcast %select_n3A_857 : i32 to vector<16xi32>
      %iota3A_862 = tpu.iota {dimensions = array<i32: 0>} : vector<16xi32>
      %add3A_863 = arith.constant 0 : i32
      %add3A_864 = vector.broadcast %add3A_863 : i32 to vector<16xi32>
      %add3A_865 = arith.addi %iota3A_862, %add3A_864 : vector<16xi32>
      %gather3A_866 = tpu.vector_load_idx %run_scoped3A_3[%add3A_865, %broadcast_in_dim3A_861] : memref<256x8xi32, #tpu.memory_space<vmem>>[vector<16xi32>, vector<16xi32>], vector<16xi32>,
      %mul3A_867 = arith.constant 512 : i32
      %mul3A_868 = arith.muli %sub3A_860, %mul3A_867 : i32
      %add3A_869 = vector.broadcast %mul3A_868 : i32 to vector<16xi32>
      %add3A_870 = arith.addi %add3A_869, %gather3A_866 : vector<16xi32>
      %swap3A_871 = arith.constant 1024 : index
      %swap3A_872 = tpu.vector_load %run_scoped3A_4[%swap3A_871] {strides = array<i32>} : memref<1280xi32, #tpu.memory_space<vmem>>, vector<16xi32>,
      tpu.vector_store %run_scoped3A_4[%swap3A_871], %add3A_870 {strides = array<i32>} : memref<1280xi32, #tpu.memory_space<vmem>>, vector<16xi32>,
      %iota3A_873 = tpu.iota {dimensions = array<i32: 0>} : vector<16xi32>
      %add3A_874 = arith.constant 16 : i32
      %add3A_875 = vector.broadcast %add3A_874 : i32 to vector<16xi32>
      %add3A_876 = arith.addi %iota3A_873, %add3A_875 : vector<16xi32>
      %gather3A_877 = tpu.vector_load_idx %run_scoped3A_3[%add3A_876, %broadcast_in_dim3A_861] : memref<256x8xi32, #tpu.memory_space<vmem>>[vector<16xi32>, vector<16xi32>], vector<16xi32>,
      %mul3A_878 = arith.constant 512 : i32
      %mul3A_879 = arith.muli %sub3A_860, %mul3A_878 : i32
      %add3A_880 = vector.broadcast %mul3A_879 : i32 to vector<16xi32>
      %add3A_881 = arith.addi %add3A_880, %gather3A_877 : vector<16xi32>
      %swap3A_882 = arith.constant 1040 : index
      %swap3A_883 = tpu.vector_load %run_scoped3A_4[%swap3A_882] {strides = array<i32>} : memref<1280xi32, #tpu.memory_space<vmem>>, vector<16xi32>,
      tpu.vector_store %run_scoped3A_4[%swap3A_882], %add3A_881 {strides = array<i32>} : memref<1280xi32, #tpu.memory_space<vmem>>, vector<16xi32>,
      %iota3A_884 = tpu.iota {dimensions = array<i32: 0>} : vector<16xi32>
      %add3A_885 = arith.constant 32 : i32
      %add3A_886 = vector.broadcast %add3A_885 : i32 to vector<16xi32>
      %add3A_887 = arith.addi %iota3A_884, %add3A_886 : vector<16xi32>
      %gather3A_888 = tpu.vector_load_idx %run_scoped3A_3[%add3A_887, %broadcast_in_dim3A_861] : memref<256x8xi32, #tpu.memory_space<vmem>>[vector<16xi32>, vector<16xi32>], vector<16xi32>,
      %mul3A_889 = arith.constant 512 : i32
      %mul3A_890 = arith.muli %sub3A_860, %mul3A_889 : i32
      %add3A_891 = vector.broadcast %mul3A_890 : i32 to vector<16xi32>
      %add3A_892 = arith.addi %add3A_891, %gather3A_888 : vector<16xi32>
      %swap3A_893 = arith.constant 1056 : index
      %swap3A_894 = tpu.vector_load %run_scoped3A_4[%swap3A_893] {strides = array<i32>} : memref<1280xi32, #tpu.memory_space<vmem>>, vector<16xi32>,
      tpu.vector_store %run_scoped3A_4[%swap3A_893], %add3A_892 {strides = array<i32>} : memref<1280xi32, #tpu.memory_space<vmem>>, vector<16xi32>,
      %iota3A_895 = tpu.iota {dimensions = array<i32: 0>} : vector<16xi32>
      %add3A_896 = arith.constant 48 : i32
      %add3A_897 = vector.broadcast %add3A_896 : i32 to vector<16xi32>
      %add3A_898 = arith.addi %iota3A_895, %add3A_897 : vector<16xi32>
      %gather3A_899 = tpu.vector_load_idx %run_scoped3A_3[%add3A_898, %broadcast_in_dim3A_861] : memref<256x8xi32, #tpu.memory_space<vmem>>[vector<16xi32>, vector<16xi32>], vector<16xi32>,
      %mul3A_900 = arith.constant 512 : i32
      %mul3A_901 = arith.muli %sub3A_860, %mul3A_900 : i32
      %add3A_902 = vector.broadcast %mul3A_901 : i32 to vector<16xi32>
      %add3A_903 = arith.addi %add3A_902, %gather3A_899 : vector<16xi32>
      %swap3A_904 = arith.constant 1072 : index
      %swap3A_905 = tpu.vector_load %run_scoped3A_4[%swap3A_904] {strides = array<i32>} : memref<1280xi32, #tpu.memory_space<vmem>>, vector<16xi32>,
      tpu.vector_store %run_scoped3A_4[%swap3A_904], %add3A_903 {strides = array<i32>} : memref<1280xi32, #tpu.memory_space<vmem>>, vector<16xi32>,
      %iota3A_906 = tpu.iota {dimensions = array<i32: 0>} : vector<16xi32>
      %add3A_907 = arith.constant 64 : i32
      %add3A_908 = vector.broadcast %add3A_907 : i32 to vector<16xi32>
      %add3A_909 = arith.addi %iota3A_906, %add3A_908 : vector<16xi32>
      %gather3A_910 = tpu.vector_load_idx %run_scoped3A_3[%add3A_909, %broadcast_in_dim3A_861] : memref<256x8xi32, #tpu.memory_space<vmem>>[vector<16xi32>, vector<16xi32>], vector<16xi32>,
      %mul3A_911 = arith.constant 512 : i32
      %mul3A_912 = arith.muli %sub3A_860, %mul3A_911 : i32
      %add3A_913 = vector.broadcast %mul3A_912 : i32 to vector<16xi32>
      %add3A_914 = arith.addi %add3A_913, %gather3A_910 : vector<16xi32>
      %swap3A_915 = arith.constant 1088 : index
      %swap3A_916 = tpu.vector_load %run_scoped3A_4[%swap3A_915] {strides = array<i32>} : memref<1280xi32, #tpu.memory_space<vmem>>, vector<16xi32>,
      tpu.vector_store %run_scoped3A_4[%swap3A_915], %add3A_914 {strides = array<i32>} : memref<1280xi32, #tpu.memory_space<vmem>>, vector<16xi32>,
      %iota3A_917 = tpu.iota {dimensions = array<i32: 0>} : vector<16xi32>
      %add3A_918 = arith.constant 80 : i32
      %add3A_919 = vector.broadcast %add3A_918 : i32 to vector<16xi32>
      %add3A_920 = arith.addi %iota3A_917, %add3A_919 : vector<16xi32>
      %gather3A_921 = tpu.vector_load_idx %run_scoped3A_3[%add3A_920, %broadcast_in_dim3A_861] : memref<256x8xi32, #tpu.memory_space<vmem>>[vector<16xi32>, vector<16xi32>], vector<16xi32>,
      %mul3A_922 = arith.constant 512 : i32
      %mul3A_923 = arith.muli %sub3A_860, %mul3A_922 : i32
      %add3A_924 = vector.broadcast %mul3A_923 : i32 to vector<16xi32>
      %add3A_925 = arith.addi %add3A_924, %gather3A_921 : vector<16xi32>
      %swap3A_926 = arith.constant 1104 : index
      %swap3A_927 = tpu.vector_load %run_scoped3A_4[%swap3A_926] {strides = array<i32>} : memref<1280xi32, #tpu.memory_space<vmem>>, vector<16xi32>,
      tpu.vector_store %run_scoped3A_4[%swap3A_926], %add3A_925 {strides = array<i32>} : memref<1280xi32, #tpu.memory_space<vmem>>, vector<16xi32>,
      %iota3A_928 = tpu.iota {dimensions = array<i32: 0>} : vector<16xi32>
      %add3A_929 = arith.constant 96 : i32
      %add3A_930 = vector.broadcast %add3A_929 : i32 to vector<16xi32>
      %add3A_931 = arith.addi %iota3A_928, %add3A_930 : vector<16xi32>
      %gather3A_932 = tpu.vector_load_idx %run_scoped3A_3[%add3A_931, %broadcast_in_dim3A_861] : memref<256x8xi32, #tpu.memory_space<vmem>>[vector<16xi32>, vector<16xi32>], vector<16xi32>,
      %mul3A_933 = arith.constant 512 : i32
      %mul3A_934 = arith.muli %sub3A_860, %mul3A_933 : i32
      %add3A_935 = vector.broadcast %mul3A_934 : i32 to vector<16xi32>
      %add3A_936 = arith.addi %add3A_935, %gather3A_932 : vector<16xi32>
      %swap3A_937 = arith.constant 1120 : index
      %swap3A_938 = tpu.vector_load %run_scoped3A_4[%swap3A_937] {strides = array<i32>} : memref<1280xi32, #tpu.memory_space<vmem>>, vector<16xi32>,
      tpu.vector_store %run_scoped3A_4[%swap3A_937], %add3A_936 {strides = array<i32>} : memref<1280xi32, #tpu.memory_space<vmem>>, vector<16xi32>,
      %iota3A_939 = tpu.iota {dimensions = array<i32: 0>} : vector<16xi32>
      %add3A_940 = arith.constant 112 : i32
      %add3A_941 = vector.broadcast %add3A_940 : i32 to vector<16xi32>
      %add3A_942 = arith.addi %iota3A_939, %add3A_941 : vector<16xi32>
      %gather3A_943 = tpu.vector_load_idx %run_scoped3A_3[%add3A_942, %broadcast_in_dim3A_861] : memref<256x8xi32, #tpu.memory_space<vmem>>[vector<16xi32>, vector<16xi32>], vector<16xi32>,
      %mul3A_944 = arith.constant 512 : i32
      %mul3A_945 = arith.muli %sub3A_860, %mul3A_944 : i32
      %add3A_946 = vector.broadcast %mul3A_945 : i32 to vector<16xi32>
      %add3A_947 = arith.addi %add3A_946, %gather3A_943 : vector<16xi32>
      %swap3A_948 = arith.constant 1136 : index
      %swap3A_949 = tpu.vector_load %run_scoped3A_4[%swap3A_948] {strides = array<i32>} : memref<1280xi32, #tpu.memory_space<vmem>>, vector<16xi32>,
      tpu.vector_store %run_scoped3A_4[%swap3A_948], %add3A_947 {strides = array<i32>} : memref<1280xi32, #tpu.memory_space<vmem>>, vector<16xi32>,
      %iota3A_950 = tpu.iota {dimensions = array<i32: 0>} : vector<16xi32>
      %add3A_951 = arith.constant 128 : i32
      %add3A_952 = vector.broadcast %add3A_951 : i32 to vector<16xi32>
      %add3A_953 = arith.addi %iota3A_950, %add3A_952 : vector<16xi32>
      %gather3A_954 = tpu.vector_load_idx %run_scoped3A_3[%add3A_953, %broadcast_in_dim3A_861] : memref<256x8xi32, #tpu.memory_space<vmem>>[vector<16xi32>, vector<16xi32>], vector<16xi32>,
      %mul3A_955 = arith.constant 512 : i32
      %mul3A_956 = arith.muli %sub3A_860, %mul3A_955 : i32
      %add3A_957 = vector.broadcast %mul3A_956 : i32 to vector<16xi32>
      %add3A_958 = arith.addi %add3A_957, %gather3A_954 : vector<16xi32>
      %swap3A_959 = arith.constant 1152 : index
      %swap3A_960 = tpu.vector_load %run_scoped3A_4[%swap3A_959] {strides = array<i32>} : memref<1280xi32, #tpu.memory_space<vmem>>, vector<16xi32>,
      tpu.vector_store %run_scoped3A_4[%swap3A_959], %add3A_958 {strides = array<i32>} : memref<1280xi32, #tpu.memory_space<vmem>>, vector<16xi32>,
      %iota3A_961 = tpu.iota {dimensions = array<i32: 0>} : vector<16xi32>
      %add3A_962 = arith.constant 144 : i32
      %add3A_963 = vector.broadcast %add3A_962 : i32 to vector<16xi32>
      %add3A_964 = arith.addi %iota3A_961, %add3A_963 : vector<16xi32>
      %gather3A_965 = tpu.vector_load_idx %run_scoped3A_3[%add3A_964, %broadcast_in_dim3A_861] : memref<256x8xi32, #tpu.memory_space<vmem>>[vector<16xi32>, vector<16xi32>], vector<16xi32>,
      %mul3A_966 = arith.constant 512 : i32
      %mul3A_967 = arith.muli %sub3A_860, %mul3A_966 : i32
      %add3A_968 = vector.broadcast %mul3A_967 : i32 to vector<16xi32>
      %add3A_969 = arith.addi %add3A_968, %gather3A_965 : vector<16xi32>
      %swap3A_970 = arith.constant 1168 : index
      %swap3A_971 = tpu.vector_load %run_scoped3A_4[%swap3A_970] {strides = array<i32>} : memref<1280xi32, #tpu.memory_space<vmem>>, vector<16xi32>,
      tpu.vector_store %run_scoped3A_4[%swap3A_970], %add3A_969 {strides = array<i32>} : memref<1280xi32, #tpu.memory_space<vmem>>, vector<16xi32>,
      %iota3A_972 = tpu.iota {dimensions = array<i32: 0>} : vector<16xi32>
      %add3A_973 = arith.constant 160 : i32
      %add3A_974 = vector.broadcast %add3A_973 : i32 to vector<16xi32>
      %add3A_975 = arith.addi %iota3A_972, %add3A_974 : vector<16xi32>
      %gather3A_976 = tpu.vector_load_idx %run_scoped3A_3[%add3A_975, %broadcast_in_dim3A_861] : memref<256x8xi32, #tpu.memory_space<vmem>>[vector<16xi32>, vector<16xi32>], vector<16xi32>,
      %mul3A_977 = arith.constant 512 : i32
      %mul3A_978 = arith.muli %sub3A_860, %mul3A_977 : i32
      %add3A_979 = vector.broadcast %mul3A_978 : i32 to vector<16xi32>
      %add3A_980 = arith.addi %add3A_979, %gather3A_976 : vector<16xi32>
      %swap3A_981 = arith.constant 1184 : index
      %swap3A_982 = tpu.vector_load %run_scoped3A_4[%swap3A_981] {strides = array<i32>} : memref<1280xi32, #tpu.memory_space<vmem>>, vector<16xi32>,
      tpu.vector_store %run_scoped3A_4[%swap3A_981], %add3A_980 {strides = array<i32>} : memref<1280xi32, #tpu.memory_space<vmem>>, vector<16xi32>,
      %iota3A_983 = tpu.iota {dimensions = array<i32: 0>} : vector<16xi32>
      %add3A_984 = arith.constant 176 : i32
      %add3A_985 = vector.broadcast %add3A_984 : i32 to vector<16xi32>
      %add3A_986 = arith.addi %iota3A_983, %add3A_985 : vector<16xi32>
      %gather3A_987 = tpu.vector_load_idx %run_scoped3A_3[%add3A_986, %broadcast_in_dim3A_861] : memref<256x8xi32, #tpu.memory_space<vmem>>[vector<16xi32>, vector<16xi32>], vector<16xi32>,
      %mul3A_988 = arith.constant 512 : i32
      %mul3A_989 = arith.muli %sub3A_860, %mul3A_988 : i32
      %add3A_990 = vector.broadcast %mul3A_989 : i32 to vector<16xi32>
      %add3A_991 = arith.addi %add3A_990, %gather3A_987 : vector<16xi32>
      %swap3A_992 = arith.constant 1200 : index
      %swap3A_993 = tpu.vector_load %run_scoped3A_4[%swap3A_992] {strides = array<i32>} : memref<1280xi32, #tpu.memory_space<vmem>>, vector<16xi32>,
      tpu.vector_store %run_scoped3A_4[%swap3A_992], %add3A_991 {strides = array<i32>} : memref<1280xi32, #tpu.memory_space<vmem>>, vector<16xi32>,
      %iota3A_994 = tpu.iota {dimensions = array<i32: 0>} : vector<16xi32>
      %add3A_995 = arith.constant 192 : i32
      %add3A_996 = vector.broadcast %add3A_995 : i32 to vector<16xi32>
      %add3A_997 = arith.addi %iota3A_994, %add3A_996 : vector<16xi32>
      %gather3A_998 = tpu.vector_load_idx %run_scoped3A_3[%add3A_997, %broadcast_in_dim3A_861] : memref<256x8xi32, #tpu.memory_space<vmem>>[vector<16xi32>, vector<16xi32>], vector<16xi32>,
      %mul3A_999 = arith.constant 512 : i32
      %mul3A_1000 = arith.muli %sub3A_860, %mul3A_999 : i32
      %add3A_1001 = vector.broadcast %mul3A_1000 : i32 to vector<16xi32>
      %add3A_1002 = arith.addi %add3A_1001, %gather3A_998 : vector<16xi32>
      %swap3A_1003 = arith.constant 1216 : index
      %swap3A_1004 = tpu.vector_load %run_scoped3A_4[%swap3A_1003] {strides = array<i32>} : memref<1280xi32, #tpu.memory_space<vmem>>, vector<16xi32>,
      tpu.vector_store %run_scoped3A_4[%swap3A_1003], %add3A_1002 {strides = array<i32>} : memref<1280xi32, #tpu.memory_space<vmem>>, vector<16xi32>,
      %iota3A_1005 = tpu.iota {dimensions = array<i32: 0>} : vector<16xi32>
      %add3A_1006 = arith.constant 208 : i32
      %add3A_1007 = vector.broadcast %add3A_1006 : i32 to vector<16xi32>
      %add3A_1008 = arith.addi %iota3A_1005, %add3A_1007 : vector<16xi32>
      %gather3A_1009 = tpu.vector_load_idx %run_scoped3A_3[%add3A_1008, %broadcast_in_dim3A_861] : memref<256x8xi32, #tpu.memory_space<vmem>>[vector<16xi32>, vector<16xi32>], vector<16xi32>,
      %mul3A_1010 = arith.constant 512 : i32
      %mul3A_1011 = arith.muli %sub3A_860, %mul3A_1010 : i32
      %add3A_1012 = vector.broadcast %mul3A_1011 : i32 to vector<16xi32>
      %add3A_1013 = arith.addi %add3A_1012, %gather3A_1009 : vector<16xi32>
      %swap3A_1014 = arith.constant 1232 : index
      %swap3A_1015 = tpu.vector_load %run_scoped3A_4[%swap3A_1014] {strides = array<i32>} : memref<1280xi32, #tpu.memory_space<vmem>>, vector<16xi32>,
      tpu.vector_store %run_scoped3A_4[%swap3A_1014], %add3A_1013 {strides = array<i32>} : memref<1280xi32, #tpu.memory_space<vmem>>, vector<16xi32>,
      %iota3A_1016 = tpu.iota {dimensions = array<i32: 0>} : vector<16xi32>
      %add3A_1017 = arith.constant 224 : i32
      %add3A_1018 = vector.broadcast %add3A_1017 : i32 to vector<16xi32>
      %add3A_1019 = arith.addi %iota3A_1016, %add3A_1018 : vector<16xi32>
      %gather3A_1020 = tpu.vector_load_idx %run_scoped3A_3[%add3A_1019, %broadcast_in_dim3A_861] : memref<256x8xi32, #tpu.memory_space<vmem>>[vector<16xi32>, vector<16xi32>], vector<16xi32>,
      %mul3A_1021 = arith.constant 512 : i32
      %mul3A_1022 = arith.muli %sub3A_860, %mul3A_1021 : i32
      %add3A_1023 = vector.broadcast %mul3A_1022 : i32 to vector<16xi32>
      %add3A_1024 = arith.addi %add3A_1023, %gather3A_1020 : vector<16xi32>
      %swap3A_1025 = arith.constant 1248 : index
      %swap3A_1026 = tpu.vector_load %run_scoped3A_4[%swap3A_1025] {strides = array<i32>} : memref<1280xi32, #tpu.memory_space<vmem>>, vector<16xi32>,
      tpu.vector_store %run_scoped3A_4[%swap3A_1025], %add3A_1024 {strides = array<i32>} : memref<1280xi32, #tpu.memory_space<vmem>>, vector<16xi32>,
      %iota3A_1027 = tpu.iota {dimensions = array<i32: 0>} : vector<16xi32>
      %add3A_1028 = arith.constant 240 : i32
      %add3A_1029 = vector.broadcast %add3A_1028 : i32 to vector<16xi32>
      %add3A_1030 = arith.addi %iota3A_1027, %add3A_1029 : vector<16xi32>
      %gather3A_1031 = tpu.vector_load_idx %run_scoped3A_3[%add3A_1030, %broadcast_in_dim3A_861] : memref<256x8xi32, #tpu.memory_space<vmem>>[vector<16xi32>, vector<16xi32>], vector<16xi32>,
      %mul3A_1032 = arith.constant 512 : i32
      %mul3A_1033 = arith.muli %sub3A_860, %mul3A_1032 : i32
      %add3A_1034 = vector.broadcast %mul3A_1033 : i32 to vector<16xi32>
      %add3A_1035 = arith.addi %add3A_1034, %gather3A_1031 : vector<16xi32>
      %swap3A_1036 = arith.constant 1264 : index
      %swap3A_1037 = tpu.vector_load %run_scoped3A_4[%swap3A_1036] {strides = array<i32>} : memref<1280xi32, #tpu.memory_space<vmem>>, vector<16xi32>,
      tpu.vector_store %run_scoped3A_4[%swap3A_1036], %add3A_1035 {strides = array<i32>} : memref<1280xi32, #tpu.memory_space<vmem>>, vector<16xi32>,
      %mul3A_1038 = arith.constant 8 : i32
      %mul3A_1039 = arith.muli %add3A, %mul3A_1038 : i32
      %add3A_1040 = arith.constant 0 : i32
      %add3A_1041 = arith.addi %mul3A_1039, %add3A_1040 : i32
      %add3A_1042 = arith.constant 0 : i32
      %add3A_1043 = arith.addi %add3A_1041, %add3A_1042 : i32
      %broadcast_in_dim3A_1044 = vector.broadcast %add3A_1043 : i32 to vector<16xi32>
      %get3A = arith.constant 0 : index
      %get3A_1045 = tpu.vector_load %run_scoped3A_7[%get3A] {strides = array<i32>} : memref<16xi32, #tpu.memory_space<vmem>>, vector<16xi32>,
      %add3A_1046 = arith.addi %broadcast_in_dim3A_1044, %get3A_1045 : vector<16xi32>
      %get3A_1047 = arith.constant 0 : index
      %get3A_1048 = tpu.vector_load %run_scoped3A_6[%get3A_1047] {strides = array<i32>} : memref<16xi32, #tpu.memory_space<vmem>>, vector<16xi32>,
      %gather3A_1049 = tpu.vector_load_idx %run_scoped3A_3[%add3A_1046, %get3A_1048] : memref<256x8xi32, #tpu.memory_space<vmem>>[vector<16xi32>, vector<16xi32>], vector<16xi32>,
      %swap3A_1050 = arith.constant 0 : index
      %swap3A_1051 = tpu.vector_load %run_scoped3A_5[%swap3A_1050] {strides = array<i32>} : memref<64xi32, #tpu.memory_space<vmem>>, vector<16xi32>,
      tpu.vector_store %run_scoped3A_5[%swap3A_1050], %gather3A_1049 {strides = array<i32>} : memref<64xi32, #tpu.memory_space<vmem>>, vector<16xi32>,
      %add3A_1052 = arith.constant 2 : i32
      %add3A_1053 = arith.addi %add3A_1041, %add3A_1052 : i32
      %broadcast_in_dim3A_1054 = vector.broadcast %add3A_1053 : i32 to vector<16xi32>
      %get3A_1055 = arith.constant 0 : index
      %get3A_1056 = tpu.vector_load %run_scoped3A_7[%get3A_1055] {strides = array<i32>} : memref<16xi32, #tpu.memory_space<vmem>>, vector<16xi32>,
      %add3A_1057 = arith.addi %broadcast_in_dim3A_1054, %get3A_1056 : vector<16xi32>
      %get3A_1058 = arith.constant 0 : index
      %get3A_1059 = tpu.vector_load %run_scoped3A_6[%get3A_1058] {strides = array<i32>} : memref<16xi32, #tpu.memory_space<vmem>>, vector<16xi32>,
      %gather3A_1060 = tpu.vector_load_idx %run_scoped3A_3[%add3A_1057, %get3A_1059] : memref<256x8xi32, #tpu.memory_space<vmem>>[vector<16xi32>, vector<16xi32>], vector<16xi32>,
      %swap3A_1061 = arith.constant 16 : index
      %swap3A_1062 = tpu.vector_load %run_scoped3A_5[%swap3A_1061] {strides = array<i32>} : memref<64xi32, #tpu.memory_space<vmem>>, vector<16xi32>,
      tpu.vector_store %run_scoped3A_5[%swap3A_1061], %gather3A_1060 {strides = array<i32>} : memref<64xi32, #tpu.memory_space<vmem>>, vector<16xi32>,
      %mul3A_1063 = arith.constant 8 : i32
      %mul3A_1064 = arith.muli %add3A, %mul3A_1063 : i32
      %add3A_1065 = arith.constant 4 : i32
      %add3A_1066 = arith.addi %mul3A_1064, %add3A_1065 : i32
      %add3A_1067 = arith.constant 0 : i32
      %add3A_1068 = arith.addi %add3A_1066, %add3A_1067 : i32
      %broadcast_in_dim3A_1069 = vector.broadcast %add3A_1068 : i32 to vector<16xi32>
      %get3A_1070 = arith.constant 0 : index
      %get3A_1071 = tpu.vector_load %run_scoped3A_7[%get3A_1070] {strides = array<i32>} : memref<16xi32, #tpu.memory_space<vmem>>, vector<16xi32>,
      %add3A_1072 = arith.addi %broadcast_in_dim3A_1069, %get3A_1071 : vector<16xi32>
      %get3A_1073 = arith.constant 0 : index
      %get3A_1074 = tpu.vector_load %run_scoped3A_6[%get3A_1073] {strides = array<i32>} : memref<16xi32, #tpu.memory_space<vmem>>, vector<16xi32>,
      %gather3A_1075 = tpu.vector_load_idx %run_scoped3A_3[%add3A_1072, %get3A_1074] : memref<256x8xi32, #tpu.memory_space<vmem>>[vector<16xi32>, vector<16xi32>], vector<16xi32>,
      %swap3A_1076 = arith.constant 32 : index
      %swap3A_1077 = tpu.vector_load %run_scoped3A_5[%swap3A_1076] {strides = array<i32>} : memref<64xi32, #tpu.memory_space<vmem>>, vector<16xi32>,
      tpu.vector_store %run_scoped3A_5[%swap3A_1076], %gather3A_1075 {strides = array<i32>} : memref<64xi32, #tpu.memory_space<vmem>>, vector<16xi32>,
      %add3A_1078 = arith.constant 2 : i32
      %add3A_1079 = arith.addi %add3A_1066, %add3A_1078 : i32
      %broadcast_in_dim3A_1080 = vector.broadcast %add3A_1079 : i32 to vector<16xi32>
      %get3A_1081 = arith.constant 0 : index
      %get3A_1082 = tpu.vector_load %run_scoped3A_7[%get3A_1081] {strides = array<i32>} : memref<16xi32, #tpu.memory_space<vmem>>, vector<16xi32>,
      %add3A_1083 = arith.addi %broadcast_in_dim3A_1080, %get3A_1082 : vector<16xi32>
      %get3A_1084 = arith.constant 0 : index
      %get3A_1085 = tpu.vector_load %run_scoped3A_6[%get3A_1084] {strides = array<i32>} : memref<16xi32, #tpu.memory_space<vmem>>, vector<16xi32>,
      %gather3A_1086 = tpu.vector_load_idx %run_scoped3A_3[%add3A_1083, %get3A_1085] : memref<256x8xi32, #tpu.memory_space<vmem>>[vector<16xi32>, vector<16xi32>], vector<16xi32>,
      %swap3A_1087 = arith.constant 48 : index
      %swap3A_1088 = tpu.vector_load %run_scoped3A_5[%swap3A_1087] {strides = array<i32>} : memref<64xi32, #tpu.memory_space<vmem>>, vector<16xi32>,
      tpu.vector_store %run_scoped3A_5[%swap3A_1087], %gather3A_1086 {strides = array<i32>} : memref<64xi32, #tpu.memory_space<vmem>>, vector<16xi32>,
      %mul3A_1089 = arith.constant 5 : i32
      %mul3A_1090 = arith.muli %add3A, %mul3A_1089 : i32
      %add3A_1091 = arith.constant 0 : i32
      %add3A_1092 = arith.addi %mul3A_1090, %add3A_1091 : i32
      %mul3A_1093 = arith.constant 5 : i32
      %mul3A_1094 = arith.muli %add3A, %mul3A_1093 : i32
      %add3A_1095 = arith.constant 1 : i32
      %add3A_1096 = arith.addi %mul3A_1094, %add3A_1095 : i32
      %mul3A_1097 = arith.constant 5 : i32
      %mul3A_1098 = arith.muli %add3A, %mul3A_1097 : i32
      %add3A_1099 = arith.constant 2 : i32
      %add3A_1100 = arith.addi %mul3A_1098, %add3A_1099 : i32
      %mul3A_1101 = arith.constant 5 : i32
      %mul3A_1102 = arith.muli %add3A, %mul3A_1101 : i32
      %add3A_1103 = arith.constant 3 : i32
      %add3A_1104 = arith.addi %mul3A_1102, %add3A_1103 : i32
      %mul3A_1105 = arith.constant 5 : i32
      %mul3A_1106 = arith.muli %add3A, %mul3A_1105 : i32
      %add3A_1107 = arith.constant 4 : i32
      %add3A_1108 = arith.addi %mul3A_1106, %add3A_1107 : i32
      %mul3A_1109 = arith.constant 8 : i32
      %mul3A_1110 = arith.muli %add3A, %mul3A_1109 : i32
      %add3A_1111 = arith.constant 0 : i32
      %add3A_1112 = arith.addi %mul3A_1110, %add3A_1111 : i32
      %mul3A_1113 = arith.constant 8 : i32
      %mul3A_1114 = arith.muli %add3A, %mul3A_1113 : i32
      %add3A_1115 = arith.constant 4 : i32
      %add3A_1116 = arith.addi %mul3A_1114, %add3A_1115 : i32
      %dma_start3A = arith.constant 0 : i32
      %dma_start3A_1117 = tpu.memref_slice %run_scoped3A_4[%dma_start3A] : memref<1280xi32, #tpu.memory_space<vmem>> -> memref<32xi32, #tpu.memory_space<vmem>>
      %dma_start3A_1118 = arith.constant 0 : i32
      %dma_start3A_1119 = arith.constant 0 : i32
      %dma_start3A_1120 = tpu.memref_slice %arg2[%dma_start3A_1118, %dma_start3A_1119] : memref<10240x768xf32, #tpu.memory_space<hbm>> -> memref<10240x768xf32, #tpu.memory_space<hbm>>
      tpu.enqueue_indirect_dma source(%dma_start3A_1120 : memref<10240x768xf32, #tpu.memory_space<hbm>>) target(%run_scoped3A : memref<32x768xf32, #tpu.memory_space<vmem>>) offsets(%dma_start3A_1117 : memref<32xi32, #tpu.memory_space<vmem>>) semaphore(%run_scoped3A_8 : memref<!tpu.dma_semaphore, #tpu.memory_space<semaphore_mem>>)
      %dma_wait3A = arith.constant 0 : i32
      %dma_wait3A_1121 = tpu.memref_slice %run_scoped3A_4[%dma_wait3A] : memref<1280xi32, #tpu.memory_space<vmem>> -> memref<32xi32, #tpu.memory_space<vmem>>
      %dma_wait3A_1122 = arith.constant 0 : i32
      %dma_wait3A_1123 = arith.constant 0 : i32
      %dma_wait3A_1124 = tpu.memref_slice %arg2[%dma_wait3A_1122, %dma_wait3A_1123] : memref<10240x768xf32, #tpu.memory_space<hbm>> -> memref<10240x768xf32, #tpu.memory_space<hbm>>
      tpu.wait_indirect_dma semaphore(%run_scoped3A_8 : memref<!tpu.dma_semaphore, #tpu.memory_space<semaphore_mem>>) src(%dma_wait3A_1124 : memref<10240x768xf32, #tpu.memory_space<hbm>>) dst(%run_scoped3A : memref<32x768xf32, #tpu.memory_space<vmem>>)
      %dma_start3A_1125 = arith.constant 0 : i32
      %dma_start3A_1126 = arith.constant 0 : i32
      %dma_start3A_1127 = tpu.memref_slice %arg7[%add3A_1092, %dma_start3A_1125, %dma_start3A_1126] : memref<356x256x768xf32, #tpu.memory_space<hbm>> -> memref<1x32x768xf32, #tpu.memory_space<hbm>>
      %dma_start3A_1128 = tpu.memref_squeeze %dma_start3A_1127 : memref<1x32x768xf32, #tpu.memory_space<hbm>> -> memref<32x768xf32, #tpu.memory_space<hbm>>
      %dma_start3A_1129 = arith.constant 0 : i32
      %dma_start3A_1130 = arith.constant 0 : i32
      %dma_start3A_1131 = tpu.memref_slice %arg7[%add3A_1092, %dma_start3A_1129, %dma_start3A_1130] : memref<356x256x768xf32, #tpu.memory_space<hbm>> -> memref<1x32x768xf32, #tpu.memory_space<hbm>>
      %dma_start3A_1132 = tpu.memref_squeeze %dma_start3A_1131 : memref<1x32x768xf32, #tpu.memory_space<hbm>> -> memref<32x768xf32, #tpu.memory_space<hbm>>
      tpu.enqueue_dma source(%run_scoped3A : memref<32x768xf32, #tpu.memory_space<vmem>>) target(%dma_start3A_1132 : memref<32x768xf32, #tpu.memory_space<hbm>>) target_semaphore(%run_scoped3A_9 : memref<!tpu.dma_semaphore, #tpu.memory_space<semaphore_mem>>)
      %dma_start3A_1133 = arith.constant 32 : i32
      %dma_start3A_1134 = tpu.memref_slice %run_scoped3A_4[%dma_start3A_1133] : memref<1280xi32, #tpu.memory_space<vmem>> -> memref<32xi32, #tpu.memory_space<vmem>>
      %dma_start3A_1135 = arith.constant 0 : i32
      %dma_start3A_1136 = arith.constant 0 : i32
      %dma_start3A_1137 = tpu.memref_slice %arg2[%dma_start3A_1135, %dma_start3A_1136] : memref<10240x768xf32, #tpu.memory_space<hbm>> -> memref<10240x768xf32, #tpu.memory_space<hbm>>
      tpu.enqueue_indirect_dma source(%dma_start3A_1137 : memref<10240x768xf32, #tpu.memory_space<hbm>>) target(%run_scoped3A_1 : memref<32x768xf32, #tpu.memory_space<vmem>>) offsets(%dma_start3A_1134 : memref<32xi32, #tpu.memory_space<vmem>>) semaphore(%run_scoped3A_8 : memref<!tpu.dma_semaphore, #tpu.memory_space<semaphore_mem>>)
      %dma_wait3A_1138 = arith.constant 32 : i32
      %dma_wait3A_1139 = tpu.memref_slice %run_scoped3A_4[%dma_wait3A_1138] : memref<1280xi32, #tpu.memory_space<vmem>> -> memref<32xi32, #tpu.memory_space<vmem>>
      %dma_wait3A_1140 = arith.constant 0 : i32
      %dma_wait3A_1141 = arith.constant 0 : i32
      %dma_wait3A_1142 = tpu.memref_slice %arg2[%dma_wait3A_1140, %dma_wait3A_1141] : memref<10240x768xf32, #tpu.memory_space<hbm>> -> memref<10240x768xf32, #tpu.memory_space<hbm>>
      tpu.wait_indirect_dma semaphore(%run_scoped3A_8 : memref<!tpu.dma_semaphore, #tpu.memory_space<semaphore_mem>>) src(%dma_wait3A_1142 : memref<10240x768xf32, #tpu.memory_space<hbm>>) dst(%run_scoped3A_1 : memref<32x768xf32, #tpu.memory_space<vmem>>)
      %dma_start3A_1143 = arith.constant 32 : i32
      %dma_start3A_1144 = arith.constant 0 : i32
      %dma_start3A_1145 = tpu.memref_slice %arg7[%add3A_1092, %dma_start3A_1143, %dma_start3A_1144] : memref<356x256x768xf32, #tpu.memory_space<hbm>> -> memref<1x32x768xf32, #tpu.memory_space<hbm>>
      %dma_start3A_1146 = tpu.memref_squeeze %dma_start3A_1145 : memref<1x32x768xf32, #tpu.memory_space<hbm>> -> memref<32x768xf32, #tpu.memory_space<hbm>>
      %dma_start3A_1147 = arith.constant 32 : i32
      %dma_start3A_1148 = arith.constant 0 : i32
      %dma_start3A_1149 = tpu.memref_slice %arg7[%add3A_1092, %dma_start3A_1147, %dma_start3A_1148] : memref<356x256x768xf32, #tpu.memory_space<hbm>> -> memref<1x32x768xf32, #tpu.memory_space<hbm>>
      %dma_start3A_1150 = tpu.memref_squeeze %dma_start3A_1149 : memref<1x32x768xf32, #tpu.memory_space<hbm>> -> memref<32x768xf32, #tpu.memory_space<hbm>>
      tpu.enqueue_dma source(%run_scoped3A_1 : memref<32x768xf32, #tpu.memory_space<vmem>>) target(%dma_start3A_1150 : memref<32x768xf32, #tpu.memory_space<hbm>>) target_semaphore(%run_scoped3A_9 : memref<!tpu.dma_semaphore, #tpu.memory_space<semaphore_mem>>)
      %dma_start3A_1151 = arith.constant 64 : i32
      %dma_start3A_1152 = tpu.memref_slice %run_scoped3A_4[%dma_start3A_1151] : memref<1280xi32, #tpu.memory_space<vmem>> -> memref<32xi32, #tpu.memory_space<vmem>>
      %dma_start3A_1153 = arith.constant 0 : i32
      %dma_start3A_1154 = arith.constant 0 : i32
      %dma_start3A_1155 = tpu.memref_slice %arg2[%dma_start3A_1153, %dma_start3A_1154] : memref<10240x768xf32, #tpu.memory_space<hbm>> -> memref<10240x768xf32, #tpu.memory_space<hbm>>
      tpu.enqueue_indirect_dma source(%dma_start3A_1155 : memref<10240x768xf32, #tpu.memory_space<hbm>>) target(%run_scoped3A_2 : memref<32x768xf32, #tpu.memory_space<vmem>>) offsets(%dma_start3A_1152 : memref<32xi32, #tpu.memory_space<vmem>>) semaphore(%run_scoped3A_8 : memref<!tpu.dma_semaphore, #tpu.memory_space<semaphore_mem>>)
      %dma_wait3A_1156 = arith.constant 64 : i32
      %dma_wait3A_1157 = tpu.memref_slice %run_scoped3A_4[%dma_wait3A_1156] : memref<1280xi32, #tpu.memory_space<vmem>> -> memref<32xi32, #tpu.memory_space<vmem>>
      %dma_wait3A_1158 = arith.constant 0 : i32
      %dma_wait3A_1159 = arith.constant 0 : i32
      %dma_wait3A_1160 = tpu.memref_slice %arg2[%dma_wait3A_1158, %dma_wait3A_1159] : memref<10240x768xf32, #tpu.memory_space<hbm>> -> memref<10240x768xf32, #tpu.memory_space<hbm>>
      tpu.wait_indirect_dma semaphore(%run_scoped3A_8 : memref<!tpu.dma_semaphore, #tpu.memory_space<semaphore_mem>>) src(%dma_wait3A_1160 : memref<10240x768xf32, #tpu.memory_space<hbm>>) dst(%run_scoped3A_2 : memref<32x768xf32, #tpu.memory_space<vmem>>)
      %dma_start3A_1161 = arith.constant 64 : i32
      %dma_start3A_1162 = arith.constant 0 : i32
      %dma_start3A_1163 = tpu.memref_slice %arg7[%add3A_1092, %dma_start3A_1161, %dma_start3A_1162] : memref<356x256x768xf32, #tpu.memory_space<hbm>> -> memref<1x32x768xf32, #tpu.memory_space<hbm>>
      %dma_start3A_1164 = tpu.memref_squeeze %dma_start3A_1163 : memref<1x32x768xf32, #tpu.memory_space<hbm>> -> memref<32x768xf32, #tpu.memory_space<hbm>>
      %dma_start3A_1165 = arith.constant 64 : i32
      %dma_start3A_1166 = arith.constant 0 : i32
      %dma_start3A_1167 = tpu.memref_slice %arg7[%add3A_1092, %dma_start3A_1165, %dma_start3A_1166] : memref<356x256x768xf32, #tpu.memory_space<hbm>> -> memref<1x32x768xf32, #tpu.memory_space<hbm>>
      %dma_start3A_1168 = tpu.memref_squeeze %dma_start3A_1167 : memref<1x32x768xf32, #tpu.memory_space<hbm>> -> memref<32x768xf32, #tpu.memory_space<hbm>>
      tpu.enqueue_dma source(%run_scoped3A_2 : memref<32x768xf32, #tpu.memory_space<vmem>>) target(%dma_start3A_1168 : memref<32x768xf32, #tpu.memory_space<hbm>>) target_semaphore(%run_scoped3A_9 : memref<!tpu.dma_semaphore, #tpu.memory_space<semaphore_mem>>)
      %dma_wait3A_1169 = arith.constant 0 : i32
      %dma_wait3A_1170 = arith.constant 0 : i32
      %dma_wait3A_1171 = tpu.memref_slice %arg7[%add3A_1092, %dma_wait3A_1169, %dma_wait3A_1170] : memref<356x256x768xf32, #tpu.memory_space<hbm>> -> memref<1x32x768xf32, #tpu.memory_space<hbm>>
      %dma_wait3A_1172 = tpu.memref_squeeze %dma_wait3A_1171 : memref<1x32x768xf32, #tpu.memory_space<hbm>> -> memref<32x768xf32, #tpu.memory_space<hbm>>
      %dma_wait3A_1173 = arith.constant 0 : i32
      %dma_wait3A_1174 = arith.constant 0 : i32
      %dma_wait3A_1175 = tpu.memref_slice %arg7[%add3A_1092, %dma_wait3A_1173, %dma_wait3A_1174] : memref<356x256x768xf32, #tpu.memory_space<hbm>> -> memref<1x32x768xf32, #tpu.memory_space<hbm>>
      %dma_wait3A_1176 = tpu.memref_squeeze %dma_wait3A_1175 : memref<1x32x768xf32, #tpu.memory_space<hbm>> -> memref<32x768xf32, #tpu.memory_space<hbm>>
      tpu.wait_dma2 semaphore(%run_scoped3A_9 : memref<!tpu.dma_semaphore, #tpu.memory_space<semaphore_mem>>) src(%run_scoped3A : memref<32x768xf32, #tpu.memory_space<vmem>>) dst(%dma_wait3A_1176 : memref<32x768xf32, #tpu.memory_space<hbm>>)
      %dma_start3A_1177 = arith.constant 96 : i32
      %dma_start3A_1178 = tpu.memref_slice %run_scoped3A_4[%dma_start3A_1177] : memref<1280xi32, #tpu.memory_space<vmem>> -> memref<32xi32, #tpu.memory_space<vmem>>
      %dma_start3A_1179 = arith.constant 0 : i32
      %dma_start3A_1180 = arith.constant 0 : i32
      %dma_start3A_1181 = tpu.memref_slice %arg2[%dma_start3A_1179, %dma_start3A_1180] : memref<10240x768xf32, #tpu.memory_space<hbm>> -> memref<10240x768xf32, #tpu.memory_space<hbm>>
      tpu.enqueue_indirect_dma source(%dma_start3A_1181 : memref<10240x768xf32, #tpu.memory_space<hbm>>) target(%run_scoped3A : memref<32x768xf32, #tpu.memory_space<vmem>>) offsets(%dma_start3A_1178 : memref<32xi32, #tpu.memory_space<vmem>>) semaphore(%run_scoped3A_8 : memref<!tpu.dma_semaphore, #tpu.memory_space<semaphore_mem>>)
      %dma_wait3A_1182 = arith.constant 96 : i32
      %dma_wait3A_1183 = tpu.memref_slice %run_scoped3A_4[%dma_wait3A_1182] : memref<1280xi32, #tpu.memory_space<vmem>> -> memref<32xi32, #tpu.memory_space<vmem>>
      %dma_wait3A_1184 = arith.constant 0 : i32
      %dma_wait3A_1185 = arith.constant 0 : i32
      %dma_wait3A_1186 = tpu.memref_slice %arg2[%dma_wait3A_1184, %dma_wait3A_1185] : memref<10240x768xf32, #tpu.memory_space<hbm>> -> memref<10240x768xf32, #tpu.memory_space<hbm>>
      tpu.wait_indirect_dma semaphore(%run_scoped3A_8 : memref<!tpu.dma_semaphore, #tpu.memory_space<semaphore_mem>>) src(%dma_wait3A_1186 : memref<10240x768xf32, #tpu.memory_space<hbm>>) dst(%run_scoped3A : memref<32x768xf32, #tpu.memory_space<vmem>>)
      %dma_start3A_1187 = arith.constant 96 : i32
      %dma_start3A_1188 = arith.constant 0 : i32
      %dma_start3A_1189 = tpu.memref_slice %arg7[%add3A_1092, %dma_start3A_1187, %dma_start3A_1188] : memref<356x256x768xf32, #tpu.memory_space<hbm>> -> memref<1x32x768xf32, #tpu.memory_space<hbm>>
      %dma_start3A_1190 = tpu.memref_squeeze %dma_start3A_1189 : memref<1x32x768xf32, #tpu.memory_space<hbm>> -> memref<32x768xf32, #tpu.memory_space<hbm>>
      %dma_start3A_1191 = arith.constant 96 : i32
      %dma_start3A_1192 = arith.constant 0 : i32
      %dma_start3A_1193 = tpu.memref_slice %arg7[%add3A_1092, %dma_start3A_1191, %dma_start3A_1192] : memref<356x256x768xf32, #tpu.memory_space<hbm>> -> memref<1x32x768xf32, #tpu.memory_space<hbm>>
      %dma_start3A_1194 = tpu.memref_squeeze %dma_start3A_1193 : memref<1x32x768xf32, #tpu.memory_space<hbm>> -> memref<32x768xf32, #tpu.memory_space<hbm>>
      tpu.enqueue_dma source(%run_scoped3A : memref<32x768xf32, #tpu.memory_space<vmem>>) target(%dma_start3A_1194 : memref<32x768xf32, #tpu.memory_space<hbm>>) target_semaphore(%run_scoped3A_9 : memref<!tpu.dma_semaphore, #tpu.memory_space<semaphore_mem>>)
      %dma_wait3A_1195 = arith.constant 32 : i32
      %dma_wait3A_1196 = arith.constant 0 : i32
      %dma_wait3A_1197 = tpu.memref_slice %arg7[%add3A_1092, %dma_wait3A_1195, %dma_wait3A_1196] : memref<356x256x768xf32, #tpu.memory_space<hbm>> -> memref<1x32x768xf32, #tpu.memory_space<hbm>>
      %dma_wait3A_1198 = tpu.memref_squeeze %dma_wait3A_1197 : memref<1x32x768xf32, #tpu.memory_space<hbm>> -> memref<32x768xf32, #tpu.memory_space<hbm>>
      %dma_wait3A_1199 = arith.constant 32 : i32
      %dma_wait3A_1200 = arith.constant 0 : i32
      %dma_wait3A_1201 = tpu.memref_slice %arg7[%add3A_1092, %dma_wait3A_1199, %dma_wait3A_1200] : memref<356x256x768xf32, #tpu.memory_space<hbm>> -> memref<1x32x768xf32, #tpu.memory_space<hbm>>
      %dma_wait3A_1202 = tpu.memref_squeeze %dma_wait3A_1201 : memref<1x32x768xf32, #tpu.memory_space<hbm>> -> memref<32x768xf32, #tpu.memory_space<hbm>>
      tpu.wait_dma2 semaphore(%run_scoped3A_9 : memref<!tpu.dma_semaphore, #tpu.memory_space<semaphore_mem>>) src(%run_scoped3A_1 : memref<32x768xf32, #tpu.memory_space<vmem>>) dst(%dma_wait3A_1202 : memref<32x768xf32, #tpu.memory_space<hbm>>)
      %dma_start3A_1203 = arith.constant 128 : i32
      %dma_start3A_1204 = tpu.memref_slice %run_scoped3A_4[%dma_start3A_1203] : memref<1280xi32, #tpu.memory_space<vmem>> -> memref<32xi32, #tpu.memory_space<vmem>>
      %dma_start3A_1205 = arith.constant 0 : i32
      %dma_start3A_1206 = arith.constant 0 : i32
      %dma_start3A_1207 = tpu.memref_slice %arg2[%dma_start3A_1205, %dma_start3A_1206] : memref<10240x768xf32, #tpu.memory_space<hbm>> -> memref<10240x768xf32, #tpu.memory_space<hbm>>
      tpu.enqueue_indirect_dma source(%dma_start3A_1207 : memref<10240x768xf32, #tpu.memory_space<hbm>>) target(%run_scoped3A_1 : memref<32x768xf32, #tpu.memory_space<vmem>>) offsets(%dma_start3A_1204 : memref<32xi32, #tpu.memory_space<vmem>>) semaphore(%run_scoped3A_8 : memref<!tpu.dma_semaphore, #tpu.memory_space<semaphore_mem>>)
      %dma_wait3A_1208 = arith.constant 128 : i32
      %dma_wait3A_1209 = tpu.memref_slice %run_scoped3A_4[%dma_wait3A_1208] : memref<1280xi32, #tpu.memory_space<vmem>> -> memref<32xi32, #tpu.memory_space<vmem>>
      %dma_wait3A_1210 = arith.constant 0 : i32
      %dma_wait3A_1211 = arith.constant 0 : i32
      %dma_wait3A_1212 = tpu.memref_slice %arg2[%dma_wait3A_1210, %dma_wait3A_1211] : memref<10240x768xf32, #tpu.memory_space<hbm>> -> memref<10240x768xf32, #tpu.memory_space<hbm>>
      tpu.wait_indirect_dma semaphore(%run_scoped3A_8 : memref<!tpu.dma_semaphore, #tpu.memory_space<semaphore_mem>>) src(%dma_wait3A_1212 : memref<10240x768xf32, #tpu.memory_space<hbm>>) dst(%run_scoped3A_1 : memref<32x768xf32, #tpu.memory_space<vmem>>)
      %dma_start3A_1213 = arith.constant 128 : i32
      %dma_start3A_1214 = arith.constant 0 : i32
      %dma_start3A_1215 = tpu.memref_slice %arg7[%add3A_1092, %dma_start3A_1213, %dma_start3A_1214] : memref<356x256x768xf32, #tpu.memory_space<hbm>> -> memref<1x32x768xf32, #tpu.memory_space<hbm>>
      %dma_start3A_1216 = tpu.memref_squeeze %dma_start3A_1215 : memref<1x32x768xf32, #tpu.memory_space<hbm>> -> memref<32x768xf32, #tpu.memory_space<hbm>>
      %dma_start3A_1217 = arith.constant 128 : i32
      %dma_start3A_1218 = arith.constant 0 : i32
      %dma_start3A_1219 = tpu.memref_slice %arg7[%add3A_1092, %dma_start3A_1217, %dma_start3A_1218] : memref<356x256x768xf32, #tpu.memory_space<hbm>> -> memref<1x32x768xf32, #tpu.memory_space<hbm>>
      %dma_start3A_1220 = tpu.memref_squeeze %dma_start3A_1219 : memref<1x32x768xf32, #tpu.memory_space<hbm>> -> memref<32x768xf32, #tpu.memory_space<hbm>>
      tpu.enqueue_dma source(%run_scoped3A_1 : memref<32x768xf32, #tpu.memory_space<vmem>>) target(%dma_start3A_1220 : memref<32x768xf32, #tpu.memory_space<hbm>>) target_semaphore(%run_scoped3A_9 : memref<!tpu.dma_semaphore, #tpu.memory_space<semaphore_mem>>)
      %dma_wait3A_1221 = arith.constant 64 : i32
      %dma_wait3A_1222 = arith.constant 0 : i32
      %dma_wait3A_1223 = tpu.memref_slice %arg7[%add3A_1092, %dma_wait3A_1221, %dma_wait3A_1222] : memref<356x256x768xf32, #tpu.memory_space<hbm>> -> memref<1x32x768xf32, #tpu.memory_space<hbm>>
      %dma_wait3A_1224 = tpu.memref_squeeze %dma_wait3A_1223 : memref<1x32x768xf32, #tpu.memory_space<hbm>> -> memref<32x768xf32, #tpu.memory_space<hbm>>
      %dma_wait3A_1225 = arith.constant 64 : i32
      %dma_wait3A_1226 = arith.constant 0 : i32
      %dma_wait3A_1227 = tpu.memref_slice %arg7[%add3A_1092, %dma_wait3A_1225, %dma_wait3A_1226] : memref<356x256x768xf32, #tpu.memory_space<hbm>> -> memref<1x32x768xf32, #tpu.memory_space<hbm>>
      %dma_wait3A_1228 = tpu.memref_squeeze %dma_wait3A_1227 : memref<1x32x768xf32, #tpu.memory_space<hbm>> -> memref<32x768xf32, #tpu.memory_space<hbm>>
      tpu.wait_dma2 semaphore(%run_scoped3A_9 : memref<!tpu.dma_semaphore, #tpu.memory_space<semaphore_mem>>) src(%run_scoped3A_2 : memref<32x768xf32, #tpu.memory_space<vmem>>) dst(%dma_wait3A_1228 : memref<32x768xf32, #tpu.memory_space<hbm>>)
      %dma_start3A_1229 = arith.constant 160 : i32
      %dma_start3A_1230 = tpu.memref_slice %run_scoped3A_4[%dma_start3A_1229] : memref<1280xi32, #tpu.memory_space<vmem>> -> memref<32xi32, #tpu.memory_space<vmem>>
      %dma_start3A_1231 = arith.constant 0 : i32
      %dma_start3A_1232 = arith.constant 0 : i32
      %dma_start3A_1233 = tpu.memref_slice %arg2[%dma_start3A_1231, %dma_start3A_1232] : memref<10240x768xf32, #tpu.memory_space<hbm>> -> memref<10240x768xf32, #tpu.memory_space<hbm>>
      tpu.enqueue_indirect_dma source(%dma_start3A_1233 : memref<10240x768xf32, #tpu.memory_space<hbm>>) target(%run_scoped3A_2 : memref<32x768xf32, #tpu.memory_space<vmem>>) offsets(%dma_start3A_1230 : memref<32xi32, #tpu.memory_space<vmem>>) semaphore(%run_scoped3A_8 : memref<!tpu.dma_semaphore, #tpu.memory_space<semaphore_mem>>)
      %dma_wait3A_1234 = arith.constant 160 : i32
      %dma_wait3A_1235 = tpu.memref_slice %run_scoped3A_4[%dma_wait3A_1234] : memref<1280xi32, #tpu.memory_space<vmem>> -> memref<32xi32, #tpu.memory_space<vmem>>
      %dma_wait3A_1236 = arith.constant 0 : i32
      %dma_wait3A_1237 = arith.constant 0 : i32
      %dma_wait3A_1238 = tpu.memref_slice %arg2[%dma_wait3A_1236, %dma_wait3A_1237] : memref<10240x768xf32, #tpu.memory_space<hbm>> -> memref<10240x768xf32, #tpu.memory_space<hbm>>
      tpu.wait_indirect_dma semaphore(%run_scoped3A_8 : memref<!tpu.dma_semaphore, #tpu.memory_space<semaphore_mem>>) src(%dma_wait3A_1238 : memref<10240x768xf32, #tpu.memory_space<hbm>>) dst(%run_scoped3A_2 : memref<32x768xf32, #tpu.memory_space<vmem>>)
      %dma_start3A_1239 = arith.constant 160 : i32
      %dma_start3A_1240 = arith.constant 0 : i32
      %dma_start3A_1241 = tpu.memref_slice %arg7[%add3A_1092, %dma_start3A_1239, %dma_start3A_1240] : memref<356x256x768xf32, #tpu.memory_space<hbm>> -> memref<1x32x768xf32, #tpu.memory_space<hbm>>
      %dma_start3A_1242 = tpu.memref_squeeze %dma_start3A_1241 : memref<1x32x768xf32, #tpu.memory_space<hbm>> -> memref<32x768xf32, #tpu.memory_space<hbm>>
      %dma_start3A_1243 = arith.constant 160 : i32
      %dma_start3A_1244 = arith.constant 0 : i32
      %dma_start3A_1245 = tpu.memref_slice %arg7[%add3A_1092, %dma_start3A_1243, %dma_start3A_1244] : memref<356x256x768xf32, #tpu.memory_space<hbm>> -> memref<1x32x768xf32, #tpu.memory_space<hbm>>
      %dma_start3A_1246 = tpu.memref_squeeze %dma_start3A_1245 : memref<1x32x768xf32, #tpu.memory_space<hbm>> -> memref<32x768xf32, #tpu.memory_space<hbm>>
      tpu.enqueue_dma source(%run_scoped3A_2 : memref<32x768xf32, #tpu.memory_space<vmem>>) target(%dma_start3A_1246 : memref<32x768xf32, #tpu.memory_space<hbm>>) target_semaphore(%run_scoped3A_9 : memref<!tpu.dma_semaphore, #tpu.memory_space<semaphore_mem>>)
      %dma_wait3A_1247 = arith.constant 96 : i32
      %dma_wait3A_1248 = arith.constant 0 : i32
      %dma_wait3A_1249 = tpu.memref_slice %arg7[%add3A_1092, %dma_wait3A_1247, %dma_wait3A_1248] : memref<356x256x768xf32, #tpu.memory_space<hbm>> -> memref<1x32x768xf32, #tpu.memory_space<hbm>>
      %dma_wait3A_1250 = tpu.memref_squeeze %dma_wait3A_1249 : memref<1x32x768xf32, #tpu.memory_space<hbm>> -> memref<32x768xf32, #tpu.memory_space<hbm>>
      %dma_wait3A_1251 = arith.constant 96 : i32
      %dma_wait3A_1252 = arith.constant 0 : i32
      %dma_wait3A_1253 = tpu.memref_slice %arg7[%add3A_1092, %dma_wait3A_1251, %dma_wait3A_1252] : memref<356x256x768xf32, #tpu.memory_space<hbm>> -> memref<1x32x768xf32, #tpu.memory_space<hbm>>
      %dma_wait3A_1254 = tpu.memref_squeeze %dma_wait3A_1253 : memref<1x32x768xf32, #tpu.memory_space<hbm>> -> memref<32x768xf32, #tpu.memory_space<hbm>>
      tpu.wait_dma2 semaphore(%run_scoped3A_9 : memref<!tpu.dma_semaphore, #tpu.memory_space<semaphore_mem>>) src(%run_scoped3A : memref<32x768xf32, #tpu.memory_space<vmem>>) dst(%dma_wait3A_1254 : memref<32x768xf32, #tpu.memory_space<hbm>>)
      %dma_start3A_1255 = arith.constant 192 : i32
      %dma_start3A_1256 = tpu.memref_slice %run_scoped3A_4[%dma_start3A_1255] : memref<1280xi32, #tpu.memory_space<vmem>> -> memref<32xi32, #tpu.memory_space<vmem>>
      %dma_start3A_1257 = arith.constant 0 : i32
      %dma_start3A_1258 = arith.constant 0 : i32
      %dma_start3A_1259 = tpu.memref_slice %arg2[%dma_start3A_1257, %dma_start3A_1258] : memref<10240x768xf32, #tpu.memory_space<hbm>> -> memref<10240x768xf32, #tpu.memory_space<hbm>>
      tpu.enqueue_indirect_dma source(%dma_start3A_1259 : memref<10240x768xf32, #tpu.memory_space<hbm>>) target(%run_scoped3A : memref<32x768xf32, #tpu.memory_space<vmem>>) offsets(%dma_start3A_1256 : memref<32xi32, #tpu.memory_space<vmem>>) semaphore(%run_scoped3A_8 : memref<!tpu.dma_semaphore, #tpu.memory_space<semaphore_mem>>)
      %dma_wait3A_1260 = arith.constant 192 : i32
      %dma_wait3A_1261 = tpu.memref_slice %run_scoped3A_4[%dma_wait3A_1260] : memref<1280xi32, #tpu.memory_space<vmem>> -> memref<32xi32, #tpu.memory_space<vmem>>
      %dma_wait3A_1262 = arith.constant 0 : i32
      %dma_wait3A_1263 = arith.constant 0 : i32
      %dma_wait3A_1264 = tpu.memref_slice %arg2[%dma_wait3A_1262, %dma_wait3A_1263] : memref<10240x768xf32, #tpu.memory_space<hbm>> -> memref<10240x768xf32, #tpu.memory_space<hbm>>
      tpu.wait_indirect_dma semaphore(%run_scoped3A_8 : memref<!tpu.dma_semaphore, #tpu.memory_space<semaphore_mem>>) src(%dma_wait3A_1264 : memref<10240x768xf32, #tpu.memory_space<hbm>>) dst(%run_scoped3A : memref<32x768xf32, #tpu.memory_space<vmem>>)
      %dma_start3A_1265 = arith.constant 192 : i32
      %dma_start3A_1266 = arith.constant 0 : i32
      %dma_start3A_1267 = tpu.memref_slice %arg7[%add3A_1092, %dma_start3A_1265, %dma_start3A_1266] : memref<356x256x768xf32, #tpu.memory_space<hbm>> -> memref<1x32x768xf32, #tpu.memory_space<hbm>>
      %dma_start3A_1268 = tpu.memref_squeeze %dma_start3A_1267 : memref<1x32x768xf32, #tpu.memory_space<hbm>> -> memref<32x768xf32, #tpu.memory_space<hbm>>
      %dma_start3A_1269 = arith.constant 192 : i32
      %dma_start3A_1270 = arith.constant 0 : i32
      %dma_start3A_1271 = tpu.memref_slice %arg7[%add3A_1092, %dma_start3A_1269, %dma_start3A_1270] : memref<356x256x768xf32, #tpu.memory_space<hbm>> -> memref<1x32x768xf32, #tpu.memory_space<hbm>>
      %dma_start3A_1272 = tpu.memref_squeeze %dma_start3A_1271 : memref<1x32x768xf32, #tpu.memory_space<hbm>> -> memref<32x768xf32, #tpu.memory_space<hbm>>
      tpu.enqueue_dma source(%run_scoped3A : memref<32x768xf32, #tpu.memory_space<vmem>>) target(%dma_start3A_1272 : memref<32x768xf32, #tpu.memory_space<hbm>>) target_semaphore(%run_scoped3A_9 : memref<!tpu.dma_semaphore, #tpu.memory_space<semaphore_mem>>)
      %dma_wait3A_1273 = arith.constant 128 : i32
      %dma_wait3A_1274 = arith.constant 0 : i32
      %dma_wait3A_1275 = tpu.memref_slice %arg7[%add3A_1092, %dma_wait3A_1273, %dma_wait3A_1274] : memref<356x256x768xf32, #tpu.memory_space<hbm>> -> memref<1x32x768xf32, #tpu.memory_space<hbm>>
      %dma_wait3A_1276 = tpu.memref_squeeze %dma_wait3A_1275 : memref<1x32x768xf32, #tpu.memory_space<hbm>> -> memref<32x768xf32, #tpu.memory_space<hbm>>
      %dma_wait3A_1277 = arith.constant 128 : i32
      %dma_wait3A_1278 = arith.constant 0 : i32
      %dma_wait3A_1279 = tpu.memref_slice %arg7[%add3A_1092, %dma_wait3A_1277, %dma_wait3A_1278] : memref<356x256x768xf32, #tpu.memory_space<hbm>> -> memref<1x32x768xf32, #tpu.memory_space<hbm>>
      %dma_wait3A_1280 = tpu.memref_squeeze %dma_wait3A_1279 : memref<1x32x768xf32, #tpu.memory_space<hbm>> -> memref<32x768xf32, #tpu.memory_space<hbm>>
      tpu.wait_dma2 semaphore(%run_scoped3A_9 : memref<!tpu.dma_semaphore, #tpu.memory_space<semaphore_mem>>) src(%run_scoped3A_1 : memref<32x768xf32, #tpu.memory_space<vmem>>) dst(%dma_wait3A_1280 : memref<32x768xf32, #tpu.memory_space<hbm>>)
      %dma_start3A_1281 = arith.constant 224 : i32
      %dma_start3A_1282 = tpu.memref_slice %run_scoped3A_4[%dma_start3A_1281] : memref<1280xi32, #tpu.memory_space<vmem>> -> memref<32xi32, #tpu.memory_space<vmem>>
      %dma_start3A_1283 = arith.constant 0 : i32
      %dma_start3A_1284 = arith.constant 0 : i32
      %dma_start3A_1285 = tpu.memref_slice %arg2[%dma_start3A_1283, %dma_start3A_1284] : memref<10240x768xf32, #tpu.memory_space<hbm>> -> memref<10240x768xf32, #tpu.memory_space<hbm>>
      tpu.enqueue_indirect_dma source(%dma_start3A_1285 : memref<10240x768xf32, #tpu.memory_space<hbm>>) target(%run_scoped3A_1 : memref<32x768xf32, #tpu.memory_space<vmem>>) offsets(%dma_start3A_1282 : memref<32xi32, #tpu.memory_space<vmem>>) semaphore(%run_scoped3A_8 : memref<!tpu.dma_semaphore, #tpu.memory_space<semaphore_mem>>)
      %dma_wait3A_1286 = arith.constant 224 : i32
      %dma_wait3A_1287 = tpu.memref_slice %run_scoped3A_4[%dma_wait3A_1286] : memref<1280xi32, #tpu.memory_space<vmem>> -> memref<32xi32, #tpu.memory_space<vmem>>
      %dma_wait3A_1288 = arith.constant 0 : i32
      %dma_wait3A_1289 = arith.constant 0 : i32
      %dma_wait3A_1290 = tpu.memref_slice %arg2[%dma_wait3A_1288, %dma_wait3A_1289] : memref<10240x768xf32, #tpu.memory_space<hbm>> -> memref<10240x768xf32, #tpu.memory_space<hbm>>
      tpu.wait_indirect_dma semaphore(%run_scoped3A_8 : memref<!tpu.dma_semaphore, #tpu.memory_space<semaphore_mem>>) src(%dma_wait3A_1290 : memref<10240x768xf32, #tpu.memory_space<hbm>>) dst(%run_scoped3A_1 : memref<32x768xf32, #tpu.memory_space<vmem>>)
      %dma_start3A_1291 = arith.constant 224 : i32
      %dma_start3A_1292 = arith.constant 0 : i32
      %dma_start3A_1293 = tpu.memref_slice %arg7[%add3A_1092, %dma_start3A_1291, %dma_start3A_1292] : memref<356x256x768xf32, #tpu.memory_space<hbm>> -> memref<1x32x768xf32, #tpu.memory_space<hbm>>
      %dma_start3A_1294 = tpu.memref_squeeze %dma_start3A_1293 : memref<1x32x768xf32, #tpu.memory_space<hbm>> -> memref<32x768xf32, #tpu.memory_space<hbm>>
      %dma_start3A_1295 = arith.constant 224 : i32
      %dma_start3A_1296 = arith.constant 0 : i32
      %dma_start3A_1297 = tpu.memref_slice %arg7[%add3A_1092, %dma_start3A_1295, %dma_start3A_1296] : memref<356x256x768xf32, #tpu.memory_space<hbm>> -> memref<1x32x768xf32, #tpu.memory_space<hbm>>
      %dma_start3A_1298 = tpu.memref_squeeze %dma_start3A_1297 : memref<1x32x768xf32, #tpu.memory_space<hbm>> -> memref<32x768xf32, #tpu.memory_space<hbm>>
      tpu.enqueue_dma source(%run_scoped3A_1 : memref<32x768xf32, #tpu.memory_space<vmem>>) target(%dma_start3A_1298 : memref<32x768xf32, #tpu.memory_space<hbm>>) target_semaphore(%run_scoped3A_9 : memref<!tpu.dma_semaphore, #tpu.memory_space<semaphore_mem>>)
      %dma_wait3A_1299 = arith.constant 160 : i32
      %dma_wait3A_1300 = arith.constant 0 : i32
      %dma_wait3A_1301 = tpu.memref_slice %arg7[%add3A_1092, %dma_wait3A_1299, %dma_wait3A_1300] : memref<356x256x768xf32, #tpu.memory_space<hbm>> -> memref<1x32x768xf32, #tpu.memory_space<hbm>>
      %dma_wait3A_1302 = tpu.memref_squeeze %dma_wait3A_1301 : memref<1x32x768xf32, #tpu.memory_space<hbm>> -> memref<32x768xf32, #tpu.memory_space<hbm>>
      %dma_wait3A_1303 = arith.constant 160 : i32
      %dma_wait3A_1304 = arith.constant 0 : i32
      %dma_wait3A_1305 = tpu.memref_slice %arg7[%add3A_1092, %dma_wait3A_1303, %dma_wait3A_1304] : memref<356x256x768xf32, #tpu.memory_space<hbm>> -> memref<1x32x768xf32, #tpu.memory_space<hbm>>
      %dma_wait3A_1306 = tpu.memref_squeeze %dma_wait3A_1305 : memref<1x32x768xf32, #tpu.memory_space<hbm>> -> memref<32x768xf32, #tpu.memory_space<hbm>>
      tpu.wait_dma2 semaphore(%run_scoped3A_9 : memref<!tpu.dma_semaphore, #tpu.memory_space<semaphore_mem>>) src(%run_scoped3A_2 : memref<32x768xf32, #tpu.memory_space<vmem>>) dst(%dma_wait3A_1306 : memref<32x768xf32, #tpu.memory_space<hbm>>)
      %dma_start3A_1307 = arith.constant 256 : i32
      %dma_start3A_1308 = tpu.memref_slice %run_scoped3A_4[%dma_start3A_1307] : memref<1280xi32, #tpu.memory_space<vmem>> -> memref<32xi32, #tpu.memory_space<vmem>>
      %dma_start3A_1309 = arith.constant 0 : i32
      %dma_start3A_1310 = arith.constant 0 : i32
      %dma_start3A_1311 = tpu.memref_slice %arg2[%dma_start3A_1309, %dma_start3A_1310] : memref<10240x768xf32, #tpu.memory_space<hbm>> -> memref<10240x768xf32, #tpu.memory_space<hbm>>
      tpu.enqueue_indirect_dma source(%dma_start3A_1311 : memref<10240x768xf32, #tpu.memory_space<hbm>>) target(%run_scoped3A_2 : memref<32x768xf32, #tpu.memory_space<vmem>>) offsets(%dma_start3A_1308 : memref<32xi32, #tpu.memory_space<vmem>>) semaphore(%run_scoped3A_8 : memref<!tpu.dma_semaphore, #tpu.memory_space<semaphore_mem>>)
      %dma_wait3A_1312 = arith.constant 256 : i32
      %dma_wait3A_1313 = tpu.memref_slice %run_scoped3A_4[%dma_wait3A_1312] : memref<1280xi32, #tpu.memory_space<vmem>> -> memref<32xi32, #tpu.memory_space<vmem>>
      %dma_wait3A_1314 = arith.constant 0 : i32
      %dma_wait3A_1315 = arith.constant 0 : i32
      %dma_wait3A_1316 = tpu.memref_slice %arg2[%dma_wait3A_1314, %dma_wait3A_1315] : memref<10240x768xf32, #tpu.memory_space<hbm>> -> memref<10240x768xf32, #tpu.memory_space<hbm>>
      tpu.wait_indirect_dma semaphore(%run_scoped3A_8 : memref<!tpu.dma_semaphore, #tpu.memory_space<semaphore_mem>>) src(%dma_wait3A_1316 : memref<10240x768xf32, #tpu.memory_space<hbm>>) dst(%run_scoped3A_2 : memref<32x768xf32, #tpu.memory_space<vmem>>)
      %dma_start3A_1317 = arith.constant 0 : i32
      %dma_start3A_1318 = arith.constant 0 : i32
      %dma_start3A_1319 = tpu.memref_slice %arg7[%add3A_1096, %dma_start3A_1317, %dma_start3A_1318] : memref<356x256x768xf32, #tpu.memory_space<hbm>> -> memref<1x32x768xf32, #tpu.memory_space<hbm>>
      %dma_start3A_1320 = tpu.memref_squeeze %dma_start3A_1319 : memref<1x32x768xf32, #tpu.memory_space<hbm>> -> memref<32x768xf32, #tpu.memory_space<hbm>>
      %dma_start3A_1321 = arith.constant 0 : i32
      %dma_start3A_1322 = arith.constant 0 : i32
      %dma_start3A_1323 = tpu.memref_slice %arg7[%add3A_1096, %dma_start3A_1321, %dma_start3A_1322] : memref<356x256x768xf32, #tpu.memory_space<hbm>> -> memref<1x32x768xf32, #tpu.memory_space<hbm>>
      %dma_start3A_1324 = tpu.memref_squeeze %dma_start3A_1323 : memref<1x32x768xf32, #tpu.memory_space<hbm>> -> memref<32x768xf32, #tpu.memory_space<hbm>>
      tpu.enqueue_dma source(%run_scoped3A_2 : memref<32x768xf32, #tpu.memory_space<vmem>>) target(%dma_start3A_1324 : memref<32x768xf32, #tpu.memory_space<hbm>>) target_semaphore(%run_scoped3A_9 : memref<!tpu.dma_semaphore, #tpu.memory_space<semaphore_mem>>)
      %dma_wait3A_1325 = arith.constant 192 : i32
      %dma_wait3A_1326 = arith.constant 0 : i32
      %dma_wait3A_1327 = tpu.memref_slice %arg7[%add3A_1092, %dma_wait3A_1325, %dma_wait3A_1326] : memref<356x256x768xf32, #tpu.memory_space<hbm>> -> memref<1x32x768xf32, #tpu.memory_space<hbm>>
      %dma_wait3A_1328 = tpu.memref_squeeze %dma_wait3A_1327 : memref<1x32x768xf32, #tpu.memory_space<hbm>> -> memref<32x768xf32, #tpu.memory_space<hbm>>
      %dma_wait3A_1329 = arith.constant 192 : i32
      %dma_wait3A_1330 = arith.constant 0 : i32
      %dma_wait3A_1331 = tpu.memref_slice %arg7[%add3A_1092, %dma_wait3A_1329, %dma_wait3A_1330] : memref<356x256x768xf32, #tpu.memory_space<hbm>> -> memref<1x32x768xf32, #tpu.memory_space<hbm>>
      %dma_wait3A_1332 = tpu.memref_squeeze %dma_wait3A_1331 : memref<1x32x768xf32, #tpu.memory_space<hbm>> -> memref<32x768xf32, #tpu.memory_space<hbm>>
      tpu.wait_dma2 semaphore(%run_scoped3A_9 : memref<!tpu.dma_semaphore, #tpu.memory_space<semaphore_mem>>) src(%run_scoped3A : memref<32x768xf32, #tpu.memory_space<vmem>>) dst(%dma_wait3A_1332 : memref<32x768xf32, #tpu.memory_space<hbm>>)
      %dma_start3A_1333 = arith.constant 288 : i32
      %dma_start3A_1334 = tpu.memref_slice %run_scoped3A_4[%dma_start3A_1333] : memref<1280xi32, #tpu.memory_space<vmem>> -> memref<32xi32, #tpu.memory_space<vmem>>
      %dma_start3A_1335 = arith.constant 0 : i32
      %dma_start3A_1336 = arith.constant 0 : i32
      %dma_start3A_1337 = tpu.memref_slice %arg2[%dma_start3A_1335, %dma_start3A_1336] : memref<10240x768xf32, #tpu.memory_space<hbm>> -> memref<10240x768xf32, #tpu.memory_space<hbm>>
      tpu.enqueue_indirect_dma source(%dma_start3A_1337 : memref<10240x768xf32, #tpu.memory_space<hbm>>) target(%run_scoped3A : memref<32x768xf32, #tpu.memory_space<vmem>>) offsets(%dma_start3A_1334 : memref<32xi32, #tpu.memory_space<vmem>>) semaphore(%run_scoped3A_8 : memref<!tpu.dma_semaphore, #tpu.memory_space<semaphore_mem>>)
      %dma_wait3A_1338 = arith.constant 288 : i32
      %dma_wait3A_1339 = tpu.memref_slice %run_scoped3A_4[%dma_wait3A_1338] : memref<1280xi32, #tpu.memory_space<vmem>> -> memref<32xi32, #tpu.memory_space<vmem>>
      %dma_wait3A_1340 = arith.constant 0 : i32
      %dma_wait3A_1341 = arith.constant 0 : i32
      %dma_wait3A_1342 = tpu.memref_slice %arg2[%dma_wait3A_1340, %dma_wait3A_1341] : memref<10240x768xf32, #tpu.memory_space<hbm>> -> memref<10240x768xf32, #tpu.memory_space<hbm>>
      tpu.wait_indirect_dma semaphore(%run_scoped3A_8 : memref<!tpu.dma_semaphore, #tpu.memory_space<semaphore_mem>>) src(%dma_wait3A_1342 : memref<10240x768xf32, #tpu.memory_space<hbm>>) dst(%run_scoped3A : memref<32x768xf32, #tpu.memory_space<vmem>>)
      %dma_start3A_1343 = arith.constant 32 : i32
      %dma_start3A_1344 = arith.constant 0 : i32
      %dma_start3A_1345 = tpu.memref_slice %arg7[%add3A_1096, %dma_start3A_1343, %dma_start3A_1344] : memref<356x256x768xf32, #tpu.memory_space<hbm>> -> memref<1x32x768xf32, #tpu.memory_space<hbm>>
      %dma_start3A_1346 = tpu.memref_squeeze %dma_start3A_1345 : memref<1x32x768xf32, #tpu.memory_space<hbm>> -> memref<32x768xf32, #tpu.memory_space<hbm>>
      %dma_start3A_1347 = arith.constant 32 : i32
      %dma_start3A_1348 = arith.constant 0 : i32
      %dma_start3A_1349 = tpu.memref_slice %arg7[%add3A_1096, %dma_start3A_1347, %dma_start3A_1348] : memref<356x256x768xf32, #tpu.memory_space<hbm>> -> memref<1x32x768xf32, #tpu.memory_space<hbm>>
      %dma_start3A_1350 = tpu.memref_squeeze %dma_start3A_1349 : memref<1x32x768xf32, #tpu.memory_space<hbm>> -> memref<32x768xf32, #tpu.memory_space<hbm>>
      tpu.enqueue_dma source(%run_scoped3A : memref<32x768xf32, #tpu.memory_space<vmem>>) target(%dma_start3A_1350 : memref<32x768xf32, #tpu.memory_space<hbm>>) target_semaphore(%run_scoped3A_9 : memref<!tpu.dma_semaphore, #tpu.memory_space<semaphore_mem>>)
      %dma_wait3A_1351 = arith.constant 224 : i32
      %dma_wait3A_1352 = arith.constant 0 : i32
      %dma_wait3A_1353 = tpu.memref_slice %arg7[%add3A_1092, %dma_wait3A_1351, %dma_wait3A_1352] : memref<356x256x768xf32, #tpu.memory_space<hbm>> -> memref<1x32x768xf32, #tpu.memory_space<hbm>>
      %dma_wait3A_1354 = tpu.memref_squeeze %dma_wait3A_1353 : memref<1x32x768xf32, #tpu.memory_space<hbm>> -> memref<32x768xf32, #tpu.memory_space<hbm>>
      %dma_wait3A_1355 = arith.constant 224 : i32
      %dma_wait3A_1356 = arith.constant 0 : i32
      %dma_wait3A_1357 = tpu.memref_slice %arg7[%add3A_1092, %dma_wait3A_1355, %dma_wait3A_1356] : memref<356x256x768xf32, #tpu.memory_space<hbm>> -> memref<1x32x768xf32, #tpu.memory_space<hbm>>
      %dma_wait3A_1358 = tpu.memref_squeeze %dma_wait3A_1357 : memref<1x32x768xf32, #tpu.memory_space<hbm>> -> memref<32x768xf32, #tpu.memory_space<hbm>>
      tpu.wait_dma2 semaphore(%run_scoped3A_9 : memref<!tpu.dma_semaphore, #tpu.memory_space<semaphore_mem>>) src(%run_scoped3A_1 : memref<32x768xf32, #tpu.memory_space<vmem>>) dst(%dma_wait3A_1358 : memref<32x768xf32, #tpu.memory_space<hbm>>)
      %dma_start3A_1359 = arith.constant 320 : i32
      %dma_start3A_1360 = tpu.memref_slice %run_scoped3A_4[%dma_start3A_1359] : memref<1280xi32, #tpu.memory_space<vmem>> -> memref<32xi32, #tpu.memory_space<vmem>>
      %dma_start3A_1361 = arith.constant 0 : i32
      %dma_start3A_1362 = arith.constant 0 : i32
      %dma_start3A_1363 = tpu.memref_slice %arg2[%dma_start3A_1361, %dma_start3A_1362] : memref<10240x768xf32, #tpu.memory_space<hbm>> -> memref<10240x768xf32, #tpu.memory_space<hbm>>
      tpu.enqueue_indirect_dma source(%dma_start3A_1363 : memref<10240x768xf32, #tpu.memory_space<hbm>>) target(%run_scoped3A_1 : memref<32x768xf32, #tpu.memory_space<vmem>>) offsets(%dma_start3A_1360 : memref<32xi32, #tpu.memory_space<vmem>>) semaphore(%run_scoped3A_8 : memref<!tpu.dma_semaphore, #tpu.memory_space<semaphore_mem>>)
      %dma_wait3A_1364 = arith.constant 320 : i32
      %dma_wait3A_1365 = tpu.memref_slice %run_scoped3A_4[%dma_wait3A_1364] : memref<1280xi32, #tpu.memory_space<vmem>> -> memref<32xi32, #tpu.memory_space<vmem>>
      %dma_wait3A_1366 = arith.constant 0 : i32
      %dma_wait3A_1367 = arith.constant 0 : i32
      %dma_wait3A_1368 = tpu.memref_slice %arg2[%dma_wait3A_1366, %dma_wait3A_1367] : memref<10240x768xf32, #tpu.memory_space<hbm>> -> memref<10240x768xf32, #tpu.memory_space<hbm>>
      tpu.wait_indirect_dma semaphore(%run_scoped3A_8 : memref<!tpu.dma_semaphore, #tpu.memory_space<semaphore_mem>>) src(%dma_wait3A_1368 : memref<10240x768xf32, #tpu.memory_space<hbm>>) dst(%run_scoped3A_1 : memref<32x768xf32, #tpu.memory_space<vmem>>)
      %dma_start3A_1369 = arith.constant 64 : i32
      %dma_start3A_1370 = arith.constant 0 : i32
      %dma_start3A_1371 = tpu.memref_slice %arg7[%add3A_1096, %dma_start3A_1369, %dma_start3A_1370] : memref<356x256x768xf32, #tpu.memory_space<hbm>> -> memref<1x32x768xf32, #tpu.memory_space<hbm>>
      %dma_start3A_1372 = tpu.memref_squeeze %dma_start3A_1371 : memref<1x32x768xf32, #tpu.memory_space<hbm>> -> memref<32x768xf32, #tpu.memory_space<hbm>>
      %dma_start3A_1373 = arith.constant 64 : i32
      %dma_start3A_1374 = arith.constant 0 : i32
      %dma_start3A_1375 = tpu.memref_slice %arg7[%add3A_1096, %dma_start3A_1373, %dma_start3A_1374] : memref<356x256x768xf32, #tpu.memory_space<hbm>> -> memref<1x32x768xf32, #tpu.memory_space<hbm>>
      %dma_start3A_1376 = tpu.memref_squeeze %dma_start3A_1375 : memref<1x32x768xf32, #tpu.memory_space<hbm>> -> memref<32x768xf32, #tpu.memory_space<hbm>>
      tpu.enqueue_dma source(%run_scoped3A_1 : memref<32x768xf32, #tpu.memory_space<vmem>>) target(%dma_start3A_1376 : memref<32x768xf32, #tpu.memory_space<hbm>>) target_semaphore(%run_scoped3A_9 : memref<!tpu.dma_semaphore, #tpu.memory_space<semaphore_mem>>)
      %dma_wait3A_1377 = arith.constant 0 : i32
      %dma_wait3A_1378 = arith.constant 0 : i32
      %dma_wait3A_1379 = tpu.memref_slice %arg7[%add3A_1096, %dma_wait3A_1377, %dma_wait3A_1378] : memref<356x256x768xf32, #tpu.memory_space<hbm>> -> memref<1x32x768xf32, #tpu.memory_space<hbm>>
      %dma_wait3A_1380 = tpu.memref_squeeze %dma_wait3A_1379 : memref<1x32x768xf32, #tpu.memory_space<hbm>> -> memref<32x768xf32, #tpu.memory_space<hbm>>
      %dma_wait3A_1381 = arith.constant 0 : i32
      %dma_wait3A_1382 = arith.constant 0 : i32
      %dma_wait3A_1383 = tpu.memref_slice %arg7[%add3A_1096, %dma_wait3A_1381, %dma_wait3A_1382] : memref<356x256x768xf32, #tpu.memory_space<hbm>> -> memref<1x32x768xf32, #tpu.memory_space<hbm>>
      %dma_wait3A_1384 = tpu.memref_squeeze %dma_wait3A_1383 : memref<1x32x768xf32, #tpu.memory_space<hbm>> -> memref<32x768xf32, #tpu.memory_space<hbm>>
      tpu.wait_dma2 semaphore(%run_scoped3A_9 : memref<!tpu.dma_semaphore, #tpu.memory_space<semaphore_mem>>) src(%run_scoped3A_2 : memref<32x768xf32, #tpu.memory_space<vmem>>) dst(%dma_wait3A_1384 : memref<32x768xf32, #tpu.memory_space<hbm>>)
      %dma_start3A_1385 = arith.constant 352 : i32
      %dma_start3A_1386 = tpu.memref_slice %run_scoped3A_4[%dma_start3A_1385] : memref<1280xi32, #tpu.memory_space<vmem>> -> memref<32xi32, #tpu.memory_space<vmem>>
      %dma_start3A_1387 = arith.constant 0 : i32
      %dma_start3A_1388 = arith.constant 0 : i32
      %dma_start3A_1389 = tpu.memref_slice %arg2[%dma_start3A_1387, %dma_start3A_1388] : memref<10240x768xf32, #tpu.memory_space<hbm>> -> memref<10240x768xf32, #tpu.memory_space<hbm>>
      tpu.enqueue_indirect_dma source(%dma_start3A_1389 : memref<10240x768xf32, #tpu.memory_space<hbm>>) target(%run_scoped3A_2 : memref<32x768xf32, #tpu.memory_space<vmem>>) offsets(%dma_start3A_1386 : memref<32xi32, #tpu.memory_space<vmem>>) semaphore(%run_scoped3A_8 : memref<!tpu.dma_semaphore, #tpu.memory_space<semaphore_mem>>)
      %dma_wait3A_1390 = arith.constant 352 : i32
      %dma_wait3A_1391 = tpu.memref_slice %run_scoped3A_4[%dma_wait3A_1390] : memref<1280xi32, #tpu.memory_space<vmem>> -> memref<32xi32, #tpu.memory_space<vmem>>
      %dma_wait3A_1392 = arith.constant 0 : i32
      %dma_wait3A_1393 = arith.constant 0 : i32
      %dma_wait3A_1394 = tpu.memref_slice %arg2[%dma_wait3A_1392, %dma_wait3A_1393] : memref<10240x768xf32, #tpu.memory_space<hbm>> -> memref<10240x768xf32, #tpu.memory_space<hbm>>
      tpu.wait_indirect_dma semaphore(%run_scoped3A_8 : memref<!tpu.dma_semaphore, #tpu.memory_space<semaphore_mem>>) src(%dma_wait3A_1394 : memref<10240x768xf32, #tpu.memory_space<hbm>>) dst(%run_scoped3A_2 : memref<32x768xf32, #tpu.memory_space<vmem>>)
      %dma_start3A_1395 = arith.constant 96 : i32
      %dma_start3A_1396 = arith.constant 0 : i32
      %dma_start3A_1397 = tpu.memref_slice %arg7[%add3A_1096, %dma_start3A_1395, %dma_start3A_1396] : memref<356x256x768xf32, #tpu.memory_space<hbm>> -> memref<1x32x768xf32, #tpu.memory_space<hbm>>
      %dma_start3A_1398 = tpu.memref_squeeze %dma_start3A_1397 : memref<1x32x768xf32, #tpu.memory_space<hbm>> -> memref<32x768xf32, #tpu.memory_space<hbm>>
      %dma_start3A_1399 = arith.constant 96 : i32
      %dma_start3A_1400 = arith.constant 0 : i32
      %dma_start3A_1401 = tpu.memref_slice %arg7[%add3A_1096, %dma_start3A_1399, %dma_start3A_1400] : memref<356x256x768xf32, #tpu.memory_space<hbm>> -> memref<1x32x768xf32, #tpu.memory_space<hbm>>
      %dma_start3A_1402 = tpu.memref_squeeze %dma_start3A_1401 : memref<1x32x768xf32, #tpu.memory_space<hbm>> -> memref<32x768xf32, #tpu.memory_space<hbm>>
      tpu.enqueue_dma source(%run_scoped3A_2 : memref<32x768xf32, #tpu.memory_space<vmem>>) target(%dma_start3A_1402 : memref<32x768xf32, #tpu.memory_space<hbm>>) target_semaphore(%run_scoped3A_9 : memref<!tpu.dma_semaphore, #tpu.memory_space<semaphore_mem>>)
      %dma_wait3A_1403 = arith.constant 32 : i32
      %dma_wait3A_1404 = arith.constant 0 : i32
      %dma_wait3A_1405 = tpu.memref_slice %arg7[%add3A_1096, %dma_wait3A_1403, %dma_wait3A_1404] : memref<356x256x768xf32, #tpu.memory_space<hbm>> -> memref<1x32x768xf32, #tpu.memory_space<hbm>>
      %dma_wait3A_1406 = tpu.memref_squeeze %dma_wait3A_1405 : memref<1x32x768xf32, #tpu.memory_space<hbm>> -> memref<32x768xf32, #tpu.memory_space<hbm>>
      %dma_wait3A_1407 = arith.constant 32 : i32
      %dma_wait3A_1408 = arith.constant 0 : i32
      %dma_wait3A_1409 = tpu.memref_slice %arg7[%add3A_1096, %dma_wait3A_1407, %dma_wait3A_1408] : memref<356x256x768xf32, #tpu.memory_space<hbm>> -> memref<1x32x768xf32, #tpu.memory_space<hbm>>
      %dma_wait3A_1410 = tpu.memref_squeeze %dma_wait3A_1409 : memref<1x32x768xf32, #tpu.memory_space<hbm>> -> memref<32x768xf32, #tpu.memory_space<hbm>>
      tpu.wait_dma2 semaphore(%run_scoped3A_9 : memref<!tpu.dma_semaphore, #tpu.memory_space<semaphore_mem>>) src(%run_scoped3A : memref<32x768xf32, #tpu.memory_space<vmem>>) dst(%dma_wait3A_1410 : memref<32x768xf32, #tpu.memory_space<hbm>>)
      %dma_start3A_1411 = arith.constant 384 : i32
      %dma_start3A_1412 = tpu.memref_slice %run_scoped3A_4[%dma_start3A_1411] : memref<1280xi32, #tpu.memory_space<vmem>> -> memref<32xi32, #tpu.memory_space<vmem>>
      %dma_start3A_1413 = arith.constant 0 : i32
      %dma_start3A_1414 = arith.constant 0 : i32
      %dma_start3A_1415 = tpu.memref_slice %arg2[%dma_start3A_1413, %dma_start3A_1414] : memref<10240x768xf32, #tpu.memory_space<hbm>> -> memref<10240x768xf32, #tpu.memory_space<hbm>>
      tpu.enqueue_indirect_dma source(%dma_start3A_1415 : memref<10240x768xf32, #tpu.memory_space<hbm>>) target(%run_scoped3A : memref<32x768xf32, #tpu.memory_space<vmem>>) offsets(%dma_start3A_1412 : memref<32xi32, #tpu.memory_space<vmem>>) semaphore(%run_scoped3A_8 : memref<!tpu.dma_semaphore, #tpu.memory_space<semaphore_mem>>)
      %dma_wait3A_1416 = arith.constant 384 : i32
      %dma_wait3A_1417 = tpu.memref_slice %run_scoped3A_4[%dma_wait3A_1416] : memref<1280xi32, #tpu.memory_space<vmem>> -> memref<32xi32, #tpu.memory_space<vmem>>
      %dma_wait3A_1418 = arith.constant 0 : i32
      %dma_wait3A_1419 = arith.constant 0 : i32
      %dma_wait3A_1420 = tpu.memref_slice %arg2[%dma_wait3A_1418, %dma_wait3A_1419] : memref<10240x768xf32, #tpu.memory_space<hbm>> -> memref<10240x768xf32, #tpu.memory_space<hbm>>
      tpu.wait_indirect_dma semaphore(%run_scoped3A_8 : memref<!tpu.dma_semaphore, #tpu.memory_space<semaphore_mem>>) src(%dma_wait3A_1420 : memref<10240x768xf32, #tpu.memory_space<hbm>>) dst(%run_scoped3A : memref<32x768xf32, #tpu.memory_space<vmem>>)
      %dma_start3A_1421 = arith.constant 128 : i32
      %dma_start3A_1422 = arith.constant 0 : i32
      %dma_start3A_1423 = tpu.memref_slice %arg7[%add3A_1096, %dma_start3A_1421, %dma_start3A_1422] : memref<356x256x768xf32, #tpu.memory_space<hbm>> -> memref<1x32x768xf32, #tpu.memory_space<hbm>>
      %dma_start3A_1424 = tpu.memref_squeeze %dma_start3A_1423 : memref<1x32x768xf32, #tpu.memory_space<hbm>> -> memref<32x768xf32, #tpu.memory_space<hbm>>
      %dma_start3A_1425 = arith.constant 128 : i32
      %dma_start3A_1426 = arith.constant 0 : i32
      %dma_start3A_1427 = tpu.memref_slice %arg7[%add3A_1096, %dma_start3A_1425, %dma_start3A_1426] : memref<356x256x768xf32, #tpu.memory_space<hbm>> -> memref<1x32x768xf32, #tpu.memory_space<hbm>>
      %dma_start3A_1428 = tpu.memref_squeeze %dma_start3A_1427 : memref<1x32x768xf32, #tpu.memory_space<hbm>> -> memref<32x768xf32, #tpu.memory_space<hbm>>
      tpu.enqueue_dma source(%run_scoped3A : memref<32x768xf32, #tpu.memory_space<vmem>>) target(%dma_start3A_1428 : memref<32x768xf32, #tpu.memory_space<hbm>>) target_semaphore(%run_scoped3A_9 : memref<!tpu.dma_semaphore, #tpu.memory_space<semaphore_mem>>)
      %dma_wait3A_1429 = arith.constant 64 : i32
      %dma_wait3A_1430 = arith.constant 0 : i32
      %dma_wait3A_1431 = tpu.memref_slice %arg7[%add3A_1096, %dma_wait3A_1429, %dma_wait3A_1430] : memref<356x256x768xf32, #tpu.memory_space<hbm>> -> memref<1x32x768xf32, #tpu.memory_space<hbm>>
      %dma_wait3A_1432 = tpu.memref_squeeze %dma_wait3A_1431 : memref<1x32x768xf32, #tpu.memory_space<hbm>> -> memref<32x768xf32, #tpu.memory_space<hbm>>
      %dma_wait3A_1433 = arith.constant 64 : i32
      %dma_wait3A_1434 = arith.constant 0 : i32
      %dma_wait3A_1435 = tpu.memref_slice %arg7[%add3A_1096, %dma_wait3A_1433, %dma_wait3A_1434] : memref<356x256x768xf32, #tpu.memory_space<hbm>> -> memref<1x32x768xf32, #tpu.memory_space<hbm>>
      %dma_wait3A_1436 = tpu.memref_squeeze %dma_wait3A_1435 : memref<1x32x768xf32, #tpu.memory_space<hbm>> -> memref<32x768xf32, #tpu.memory_space<hbm>>
      tpu.wait_dma2 semaphore(%run_scoped3A_9 : memref<!tpu.dma_semaphore, #tpu.memory_space<semaphore_mem>>) src(%run_scoped3A_1 : memref<32x768xf32, #tpu.memory_space<vmem>>) dst(%dma_wait3A_1436 : memref<32x768xf32, #tpu.memory_space<hbm>>)
      %dma_start3A_1437 = arith.constant 416 : i32
      %dma_start3A_1438 = tpu.memref_slice %run_scoped3A_4[%dma_start3A_1437] : memref<1280xi32, #tpu.memory_space<vmem>> -> memref<32xi32, #tpu.memory_space<vmem>>
      %dma_start3A_1439 = arith.constant 0 : i32
      %dma_start3A_1440 = arith.constant 0 : i32
      %dma_start3A_1441 = tpu.memref_slice %arg2[%dma_start3A_1439, %dma_start3A_1440] : memref<10240x768xf32, #tpu.memory_space<hbm>> -> memref<10240x768xf32, #tpu.memory_space<hbm>>
      tpu.enqueue_indirect_dma source(%dma_start3A_1441 : memref<10240x768xf32, #tpu.memory_space<hbm>>) target(%run_scoped3A_1 : memref<32x768xf32, #tpu.memory_space<vmem>>) offsets(%dma_start3A_1438 : memref<32xi32, #tpu.memory_space<vmem>>) semaphore(%run_scoped3A_8 : memref<!tpu.dma_semaphore, #tpu.memory_space<semaphore_mem>>)
      %dma_wait3A_1442 = arith.constant 416 : i32
      %dma_wait3A_1443 = tpu.memref_slice %run_scoped3A_4[%dma_wait3A_1442] : memref<1280xi32, #tpu.memory_space<vmem>> -> memref<32xi32, #tpu.memory_space<vmem>>
      %dma_wait3A_1444 = arith.constant 0 : i32
      %dma_wait3A_1445 = arith.constant 0 : i32
      %dma_wait3A_1446 = tpu.memref_slice %arg2[%dma_wait3A_1444, %dma_wait3A_1445] : memref<10240x768xf32, #tpu.memory_space<hbm>> -> memref<10240x768xf32, #tpu.memory_space<hbm>>
      tpu.wait_indirect_dma semaphore(%run_scoped3A_8 : memref<!tpu.dma_semaphore, #tpu.memory_space<semaphore_mem>>) src(%dma_wait3A_1446 : memref<10240x768xf32, #tpu.memory_space<hbm>>) dst(%run_scoped3A_1 : memref<32x768xf32, #tpu.memory_space<vmem>>)
      %dma_start3A_1447 = arith.constant 160 : i32
      %dma_start3A_1448 = arith.constant 0 : i32
      %dma_start3A_1449 = tpu.memref_slice %arg7[%add3A_1096, %dma_start3A_1447, %dma_start3A_1448] : memref<356x256x768xf32, #tpu.memory_space<hbm>> -> memref<1x32x768xf32, #tpu.memory_space<hbm>>
      %dma_start3A_1450 = tpu.memref_squeeze %dma_start3A_1449 : memref<1x32x768xf32, #tpu.memory_space<hbm>> -> memref<32x768xf32, #tpu.memory_space<hbm>>
      %dma_start3A_1451 = arith.constant 160 : i32
      %dma_start3A_1452 = arith.constant 0 : i32
      %dma_start3A_1453 = tpu.memref_slice %arg7[%add3A_1096, %dma_start3A_1451, %dma_start3A_1452] : memref<356x256x768xf32, #tpu.memory_space<hbm>> -> memref<1x32x768xf32, #tpu.memory_space<hbm>>
      %dma_start3A_1454 = tpu.memref_squeeze %dma_start3A_1453 : memref<1x32x768xf32, #tpu.memory_space<hbm>> -> memref<32x768xf32, #tpu.memory_space<hbm>>
      tpu.enqueue_dma source(%run_scoped3A_1 : memref<32x768xf32, #tpu.memory_space<vmem>>) target(%dma_start3A_1454 : memref<32x768xf32, #tpu.memory_space<hbm>>) target_semaphore(%run_scoped3A_9 : memref<!tpu.dma_semaphore, #tpu.memory_space<semaphore_mem>>)
      %dma_wait3A_1455 = arith.constant 96 : i32
      %dma_wait3A_1456 = arith.constant 0 : i32
      %dma_wait3A_1457 = tpu.memref_slice %arg7[%add3A_1096, %dma_wait3A_1455, %dma_wait3A_1456] : memref<356x256x768xf32, #tpu.memory_space<hbm>> -> memref<1x32x768xf32, #tpu.memory_space<hbm>>
      %dma_wait3A_1458 = tpu.memref_squeeze %dma_wait3A_1457 : memref<1x32x768xf32, #tpu.memory_space<hbm>> -> memref<32x768xf32, #tpu.memory_space<hbm>>
      %dma_wait3A_1459 = arith.constant 96 : i32
      %dma_wait3A_1460 = arith.constant 0 : i32
      %dma_wait3A_1461 = tpu.memref_slice %arg7[%add3A_1096, %dma_wait3A_1459, %dma_wait3A_1460] : memref<356x256x768xf32, #tpu.memory_space<hbm>> -> memref<1x32x768xf32, #tpu.memory_space<hbm>>
      %dma_wait3A_1462 = tpu.memref_squeeze %dma_wait3A_1461 : memref<1x32x768xf32, #tpu.memory_space<hbm>> -> memref<32x768xf32, #tpu.memory_space<hbm>>
      tpu.wait_dma2 semaphore(%run_scoped3A_9 : memref<!tpu.dma_semaphore, #tpu.memory_space<semaphore_mem>>) src(%run_scoped3A_2 : memref<32x768xf32, #tpu.memory_space<vmem>>) dst(%dma_wait3A_1462 : memref<32x768xf32, #tpu.memory_space<hbm>>)
      %dma_start3A_1463 = arith.constant 448 : i32
      %dma_start3A_1464 = tpu.memref_slice %run_scoped3A_4[%dma_start3A_1463] : memref<1280xi32, #tpu.memory_space<vmem>> -> memref<32xi32, #tpu.memory_space<vmem>>
      %dma_start3A_1465 = arith.constant 0 : i32
      %dma_start3A_1466 = arith.constant 0 : i32
      %dma_start3A_1467 = tpu.memref_slice %arg2[%dma_start3A_1465, %dma_start3A_1466] : memref<10240x768xf32, #tpu.memory_space<hbm>> -> memref<10240x768xf32, #tpu.memory_space<hbm>>
      tpu.enqueue_indirect_dma source(%dma_start3A_1467 : memref<10240x768xf32, #tpu.memory_space<hbm>>) target(%run_scoped3A_2 : memref<32x768xf32, #tpu.memory_space<vmem>>) offsets(%dma_start3A_1464 : memref<32xi32, #tpu.memory_space<vmem>>) semaphore(%run_scoped3A_8 : memref<!tpu.dma_semaphore, #tpu.memory_space<semaphore_mem>>)
      %dma_wait3A_1468 = arith.constant 448 : i32
      %dma_wait3A_1469 = tpu.memref_slice %run_scoped3A_4[%dma_wait3A_1468] : memref<1280xi32, #tpu.memory_space<vmem>> -> memref<32xi32, #tpu.memory_space<vmem>>
      %dma_wait3A_1470 = arith.constant 0 : i32
      %dma_wait3A_1471 = arith.constant 0 : i32
      %dma_wait3A_1472 = tpu.memref_slice %arg2[%dma_wait3A_1470, %dma_wait3A_1471] : memref<10240x768xf32, #tpu.memory_space<hbm>> -> memref<10240x768xf32, #tpu.memory_space<hbm>>
      tpu.wait_indirect_dma semaphore(%run_scoped3A_8 : memref<!tpu.dma_semaphore, #tpu.memory_space<semaphore_mem>>) src(%dma_wait3A_1472 : memref<10240x768xf32, #tpu.memory_space<hbm>>) dst(%run_scoped3A_2 : memref<32x768xf32, #tpu.memory_space<vmem>>)
      %dma_start3A_1473 = arith.constant 192 : i32
      %dma_start3A_1474 = arith.constant 0 : i32
      %dma_start3A_1475 = tpu.memref_slice %arg7[%add3A_1096, %dma_start3A_1473, %dma_start3A_1474] : memref<356x256x768xf32, #tpu.memory_space<hbm>> -> memref<1x32x768xf32, #tpu.memory_space<hbm>>
      %dma_start3A_1476 = tpu.memref_squeeze %dma_start3A_1475 : memref<1x32x768xf32, #tpu.memory_space<hbm>> -> memref<32x768xf32, #tpu.memory_space<hbm>>
      %dma_start3A_1477 = arith.constant 192 : i32
      %dma_start3A_1478 = arith.constant 0 : i32
      %dma_start3A_1479 = tpu.memref_slice %arg7[%add3A_1096, %dma_start3A_1477, %dma_start3A_1478] : memref<356x256x768xf32, #tpu.memory_space<hbm>> -> memref<1x32x768xf32, #tpu.memory_space<hbm>>
      %dma_start3A_1480 = tpu.memref_squeeze %dma_start3A_1479 : memref<1x32x768xf32, #tpu.memory_space<hbm>> -> memref<32x768xf32, #tpu.memory_space<hbm>>
      tpu.enqueue_dma source(%run_scoped3A_2 : memref<32x768xf32, #tpu.memory_space<vmem>>) target(%dma_start3A_1480 : memref<32x768xf32, #tpu.memory_space<hbm>>) target_semaphore(%run_scoped3A_9 : memref<!tpu.dma_semaphore, #tpu.memory_space<semaphore_mem>>)
      %dma_wait3A_1481 = arith.constant 128 : i32
      %dma_wait3A_1482 = arith.constant 0 : i32
      %dma_wait3A_1483 = tpu.memref_slice %arg7[%add3A_1096, %dma_wait3A_1481, %dma_wait3A_1482] : memref<356x256x768xf32, #tpu.memory_space<hbm>> -> memref<1x32x768xf32, #tpu.memory_space<hbm>>
      %dma_wait3A_1484 = tpu.memref_squeeze %dma_wait3A_1483 : memref<1x32x768xf32, #tpu.memory_space<hbm>> -> memref<32x768xf32, #tpu.memory_space<hbm>>
      %dma_wait3A_1485 = arith.constant 128 : i32
      %dma_wait3A_1486 = arith.constant 0 : i32
      %dma_wait3A_1487 = tpu.memref_slice %arg7[%add3A_1096, %dma_wait3A_1485, %dma_wait3A_1486] : memref<356x256x768xf32, #tpu.memory_space<hbm>> -> memref<1x32x768xf32, #tpu.memory_space<hbm>>
      %dma_wait3A_1488 = tpu.memref_squeeze %dma_wait3A_1487 : memref<1x32x768xf32, #tpu.memory_space<hbm>> -> memref<32x768xf32, #tpu.memory_space<hbm>>
      tpu.wait_dma2 semaphore(%run_scoped3A_9 : memref<!tpu.dma_semaphore, #tpu.memory_space<semaphore_mem>>) src(%run_scoped3A : memref<32x768xf32, #tpu.memory_space<vmem>>) dst(%dma_wait3A_1488 : memref<32x768xf32, #tpu.memory_space<hbm>>)
      %dma_start3A_1489 = arith.constant 480 : i32
      %dma_start3A_1490 = tpu.memref_slice %run_scoped3A_4[%dma_start3A_1489] : memref<1280xi32, #tpu.memory_space<vmem>> -> memref<32xi32, #tpu.memory_space<vmem>>
      %dma_start3A_1491 = arith.constant 0 : i32
      %dma_start3A_1492 = arith.constant 0 : i32
      %dma_start3A_1493 = tpu.memref_slice %arg2[%dma_start3A_1491, %dma_start3A_1492] : memref<10240x768xf32, #tpu.memory_space<hbm>> -> memref<10240x768xf32, #tpu.memory_space<hbm>>
      tpu.enqueue_indirect_dma source(%dma_start3A_1493 : memref<10240x768xf32, #tpu.memory_space<hbm>>) target(%run_scoped3A : memref<32x768xf32, #tpu.memory_space<vmem>>) offsets(%dma_start3A_1490 : memref<32xi32, #tpu.memory_space<vmem>>) semaphore(%run_scoped3A_8 : memref<!tpu.dma_semaphore, #tpu.memory_space<semaphore_mem>>)
      %dma_wait3A_1494 = arith.constant 480 : i32
      %dma_wait3A_1495 = tpu.memref_slice %run_scoped3A_4[%dma_wait3A_1494] : memref<1280xi32, #tpu.memory_space<vmem>> -> memref<32xi32, #tpu.memory_space<vmem>>
      %dma_wait3A_1496 = arith.constant 0 : i32
      %dma_wait3A_1497 = arith.constant 0 : i32
      %dma_wait3A_1498 = tpu.memref_slice %arg2[%dma_wait3A_1496, %dma_wait3A_1497] : memref<10240x768xf32, #tpu.memory_space<hbm>> -> memref<10240x768xf32, #tpu.memory_space<hbm>>
      tpu.wait_indirect_dma semaphore(%run_scoped3A_8 : memref<!tpu.dma_semaphore, #tpu.memory_space<semaphore_mem>>) src(%dma_wait3A_1498 : memref<10240x768xf32, #tpu.memory_space<hbm>>) dst(%run_scoped3A : memref<32x768xf32, #tpu.memory_space<vmem>>)
      %dma_start3A_1499 = arith.constant 224 : i32
      %dma_start3A_1500 = arith.constant 0 : i32
      %dma_start3A_1501 = tpu.memref_slice %arg7[%add3A_1096, %dma_start3A_1499, %dma_start3A_1500] : memref<356x256x768xf32, #tpu.memory_space<hbm>> -> memref<1x32x768xf32, #tpu.memory_space<hbm>>
      %dma_start3A_1502 = tpu.memref_squeeze %dma_start3A_1501 : memref<1x32x768xf32, #tpu.memory_space<hbm>> -> memref<32x768xf32, #tpu.memory_space<hbm>>
      %dma_start3A_1503 = arith.constant 224 : i32
      %dma_start3A_1504 = arith.constant 0 : i32
      %dma_start3A_1505 = tpu.memref_slice %arg7[%add3A_1096, %dma_start3A_1503, %dma_start3A_1504] : memref<356x256x768xf32, #tpu.memory_space<hbm>> -> memref<1x32x768xf32, #tpu.memory_space<hbm>>
      %dma_start3A_1506 = tpu.memref_squeeze %dma_start3A_1505 : memref<1x32x768xf32, #tpu.memory_space<hbm>> -> memref<32x768xf32, #tpu.memory_space<hbm>>
      tpu.enqueue_dma source(%run_scoped3A : memref<32x768xf32, #tpu.memory_space<vmem>>) target(%dma_start3A_1506 : memref<32x768xf32, #tpu.memory_space<hbm>>) target_semaphore(%run_scoped3A_9 : memref<!tpu.dma_semaphore, #tpu.memory_space<semaphore_mem>>)
      %dma_wait3A_1507 = arith.constant 160 : i32
      %dma_wait3A_1508 = arith.constant 0 : i32
      %dma_wait3A_1509 = tpu.memref_slice %arg7[%add3A_1096, %dma_wait3A_1507, %dma_wait3A_1508] : memref<356x256x768xf32, #tpu.memory_space<hbm>> -> memref<1x32x768xf32, #tpu.memory_space<hbm>>
      %dma_wait3A_1510 = tpu.memref_squeeze %dma_wait3A_1509 : memref<1x32x768xf32, #tpu.memory_space<hbm>> -> memref<32x768xf32, #tpu.memory_space<hbm>>
      %dma_wait3A_1511 = arith.constant 160 : i32
      %dma_wait3A_1512 = arith.constant 0 : i32
      %dma_wait3A_1513 = tpu.memref_slice %arg7[%add3A_1096, %dma_wait3A_1511, %dma_wait3A_1512] : memref<356x256x768xf32, #tpu.memory_space<hbm>> -> memref<1x32x768xf32, #tpu.memory_space<hbm>>
      %dma_wait3A_1514 = tpu.memref_squeeze %dma_wait3A_1513 : memref<1x32x768xf32, #tpu.memory_space<hbm>> -> memref<32x768xf32, #tpu.memory_space<hbm>>
      tpu.wait_dma2 semaphore(%run_scoped3A_9 : memref<!tpu.dma_semaphore, #tpu.memory_space<semaphore_mem>>) src(%run_scoped3A_1 : memref<32x768xf32, #tpu.memory_space<vmem>>) dst(%dma_wait3A_1514 : memref<32x768xf32, #tpu.memory_space<hbm>>)
      %dma_start3A_1515 = arith.constant 512 : i32
      %dma_start3A_1516 = tpu.memref_slice %run_scoped3A_4[%dma_start3A_1515] : memref<1280xi32, #tpu.memory_space<vmem>> -> memref<32xi32, #tpu.memory_space<vmem>>
      %dma_start3A_1517 = arith.constant 0 : i32
      %dma_start3A_1518 = arith.constant 0 : i32
      %dma_start3A_1519 = tpu.memref_slice %arg2[%dma_start3A_1517, %dma_start3A_1518] : memref<10240x768xf32, #tpu.memory_space<hbm>> -> memref<10240x768xf32, #tpu.memory_space<hbm>>
      tpu.enqueue_indirect_dma source(%dma_start3A_1519 : memref<10240x768xf32, #tpu.memory_space<hbm>>) target(%run_scoped3A_1 : memref<32x768xf32, #tpu.memory_space<vmem>>) offsets(%dma_start3A_1516 : memref<32xi32, #tpu.memory_space<vmem>>) semaphore(%run_scoped3A_8 : memref<!tpu.dma_semaphore, #tpu.memory_space<semaphore_mem>>)
      %dma_wait3A_1520 = arith.constant 512 : i32
      %dma_wait3A_1521 = tpu.memref_slice %run_scoped3A_4[%dma_wait3A_1520] : memref<1280xi32, #tpu.memory_space<vmem>> -> memref<32xi32, #tpu.memory_space<vmem>>
      %dma_wait3A_1522 = arith.constant 0 : i32
      %dma_wait3A_1523 = arith.constant 0 : i32
      %dma_wait3A_1524 = tpu.memref_slice %arg2[%dma_wait3A_1522, %dma_wait3A_1523] : memref<10240x768xf32, #tpu.memory_space<hbm>> -> memref<10240x768xf32, #tpu.memory_space<hbm>>
      tpu.wait_indirect_dma semaphore(%run_scoped3A_8 : memref<!tpu.dma_semaphore, #tpu.memory_space<semaphore_mem>>) src(%dma_wait3A_1524 : memref<10240x768xf32, #tpu.memory_space<hbm>>) dst(%run_scoped3A_1 : memref<32x768xf32, #tpu.memory_space<vmem>>)
      %dma_start3A_1525 = arith.constant 0 : i32
      %dma_start3A_1526 = arith.constant 0 : i32
      %dma_start3A_1527 = tpu.memref_slice %arg7[%add3A_1100, %dma_start3A_1525, %dma_start3A_1526] : memref<356x256x768xf32, #tpu.memory_space<hbm>> -> memref<1x32x768xf32, #tpu.memory_space<hbm>>
      %dma_start3A_1528 = tpu.memref_squeeze %dma_start3A_1527 : memref<1x32x768xf32, #tpu.memory_space<hbm>> -> memref<32x768xf32, #tpu.memory_space<hbm>>
      %dma_start3A_1529 = arith.constant 0 : i32
      %dma_start3A_1530 = arith.constant 0 : i32
      %dma_start3A_1531 = tpu.memref_slice %arg7[%add3A_1100, %dma_start3A_1529, %dma_start3A_1530] : memref<356x256x768xf32, #tpu.memory_space<hbm>> -> memref<1x32x768xf32, #tpu.memory_space<hbm>>
      %dma_start3A_1532 = tpu.memref_squeeze %dma_start3A_1531 : memref<1x32x768xf32, #tpu.memory_space<hbm>> -> memref<32x768xf32, #tpu.memory_space<hbm>>
      tpu.enqueue_dma source(%run_scoped3A_1 : memref<32x768xf32, #tpu.memory_space<vmem>>) target(%dma_start3A_1532 : memref<32x768xf32, #tpu.memory_space<hbm>>) target_semaphore(%run_scoped3A_9 : memref<!tpu.dma_semaphore, #tpu.memory_space<semaphore_mem>>)
      %dma_wait3A_1533 = arith.constant 192 : i32
      %dma_wait3A_1534 = arith.constant 0 : i32
      %dma_wait3A_1535 = tpu.memref_slice %arg7[%add3A_1096, %dma_wait3A_1533, %dma_wait3A_1534] : memref<356x256x768xf32, #tpu.memory_space<hbm>> -> memref<1x32x768xf32, #tpu.memory_space<hbm>>
      %dma_wait3A_1536 = tpu.memref_squeeze %dma_wait3A_1535 : memref<1x32x768xf32, #tpu.memory_space<hbm>> -> memref<32x768xf32, #tpu.memory_space<hbm>>
      %dma_wait3A_1537 = arith.constant 192 : i32
      %dma_wait3A_1538 = arith.constant 0 : i32
      %dma_wait3A_1539 = tpu.memref_slice %arg7[%add3A_1096, %dma_wait3A_1537, %dma_wait3A_1538] : memref<356x256x768xf32, #tpu.memory_space<hbm>> -> memref<1x32x768xf32, #tpu.memory_space<hbm>>
      %dma_wait3A_1540 = tpu.memref_squeeze %dma_wait3A_1539 : memref<1x32x768xf32, #tpu.memory_space<hbm>> -> memref<32x768xf32, #tpu.memory_space<hbm>>
      tpu.wait_dma2 semaphore(%run_scoped3A_9 : memref<!tpu.dma_semaphore, #tpu.memory_space<semaphore_mem>>) src(%run_scoped3A_2 : memref<32x768xf32, #tpu.memory_space<vmem>>) dst(%dma_wait3A_1540 : memref<32x768xf32, #tpu.memory_space<hbm>>)
      %dma_start3A_1541 = arith.constant 544 : i32
      %dma_start3A_1542 = tpu.memref_slice %run_scoped3A_4[%dma_start3A_1541] : memref<1280xi32, #tpu.memory_space<vmem>> -> memref<32xi32, #tpu.memory_space<vmem>>
      %dma_start3A_1543 = arith.constant 0 : i32
      %dma_start3A_1544 = arith.constant 0 : i32
      %dma_start3A_1545 = tpu.memref_slice %arg2[%dma_start3A_1543, %dma_start3A_1544] : memref<10240x768xf32, #tpu.memory_space<hbm>> -> memref<10240x768xf32, #tpu.memory_space<hbm>>
      tpu.enqueue_indirect_dma source(%dma_start3A_1545 : memref<10240x768xf32, #tpu.memory_space<hbm>>) target(%run_scoped3A_2 : memref<32x768xf32, #tpu.memory_space<vmem>>) offsets(%dma_start3A_1542 : memref<32xi32, #tpu.memory_space<vmem>>) semaphore(%run_scoped3A_8 : memref<!tpu.dma_semaphore, #tpu.memory_space<semaphore_mem>>)
      %dma_wait3A_1546 = arith.constant 544 : i32
      %dma_wait3A_1547 = tpu.memref_slice %run_scoped3A_4[%dma_wait3A_1546] : memref<1280xi32, #tpu.memory_space<vmem>> -> memref<32xi32, #tpu.memory_space<vmem>>
      %dma_wait3A_1548 = arith.constant 0 : i32
      %dma_wait3A_1549 = arith.constant 0 : i32
      %dma_wait3A_1550 = tpu.memref_slice %arg2[%dma_wait3A_1548, %dma_wait3A_1549] : memref<10240x768xf32, #tpu.memory_space<hbm>> -> memref<10240x768xf32, #tpu.memory_space<hbm>>
      tpu.wait_indirect_dma semaphore(%run_scoped3A_8 : memref<!tpu.dma_semaphore, #tpu.memory_space<semaphore_mem>>) src(%dma_wait3A_1550 : memref<10240x768xf32, #tpu.memory_space<hbm>>) dst(%run_scoped3A_2 : memref<32x768xf32, #tpu.memory_space<vmem>>)
      %dma_start3A_1551 = arith.constant 32 : i32
      %dma_start3A_1552 = arith.constant 0 : i32
      %dma_start3A_1553 = tpu.memref_slice %arg7[%add3A_1100, %dma_start3A_1551, %dma_start3A_1552] : memref<356x256x768xf32, #tpu.memory_space<hbm>> -> memref<1x32x768xf32, #tpu.memory_space<hbm>>
      %dma_start3A_1554 = tpu.memref_squeeze %dma_start3A_1553 : memref<1x32x768xf32, #tpu.memory_space<hbm>> -> memref<32x768xf32, #tpu.memory_space<hbm>>
      %dma_start3A_1555 = arith.constant 32 : i32
      %dma_start3A_1556 = arith.constant 0 : i32
      %dma_start3A_1557 = tpu.memref_slice %arg7[%add3A_1100, %dma_start3A_1555, %dma_start3A_1556] : memref<356x256x768xf32, #tpu.memory_space<hbm>> -> memref<1x32x768xf32, #tpu.memory_space<hbm>>
      %dma_start3A_1558 = tpu.memref_squeeze %dma_start3A_1557 : memref<1x32x768xf32, #tpu.memory_space<hbm>> -> memref<32x768xf32, #tpu.memory_space<hbm>>
      tpu.enqueue_dma source(%run_scoped3A_2 : memref<32x768xf32, #tpu.memory_space<vmem>>) target(%dma_start3A_1558 : memref<32x768xf32, #tpu.memory_space<hbm>>) target_semaphore(%run_scoped3A_9 : memref<!tpu.dma_semaphore, #tpu.memory_space<semaphore_mem>>)
      %dma_wait3A_1559 = arith.constant 224 : i32
      %dma_wait3A_1560 = arith.constant 0 : i32
      %dma_wait3A_1561 = tpu.memref_slice %arg7[%add3A_1096, %dma_wait3A_1559, %dma_wait3A_1560] : memref<356x256x768xf32, #tpu.memory_space<hbm>> -> memref<1x32x768xf32, #tpu.memory_space<hbm>>
      %dma_wait3A_1562 = tpu.memref_squeeze %dma_wait3A_1561 : memref<1x32x768xf32, #tpu.memory_space<hbm>> -> memref<32x768xf32, #tpu.memory_space<hbm>>
      %dma_wait3A_1563 = arith.constant 224 : i32
      %dma_wait3A_1564 = arith.constant 0 : i32
      %dma_wait3A_1565 = tpu.memref_slice %arg7[%add3A_1096, %dma_wait3A_1563, %dma_wait3A_1564] : memref<356x256x768xf32, #tpu.memory_space<hbm>> -> memref<1x32x768xf32, #tpu.memory_space<hbm>>
      %dma_wait3A_1566 = tpu.memref_squeeze %dma_wait3A_1565 : memref<1x32x768xf32, #tpu.memory_space<hbm>> -> memref<32x768xf32, #tpu.memory_space<hbm>>
      tpu.wait_dma2 semaphore(%run_scoped3A_9 : memref<!tpu.dma_semaphore, #tpu.memory_space<semaphore_mem>>) src(%run_scoped3A : memref<32x768xf32, #tpu.memory_space<vmem>>) dst(%dma_wait3A_1566 : memref<32x768xf32, #tpu.memory_space<hbm>>)
      %dma_start3A_1567 = arith.constant 576 : i32
      %dma_start3A_1568 = tpu.memref_slice %run_scoped3A_4[%dma_start3A_1567] : memref<1280xi32, #tpu.memory_space<vmem>> -> memref<32xi32, #tpu.memory_space<vmem>>
      %dma_start3A_1569 = arith.constant 0 : i32
      %dma_start3A_1570 = arith.constant 0 : i32
      %dma_start3A_1571 = tpu.memref_slice %arg2[%dma_start3A_1569, %dma_start3A_1570] : memref<10240x768xf32, #tpu.memory_space<hbm>> -> memref<10240x768xf32, #tpu.memory_space<hbm>>
      tpu.enqueue_indirect_dma source(%dma_start3A_1571 : memref<10240x768xf32, #tpu.memory_space<hbm>>) target(%run_scoped3A : memref<32x768xf32, #tpu.memory_space<vmem>>) offsets(%dma_start3A_1568 : memref<32xi32, #tpu.memory_space<vmem>>) semaphore(%run_scoped3A_8 : memref<!tpu.dma_semaphore, #tpu.memory_space<semaphore_mem>>)
      %dma_wait3A_1572 = arith.constant 576 : i32
      %dma_wait3A_1573 = tpu.memref_slice %run_scoped3A_4[%dma_wait3A_1572] : memref<1280xi32, #tpu.memory_space<vmem>> -> memref<32xi32, #tpu.memory_space<vmem>>
      %dma_wait3A_1574 = arith.constant 0 : i32
      %dma_wait3A_1575 = arith.constant 0 : i32
      %dma_wait3A_1576 = tpu.memref_slice %arg2[%dma_wait3A_1574, %dma_wait3A_1575] : memref<10240x768xf32, #tpu.memory_space<hbm>> -> memref<10240x768xf32, #tpu.memory_space<hbm>>
      tpu.wait_indirect_dma semaphore(%run_scoped3A_8 : memref<!tpu.dma_semaphore, #tpu.memory_space<semaphore_mem>>) src(%dma_wait3A_1576 : memref<10240x768xf32, #tpu.memory_space<hbm>>) dst(%run_scoped3A : memref<32x768xf32, #tpu.memory_space<vmem>>)
      %dma_start3A_1577 = arith.constant 64 : i32
      %dma_start3A_1578 = arith.constant 0 : i32
      %dma_start3A_1579 = tpu.memref_slice %arg7[%add3A_1100, %dma_start3A_1577, %dma_start3A_1578] : memref<356x256x768xf32, #tpu.memory_space<hbm>> -> memref<1x32x768xf32, #tpu.memory_space<hbm>>
      %dma_start3A_1580 = tpu.memref_squeeze %dma_start3A_1579 : memref<1x32x768xf32, #tpu.memory_space<hbm>> -> memref<32x768xf32, #tpu.memory_space<hbm>>
      %dma_start3A_1581 = arith.constant 64 : i32
      %dma_start3A_1582 = arith.constant 0 : i32
      %dma_start3A_1583 = tpu.memref_slice %arg7[%add3A_1100, %dma_start3A_1581, %dma_start3A_1582] : memref<356x256x768xf32, #tpu.memory_space<hbm>> -> memref<1x32x768xf32, #tpu.memory_space<hbm>>
      %dma_start3A_1584 = tpu.memref_squeeze %dma_start3A_1583 : memref<1x32x768xf32, #tpu.memory_space<hbm>> -> memref<32x768xf32, #tpu.memory_space<hbm>>
      tpu.enqueue_dma source(%run_scoped3A : memref<32x768xf32, #tpu.memory_space<vmem>>) target(%dma_start3A_1584 : memref<32x768xf32, #tpu.memory_space<hbm>>) target_semaphore(%run_scoped3A_9 : memref<!tpu.dma_semaphore, #tpu.memory_space<semaphore_mem>>)
      %dma_wait3A_1585 = arith.constant 0 : i32
      %dma_wait3A_1586 = arith.constant 0 : i32
      %dma_wait3A_1587 = tpu.memref_slice %arg7[%add3A_1100, %dma_wait3A_1585, %dma_wait3A_1586] : memref<356x256x768xf32, #tpu.memory_space<hbm>> -> memref<1x32x768xf32, #tpu.memory_space<hbm>>
      %dma_wait3A_1588 = tpu.memref_squeeze %dma_wait3A_1587 : memref<1x32x768xf32, #tpu.memory_space<hbm>> -> memref<32x768xf32, #tpu.memory_space<hbm>>
      %dma_wait3A_1589 = arith.constant 0 : i32
      %dma_wait3A_1590 = arith.constant 0 : i32
      %dma_wait3A_1591 = tpu.memref_slice %arg7[%add3A_1100, %dma_wait3A_1589, %dma_wait3A_1590] : memref<356x256x768xf32, #tpu.memory_space<hbm>> -> memref<1x32x768xf32, #tpu.memory_space<hbm>>
      %dma_wait3A_1592 = tpu.memref_squeeze %dma_wait3A_1591 : memref<1x32x768xf32, #tpu.memory_space<hbm>> -> memref<32x768xf32, #tpu.memory_space<hbm>>
      tpu.wait_dma2 semaphore(%run_scoped3A_9 : memref<!tpu.dma_semaphore, #tpu.memory_space<semaphore_mem>>) src(%run_scoped3A_1 : memref<32x768xf32, #tpu.memory_space<vmem>>) dst(%dma_wait3A_1592 : memref<32x768xf32, #tpu.memory_space<hbm>>)
      %dma_start3A_1593 = arith.constant 608 : i32
      %dma_start3A_1594 = tpu.memref_slice %run_scoped3A_4[%dma_start3A_1593] : memref<1280xi32, #tpu.memory_space<vmem>> -> memref<32xi32, #tpu.memory_space<vmem>>
      %dma_start3A_1595 = arith.constant 0 : i32
      %dma_start3A_1596 = arith.constant 0 : i32
      %dma_start3A_1597 = tpu.memref_slice %arg2[%dma_start3A_1595, %dma_start3A_1596] : memref<10240x768xf32, #tpu.memory_space<hbm>> -> memref<10240x768xf32, #tpu.memory_space<hbm>>
      tpu.enqueue_indirect_dma source(%dma_start3A_1597 : memref<10240x768xf32, #tpu.memory_space<hbm>>) target(%run_scoped3A_1 : memref<32x768xf32, #tpu.memory_space<vmem>>) offsets(%dma_start3A_1594 : memref<32xi32, #tpu.memory_space<vmem>>) semaphore(%run_scoped3A_8 : memref<!tpu.dma_semaphore, #tpu.memory_space<semaphore_mem>>)
      %dma_wait3A_1598 = arith.constant 608 : i32
      %dma_wait3A_1599 = tpu.memref_slice %run_scoped3A_4[%dma_wait3A_1598] : memref<1280xi32, #tpu.memory_space<vmem>> -> memref<32xi32, #tpu.memory_space<vmem>>
      %dma_wait3A_1600 = arith.constant 0 : i32
      %dma_wait3A_1601 = arith.constant 0 : i32
      %dma_wait3A_1602 = tpu.memref_slice %arg2[%dma_wait3A_1600, %dma_wait3A_1601] : memref<10240x768xf32, #tpu.memory_space<hbm>> -> memref<10240x768xf32, #tpu.memory_space<hbm>>
      tpu.wait_indirect_dma semaphore(%run_scoped3A_8 : memref<!tpu.dma_semaphore, #tpu.memory_space<semaphore_mem>>) src(%dma_wait3A_1602 : memref<10240x768xf32, #tpu.memory_space<hbm>>) dst(%run_scoped3A_1 : memref<32x768xf32, #tpu.memory_space<vmem>>)
      %dma_start3A_1603 = arith.constant 96 : i32
      %dma_start3A_1604 = arith.constant 0 : i32
      %dma_start3A_1605 = tpu.memref_slice %arg7[%add3A_1100, %dma_start3A_1603, %dma_start3A_1604] : memref<356x256x768xf32, #tpu.memory_space<hbm>> -> memref<1x32x768xf32, #tpu.memory_space<hbm>>
      %dma_start3A_1606 = tpu.memref_squeeze %dma_start3A_1605 : memref<1x32x768xf32, #tpu.memory_space<hbm>> -> memref<32x768xf32, #tpu.memory_space<hbm>>
      %dma_start3A_1607 = arith.constant 96 : i32
      %dma_start3A_1608 = arith.constant 0 : i32
      %dma_start3A_1609 = tpu.memref_slice %arg7[%add3A_1100, %dma_start3A_1607, %dma_start3A_1608] : memref<356x256x768xf32, #tpu.memory_space<hbm>> -> memref<1x32x768xf32, #tpu.memory_space<hbm>>
      %dma_start3A_1610 = tpu.memref_squeeze %dma_start3A_1609 : memref<1x32x768xf32, #tpu.memory_space<hbm>> -> memref<32x768xf32, #tpu.memory_space<hbm>>
      tpu.enqueue_dma source(%run_scoped3A_1 : memref<32x768xf32, #tpu.memory_space<vmem>>) target(%dma_start3A_1610 : memref<32x768xf32, #tpu.memory_space<hbm>>) target_semaphore(%run_scoped3A_9 : memref<!tpu.dma_semaphore, #tpu.memory_space<semaphore_mem>>)
      %dma_wait3A_1611 = arith.constant 32 : i32
      %dma_wait3A_1612 = arith.constant 0 : i32
      %dma_wait3A_1613 = tpu.memref_slice %arg7[%add3A_1100, %dma_wait3A_1611, %dma_wait3A_1612] : memref<356x256x768xf32, #tpu.memory_space<hbm>> -> memref<1x32x768xf32, #tpu.memory_space<hbm>>
      %dma_wait3A_1614 = tpu.memref_squeeze %dma_wait3A_1613 : memref<1x32x768xf32, #tpu.memory_space<hbm>> -> memref<32x768xf32, #tpu.memory_space<hbm>>
      %dma_wait3A_1615 = arith.constant 32 : i32
      %dma_wait3A_1616 = arith.constant 0 : i32
      %dma_wait3A_1617 = tpu.memref_slice %arg7[%add3A_1100, %dma_wait3A_1615, %dma_wait3A_1616] : memref<356x256x768xf32, #tpu.memory_space<hbm>> -> memref<1x32x768xf32, #tpu.memory_space<hbm>>
      %dma_wait3A_1618 = tpu.memref_squeeze %dma_wait3A_1617 : memref<1x32x768xf32, #tpu.memory_space<hbm>> -> memref<32x768xf32, #tpu.memory_space<hbm>>
      tpu.wait_dma2 semaphore(%run_scoped3A_9 : memref<!tpu.dma_semaphore, #tpu.memory_space<semaphore_mem>>) src(%run_scoped3A_2 : memref<32x768xf32, #tpu.memory_space<vmem>>) dst(%dma_wait3A_1618 : memref<32x768xf32, #tpu.memory_space<hbm>>)
      %dma_start3A_1619 = arith.constant 640 : i32
      %dma_start3A_1620 = tpu.memref_slice %run_scoped3A_4[%dma_start3A_1619] : memref<1280xi32, #tpu.memory_space<vmem>> -> memref<32xi32, #tpu.memory_space<vmem>>
      %dma_start3A_1621 = arith.constant 0 : i32
      %dma_start3A_1622 = arith.constant 0 : i32
      %dma_start3A_1623 = tpu.memref_slice %arg2[%dma_start3A_1621, %dma_start3A_1622] : memref<10240x768xf32, #tpu.memory_space<hbm>> -> memref<10240x768xf32, #tpu.memory_space<hbm>>
      tpu.enqueue_indirect_dma source(%dma_start3A_1623 : memref<10240x768xf32, #tpu.memory_space<hbm>>) target(%run_scoped3A_2 : memref<32x768xf32, #tpu.memory_space<vmem>>) offsets(%dma_start3A_1620 : memref<32xi32, #tpu.memory_space<vmem>>) semaphore(%run_scoped3A_8 : memref<!tpu.dma_semaphore, #tpu.memory_space<semaphore_mem>>)
      %dma_wait3A_1624 = arith.constant 640 : i32
      %dma_wait3A_1625 = tpu.memref_slice %run_scoped3A_4[%dma_wait3A_1624] : memref<1280xi32, #tpu.memory_space<vmem>> -> memref<32xi32, #tpu.memory_space<vmem>>
      %dma_wait3A_1626 = arith.constant 0 : i32
      %dma_wait3A_1627 = arith.constant 0 : i32
      %dma_wait3A_1628 = tpu.memref_slice %arg2[%dma_wait3A_1626, %dma_wait3A_1627] : memref<10240x768xf32, #tpu.memory_space<hbm>> -> memref<10240x768xf32, #tpu.memory_space<hbm>>
      tpu.wait_indirect_dma semaphore(%run_scoped3A_8 : memref<!tpu.dma_semaphore, #tpu.memory_space<semaphore_mem>>) src(%dma_wait3A_1628 : memref<10240x768xf32, #tpu.memory_space<hbm>>) dst(%run_scoped3A_2 : memref<32x768xf32, #tpu.memory_space<vmem>>)
      %dma_start3A_1629 = arith.constant 128 : i32
      %dma_start3A_1630 = arith.constant 0 : i32
      %dma_start3A_1631 = tpu.memref_slice %arg7[%add3A_1100, %dma_start3A_1629, %dma_start3A_1630] : memref<356x256x768xf32, #tpu.memory_space<hbm>> -> memref<1x32x768xf32, #tpu.memory_space<hbm>>
      %dma_start3A_1632 = tpu.memref_squeeze %dma_start3A_1631 : memref<1x32x768xf32, #tpu.memory_space<hbm>> -> memref<32x768xf32, #tpu.memory_space<hbm>>
      %dma_start3A_1633 = arith.constant 128 : i32
      %dma_start3A_1634 = arith.constant 0 : i32
      %dma_start3A_1635 = tpu.memref_slice %arg7[%add3A_1100, %dma_start3A_1633, %dma_start3A_1634] : memref<356x256x768xf32, #tpu.memory_space<hbm>> -> memref<1x32x768xf32, #tpu.memory_space<hbm>>
      %dma_start3A_1636 = tpu.memref_squeeze %dma_start3A_1635 : memref<1x32x768xf32, #tpu.memory_space<hbm>> -> memref<32x768xf32, #tpu.memory_space<hbm>>
      tpu.enqueue_dma source(%run_scoped3A_2 : memref<32x768xf32, #tpu.memory_space<vmem>>) target(%dma_start3A_1636 : memref<32x768xf32, #tpu.memory_space<hbm>>) target_semaphore(%run_scoped3A_9 : memref<!tpu.dma_semaphore, #tpu.memory_space<semaphore_mem>>)
      %dma_wait3A_1637 = arith.constant 64 : i32
      %dma_wait3A_1638 = arith.constant 0 : i32
      %dma_wait3A_1639 = tpu.memref_slice %arg7[%add3A_1100, %dma_wait3A_1637, %dma_wait3A_1638] : memref<356x256x768xf32, #tpu.memory_space<hbm>> -> memref<1x32x768xf32, #tpu.memory_space<hbm>>
      %dma_wait3A_1640 = tpu.memref_squeeze %dma_wait3A_1639 : memref<1x32x768xf32, #tpu.memory_space<hbm>> -> memref<32x768xf32, #tpu.memory_space<hbm>>
      %dma_wait3A_1641 = arith.constant 64 : i32
      %dma_wait3A_1642 = arith.constant 0 : i32
      %dma_wait3A_1643 = tpu.memref_slice %arg7[%add3A_1100, %dma_wait3A_1641, %dma_wait3A_1642] : memref<356x256x768xf32, #tpu.memory_space<hbm>> -> memref<1x32x768xf32, #tpu.memory_space<hbm>>
      %dma_wait3A_1644 = tpu.memref_squeeze %dma_wait3A_1643 : memref<1x32x768xf32, #tpu.memory_space<hbm>> -> memref<32x768xf32, #tpu.memory_space<hbm>>
      tpu.wait_dma2 semaphore(%run_scoped3A_9 : memref<!tpu.dma_semaphore, #tpu.memory_space<semaphore_mem>>) src(%run_scoped3A : memref<32x768xf32, #tpu.memory_space<vmem>>) dst(%dma_wait3A_1644 : memref<32x768xf32, #tpu.memory_space<hbm>>)
      %dma_start3A_1645 = arith.constant 672 : i32
      %dma_start3A_1646 = tpu.memref_slice %run_scoped3A_4[%dma_start3A_1645] : memref<1280xi32, #tpu.memory_space<vmem>> -> memref<32xi32, #tpu.memory_space<vmem>>
      %dma_start3A_1647 = arith.constant 0 : i32
      %dma_start3A_1648 = arith.constant 0 : i32
      %dma_start3A_1649 = tpu.memref_slice %arg2[%dma_start3A_1647, %dma_start3A_1648] : memref<10240x768xf32, #tpu.memory_space<hbm>> -> memref<10240x768xf32, #tpu.memory_space<hbm>>
      tpu.enqueue_indirect_dma source(%dma_start3A_1649 : memref<10240x768xf32, #tpu.memory_space<hbm>>) target(%run_scoped3A : memref<32x768xf32, #tpu.memory_space<vmem>>) offsets(%dma_start3A_1646 : memref<32xi32, #tpu.memory_space<vmem>>) semaphore(%run_scoped3A_8 : memref<!tpu.dma_semaphore, #tpu.memory_space<semaphore_mem>>)
      %dma_wait3A_1650 = arith.constant 672 : i32
      %dma_wait3A_1651 = tpu.memref_slice %run_scoped3A_4[%dma_wait3A_1650] : memref<1280xi32, #tpu.memory_space<vmem>> -> memref<32xi32, #tpu.memory_space<vmem>>
      %dma_wait3A_1652 = arith.constant 0 : i32
      %dma_wait3A_1653 = arith.constant 0 : i32
      %dma_wait3A_1654 = tpu.memref_slice %arg2[%dma_wait3A_1652, %dma_wait3A_1653] : memref<10240x768xf32, #tpu.memory_space<hbm>> -> memref<10240x768xf32, #tpu.memory_space<hbm>>
      tpu.wait_indirect_dma semaphore(%run_scoped3A_8 : memref<!tpu.dma_semaphore, #tpu.memory_space<semaphore_mem>>) src(%dma_wait3A_1654 : memref<10240x768xf32, #tpu.memory_space<hbm>>) dst(%run_scoped3A : memref<32x768xf32, #tpu.memory_space<vmem>>)
      %dma_start3A_1655 = arith.constant 160 : i32
      %dma_start3A_1656 = arith.constant 0 : i32
      %dma_start3A_1657 = tpu.memref_slice %arg7[%add3A_1100, %dma_start3A_1655, %dma_start3A_1656] : memref<356x256x768xf32, #tpu.memory_space<hbm>> -> memref<1x32x768xf32, #tpu.memory_space<hbm>>
      %dma_start3A_1658 = tpu.memref_squeeze %dma_start3A_1657 : memref<1x32x768xf32, #tpu.memory_space<hbm>> -> memref<32x768xf32, #tpu.memory_space<hbm>>
      %dma_start3A_1659 = arith.constant 160 : i32
      %dma_start3A_1660 = arith.constant 0 : i32
      %dma_start3A_1661 = tpu.memref_slice %arg7[%add3A_1100, %dma_start3A_1659, %dma_start3A_1660] : memref<356x256x768xf32, #tpu.memory_space<hbm>> -> memref<1x32x768xf32, #tpu.memory_space<hbm>>
      %dma_start3A_1662 = tpu.memref_squeeze %dma_start3A_1661 : memref<1x32x768xf32, #tpu.memory_space<hbm>> -> memref<32x768xf32, #tpu.memory_space<hbm>>
      tpu.enqueue_dma source(%run_scoped3A : memref<32x768xf32, #tpu.memory_space<vmem>>) target(%dma_start3A_1662 : memref<32x768xf32, #tpu.memory_space<hbm>>) target_semaphore(%run_scoped3A_9 : memref<!tpu.dma_semaphore, #tpu.memory_space<semaphore_mem>>)
      %dma_wait3A_1663 = arith.constant 96 : i32
      %dma_wait3A_1664 = arith.constant 0 : i32
      %dma_wait3A_1665 = tpu.memref_slice %arg7[%add3A_1100, %dma_wait3A_1663, %dma_wait3A_1664] : memref<356x256x768xf32, #tpu.memory_space<hbm>> -> memref<1x32x768xf32, #tpu.memory_space<hbm>>
      %dma_wait3A_1666 = tpu.memref_squeeze %dma_wait3A_1665 : memref<1x32x768xf32, #tpu.memory_space<hbm>> -> memref<32x768xf32, #tpu.memory_space<hbm>>
      %dma_wait3A_1667 = arith.constant 96 : i32
      %dma_wait3A_1668 = arith.constant 0 : i32
      %dma_wait3A_1669 = tpu.memref_slice %arg7[%add3A_1100, %dma_wait3A_1667, %dma_wait3A_1668] : memref<356x256x768xf32, #tpu.memory_space<hbm>> -> memref<1x32x768xf32, #tpu.memory_space<hbm>>
      %dma_wait3A_1670 = tpu.memref_squeeze %dma_wait3A_1669 : memref<1x32x768xf32, #tpu.memory_space<hbm>> -> memref<32x768xf32, #tpu.memory_space<hbm>>
      tpu.wait_dma2 semaphore(%run_scoped3A_9 : memref<!tpu.dma_semaphore, #tpu.memory_space<semaphore_mem>>) src(%run_scoped3A_1 : memref<32x768xf32, #tpu.memory_space<vmem>>) dst(%dma_wait3A_1670 : memref<32x768xf32, #tpu.memory_space<hbm>>)
      %dma_start3A_1671 = arith.constant 704 : i32
      %dma_start3A_1672 = tpu.memref_slice %run_scoped3A_4[%dma_start3A_1671] : memref<1280xi32, #tpu.memory_space<vmem>> -> memref<32xi32, #tpu.memory_space<vmem>>
      %dma_start3A_1673 = arith.constant 0 : i32
      %dma_start3A_1674 = arith.constant 0 : i32
      %dma_start3A_1675 = tpu.memref_slice %arg2[%dma_start3A_1673, %dma_start3A_1674] : memref<10240x768xf32, #tpu.memory_space<hbm>> -> memref<10240x768xf32, #tpu.memory_space<hbm>>
      tpu.enqueue_indirect_dma source(%dma_start3A_1675 : memref<10240x768xf32, #tpu.memory_space<hbm>>) target(%run_scoped3A_1 : memref<32x768xf32, #tpu.memory_space<vmem>>) offsets(%dma_start3A_1672 : memref<32xi32, #tpu.memory_space<vmem>>) semaphore(%run_scoped3A_8 : memref<!tpu.dma_semaphore, #tpu.memory_space<semaphore_mem>>)
      %dma_wait3A_1676 = arith.constant 704 : i32
      %dma_wait3A_1677 = tpu.memref_slice %run_scoped3A_4[%dma_wait3A_1676] : memref<1280xi32, #tpu.memory_space<vmem>> -> memref<32xi32, #tpu.memory_space<vmem>>
      %dma_wait3A_1678 = arith.constant 0 : i32
      %dma_wait3A_1679 = arith.constant 0 : i32
      %dma_wait3A_1680 = tpu.memref_slice %arg2[%dma_wait3A_1678, %dma_wait3A_1679] : memref<10240x768xf32, #tpu.memory_space<hbm>> -> memref<10240x768xf32, #tpu.memory_space<hbm>>
      tpu.wait_indirect_dma semaphore(%run_scoped3A_8 : memref<!tpu.dma_semaphore, #tpu.memory_space<semaphore_mem>>) src(%dma_wait3A_1680 : memref<10240x768xf32, #tpu.memory_space<hbm>>) dst(%run_scoped3A_1 : memref<32x768xf32, #tpu.memory_space<vmem>>)
      %dma_start3A_1681 = arith.constant 192 : i32
      %dma_start3A_1682 = arith.constant 0 : i32
      %dma_start3A_1683 = tpu.memref_slice %arg7[%add3A_1100, %dma_start3A_1681, %dma_start3A_1682] : memref<356x256x768xf32, #tpu.memory_space<hbm>> -> memref<1x32x768xf32, #tpu.memory_space<hbm>>
      %dma_start3A_1684 = tpu.memref_squeeze %dma_start3A_1683 : memref<1x32x768xf32, #tpu.memory_space<hbm>> -> memref<32x768xf32, #tpu.memory_space<hbm>>
      %dma_start3A_1685 = arith.constant 192 : i32
      %dma_start3A_1686 = arith.constant 0 : i32
      %dma_start3A_1687 = tpu.memref_slice %arg7[%add3A_1100, %dma_start3A_1685, %dma_start3A_1686] : memref<356x256x768xf32, #tpu.memory_space<hbm>> -> memref<1x32x768xf32, #tpu.memory_space<hbm>>
      %dma_start3A_1688 = tpu.memref_squeeze %dma_start3A_1687 : memref<1x32x768xf32, #tpu.memory_space<hbm>> -> memref<32x768xf32, #tpu.memory_space<hbm>>
      tpu.enqueue_dma source(%run_scoped3A_1 : memref<32x768xf32, #tpu.memory_space<vmem>>) target(%dma_start3A_1688 : memref<32x768xf32, #tpu.memory_space<hbm>>) target_semaphore(%run_scoped3A_9 : memref<!tpu.dma_semaphore, #tpu.memory_space<semaphore_mem>>)
      %dma_wait3A_1689 = arith.constant 128 : i32
      %dma_wait3A_1690 = arith.constant 0 : i32
      %dma_wait3A_1691 = tpu.memref_slice %arg7[%add3A_1100, %dma_wait3A_1689, %dma_wait3A_1690] : memref<356x256x768xf32, #tpu.memory_space<hbm>> -> memref<1x32x768xf32, #tpu.memory_space<hbm>>
      %dma_wait3A_1692 = tpu.memref_squeeze %dma_wait3A_1691 : memref<1x32x768xf32, #tpu.memory_space<hbm>> -> memref<32x768xf32, #tpu.memory_space<hbm>>
      %dma_wait3A_1693 = arith.constant 128 : i32
      %dma_wait3A_1694 = arith.constant 0 : i32
      %dma_wait3A_1695 = tpu.memref_slice %arg7[%add3A_1100, %dma_wait3A_1693, %dma_wait3A_1694] : memref<356x256x768xf32, #tpu.memory_space<hbm>> -> memref<1x32x768xf32, #tpu.memory_space<hbm>>
      %dma_wait3A_1696 = tpu.memref_squeeze %dma_wait3A_1695 : memref<1x32x768xf32, #tpu.memory_space<hbm>> -> memref<32x768xf32, #tpu.memory_space<hbm>>
      tpu.wait_dma2 semaphore(%run_scoped3A_9 : memref<!tpu.dma_semaphore, #tpu.memory_space<semaphore_mem>>) src(%run_scoped3A_2 : memref<32x768xf32, #tpu.memory_space<vmem>>) dst(%dma_wait3A_1696 : memref<32x768xf32, #tpu.memory_space<hbm>>)
      %dma_start3A_1697 = arith.constant 736 : i32
      %dma_start3A_1698 = tpu.memref_slice %run_scoped3A_4[%dma_start3A_1697] : memref<1280xi32, #tpu.memory_space<vmem>> -> memref<32xi32, #tpu.memory_space<vmem>>
      %dma_start3A_1699 = arith.constant 0 : i32
      %dma_start3A_1700 = arith.constant 0 : i32
      %dma_start3A_1701 = tpu.memref_slice %arg2[%dma_start3A_1699, %dma_start3A_1700] : memref<10240x768xf32, #tpu.memory_space<hbm>> -> memref<10240x768xf32, #tpu.memory_space<hbm>>
      tpu.enqueue_indirect_dma source(%dma_start3A_1701 : memref<10240x768xf32, #tpu.memory_space<hbm>>) target(%run_scoped3A_2 : memref<32x768xf32, #tpu.memory_space<vmem>>) offsets(%dma_start3A_1698 : memref<32xi32, #tpu.memory_space<vmem>>) semaphore(%run_scoped3A_8 : memref<!tpu.dma_semaphore, #tpu.memory_space<semaphore_mem>>)
      %dma_wait3A_1702 = arith.constant 736 : i32
      %dma_wait3A_1703 = tpu.memref_slice %run_scoped3A_4[%dma_wait3A_1702] : memref<1280xi32, #tpu.memory_space<vmem>> -> memref<32xi32, #tpu.memory_space<vmem>>
      %dma_wait3A_1704 = arith.constant 0 : i32
      %dma_wait3A_1705 = arith.constant 0 : i32
      %dma_wait3A_1706 = tpu.memref_slice %arg2[%dma_wait3A_1704, %dma_wait3A_1705] : memref<10240x768xf32, #tpu.memory_space<hbm>> -> memref<10240x768xf32, #tpu.memory_space<hbm>>
      tpu.wait_indirect_dma semaphore(%run_scoped3A_8 : memref<!tpu.dma_semaphore, #tpu.memory_space<semaphore_mem>>) src(%dma_wait3A_1706 : memref<10240x768xf32, #tpu.memory_space<hbm>>) dst(%run_scoped3A_2 : memref<32x768xf32, #tpu.memory_space<vmem>>)
      %dma_start3A_1707 = arith.constant 224 : i32
      %dma_start3A_1708 = arith.constant 0 : i32
      %dma_start3A_1709 = tpu.memref_slice %arg7[%add3A_1100, %dma_start3A_1707, %dma_start3A_1708] : memref<356x256x768xf32, #tpu.memory_space<hbm>> -> memref<1x32x768xf32, #tpu.memory_space<hbm>>
      %dma_start3A_1710 = tpu.memref_squeeze %dma_start3A_1709 : memref<1x32x768xf32, #tpu.memory_space<hbm>> -> memref<32x768xf32, #tpu.memory_space<hbm>>
      %dma_start3A_1711 = arith.constant 224 : i32
      %dma_start3A_1712 = arith.constant 0 : i32
      %dma_start3A_1713 = tpu.memref_slice %arg7[%add3A_1100, %dma_start3A_1711, %dma_start3A_1712] : memref<356x256x768xf32, #tpu.memory_space<hbm>> -> memref<1x32x768xf32, #tpu.memory_space<hbm>>
      %dma_start3A_1714 = tpu.memref_squeeze %dma_start3A_1713 : memref<1x32x768xf32, #tpu.memory_space<hbm>> -> memref<32x768xf32, #tpu.memory_space<hbm>>
      tpu.enqueue_dma source(%run_scoped3A_2 : memref<32x768xf32, #tpu.memory_space<vmem>>) target(%dma_start3A_1714 : memref<32x768xf32, #tpu.memory_space<hbm>>) target_semaphore(%run_scoped3A_9 : memref<!tpu.dma_semaphore, #tpu.memory_space<semaphore_mem>>)
      %dma_wait3A_1715 = arith.constant 160 : i32
      %dma_wait3A_1716 = arith.constant 0 : i32
      %dma_wait3A_1717 = tpu.memref_slice %arg7[%add3A_1100, %dma_wait3A_1715, %dma_wait3A_1716] : memref<356x256x768xf32, #tpu.memory_space<hbm>> -> memref<1x32x768xf32, #tpu.memory_space<hbm>>
      %dma_wait3A_1718 = tpu.memref_squeeze %dma_wait3A_1717 : memref<1x32x768xf32, #tpu.memory_space<hbm>> -> memref<32x768xf32, #tpu.memory_space<hbm>>
      %dma_wait3A_1719 = arith.constant 160 : i32
      %dma_wait3A_1720 = arith.constant 0 : i32
      %dma_wait3A_1721 = tpu.memref_slice %arg7[%add3A_1100, %dma_wait3A_1719, %dma_wait3A_1720] : memref<356x256x768xf32, #tpu.memory_space<hbm>> -> memref<1x32x768xf32, #tpu.memory_space<hbm>>
      %dma_wait3A_1722 = tpu.memref_squeeze %dma_wait3A_1721 : memref<1x32x768xf32, #tpu.memory_space<hbm>> -> memref<32x768xf32, #tpu.memory_space<hbm>>
      tpu.wait_dma2 semaphore(%run_scoped3A_9 : memref<!tpu.dma_semaphore, #tpu.memory_space<semaphore_mem>>) src(%run_scoped3A : memref<32x768xf32, #tpu.memory_space<vmem>>) dst(%dma_wait3A_1722 : memref<32x768xf32, #tpu.memory_space<hbm>>)
      %dma_start3A_1723 = arith.constant 768 : i32
      %dma_start3A_1724 = tpu.memref_slice %run_scoped3A_4[%dma_start3A_1723] : memref<1280xi32, #tpu.memory_space<vmem>> -> memref<32xi32, #tpu.memory_space<vmem>>
      %dma_start3A_1725 = arith.constant 0 : i32
      %dma_start3A_1726 = arith.constant 0 : i32
      %dma_start3A_1727 = tpu.memref_slice %arg2[%dma_start3A_1725, %dma_start3A_1726] : memref<10240x768xf32, #tpu.memory_space<hbm>> -> memref<10240x768xf32, #tpu.memory_space<hbm>>
      tpu.enqueue_indirect_dma source(%dma_start3A_1727 : memref<10240x768xf32, #tpu.memory_space<hbm>>) target(%run_scoped3A : memref<32x768xf32, #tpu.memory_space<vmem>>) offsets(%dma_start3A_1724 : memref<32xi32, #tpu.memory_space<vmem>>) semaphore(%run_scoped3A_8 : memref<!tpu.dma_semaphore, #tpu.memory_space<semaphore_mem>>)
      %dma_wait3A_1728 = arith.constant 768 : i32
      %dma_wait3A_1729 = tpu.memref_slice %run_scoped3A_4[%dma_wait3A_1728] : memref<1280xi32, #tpu.memory_space<vmem>> -> memref<32xi32, #tpu.memory_space<vmem>>
      %dma_wait3A_1730 = arith.constant 0 : i32
      %dma_wait3A_1731 = arith.constant 0 : i32
      %dma_wait3A_1732 = tpu.memref_slice %arg2[%dma_wait3A_1730, %dma_wait3A_1731] : memref<10240x768xf32, #tpu.memory_space<hbm>> -> memref<10240x768xf32, #tpu.memory_space<hbm>>
      tpu.wait_indirect_dma semaphore(%run_scoped3A_8 : memref<!tpu.dma_semaphore, #tpu.memory_space<semaphore_mem>>) src(%dma_wait3A_1732 : memref<10240x768xf32, #tpu.memory_space<hbm>>) dst(%run_scoped3A : memref<32x768xf32, #tpu.memory_space<vmem>>)
      %dma_start3A_1733 = arith.constant 0 : i32
      %dma_start3A_1734 = arith.constant 0 : i32
      %dma_start3A_1735 = tpu.memref_slice %arg7[%add3A_1104, %dma_start3A_1733, %dma_start3A_1734] : memref<356x256x768xf32, #tpu.memory_space<hbm>> -> memref<1x32x768xf32, #tpu.memory_space<hbm>>
      %dma_start3A_1736 = tpu.memref_squeeze %dma_start3A_1735 : memref<1x32x768xf32, #tpu.memory_space<hbm>> -> memref<32x768xf32, #tpu.memory_space<hbm>>
      %dma_start3A_1737 = arith.constant 0 : i32
      %dma_start3A_1738 = arith.constant 0 : i32
      %dma_start3A_1739 = tpu.memref_slice %arg7[%add3A_1104, %dma_start3A_1737, %dma_start3A_1738] : memref<356x256x768xf32, #tpu.memory_space<hbm>> -> memref<1x32x768xf32, #tpu.memory_space<hbm>>
      %dma_start3A_1740 = tpu.memref_squeeze %dma_start3A_1739 : memref<1x32x768xf32, #tpu.memory_space<hbm>> -> memref<32x768xf32, #tpu.memory_space<hbm>>
      tpu.enqueue_dma source(%run_scoped3A : memref<32x768xf32, #tpu.memory_space<vmem>>) target(%dma_start3A_1740 : memref<32x768xf32, #tpu.memory_space<hbm>>) target_semaphore(%run_scoped3A_9 : memref<!tpu.dma_semaphore, #tpu.memory_space<semaphore_mem>>)
      %dma_wait3A_1741 = arith.constant 192 : i32
      %dma_wait3A_1742 = arith.constant 0 : i32
      %dma_wait3A_1743 = tpu.memref_slice %arg7[%add3A_1100, %dma_wait3A_1741, %dma_wait3A_1742] : memref<356x256x768xf32, #tpu.memory_space<hbm>> -> memref<1x32x768xf32, #tpu.memory_space<hbm>>
      %dma_wait3A_1744 = tpu.memref_squeeze %dma_wait3A_1743 : memref<1x32x768xf32, #tpu.memory_space<hbm>> -> memref<32x768xf32, #tpu.memory_space<hbm>>
      %dma_wait3A_1745 = arith.constant 192 : i32
      %dma_wait3A_1746 = arith.constant 0 : i32
      %dma_wait3A_1747 = tpu.memref_slice %arg7[%add3A_1100, %dma_wait3A_1745, %dma_wait3A_1746] : memref<356x256x768xf32, #tpu.memory_space<hbm>> -> memref<1x32x768xf32, #tpu.memory_space<hbm>>
      %dma_wait3A_1748 = tpu.memref_squeeze %dma_wait3A_1747 : memref<1x32x768xf32, #tpu.memory_space<hbm>> -> memref<32x768xf32, #tpu.memory_space<hbm>>
      tpu.wait_dma2 semaphore(%run_scoped3A_9 : memref<!tpu.dma_semaphore, #tpu.memory_space<semaphore_mem>>) src(%run_scoped3A_1 : memref<32x768xf32, #tpu.memory_space<vmem>>) dst(%dma_wait3A_1748 : memref<32x768xf32, #tpu.memory_space<hbm>>)
      %dma_start3A_1749 = arith.constant 800 : i32
      %dma_start3A_1750 = tpu.memref_slice %run_scoped3A_4[%dma_start3A_1749] : memref<1280xi32, #tpu.memory_space<vmem>> -> memref<32xi32, #tpu.memory_space<vmem>>
      %dma_start3A_1751 = arith.constant 0 : i32
      %dma_start3A_1752 = arith.constant 0 : i32
      %dma_start3A_1753 = tpu.memref_slice %arg2[%dma_start3A_1751, %dma_start3A_1752] : memref<10240x768xf32, #tpu.memory_space<hbm>> -> memref<10240x768xf32, #tpu.memory_space<hbm>>
      tpu.enqueue_indirect_dma source(%dma_start3A_1753 : memref<10240x768xf32, #tpu.memory_space<hbm>>) target(%run_scoped3A_1 : memref<32x768xf32, #tpu.memory_space<vmem>>) offsets(%dma_start3A_1750 : memref<32xi32, #tpu.memory_space<vmem>>) semaphore(%run_scoped3A_8 : memref<!tpu.dma_semaphore, #tpu.memory_space<semaphore_mem>>)
      %dma_wait3A_1754 = arith.constant 800 : i32
      %dma_wait3A_1755 = tpu.memref_slice %run_scoped3A_4[%dma_wait3A_1754] : memref<1280xi32, #tpu.memory_space<vmem>> -> memref<32xi32, #tpu.memory_space<vmem>>
      %dma_wait3A_1756 = arith.constant 0 : i32
      %dma_wait3A_1757 = arith.constant 0 : i32
      %dma_wait3A_1758 = tpu.memref_slice %arg2[%dma_wait3A_1756, %dma_wait3A_1757] : memref<10240x768xf32, #tpu.memory_space<hbm>> -> memref<10240x768xf32, #tpu.memory_space<hbm>>
      tpu.wait_indirect_dma semaphore(%run_scoped3A_8 : memref<!tpu.dma_semaphore, #tpu.memory_space<semaphore_mem>>) src(%dma_wait3A_1758 : memref<10240x768xf32, #tpu.memory_space<hbm>>) dst(%run_scoped3A_1 : memref<32x768xf32, #tpu.memory_space<vmem>>)
      %dma_start3A_1759 = arith.constant 32 : i32
      %dma_start3A_1760 = arith.constant 0 : i32
      %dma_start3A_1761 = tpu.memref_slice %arg7[%add3A_1104, %dma_start3A_1759, %dma_start3A_1760] : memref<356x256x768xf32, #tpu.memory_space<hbm>> -> memref<1x32x768xf32, #tpu.memory_space<hbm>>
      %dma_start3A_1762 = tpu.memref_squeeze %dma_start3A_1761 : memref<1x32x768xf32, #tpu.memory_space<hbm>> -> memref<32x768xf32, #tpu.memory_space<hbm>>
      %dma_start3A_1763 = arith.constant 32 : i32
      %dma_start3A_1764 = arith.constant 0 : i32
      %dma_start3A_1765 = tpu.memref_slice %arg7[%add3A_1104, %dma_start3A_1763, %dma_start3A_1764] : memref<356x256x768xf32, #tpu.memory_space<hbm>> -> memref<1x32x768xf32, #tpu.memory_space<hbm>>
      %dma_start3A_1766 = tpu.memref_squeeze %dma_start3A_1765 : memref<1x32x768xf32, #tpu.memory_space<hbm>> -> memref<32x768xf32, #tpu.memory_space<hbm>>
      tpu.enqueue_dma source(%run_scoped3A_1 : memref<32x768xf32, #tpu.memory_space<vmem>>) target(%dma_start3A_1766 : memref<32x768xf32, #tpu.memory_space<hbm>>) target_semaphore(%run_scoped3A_9 : memref<!tpu.dma_semaphore, #tpu.memory_space<semaphore_mem>>)
      %dma_wait3A_1767 = arith.constant 224 : i32
      %dma_wait3A_1768 = arith.constant 0 : i32
      %dma_wait3A_1769 = tpu.memref_slice %arg7[%add3A_1100, %dma_wait3A_1767, %dma_wait3A_1768] : memref<356x256x768xf32, #tpu.memory_space<hbm>> -> memref<1x32x768xf32, #tpu.memory_space<hbm>>
      %dma_wait3A_1770 = tpu.memref_squeeze %dma_wait3A_1769 : memref<1x32x768xf32, #tpu.memory_space<hbm>> -> memref<32x768xf32, #tpu.memory_space<hbm>>
      %dma_wait3A_1771 = arith.constant 224 : i32
      %dma_wait3A_1772 = arith.constant 0 : i32
      %dma_wait3A_1773 = tpu.memref_slice %arg7[%add3A_1100, %dma_wait3A_1771, %dma_wait3A_1772] : memref<356x256x768xf32, #tpu.memory_space<hbm>> -> memref<1x32x768xf32, #tpu.memory_space<hbm>>
      %dma_wait3A_1774 = tpu.memref_squeeze %dma_wait3A_1773 : memref<1x32x768xf32, #tpu.memory_space<hbm>> -> memref<32x768xf32, #tpu.memory_space<hbm>>
      tpu.wait_dma2 semaphore(%run_scoped3A_9 : memref<!tpu.dma_semaphore, #tpu.memory_space<semaphore_mem>>) src(%run_scoped3A_2 : memref<32x768xf32, #tpu.memory_space<vmem>>) dst(%dma_wait3A_1774 : memref<32x768xf32, #tpu.memory_space<hbm>>)
      %dma_start3A_1775 = arith.constant 832 : i32
      %dma_start3A_1776 = tpu.memref_slice %run_scoped3A_4[%dma_start3A_1775] : memref<1280xi32, #tpu.memory_space<vmem>> -> memref<32xi32, #tpu.memory_space<vmem>>
      %dma_start3A_1777 = arith.constant 0 : i32
      %dma_start3A_1778 = arith.constant 0 : i32
      %dma_start3A_1779 = tpu.memref_slice %arg2[%dma_start3A_1777, %dma_start3A_1778] : memref<10240x768xf32, #tpu.memory_space<hbm>> -> memref<10240x768xf32, #tpu.memory_space<hbm>>
      tpu.enqueue_indirect_dma source(%dma_start3A_1779 : memref<10240x768xf32, #tpu.memory_space<hbm>>) target(%run_scoped3A_2 : memref<32x768xf32, #tpu.memory_space<vmem>>) offsets(%dma_start3A_1776 : memref<32xi32, #tpu.memory_space<vmem>>) semaphore(%run_scoped3A_8 : memref<!tpu.dma_semaphore, #tpu.memory_space<semaphore_mem>>)
      %dma_wait3A_1780 = arith.constant 832 : i32
      %dma_wait3A_1781 = tpu.memref_slice %run_scoped3A_4[%dma_wait3A_1780] : memref<1280xi32, #tpu.memory_space<vmem>> -> memref<32xi32, #tpu.memory_space<vmem>>
      %dma_wait3A_1782 = arith.constant 0 : i32
      %dma_wait3A_1783 = arith.constant 0 : i32
      %dma_wait3A_1784 = tpu.memref_slice %arg2[%dma_wait3A_1782, %dma_wait3A_1783] : memref<10240x768xf32, #tpu.memory_space<hbm>> -> memref<10240x768xf32, #tpu.memory_space<hbm>>
      tpu.wait_indirect_dma semaphore(%run_scoped3A_8 : memref<!tpu.dma_semaphore, #tpu.memory_space<semaphore_mem>>) src(%dma_wait3A_1784 : memref<10240x768xf32, #tpu.memory_space<hbm>>) dst(%run_scoped3A_2 : memref<32x768xf32, #tpu.memory_space<vmem>>)
      %dma_start3A_1785 = arith.constant 64 : i32
      %dma_start3A_1786 = arith.constant 0 : i32
      %dma_start3A_1787 = tpu.memref_slice %arg7[%add3A_1104, %dma_start3A_1785, %dma_start3A_1786] : memref<356x256x768xf32, #tpu.memory_space<hbm>> -> memref<1x32x768xf32, #tpu.memory_space<hbm>>
      %dma_start3A_1788 = tpu.memref_squeeze %dma_start3A_1787 : memref<1x32x768xf32, #tpu.memory_space<hbm>> -> memref<32x768xf32, #tpu.memory_space<hbm>>
      %dma_start3A_1789 = arith.constant 64 : i32
      %dma_start3A_1790 = arith.constant 0 : i32
      %dma_start3A_1791 = tpu.memref_slice %arg7[%add3A_1104, %dma_start3A_1789, %dma_start3A_1790] : memref<356x256x768xf32, #tpu.memory_space<hbm>> -> memref<1x32x768xf32, #tpu.memory_space<hbm>>
      %dma_start3A_1792 = tpu.memref_squeeze %dma_start3A_1791 : memref<1x32x768xf32, #tpu.memory_space<hbm>> -> memref<32x768xf32, #tpu.memory_space<hbm>>
      tpu.enqueue_dma source(%run_scoped3A_2 : memref<32x768xf32, #tpu.memory_space<vmem>>) target(%dma_start3A_1792 : memref<32x768xf32, #tpu.memory_space<hbm>>) target_semaphore(%run_scoped3A_9 : memref<!tpu.dma_semaphore, #tpu.memory_space<semaphore_mem>>)
      %dma_wait3A_1793 = arith.constant 0 : i32
      %dma_wait3A_1794 = arith.constant 0 : i32
      %dma_wait3A_1795 = tpu.memref_slice %arg7[%add3A_1104, %dma_wait3A_1793, %dma_wait3A_1794] : memref<356x256x768xf32, #tpu.memory_space<hbm>> -> memref<1x32x768xf32, #tpu.memory_space<hbm>>
      %dma_wait3A_1796 = tpu.memref_squeeze %dma_wait3A_1795 : memref<1x32x768xf32, #tpu.memory_space<hbm>> -> memref<32x768xf32, #tpu.memory_space<hbm>>
      %dma_wait3A_1797 = arith.constant 0 : i32
      %dma_wait3A_1798 = arith.constant 0 : i32
      %dma_wait3A_1799 = tpu.memref_slice %arg7[%add3A_1104, %dma_wait3A_1797, %dma_wait3A_1798] : memref<356x256x768xf32, #tpu.memory_space<hbm>> -> memref<1x32x768xf32, #tpu.memory_space<hbm>>
      %dma_wait3A_1800 = tpu.memref_squeeze %dma_wait3A_1799 : memref<1x32x768xf32, #tpu.memory_space<hbm>> -> memref<32x768xf32, #tpu.memory_space<hbm>>
      tpu.wait_dma2 semaphore(%run_scoped3A_9 : memref<!tpu.dma_semaphore, #tpu.memory_space<semaphore_mem>>) src(%run_scoped3A : memref<32x768xf32, #tpu.memory_space<vmem>>) dst(%dma_wait3A_1800 : memref<32x768xf32, #tpu.memory_space<hbm>>)
      %dma_start3A_1801 = arith.constant 864 : i32
      %dma_start3A_1802 = tpu.memref_slice %run_scoped3A_4[%dma_start3A_1801] : memref<1280xi32, #tpu.memory_space<vmem>> -> memref<32xi32, #tpu.memory_space<vmem>>
      %dma_start3A_1803 = arith.constant 0 : i32
      %dma_start3A_1804 = arith.constant 0 : i32
      %dma_start3A_1805 = tpu.memref_slice %arg2[%dma_start3A_1803, %dma_start3A_1804] : memref<10240x768xf32, #tpu.memory_space<hbm>> -> memref<10240x768xf32, #tpu.memory_space<hbm>>
      tpu.enqueue_indirect_dma source(%dma_start3A_1805 : memref<10240x768xf32, #tpu.memory_space<hbm>>) target(%run_scoped3A : memref<32x768xf32, #tpu.memory_space<vmem>>) offsets(%dma_start3A_1802 : memref<32xi32, #tpu.memory_space<vmem>>) semaphore(%run_scoped3A_8 : memref<!tpu.dma_semaphore, #tpu.memory_space<semaphore_mem>>)
      %dma_wait3A_1806 = arith.constant 864 : i32
      %dma_wait3A_1807 = tpu.memref_slice %run_scoped3A_4[%dma_wait3A_1806] : memref<1280xi32, #tpu.memory_space<vmem>> -> memref<32xi32, #tpu.memory_space<vmem>>
      %dma_wait3A_1808 = arith.constant 0 : i32
      %dma_wait3A_1809 = arith.constant 0 : i32
      %dma_wait3A_1810 = tpu.memref_slice %arg2[%dma_wait3A_1808, %dma_wait3A_1809] : memref<10240x768xf32, #tpu.memory_space<hbm>> -> memref<10240x768xf32, #tpu.memory_space<hbm>>
      tpu.wait_indirect_dma semaphore(%run_scoped3A_8 : memref<!tpu.dma_semaphore, #tpu.memory_space<semaphore_mem>>) src(%dma_wait3A_1810 : memref<10240x768xf32, #tpu.memory_space<hbm>>) dst(%run_scoped3A : memref<32x768xf32, #tpu.memory_space<vmem>>)
      %dma_start3A_1811 = arith.constant 96 : i32
      %dma_start3A_1812 = arith.constant 0 : i32
      %dma_start3A_1813 = tpu.memref_slice %arg7[%add3A_1104, %dma_start3A_1811, %dma_start3A_1812] : memref<356x256x768xf32, #tpu.memory_space<hbm>> -> memref<1x32x768xf32, #tpu.memory_space<hbm>>
      %dma_start3A_1814 = tpu.memref_squeeze %dma_start3A_1813 : memref<1x32x768xf32, #tpu.memory_space<hbm>> -> memref<32x768xf32, #tpu.memory_space<hbm>>
      %dma_start3A_1815 = arith.constant 96 : i32
      %dma_start3A_1816 = arith.constant 0 : i32
      %dma_start3A_1817 = tpu.memref_slice %arg7[%add3A_1104, %dma_start3A_1815, %dma_start3A_1816] : memref<356x256x768xf32, #tpu.memory_space<hbm>> -> memref<1x32x768xf32, #tpu.memory_space<hbm>>
      %dma_start3A_1818 = tpu.memref_squeeze %dma_start3A_1817 : memref<1x32x768xf32, #tpu.memory_space<hbm>> -> memref<32x768xf32, #tpu.memory_space<hbm>>
      tpu.enqueue_dma source(%run_scoped3A : memref<32x768xf32, #tpu.memory_space<vmem>>) target(%dma_start3A_1818 : memref<32x768xf32, #tpu.memory_space<hbm>>) target_semaphore(%run_scoped3A_9 : memref<!tpu.dma_semaphore, #tpu.memory_space<semaphore_mem>>)
      %dma_wait3A_1819 = arith.constant 32 : i32
      %dma_wait3A_1820 = arith.constant 0 : i32
      %dma_wait3A_1821 = tpu.memref_slice %arg7[%add3A_1104, %dma_wait3A_1819, %dma_wait3A_1820] : memref<356x256x768xf32, #tpu.memory_space<hbm>> -> memref<1x32x768xf32, #tpu.memory_space<hbm>>
      %dma_wait3A_1822 = tpu.memref_squeeze %dma_wait3A_1821 : memref<1x32x768xf32, #tpu.memory_space<hbm>> -> memref<32x768xf32, #tpu.memory_space<hbm>>
      %dma_wait3A_1823 = arith.constant 32 : i32
      %dma_wait3A_1824 = arith.constant 0 : i32
      %dma_wait3A_1825 = tpu.memref_slice %arg7[%add3A_1104, %dma_wait3A_1823, %dma_wait3A_1824] : memref<356x256x768xf32, #tpu.memory_space<hbm>> -> memref<1x32x768xf32, #tpu.memory_space<hbm>>
      %dma_wait3A_1826 = tpu.memref_squeeze %dma_wait3A_1825 : memref<1x32x768xf32, #tpu.memory_space<hbm>> -> memref<32x768xf32, #tpu.memory_space<hbm>>
      tpu.wait_dma2 semaphore(%run_scoped3A_9 : memref<!tpu.dma_semaphore, #tpu.memory_space<semaphore_mem>>) src(%run_scoped3A_1 : memref<32x768xf32, #tpu.memory_space<vmem>>) dst(%dma_wait3A_1826 : memref<32x768xf32, #tpu.memory_space<hbm>>)
      %dma_start3A_1827 = arith.constant 896 : i32
      %dma_start3A_1828 = tpu.memref_slice %run_scoped3A_4[%dma_start3A_1827] : memref<1280xi32, #tpu.memory_space<vmem>> -> memref<32xi32, #tpu.memory_space<vmem>>
      %dma_start3A_1829 = arith.constant 0 : i32
      %dma_start3A_1830 = arith.constant 0 : i32
      %dma_start3A_1831 = tpu.memref_slice %arg2[%dma_start3A_1829, %dma_start3A_1830] : memref<10240x768xf32, #tpu.memory_space<hbm>> -> memref<10240x768xf32, #tpu.memory_space<hbm>>
      tpu.enqueue_indirect_dma source(%dma_start3A_1831 : memref<10240x768xf32, #tpu.memory_space<hbm>>) target(%run_scoped3A_1 : memref<32x768xf32, #tpu.memory_space<vmem>>) offsets(%dma_start3A_1828 : memref<32xi32, #tpu.memory_space<vmem>>) semaphore(%run_scoped3A_8 : memref<!tpu.dma_semaphore, #tpu.memory_space<semaphore_mem>>)
      %dma_wait3A_1832 = arith.constant 896 : i32
      %dma_wait3A_1833 = tpu.memref_slice %run_scoped3A_4[%dma_wait3A_1832] : memref<1280xi32, #tpu.memory_space<vmem>> -> memref<32xi32, #tpu.memory_space<vmem>>
      %dma_wait3A_1834 = arith.constant 0 : i32
      %dma_wait3A_1835 = arith.constant 0 : i32
      %dma_wait3A_1836 = tpu.memref_slice %arg2[%dma_wait3A_1834, %dma_wait3A_1835] : memref<10240x768xf32, #tpu.memory_space<hbm>> -> memref<10240x768xf32, #tpu.memory_space<hbm>>
      tpu.wait_indirect_dma semaphore(%run_scoped3A_8 : memref<!tpu.dma_semaphore, #tpu.memory_space<semaphore_mem>>) src(%dma_wait3A_1836 : memref<10240x768xf32, #tpu.memory_space<hbm>>) dst(%run_scoped3A_1 : memref<32x768xf32, #tpu.memory_space<vmem>>)
      %dma_start3A_1837 = arith.constant 128 : i32
      %dma_start3A_1838 = arith.constant 0 : i32
      %dma_start3A_1839 = tpu.memref_slice %arg7[%add3A_1104, %dma_start3A_1837, %dma_start3A_1838] : memref<356x256x768xf32, #tpu.memory_space<hbm>> -> memref<1x32x768xf32, #tpu.memory_space<hbm>>
      %dma_start3A_1840 = tpu.memref_squeeze %dma_start3A_1839 : memref<1x32x768xf32, #tpu.memory_space<hbm>> -> memref<32x768xf32, #tpu.memory_space<hbm>>
      %dma_start3A_1841 = arith.constant 128 : i32
      %dma_start3A_1842 = arith.constant 0 : i32
      %dma_start3A_1843 = tpu.memref_slice %arg7[%add3A_1104, %dma_start3A_1841, %dma_start3A_1842] : memref<356x256x768xf32, #tpu.memory_space<hbm>> -> memref<1x32x768xf32, #tpu.memory_space<hbm>>
      %dma_start3A_1844 = tpu.memref_squeeze %dma_start3A_1843 : memref<1x32x768xf32, #tpu.memory_space<hbm>> -> memref<32x768xf32, #tpu.memory_space<hbm>>
      tpu.enqueue_dma source(%run_scoped3A_1 : memref<32x768xf32, #tpu.memory_space<vmem>>) target(%dma_start3A_1844 : memref<32x768xf32, #tpu.memory_space<hbm>>) target_semaphore(%run_scoped3A_9 : memref<!tpu.dma_semaphore, #tpu.memory_space<semaphore_mem>>)
      %dma_wait3A_1845 = arith.constant 64 : i32
      %dma_wait3A_1846 = arith.constant 0 : i32
      %dma_wait3A_1847 = tpu.memref_slice %arg7[%add3A_1104, %dma_wait3A_1845, %dma_wait3A_1846] : memref<356x256x768xf32, #tpu.memory_space<hbm>> -> memref<1x32x768xf32, #tpu.memory_space<hbm>>
      %dma_wait3A_1848 = tpu.memref_squeeze %dma_wait3A_1847 : memref<1x32x768xf32, #tpu.memory_space<hbm>> -> memref<32x768xf32, #tpu.memory_space<hbm>>
      %dma_wait3A_1849 = arith.constant 64 : i32
      %dma_wait3A_1850 = arith.constant 0 : i32
      %dma_wait3A_1851 = tpu.memref_slice %arg7[%add3A_1104, %dma_wait3A_1849, %dma_wait3A_1850] : memref<356x256x768xf32, #tpu.memory_space<hbm>> -> memref<1x32x768xf32, #tpu.memory_space<hbm>>
      %dma_wait3A_1852 = tpu.memref_squeeze %dma_wait3A_1851 : memref<1x32x768xf32, #tpu.memory_space<hbm>> -> memref<32x768xf32, #tpu.memory_space<hbm>>
      tpu.wait_dma2 semaphore(%run_scoped3A_9 : memref<!tpu.dma_semaphore, #tpu.memory_space<semaphore_mem>>) src(%run_scoped3A_2 : memref<32x768xf32, #tpu.memory_space<vmem>>) dst(%dma_wait3A_1852 : memref<32x768xf32, #tpu.memory_space<hbm>>)
      %dma_start3A_1853 = arith.constant 928 : i32
      %dma_start3A_1854 = tpu.memref_slice %run_scoped3A_4[%dma_start3A_1853] : memref<1280xi32, #tpu.memory_space<vmem>> -> memref<32xi32, #tpu.memory_space<vmem>>
      %dma_start3A_1855 = arith.constant 0 : i32
      %dma_start3A_1856 = arith.constant 0 : i32
      %dma_start3A_1857 = tpu.memref_slice %arg2[%dma_start3A_1855, %dma_start3A_1856] : memref<10240x768xf32, #tpu.memory_space<hbm>> -> memref<10240x768xf32, #tpu.memory_space<hbm>>
      tpu.enqueue_indirect_dma source(%dma_start3A_1857 : memref<10240x768xf32, #tpu.memory_space<hbm>>) target(%run_scoped3A_2 : memref<32x768xf32, #tpu.memory_space<vmem>>) offsets(%dma_start3A_1854 : memref<32xi32, #tpu.memory_space<vmem>>) semaphore(%run_scoped3A_8 : memref<!tpu.dma_semaphore, #tpu.memory_space<semaphore_mem>>)
      %dma_wait3A_1858 = arith.constant 928 : i32
      %dma_wait3A_1859 = tpu.memref_slice %run_scoped3A_4[%dma_wait3A_1858] : memref<1280xi32, #tpu.memory_space<vmem>> -> memref<32xi32, #tpu.memory_space<vmem>>
      %dma_wait3A_1860 = arith.constant 0 : i32
      %dma_wait3A_1861 = arith.constant 0 : i32
      %dma_wait3A_1862 = tpu.memref_slice %arg2[%dma_wait3A_1860, %dma_wait3A_1861] : memref<10240x768xf32, #tpu.memory_space<hbm>> -> memref<10240x768xf32, #tpu.memory_space<hbm>>
      tpu.wait_indirect_dma semaphore(%run_scoped3A_8 : memref<!tpu.dma_semaphore, #tpu.memory_space<semaphore_mem>>) src(%dma_wait3A_1862 : memref<10240x768xf32, #tpu.memory_space<hbm>>) dst(%run_scoped3A_2 : memref<32x768xf32, #tpu.memory_space<vmem>>)
      %dma_start3A_1863 = arith.constant 160 : i32
      %dma_start3A_1864 = arith.constant 0 : i32
      %dma_start3A_1865 = tpu.memref_slice %arg7[%add3A_1104, %dma_start3A_1863, %dma_start3A_1864] : memref<356x256x768xf32, #tpu.memory_space<hbm>> -> memref<1x32x768xf32, #tpu.memory_space<hbm>>
      %dma_start3A_1866 = tpu.memref_squeeze %dma_start3A_1865 : memref<1x32x768xf32, #tpu.memory_space<hbm>> -> memref<32x768xf32, #tpu.memory_space<hbm>>
      %dma_start3A_1867 = arith.constant 160 : i32
      %dma_start3A_1868 = arith.constant 0 : i32
      %dma_start3A_1869 = tpu.memref_slice %arg7[%add3A_1104, %dma_start3A_1867, %dma_start3A_1868] : memref<356x256x768xf32, #tpu.memory_space<hbm>> -> memref<1x32x768xf32, #tpu.memory_space<hbm>>
      %dma_start3A_1870 = tpu.memref_squeeze %dma_start3A_1869 : memref<1x32x768xf32, #tpu.memory_space<hbm>> -> memref<32x768xf32, #tpu.memory_space<hbm>>
      tpu.enqueue_dma source(%run_scoped3A_2 : memref<32x768xf32, #tpu.memory_space<vmem>>) target(%dma_start3A_1870 : memref<32x768xf32, #tpu.memory_space<hbm>>) target_semaphore(%run_scoped3A_9 : memref<!tpu.dma_semaphore, #tpu.memory_space<semaphore_mem>>)
      %dma_wait3A_1871 = arith.constant 96 : i32
      %dma_wait3A_1872 = arith.constant 0 : i32
      %dma_wait3A_1873 = tpu.memref_slice %arg7[%add3A_1104, %dma_wait3A_1871, %dma_wait3A_1872] : memref<356x256x768xf32, #tpu.memory_space<hbm>> -> memref<1x32x768xf32, #tpu.memory_space<hbm>>
      %dma_wait3A_1874 = tpu.memref_squeeze %dma_wait3A_1873 : memref<1x32x768xf32, #tpu.memory_space<hbm>> -> memref<32x768xf32, #tpu.memory_space<hbm>>
      %dma_wait3A_1875 = arith.constant 96 : i32
      %dma_wait3A_1876 = arith.constant 0 : i32
      %dma_wait3A_1877 = tpu.memref_slice %arg7[%add3A_1104, %dma_wait3A_1875, %dma_wait3A_1876] : memref<356x256x768xf32, #tpu.memory_space<hbm>> -> memref<1x32x768xf32, #tpu.memory_space<hbm>>
      %dma_wait3A_1878 = tpu.memref_squeeze %dma_wait3A_1877 : memref<1x32x768xf32, #tpu.memory_space<hbm>> -> memref<32x768xf32, #tpu.memory_space<hbm>>
      tpu.wait_dma2 semaphore(%run_scoped3A_9 : memref<!tpu.dma_semaphore, #tpu.memory_space<semaphore_mem>>) src(%run_scoped3A : memref<32x768xf32, #tpu.memory_space<vmem>>) dst(%dma_wait3A_1878 : memref<32x768xf32, #tpu.memory_space<hbm>>)
      %dma_start3A_1879 = arith.constant 960 : i32
      %dma_start3A_1880 = tpu.memref_slice %run_scoped3A_4[%dma_start3A_1879] : memref<1280xi32, #tpu.memory_space<vmem>> -> memref<32xi32, #tpu.memory_space<vmem>>
      %dma_start3A_1881 = arith.constant 0 : i32
      %dma_start3A_1882 = arith.constant 0 : i32
      %dma_start3A_1883 = tpu.memref_slice %arg2[%dma_start3A_1881, %dma_start3A_1882] : memref<10240x768xf32, #tpu.memory_space<hbm>> -> memref<10240x768xf32, #tpu.memory_space<hbm>>
      tpu.enqueue_indirect_dma source(%dma_start3A_1883 : memref<10240x768xf32, #tpu.memory_space<hbm>>) target(%run_scoped3A : memref<32x768xf32, #tpu.memory_space<vmem>>) offsets(%dma_start3A_1880 : memref<32xi32, #tpu.memory_space<vmem>>) semaphore(%run_scoped3A_8 : memref<!tpu.dma_semaphore, #tpu.memory_space<semaphore_mem>>)
      %dma_wait3A_1884 = arith.constant 960 : i32
      %dma_wait3A_1885 = tpu.memref_slice %run_scoped3A_4[%dma_wait3A_1884] : memref<1280xi32, #tpu.memory_space<vmem>> -> memref<32xi32, #tpu.memory_space<vmem>>
      %dma_wait3A_1886 = arith.constant 0 : i32
      %dma_wait3A_1887 = arith.constant 0 : i32
      %dma_wait3A_1888 = tpu.memref_slice %arg2[%dma_wait3A_1886, %dma_wait3A_1887] : memref<10240x768xf32, #tpu.memory_space<hbm>> -> memref<10240x768xf32, #tpu.memory_space<hbm>>
      tpu.wait_indirect_dma semaphore(%run_scoped3A_8 : memref<!tpu.dma_semaphore, #tpu.memory_space<semaphore_mem>>) src(%dma_wait3A_1888 : memref<10240x768xf32, #tpu.memory_space<hbm>>) dst(%run_scoped3A : memref<32x768xf32, #tpu.memory_space<vmem>>)
      %dma_start3A_1889 = arith.constant 192 : i32
      %dma_start3A_1890 = arith.constant 0 : i32
      %dma_start3A_1891 = tpu.memref_slice %arg7[%add3A_1104, %dma_start3A_1889, %dma_start3A_1890] : memref<356x256x768xf32, #tpu.memory_space<hbm>> -> memref<1x32x768xf32, #tpu.memory_space<hbm>>
      %dma_start3A_1892 = tpu.memref_squeeze %dma_start3A_1891 : memref<1x32x768xf32, #tpu.memory_space<hbm>> -> memref<32x768xf32, #tpu.memory_space<hbm>>
      %dma_start3A_1893 = arith.constant 192 : i32
      %dma_start3A_1894 = arith.constant 0 : i32
      %dma_start3A_1895 = tpu.memref_slice %arg7[%add3A_1104, %dma_start3A_1893, %dma_start3A_1894] : memref<356x256x768xf32, #tpu.memory_space<hbm>> -> memref<1x32x768xf32, #tpu.memory_space<hbm>>
      %dma_start3A_1896 = tpu.memref_squeeze %dma_start3A_1895 : memref<1x32x768xf32, #tpu.memory_space<hbm>> -> memref<32x768xf32, #tpu.memory_space<hbm>>
      tpu.enqueue_dma source(%run_scoped3A : memref<32x768xf32, #tpu.memory_space<vmem>>) target(%dma_start3A_1896 : memref<32x768xf32, #tpu.memory_space<hbm>>) target_semaphore(%run_scoped3A_9 : memref<!tpu.dma_semaphore, #tpu.memory_space<semaphore_mem>>)
      %dma_wait3A_1897 = arith.constant 128 : i32
      %dma_wait3A_1898 = arith.constant 0 : i32
      %dma_wait3A_1899 = tpu.memref_slice %arg7[%add3A_1104, %dma_wait3A_1897, %dma_wait3A_1898] : memref<356x256x768xf32, #tpu.memory_space<hbm>> -> memref<1x32x768xf32, #tpu.memory_space<hbm>>
      %dma_wait3A_1900 = tpu.memref_squeeze %dma_wait3A_1899 : memref<1x32x768xf32, #tpu.memory_space<hbm>> -> memref<32x768xf32, #tpu.memory_space<hbm>>
      %dma_wait3A_1901 = arith.constant 128 : i32
      %dma_wait3A_1902 = arith.constant 0 : i32
      %dma_wait3A_1903 = tpu.memref_slice %arg7[%add3A_1104, %dma_wait3A_1901, %dma_wait3A_1902] : memref<356x256x768xf32, #tpu.memory_space<hbm>> -> memref<1x32x768xf32, #tpu.memory_space<hbm>>
      %dma_wait3A_1904 = tpu.memref_squeeze %dma_wait3A_1903 : memref<1x32x768xf32, #tpu.memory_space<hbm>> -> memref<32x768xf32, #tpu.memory_space<hbm>>
      tpu.wait_dma2 semaphore(%run_scoped3A_9 : memref<!tpu.dma_semaphore, #tpu.memory_space<semaphore_mem>>) src(%run_scoped3A_1 : memref<32x768xf32, #tpu.memory_space<vmem>>) dst(%dma_wait3A_1904 : memref<32x768xf32, #tpu.memory_space<hbm>>)
      %dma_start3A_1905 = arith.constant 992 : i32
      %dma_start3A_1906 = tpu.memref_slice %run_scoped3A_4[%dma_start3A_1905] : memref<1280xi32, #tpu.memory_space<vmem>> -> memref<32xi32, #tpu.memory_space<vmem>>
      %dma_start3A_1907 = arith.constant 0 : i32
      %dma_start3A_1908 = arith.constant 0 : i32
      %dma_start3A_1909 = tpu.memref_slice %arg2[%dma_start3A_1907, %dma_start3A_1908] : memref<10240x768xf32, #tpu.memory_space<hbm>> -> memref<10240x768xf32, #tpu.memory_space<hbm>>
      tpu.enqueue_indirect_dma source(%dma_start3A_1909 : memref<10240x768xf32, #tpu.memory_space<hbm>>) target(%run_scoped3A_1 : memref<32x768xf32, #tpu.memory_space<vmem>>) offsets(%dma_start3A_1906 : memref<32xi32, #tpu.memory_space<vmem>>) semaphore(%run_scoped3A_8 : memref<!tpu.dma_semaphore, #tpu.memory_space<semaphore_mem>>)
      %dma_wait3A_1910 = arith.constant 992 : i32
      %dma_wait3A_1911 = tpu.memref_slice %run_scoped3A_4[%dma_wait3A_1910] : memref<1280xi32, #tpu.memory_space<vmem>> -> memref<32xi32, #tpu.memory_space<vmem>>
      %dma_wait3A_1912 = arith.constant 0 : i32
      %dma_wait3A_1913 = arith.constant 0 : i32
      %dma_wait3A_1914 = tpu.memref_slice %arg2[%dma_wait3A_1912, %dma_wait3A_1913] : memref<10240x768xf32, #tpu.memory_space<hbm>> -> memref<10240x768xf32, #tpu.memory_space<hbm>>
      tpu.wait_indirect_dma semaphore(%run_scoped3A_8 : memref<!tpu.dma_semaphore, #tpu.memory_space<semaphore_mem>>) src(%dma_wait3A_1914 : memref<10240x768xf32, #tpu.memory_space<hbm>>) dst(%run_scoped3A_1 : memref<32x768xf32, #tpu.memory_space<vmem>>)
      %dma_start3A_1915 = arith.constant 224 : i32
      %dma_start3A_1916 = arith.constant 0 : i32
      %dma_start3A_1917 = tpu.memref_slice %arg7[%add3A_1104, %dma_start3A_1915, %dma_start3A_1916] : memref<356x256x768xf32, #tpu.memory_space<hbm>> -> memref<1x32x768xf32, #tpu.memory_space<hbm>>
      %dma_start3A_1918 = tpu.memref_squeeze %dma_start3A_1917 : memref<1x32x768xf32, #tpu.memory_space<hbm>> -> memref<32x768xf32, #tpu.memory_space<hbm>>
      %dma_start3A_1919 = arith.constant 224 : i32
      %dma_start3A_1920 = arith.constant 0 : i32
      %dma_start3A_1921 = tpu.memref_slice %arg7[%add3A_1104, %dma_start3A_1919, %dma_start3A_1920] : memref<356x256x768xf32, #tpu.memory_space<hbm>> -> memref<1x32x768xf32, #tpu.memory_space<hbm>>
      %dma_start3A_1922 = tpu.memref_squeeze %dma_start3A_1921 : memref<1x32x768xf32, #tpu.memory_space<hbm>> -> memref<32x768xf32, #tpu.memory_space<hbm>>
      tpu.enqueue_dma source(%run_scoped3A_1 : memref<32x768xf32, #tpu.memory_space<vmem>>) target(%dma_start3A_1922 : memref<32x768xf32, #tpu.memory_space<hbm>>) target_semaphore(%run_scoped3A_9 : memref<!tpu.dma_semaphore, #tpu.memory_space<semaphore_mem>>)
      %dma_wait3A_1923 = arith.constant 160 : i32
      %dma_wait3A_1924 = arith.constant 0 : i32
      %dma_wait3A_1925 = tpu.memref_slice %arg7[%add3A_1104, %dma_wait3A_1923, %dma_wait3A_1924] : memref<356x256x768xf32, #tpu.memory_space<hbm>> -> memref<1x32x768xf32, #tpu.memory_space<hbm>>
      %dma_wait3A_1926 = tpu.memref_squeeze %dma_wait3A_1925 : memref<1x32x768xf32, #tpu.memory_space<hbm>> -> memref<32x768xf32, #tpu.memory_space<hbm>>
      %dma_wait3A_1927 = arith.constant 160 : i32
      %dma_wait3A_1928 = arith.constant 0 : i32
      %dma_wait3A_1929 = tpu.memref_slice %arg7[%add3A_1104, %dma_wait3A_1927, %dma_wait3A_1928] : memref<356x256x768xf32, #tpu.memory_space<hbm>> -> memref<1x32x768xf32, #tpu.memory_space<hbm>>
      %dma_wait3A_1930 = tpu.memref_squeeze %dma_wait3A_1929 : memref<1x32x768xf32, #tpu.memory_space<hbm>> -> memref<32x768xf32, #tpu.memory_space<hbm>>
      tpu.wait_dma2 semaphore(%run_scoped3A_9 : memref<!tpu.dma_semaphore, #tpu.memory_space<semaphore_mem>>) src(%run_scoped3A_2 : memref<32x768xf32, #tpu.memory_space<vmem>>) dst(%dma_wait3A_1930 : memref<32x768xf32, #tpu.memory_space<hbm>>)
      %dma_start3A_1931 = arith.constant 1024 : i32
      %dma_start3A_1932 = tpu.memref_slice %run_scoped3A_4[%dma_start3A_1931] : memref<1280xi32, #tpu.memory_space<vmem>> -> memref<32xi32, #tpu.memory_space<vmem>>
      %dma_start3A_1933 = arith.constant 0 : i32
      %dma_start3A_1934 = arith.constant 0 : i32
      %dma_start3A_1935 = tpu.memref_slice %arg2[%dma_start3A_1933, %dma_start3A_1934] : memref<10240x768xf32, #tpu.memory_space<hbm>> -> memref<10240x768xf32, #tpu.memory_space<hbm>>
      tpu.enqueue_indirect_dma source(%dma_start3A_1935 : memref<10240x768xf32, #tpu.memory_space<hbm>>) target(%run_scoped3A_2 : memref<32x768xf32, #tpu.memory_space<vmem>>) offsets(%dma_start3A_1932 : memref<32xi32, #tpu.memory_space<vmem>>) semaphore(%run_scoped3A_8 : memref<!tpu.dma_semaphore, #tpu.memory_space<semaphore_mem>>)
      %dma_wait3A_1936 = arith.constant 1024 : i32
      %dma_wait3A_1937 = tpu.memref_slice %run_scoped3A_4[%dma_wait3A_1936] : memref<1280xi32, #tpu.memory_space<vmem>> -> memref<32xi32, #tpu.memory_space<vmem>>
      %dma_wait3A_1938 = arith.constant 0 : i32
      %dma_wait3A_1939 = arith.constant 0 : i32
      %dma_wait3A_1940 = tpu.memref_slice %arg2[%dma_wait3A_1938, %dma_wait3A_1939] : memref<10240x768xf32, #tpu.memory_space<hbm>> -> memref<10240x768xf32, #tpu.memory_space<hbm>>
      tpu.wait_indirect_dma semaphore(%run_scoped3A_8 : memref<!tpu.dma_semaphore, #tpu.memory_space<semaphore_mem>>) src(%dma_wait3A_1940 : memref<10240x768xf32, #tpu.memory_space<hbm>>) dst(%run_scoped3A_2 : memref<32x768xf32, #tpu.memory_space<vmem>>)
      %dma_start3A_1941 = arith.constant 0 : i32
      %dma_start3A_1942 = arith.constant 0 : i32
      %dma_start3A_1943 = tpu.memref_slice %arg7[%add3A_1108, %dma_start3A_1941, %dma_start3A_1942] : memref<356x256x768xf32, #tpu.memory_space<hbm>> -> memref<1x32x768xf32, #tpu.memory_space<hbm>>
      %dma_start3A_1944 = tpu.memref_squeeze %dma_start3A_1943 : memref<1x32x768xf32, #tpu.memory_space<hbm>> -> memref<32x768xf32, #tpu.memory_space<hbm>>
      %dma_start3A_1945 = arith.constant 0 : i32
      %dma_start3A_1946 = arith.constant 0 : i32
      %dma_start3A_1947 = tpu.memref_slice %arg7[%add3A_1108, %dma_start3A_1945, %dma_start3A_1946] : memref<356x256x768xf32, #tpu.memory_space<hbm>> -> memref<1x32x768xf32, #tpu.memory_space<hbm>>
      %dma_start3A_1948 = tpu.memref_squeeze %dma_start3A_1947 : memref<1x32x768xf32, #tpu.memory_space<hbm>> -> memref<32x768xf32, #tpu.memory_space<hbm>>
      tpu.enqueue_dma source(%run_scoped3A_2 : memref<32x768xf32, #tpu.memory_space<vmem>>) target(%dma_start3A_1948 : memref<32x768xf32, #tpu.memory_space<hbm>>) target_semaphore(%run_scoped3A_9 : memref<!tpu.dma_semaphore, #tpu.memory_space<semaphore_mem>>)
      %dma_wait3A_1949 = arith.constant 192 : i32
      %dma_wait3A_1950 = arith.constant 0 : i32
      %dma_wait3A_1951 = tpu.memref_slice %arg7[%add3A_1104, %dma_wait3A_1949, %dma_wait3A_1950] : memref<356x256x768xf32, #tpu.memory_space<hbm>> -> memref<1x32x768xf32, #tpu.memory_space<hbm>>
      %dma_wait3A_1952 = tpu.memref_squeeze %dma_wait3A_1951 : memref<1x32x768xf32, #tpu.memory_space<hbm>> -> memref<32x768xf32, #tpu.memory_space<hbm>>
      %dma_wait3A_1953 = arith.constant 192 : i32
      %dma_wait3A_1954 = arith.constant 0 : i32
      %dma_wait3A_1955 = tpu.memref_slice %arg7[%add3A_1104, %dma_wait3A_1953, %dma_wait3A_1954] : memref<356x256x768xf32, #tpu.memory_space<hbm>> -> memref<1x32x768xf32, #tpu.memory_space<hbm>>
      %dma_wait3A_1956 = tpu.memref_squeeze %dma_wait3A_1955 : memref<1x32x768xf32, #tpu.memory_space<hbm>> -> memref<32x768xf32, #tpu.memory_space<hbm>>
      tpu.wait_dma2 semaphore(%run_scoped3A_9 : memref<!tpu.dma_semaphore, #tpu.memory_space<semaphore_mem>>) src(%run_scoped3A : memref<32x768xf32, #tpu.memory_space<vmem>>) dst(%dma_wait3A_1956 : memref<32x768xf32, #tpu.memory_space<hbm>>)
      %dma_start3A_1957 = arith.constant 1056 : i32
      %dma_start3A_1958 = tpu.memref_slice %run_scoped3A_4[%dma_start3A_1957] : memref<1280xi32, #tpu.memory_space<vmem>> -> memref<32xi32, #tpu.memory_space<vmem>>
      %dma_start3A_1959 = arith.constant 0 : i32
      %dma_start3A_1960 = arith.constant 0 : i32
      %dma_start3A_1961 = tpu.memref_slice %arg2[%dma_start3A_1959, %dma_start3A_1960] : memref<10240x768xf32, #tpu.memory_space<hbm>> -> memref<10240x768xf32, #tpu.memory_space<hbm>>
      tpu.enqueue_indirect_dma source(%dma_start3A_1961 : memref<10240x768xf32, #tpu.memory_space<hbm>>) target(%run_scoped3A : memref<32x768xf32, #tpu.memory_space<vmem>>) offsets(%dma_start3A_1958 : memref<32xi32, #tpu.memory_space<vmem>>) semaphore(%run_scoped3A_8 : memref<!tpu.dma_semaphore, #tpu.memory_space<semaphore_mem>>)
      %dma_wait3A_1962 = arith.constant 1056 : i32
      %dma_wait3A_1963 = tpu.memref_slice %run_scoped3A_4[%dma_wait3A_1962] : memref<1280xi32, #tpu.memory_space<vmem>> -> memref<32xi32, #tpu.memory_space<vmem>>
      %dma_wait3A_1964 = arith.constant 0 : i32
      %dma_wait3A_1965 = arith.constant 0 : i32
      %dma_wait3A_1966 = tpu.memref_slice %arg2[%dma_wait3A_1964, %dma_wait3A_1965] : memref<10240x768xf32, #tpu.memory_space<hbm>> -> memref<10240x768xf32, #tpu.memory_space<hbm>>
      tpu.wait_indirect_dma semaphore(%run_scoped3A_8 : memref<!tpu.dma_semaphore, #tpu.memory_space<semaphore_mem>>) src(%dma_wait3A_1966 : memref<10240x768xf32, #tpu.memory_space<hbm>>) dst(%run_scoped3A : memref<32x768xf32, #tpu.memory_space<vmem>>)
      %dma_start3A_1967 = arith.constant 32 : i32
      %dma_start3A_1968 = arith.constant 0 : i32
      %dma_start3A_1969 = tpu.memref_slice %arg7[%add3A_1108, %dma_start3A_1967, %dma_start3A_1968] : memref<356x256x768xf32, #tpu.memory_space<hbm>> -> memref<1x32x768xf32, #tpu.memory_space<hbm>>
      %dma_start3A_1970 = tpu.memref_squeeze %dma_start3A_1969 : memref<1x32x768xf32, #tpu.memory_space<hbm>> -> memref<32x768xf32, #tpu.memory_space<hbm>>
      %dma_start3A_1971 = arith.constant 32 : i32
      %dma_start3A_1972 = arith.constant 0 : i32
      %dma_start3A_1973 = tpu.memref_slice %arg7[%add3A_1108, %dma_start3A_1971, %dma_start3A_1972] : memref<356x256x768xf32, #tpu.memory_space<hbm>> -> memref<1x32x768xf32, #tpu.memory_space<hbm>>
      %dma_start3A_1974 = tpu.memref_squeeze %dma_start3A_1973 : memref<1x32x768xf32, #tpu.memory_space<hbm>> -> memref<32x768xf32, #tpu.memory_space<hbm>>
      tpu.enqueue_dma source(%run_scoped3A : memref<32x768xf32, #tpu.memory_space<vmem>>) target(%dma_start3A_1974 : memref<32x768xf32, #tpu.memory_space<hbm>>) target_semaphore(%run_scoped3A_9 : memref<!tpu.dma_semaphore, #tpu.memory_space<semaphore_mem>>)
      %dma_wait3A_1975 = arith.constant 224 : i32
      %dma_wait3A_1976 = arith.constant 0 : i32
      %dma_wait3A_1977 = tpu.memref_slice %arg7[%add3A_1104, %dma_wait3A_1975, %dma_wait3A_1976] : memref<356x256x768xf32, #tpu.memory_space<hbm>> -> memref<1x32x768xf32, #tpu.memory_space<hbm>>
      %dma_wait3A_1978 = tpu.memref_squeeze %dma_wait3A_1977 : memref<1x32x768xf32, #tpu.memory_space<hbm>> -> memref<32x768xf32, #tpu.memory_space<hbm>>
      %dma_wait3A_1979 = arith.constant 224 : i32
      %dma_wait3A_1980 = arith.constant 0 : i32
      %dma_wait3A_1981 = tpu.memref_slice %arg7[%add3A_1104, %dma_wait3A_1979, %dma_wait3A_1980] : memref<356x256x768xf32, #tpu.memory_space<hbm>> -> memref<1x32x768xf32, #tpu.memory_space<hbm>>
      %dma_wait3A_1982 = tpu.memref_squeeze %dma_wait3A_1981 : memref<1x32x768xf32, #tpu.memory_space<hbm>> -> memref<32x768xf32, #tpu.memory_space<hbm>>
      tpu.wait_dma2 semaphore(%run_scoped3A_9 : memref<!tpu.dma_semaphore, #tpu.memory_space<semaphore_mem>>) src(%run_scoped3A_1 : memref<32x768xf32, #tpu.memory_space<vmem>>) dst(%dma_wait3A_1982 : memref<32x768xf32, #tpu.memory_space<hbm>>)
      %dma_start3A_1983 = arith.constant 1088 : i32
      %dma_start3A_1984 = tpu.memref_slice %run_scoped3A_4[%dma_start3A_1983] : memref<1280xi32, #tpu.memory_space<vmem>> -> memref<32xi32, #tpu.memory_space<vmem>>
      %dma_start3A_1985 = arith.constant 0 : i32
      %dma_start3A_1986 = arith.constant 0 : i32
      %dma_start3A_1987 = tpu.memref_slice %arg2[%dma_start3A_1985, %dma_start3A_1986] : memref<10240x768xf32, #tpu.memory_space<hbm>> -> memref<10240x768xf32, #tpu.memory_space<hbm>>
      tpu.enqueue_indirect_dma source(%dma_start3A_1987 : memref<10240x768xf32, #tpu.memory_space<hbm>>) target(%run_scoped3A_1 : memref<32x768xf32, #tpu.memory_space<vmem>>) offsets(%dma_start3A_1984 : memref<32xi32, #tpu.memory_space<vmem>>) semaphore(%run_scoped3A_8 : memref<!tpu.dma_semaphore, #tpu.memory_space<semaphore_mem>>)
      %dma_wait3A_1988 = arith.constant 1088 : i32
      %dma_wait3A_1989 = tpu.memref_slice %run_scoped3A_4[%dma_wait3A_1988] : memref<1280xi32, #tpu.memory_space<vmem>> -> memref<32xi32, #tpu.memory_space<vmem>>
      %dma_wait3A_1990 = arith.constant 0 : i32
      %dma_wait3A_1991 = arith.constant 0 : i32
      %dma_wait3A_1992 = tpu.memref_slice %arg2[%dma_wait3A_1990, %dma_wait3A_1991] : memref<10240x768xf32, #tpu.memory_space<hbm>> -> memref<10240x768xf32, #tpu.memory_space<hbm>>
      tpu.wait_indirect_dma semaphore(%run_scoped3A_8 : memref<!tpu.dma_semaphore, #tpu.memory_space<semaphore_mem>>) src(%dma_wait3A_1992 : memref<10240x768xf32, #tpu.memory_space<hbm>>) dst(%run_scoped3A_1 : memref<32x768xf32, #tpu.memory_space<vmem>>)
      %dma_start3A_1993 = arith.constant 64 : i32
      %dma_start3A_1994 = arith.constant 0 : i32
      %dma_start3A_1995 = tpu.memref_slice %arg7[%add3A_1108, %dma_start3A_1993, %dma_start3A_1994] : memref<356x256x768xf32, #tpu.memory_space<hbm>> -> memref<1x32x768xf32, #tpu.memory_space<hbm>>
      %dma_start3A_1996 = tpu.memref_squeeze %dma_start3A_1995 : memref<1x32x768xf32, #tpu.memory_space<hbm>> -> memref<32x768xf32, #tpu.memory_space<hbm>>
      %dma_start3A_1997 = arith.constant 64 : i32
      %dma_start3A_1998 = arith.constant 0 : i32
      %dma_start3A_1999 = tpu.memref_slice %arg7[%add3A_1108, %dma_start3A_1997, %dma_start3A_1998] : memref<356x256x768xf32, #tpu.memory_space<hbm>> -> memref<1x32x768xf32, #tpu.memory_space<hbm>>
      %dma_start3A_2000 = tpu.memref_squeeze %dma_start3A_1999 : memref<1x32x768xf32, #tpu.memory_space<hbm>> -> memref<32x768xf32, #tpu.memory_space<hbm>>
      tpu.enqueue_dma source(%run_scoped3A_1 : memref<32x768xf32, #tpu.memory_space<vmem>>) target(%dma_start3A_2000 : memref<32x768xf32, #tpu.memory_space<hbm>>) target_semaphore(%run_scoped3A_9 : memref<!tpu.dma_semaphore, #tpu.memory_space<semaphore_mem>>)
      %dma_wait3A_2001 = arith.constant 0 : i32
      %dma_wait3A_2002 = arith.constant 0 : i32
      %dma_wait3A_2003 = tpu.memref_slice %arg7[%add3A_1108, %dma_wait3A_2001, %dma_wait3A_2002] : memref<356x256x768xf32, #tpu.memory_space<hbm>> -> memref<1x32x768xf32, #tpu.memory_space<hbm>>
      %dma_wait3A_2004 = tpu.memref_squeeze %dma_wait3A_2003 : memref<1x32x768xf32, #tpu.memory_space<hbm>> -> memref<32x768xf32, #tpu.memory_space<hbm>>
      %dma_wait3A_2005 = arith.constant 0 : i32
      %dma_wait3A_2006 = arith.constant 0 : i32
      %dma_wait3A_2007 = tpu.memref_slice %arg7[%add3A_1108, %dma_wait3A_2005, %dma_wait3A_2006] : memref<356x256x768xf32, #tpu.memory_space<hbm>> -> memref<1x32x768xf32, #tpu.memory_space<hbm>>
      %dma_wait3A_2008 = tpu.memref_squeeze %dma_wait3A_2007 : memref<1x32x768xf32, #tpu.memory_space<hbm>> -> memref<32x768xf32, #tpu.memory_space<hbm>>
      tpu.wait_dma2 semaphore(%run_scoped3A_9 : memref<!tpu.dma_semaphore, #tpu.memory_space<semaphore_mem>>) src(%run_scoped3A_2 : memref<32x768xf32, #tpu.memory_space<vmem>>) dst(%dma_wait3A_2008 : memref<32x768xf32, #tpu.memory_space<hbm>>)
      %dma_start3A_2009 = arith.constant 1120 : i32
      %dma_start3A_2010 = tpu.memref_slice %run_scoped3A_4[%dma_start3A_2009] : memref<1280xi32, #tpu.memory_space<vmem>> -> memref<32xi32, #tpu.memory_space<vmem>>
      %dma_start3A_2011 = arith.constant 0 : i32
      %dma_start3A_2012 = arith.constant 0 : i32
      %dma_start3A_2013 = tpu.memref_slice %arg2[%dma_start3A_2011, %dma_start3A_2012] : memref<10240x768xf32, #tpu.memory_space<hbm>> -> memref<10240x768xf32, #tpu.memory_space<hbm>>
      tpu.enqueue_indirect_dma source(%dma_start3A_2013 : memref<10240x768xf32, #tpu.memory_space<hbm>>) target(%run_scoped3A_2 : memref<32x768xf32, #tpu.memory_space<vmem>>) offsets(%dma_start3A_2010 : memref<32xi32, #tpu.memory_space<vmem>>) semaphore(%run_scoped3A_8 : memref<!tpu.dma_semaphore, #tpu.memory_space<semaphore_mem>>)
      %dma_wait3A_2014 = arith.constant 1120 : i32
      %dma_wait3A_2015 = tpu.memref_slice %run_scoped3A_4[%dma_wait3A_2014] : memref<1280xi32, #tpu.memory_space<vmem>> -> memref<32xi32, #tpu.memory_space<vmem>>
      %dma_wait3A_2016 = arith.constant 0 : i32
      %dma_wait3A_2017 = arith.constant 0 : i32
      %dma_wait3A_2018 = tpu.memref_slice %arg2[%dma_wait3A_2016, %dma_wait3A_2017] : memref<10240x768xf32, #tpu.memory_space<hbm>> -> memref<10240x768xf32, #tpu.memory_space<hbm>>
      tpu.wait_indirect_dma semaphore(%run_scoped3A_8 : memref<!tpu.dma_semaphore, #tpu.memory_space<semaphore_mem>>) src(%dma_wait3A_2018 : memref<10240x768xf32, #tpu.memory_space<hbm>>) dst(%run_scoped3A_2 : memref<32x768xf32, #tpu.memory_space<vmem>>)
      %dma_start3A_2019 = arith.constant 96 : i32
      %dma_start3A_2020 = arith.constant 0 : i32
      %dma_start3A_2021 = tpu.memref_slice %arg7[%add3A_1108, %dma_start3A_2019, %dma_start3A_2020] : memref<356x256x768xf32, #tpu.memory_space<hbm>> -> memref<1x32x768xf32, #tpu.memory_space<hbm>>
      %dma_start3A_2022 = tpu.memref_squeeze %dma_start3A_2021 : memref<1x32x768xf32, #tpu.memory_space<hbm>> -> memref<32x768xf32, #tpu.memory_space<hbm>>
      %dma_start3A_2023 = arith.constant 96 : i32
      %dma_start3A_2024 = arith.constant 0 : i32
      %dma_start3A_2025 = tpu.memref_slice %arg7[%add3A_1108, %dma_start3A_2023, %dma_start3A_2024] : memref<356x256x768xf32, #tpu.memory_space<hbm>> -> memref<1x32x768xf32, #tpu.memory_space<hbm>>
      %dma_start3A_2026 = tpu.memref_squeeze %dma_start3A_2025 : memref<1x32x768xf32, #tpu.memory_space<hbm>> -> memref<32x768xf32, #tpu.memory_space<hbm>>
      tpu.enqueue_dma source(%run_scoped3A_2 : memref<32x768xf32, #tpu.memory_space<vmem>>) target(%dma_start3A_2026 : memref<32x768xf32, #tpu.memory_space<hbm>>) target_semaphore(%run_scoped3A_9 : memref<!tpu.dma_semaphore, #tpu.memory_space<semaphore_mem>>)
      %dma_wait3A_2027 = arith.constant 32 : i32
      %dma_wait3A_2028 = arith.constant 0 : i32
      %dma_wait3A_2029 = tpu.memref_slice %arg7[%add3A_1108, %dma_wait3A_2027, %dma_wait3A_2028] : memref<356x256x768xf32, #tpu.memory_space<hbm>> -> memref<1x32x768xf32, #tpu.memory_space<hbm>>
      %dma_wait3A_2030 = tpu.memref_squeeze %dma_wait3A_2029 : memref<1x32x768xf32, #tpu.memory_space<hbm>> -> memref<32x768xf32, #tpu.memory_space<hbm>>
      %dma_wait3A_2031 = arith.constant 32 : i32
      %dma_wait3A_2032 = arith.constant 0 : i32
      %dma_wait3A_2033 = tpu.memref_slice %arg7[%add3A_1108, %dma_wait3A_2031, %dma_wait3A_2032] : memref<356x256x768xf32, #tpu.memory_space<hbm>> -> memref<1x32x768xf32, #tpu.memory_space<hbm>>
      %dma_wait3A_2034 = tpu.memref_squeeze %dma_wait3A_2033 : memref<1x32x768xf32, #tpu.memory_space<hbm>> -> memref<32x768xf32, #tpu.memory_space<hbm>>
      tpu.wait_dma2 semaphore(%run_scoped3A_9 : memref<!tpu.dma_semaphore, #tpu.memory_space<semaphore_mem>>) src(%run_scoped3A : memref<32x768xf32, #tpu.memory_space<vmem>>) dst(%dma_wait3A_2034 : memref<32x768xf32, #tpu.memory_space<hbm>>)
      %dma_start3A_2035 = arith.constant 1152 : i32
      %dma_start3A_2036 = tpu.memref_slice %run_scoped3A_4[%dma_start3A_2035] : memref<1280xi32, #tpu.memory_space<vmem>> -> memref<32xi32, #tpu.memory_space<vmem>>
      %dma_start3A_2037 = arith.constant 0 : i32
      %dma_start3A_2038 = arith.constant 0 : i32
      %dma_start3A_2039 = tpu.memref_slice %arg2[%dma_start3A_2037, %dma_start3A_2038] : memref<10240x768xf32, #tpu.memory_space<hbm>> -> memref<10240x768xf32, #tpu.memory_space<hbm>>
      tpu.enqueue_indirect_dma source(%dma_start3A_2039 : memref<10240x768xf32, #tpu.memory_space<hbm>>) target(%run_scoped3A : memref<32x768xf32, #tpu.memory_space<vmem>>) offsets(%dma_start3A_2036 : memref<32xi32, #tpu.memory_space<vmem>>) semaphore(%run_scoped3A_8 : memref<!tpu.dma_semaphore, #tpu.memory_space<semaphore_mem>>)
      %dma_wait3A_2040 = arith.constant 1152 : i32
      %dma_wait3A_2041 = tpu.memref_slice %run_scoped3A_4[%dma_wait3A_2040] : memref<1280xi32, #tpu.memory_space<vmem>> -> memref<32xi32, #tpu.memory_space<vmem>>
      %dma_wait3A_2042 = arith.constant 0 : i32
      %dma_wait3A_2043 = arith.constant 0 : i32
      %dma_wait3A_2044 = tpu.memref_slice %arg2[%dma_wait3A_2042, %dma_wait3A_2043] : memref<10240x768xf32, #tpu.memory_space<hbm>> -> memref<10240x768xf32, #tpu.memory_space<hbm>>
      tpu.wait_indirect_dma semaphore(%run_scoped3A_8 : memref<!tpu.dma_semaphore, #tpu.memory_space<semaphore_mem>>) src(%dma_wait3A_2044 : memref<10240x768xf32, #tpu.memory_space<hbm>>) dst(%run_scoped3A : memref<32x768xf32, #tpu.memory_space<vmem>>)
      %dma_start3A_2045 = arith.constant 128 : i32
      %dma_start3A_2046 = arith.constant 0 : i32
      %dma_start3A_2047 = tpu.memref_slice %arg7[%add3A_1108, %dma_start3A_2045, %dma_start3A_2046] : memref<356x256x768xf32, #tpu.memory_space<hbm>> -> memref<1x32x768xf32, #tpu.memory_space<hbm>>
      %dma_start3A_2048 = tpu.memref_squeeze %dma_start3A_2047 : memref<1x32x768xf32, #tpu.memory_space<hbm>> -> memref<32x768xf32, #tpu.memory_space<hbm>>
      %dma_start3A_2049 = arith.constant 128 : i32
      %dma_start3A_2050 = arith.constant 0 : i32
      %dma_start3A_2051 = tpu.memref_slice %arg7[%add3A_1108, %dma_start3A_2049, %dma_start3A_2050] : memref<356x256x768xf32, #tpu.memory_space<hbm>> -> memref<1x32x768xf32, #tpu.memory_space<hbm>>
      %dma_start3A_2052 = tpu.memref_squeeze %dma_start3A_2051 : memref<1x32x768xf32, #tpu.memory_space<hbm>> -> memref<32x768xf32, #tpu.memory_space<hbm>>
      tpu.enqueue_dma source(%run_scoped3A : memref<32x768xf32, #tpu.memory_space<vmem>>) target(%dma_start3A_2052 : memref<32x768xf32, #tpu.memory_space<hbm>>) target_semaphore(%run_scoped3A_9 : memref<!tpu.dma_semaphore, #tpu.memory_space<semaphore_mem>>)
      %dma_wait3A_2053 = arith.constant 64 : i32
      %dma_wait3A_2054 = arith.constant 0 : i32
      %dma_wait3A_2055 = tpu.memref_slice %arg7[%add3A_1108, %dma_wait3A_2053, %dma_wait3A_2054] : memref<356x256x768xf32, #tpu.memory_space<hbm>> -> memref<1x32x768xf32, #tpu.memory_space<hbm>>
      %dma_wait3A_2056 = tpu.memref_squeeze %dma_wait3A_2055 : memref<1x32x768xf32, #tpu.memory_space<hbm>> -> memref<32x768xf32, #tpu.memory_space<hbm>>
      %dma_wait3A_2057 = arith.constant 64 : i32
      %dma_wait3A_2058 = arith.constant 0 : i32
      %dma_wait3A_2059 = tpu.memref_slice %arg7[%add3A_1108, %dma_wait3A_2057, %dma_wait3A_2058] : memref<356x256x768xf32, #tpu.memory_space<hbm>> -> memref<1x32x768xf32, #tpu.memory_space<hbm>>
      %dma_wait3A_2060 = tpu.memref_squeeze %dma_wait3A_2059 : memref<1x32x768xf32, #tpu.memory_space<hbm>> -> memref<32x768xf32, #tpu.memory_space<hbm>>
      tpu.wait_dma2 semaphore(%run_scoped3A_9 : memref<!tpu.dma_semaphore, #tpu.memory_space<semaphore_mem>>) src(%run_scoped3A_1 : memref<32x768xf32, #tpu.memory_space<vmem>>) dst(%dma_wait3A_2060 : memref<32x768xf32, #tpu.memory_space<hbm>>)
      %dma_start3A_2061 = arith.constant 1184 : i32
      %dma_start3A_2062 = tpu.memref_slice %run_scoped3A_4[%dma_start3A_2061] : memref<1280xi32, #tpu.memory_space<vmem>> -> memref<32xi32, #tpu.memory_space<vmem>>
      %dma_start3A_2063 = arith.constant 0 : i32
      %dma_start3A_2064 = arith.constant 0 : i32
      %dma_start3A_2065 = tpu.memref_slice %arg2[%dma_start3A_2063, %dma_start3A_2064] : memref<10240x768xf32, #tpu.memory_space<hbm>> -> memref<10240x768xf32, #tpu.memory_space<hbm>>
      tpu.enqueue_indirect_dma source(%dma_start3A_2065 : memref<10240x768xf32, #tpu.memory_space<hbm>>) target(%run_scoped3A_1 : memref<32x768xf32, #tpu.memory_space<vmem>>) offsets(%dma_start3A_2062 : memref<32xi32, #tpu.memory_space<vmem>>) semaphore(%run_scoped3A_8 : memref<!tpu.dma_semaphore, #tpu.memory_space<semaphore_mem>>)
      %dma_wait3A_2066 = arith.constant 1184 : i32
      %dma_wait3A_2067 = tpu.memref_slice %run_scoped3A_4[%dma_wait3A_2066] : memref<1280xi32, #tpu.memory_space<vmem>> -> memref<32xi32, #tpu.memory_space<vmem>>
      %dma_wait3A_2068 = arith.constant 0 : i32
      %dma_wait3A_2069 = arith.constant 0 : i32
      %dma_wait3A_2070 = tpu.memref_slice %arg2[%dma_wait3A_2068, %dma_wait3A_2069] : memref<10240x768xf32, #tpu.memory_space<hbm>> -> memref<10240x768xf32, #tpu.memory_space<hbm>>
      tpu.wait_indirect_dma semaphore(%run_scoped3A_8 : memref<!tpu.dma_semaphore, #tpu.memory_space<semaphore_mem>>) src(%dma_wait3A_2070 : memref<10240x768xf32, #tpu.memory_space<hbm>>) dst(%run_scoped3A_1 : memref<32x768xf32, #tpu.memory_space<vmem>>)
      %dma_start3A_2071 = arith.constant 160 : i32
      %dma_start3A_2072 = arith.constant 0 : i32
      %dma_start3A_2073 = tpu.memref_slice %arg7[%add3A_1108, %dma_start3A_2071, %dma_start3A_2072] : memref<356x256x768xf32, #tpu.memory_space<hbm>> -> memref<1x32x768xf32, #tpu.memory_space<hbm>>
      %dma_start3A_2074 = tpu.memref_squeeze %dma_start3A_2073 : memref<1x32x768xf32, #tpu.memory_space<hbm>> -> memref<32x768xf32, #tpu.memory_space<hbm>>
      %dma_start3A_2075 = arith.constant 160 : i32
      %dma_start3A_2076 = arith.constant 0 : i32
      %dma_start3A_2077 = tpu.memref_slice %arg7[%add3A_1108, %dma_start3A_2075, %dma_start3A_2076] : memref<356x256x768xf32, #tpu.memory_space<hbm>> -> memref<1x32x768xf32, #tpu.memory_space<hbm>>
      %dma_start3A_2078 = tpu.memref_squeeze %dma_start3A_2077 : memref<1x32x768xf32, #tpu.memory_space<hbm>> -> memref<32x768xf32, #tpu.memory_space<hbm>>
      tpu.enqueue_dma source(%run_scoped3A_1 : memref<32x768xf32, #tpu.memory_space<vmem>>) target(%dma_start3A_2078 : memref<32x768xf32, #tpu.memory_space<hbm>>) target_semaphore(%run_scoped3A_9 : memref<!tpu.dma_semaphore, #tpu.memory_space<semaphore_mem>>)
      %dma_wait3A_2079 = arith.constant 96 : i32
      %dma_wait3A_2080 = arith.constant 0 : i32
      %dma_wait3A_2081 = tpu.memref_slice %arg7[%add3A_1108, %dma_wait3A_2079, %dma_wait3A_2080] : memref<356x256x768xf32, #tpu.memory_space<hbm>> -> memref<1x32x768xf32, #tpu.memory_space<hbm>>
      %dma_wait3A_2082 = tpu.memref_squeeze %dma_wait3A_2081 : memref<1x32x768xf32, #tpu.memory_space<hbm>> -> memref<32x768xf32, #tpu.memory_space<hbm>>
      %dma_wait3A_2083 = arith.constant 96 : i32
      %dma_wait3A_2084 = arith.constant 0 : i32
      %dma_wait3A_2085 = tpu.memref_slice %arg7[%add3A_1108, %dma_wait3A_2083, %dma_wait3A_2084] : memref<356x256x768xf32, #tpu.memory_space<hbm>> -> memref<1x32x768xf32, #tpu.memory_space<hbm>>
      %dma_wait3A_2086 = tpu.memref_squeeze %dma_wait3A_2085 : memref<1x32x768xf32, #tpu.memory_space<hbm>> -> memref<32x768xf32, #tpu.memory_space<hbm>>
      tpu.wait_dma2 semaphore(%run_scoped3A_9 : memref<!tpu.dma_semaphore, #tpu.memory_space<semaphore_mem>>) src(%run_scoped3A_2 : memref<32x768xf32, #tpu.memory_space<vmem>>) dst(%dma_wait3A_2086 : memref<32x768xf32, #tpu.memory_space<hbm>>)
      %dma_start3A_2087 = arith.constant 1216 : i32
      %dma_start3A_2088 = tpu.memref_slice %run_scoped3A_4[%dma_start3A_2087] : memref<1280xi32, #tpu.memory_space<vmem>> -> memref<32xi32, #tpu.memory_space<vmem>>
      %dma_start3A_2089 = arith.constant 0 : i32
      %dma_start3A_2090 = arith.constant 0 : i32
      %dma_start3A_2091 = tpu.memref_slice %arg2[%dma_start3A_2089, %dma_start3A_2090] : memref<10240x768xf32, #tpu.memory_space<hbm>> -> memref<10240x768xf32, #tpu.memory_space<hbm>>
      tpu.enqueue_indirect_dma source(%dma_start3A_2091 : memref<10240x768xf32, #tpu.memory_space<hbm>>) target(%run_scoped3A_2 : memref<32x768xf32, #tpu.memory_space<vmem>>) offsets(%dma_start3A_2088 : memref<32xi32, #tpu.memory_space<vmem>>) semaphore(%run_scoped3A_8 : memref<!tpu.dma_semaphore, #tpu.memory_space<semaphore_mem>>)
      %dma_wait3A_2092 = arith.constant 1216 : i32
      %dma_wait3A_2093 = tpu.memref_slice %run_scoped3A_4[%dma_wait3A_2092] : memref<1280xi32, #tpu.memory_space<vmem>> -> memref<32xi32, #tpu.memory_space<vmem>>
      %dma_wait3A_2094 = arith.constant 0 : i32
      %dma_wait3A_2095 = arith.constant 0 : i32
      %dma_wait3A_2096 = tpu.memref_slice %arg2[%dma_wait3A_2094, %dma_wait3A_2095] : memref<10240x768xf32, #tpu.memory_space<hbm>> -> memref<10240x768xf32, #tpu.memory_space<hbm>>
      tpu.wait_indirect_dma semaphore(%run_scoped3A_8 : memref<!tpu.dma_semaphore, #tpu.memory_space<semaphore_mem>>) src(%dma_wait3A_2096 : memref<10240x768xf32, #tpu.memory_space<hbm>>) dst(%run_scoped3A_2 : memref<32x768xf32, #tpu.memory_space<vmem>>)
      %dma_start3A_2097 = arith.constant 192 : i32
      %dma_start3A_2098 = arith.constant 0 : i32
      %dma_start3A_2099 = tpu.memref_slice %arg7[%add3A_1108, %dma_start3A_2097, %dma_start3A_2098] : memref<356x256x768xf32, #tpu.memory_space<hbm>> -> memref<1x32x768xf32, #tpu.memory_space<hbm>>
      %dma_start3A_2100 = tpu.memref_squeeze %dma_start3A_2099 : memref<1x32x768xf32, #tpu.memory_space<hbm>> -> memref<32x768xf32, #tpu.memory_space<hbm>>
      %dma_start3A_2101 = arith.constant 192 : i32
      %dma_start3A_2102 = arith.constant 0 : i32
      %dma_start3A_2103 = tpu.memref_slice %arg7[%add3A_1108, %dma_start3A_2101, %dma_start3A_2102] : memref<356x256x768xf32, #tpu.memory_space<hbm>> -> memref<1x32x768xf32, #tpu.memory_space<hbm>>
      %dma_start3A_2104 = tpu.memref_squeeze %dma_start3A_2103 : memref<1x32x768xf32, #tpu.memory_space<hbm>> -> memref<32x768xf32, #tpu.memory_space<hbm>>
      tpu.enqueue_dma source(%run_scoped3A_2 : memref<32x768xf32, #tpu.memory_space<vmem>>) target(%dma_start3A_2104 : memref<32x768xf32, #tpu.memory_space<hbm>>) target_semaphore(%run_scoped3A_9 : memref<!tpu.dma_semaphore, #tpu.memory_space<semaphore_mem>>)
      %dma_wait3A_2105 = arith.constant 128 : i32
      %dma_wait3A_2106 = arith.constant 0 : i32
      %dma_wait3A_2107 = tpu.memref_slice %arg7[%add3A_1108, %dma_wait3A_2105, %dma_wait3A_2106] : memref<356x256x768xf32, #tpu.memory_space<hbm>> -> memref<1x32x768xf32, #tpu.memory_space<hbm>>
      %dma_wait3A_2108 = tpu.memref_squeeze %dma_wait3A_2107 : memref<1x32x768xf32, #tpu.memory_space<hbm>> -> memref<32x768xf32, #tpu.memory_space<hbm>>
      %dma_wait3A_2109 = arith.constant 128 : i32
      %dma_wait3A_2110 = arith.constant 0 : i32
      %dma_wait3A_2111 = tpu.memref_slice %arg7[%add3A_1108, %dma_wait3A_2109, %dma_wait3A_2110] : memref<356x256x768xf32, #tpu.memory_space<hbm>> -> memref<1x32x768xf32, #tpu.memory_space<hbm>>
      %dma_wait3A_2112 = tpu.memref_squeeze %dma_wait3A_2111 : memref<1x32x768xf32, #tpu.memory_space<hbm>> -> memref<32x768xf32, #tpu.memory_space<hbm>>
      tpu.wait_dma2 semaphore(%run_scoped3A_9 : memref<!tpu.dma_semaphore, #tpu.memory_space<semaphore_mem>>) src(%run_scoped3A : memref<32x768xf32, #tpu.memory_space<vmem>>) dst(%dma_wait3A_2112 : memref<32x768xf32, #tpu.memory_space<hbm>>)
      %dma_start3A_2113 = arith.constant 1248 : i32
      %dma_start3A_2114 = tpu.memref_slice %run_scoped3A_4[%dma_start3A_2113] : memref<1280xi32, #tpu.memory_space<vmem>> -> memref<32xi32, #tpu.memory_space<vmem>>
      %dma_start3A_2115 = arith.constant 0 : i32
      %dma_start3A_2116 = arith.constant 0 : i32
      %dma_start3A_2117 = tpu.memref_slice %arg2[%dma_start3A_2115, %dma_start3A_2116] : memref<10240x768xf32, #tpu.memory_space<hbm>> -> memref<10240x768xf32, #tpu.memory_space<hbm>>
      tpu.enqueue_indirect_dma source(%dma_start3A_2117 : memref<10240x768xf32, #tpu.memory_space<hbm>>) target(%run_scoped3A : memref<32x768xf32, #tpu.memory_space<vmem>>) offsets(%dma_start3A_2114 : memref<32xi32, #tpu.memory_space<vmem>>) semaphore(%run_scoped3A_8 : memref<!tpu.dma_semaphore, #tpu.memory_space<semaphore_mem>>)
      %dma_wait3A_2118 = arith.constant 1248 : i32
      %dma_wait3A_2119 = tpu.memref_slice %run_scoped3A_4[%dma_wait3A_2118] : memref<1280xi32, #tpu.memory_space<vmem>> -> memref<32xi32, #tpu.memory_space<vmem>>
      %dma_wait3A_2120 = arith.constant 0 : i32
      %dma_wait3A_2121 = arith.constant 0 : i32
      %dma_wait3A_2122 = tpu.memref_slice %arg2[%dma_wait3A_2120, %dma_wait3A_2121] : memref<10240x768xf32, #tpu.memory_space<hbm>> -> memref<10240x768xf32, #tpu.memory_space<hbm>>
      tpu.wait_indirect_dma semaphore(%run_scoped3A_8 : memref<!tpu.dma_semaphore, #tpu.memory_space<semaphore_mem>>) src(%dma_wait3A_2122 : memref<10240x768xf32, #tpu.memory_space<hbm>>) dst(%run_scoped3A : memref<32x768xf32, #tpu.memory_space<vmem>>)
      %dma_start3A_2123 = arith.constant 224 : i32
      %dma_start3A_2124 = arith.constant 0 : i32
      %dma_start3A_2125 = tpu.memref_slice %arg7[%add3A_1108, %dma_start3A_2123, %dma_start3A_2124] : memref<356x256x768xf32, #tpu.memory_space<hbm>> -> memref<1x32x768xf32, #tpu.memory_space<hbm>>
      %dma_start3A_2126 = tpu.memref_squeeze %dma_start3A_2125 : memref<1x32x768xf32, #tpu.memory_space<hbm>> -> memref<32x768xf32, #tpu.memory_space<hbm>>
      %dma_start3A_2127 = arith.constant 224 : i32
      %dma_start3A_2128 = arith.constant 0 : i32
      %dma_start3A_2129 = tpu.memref_slice %arg7[%add3A_1108, %dma_start3A_2127, %dma_start3A_2128] : memref<356x256x768xf32, #tpu.memory_space<hbm>> -> memref<1x32x768xf32, #tpu.memory_space<hbm>>
      %dma_start3A_2130 = tpu.memref_squeeze %dma_start3A_2129 : memref<1x32x768xf32, #tpu.memory_space<hbm>> -> memref<32x768xf32, #tpu.memory_space<hbm>>
      tpu.enqueue_dma source(%run_scoped3A : memref<32x768xf32, #tpu.memory_space<vmem>>) target(%dma_start3A_2130 : memref<32x768xf32, #tpu.memory_space<hbm>>) target_semaphore(%run_scoped3A_9 : memref<!tpu.dma_semaphore, #tpu.memory_space<semaphore_mem>>)
      %dma_wait3A_2131 = arith.constant 160 : i32
      %dma_wait3A_2132 = arith.constant 0 : i32
      %dma_wait3A_2133 = tpu.memref_slice %arg7[%add3A_1108, %dma_wait3A_2131, %dma_wait3A_2132] : memref<356x256x768xf32, #tpu.memory_space<hbm>> -> memref<1x32x768xf32, #tpu.memory_space<hbm>>
      %dma_wait3A_2134 = tpu.memref_squeeze %dma_wait3A_2133 : memref<1x32x768xf32, #tpu.memory_space<hbm>> -> memref<32x768xf32, #tpu.memory_space<hbm>>
      %dma_wait3A_2135 = arith.constant 160 : i32
      %dma_wait3A_2136 = arith.constant 0 : i32
      %dma_wait3A_2137 = tpu.memref_slice %arg7[%add3A_1108, %dma_wait3A_2135, %dma_wait3A_2136] : memref<356x256x768xf32, #tpu.memory_space<hbm>> -> memref<1x32x768xf32, #tpu.memory_space<hbm>>
      %dma_wait3A_2138 = tpu.memref_squeeze %dma_wait3A_2137 : memref<1x32x768xf32, #tpu.memory_space<hbm>> -> memref<32x768xf32, #tpu.memory_space<hbm>>
      tpu.wait_dma2 semaphore(%run_scoped3A_9 : memref<!tpu.dma_semaphore, #tpu.memory_space<semaphore_mem>>) src(%run_scoped3A_1 : memref<32x768xf32, #tpu.memory_space<vmem>>) dst(%dma_wait3A_2138 : memref<32x768xf32, #tpu.memory_space<hbm>>)
      %dma_start3A_2139 = arith.constant 0 : i32
      %dma_start3A_2140 = arith.constant 0 : i32
      %dma_start3A_2141 = tpu.memref_slice %run_scoped3A_1[%dma_start3A_2139, %dma_start3A_2140] : memref<32x768xf32, #tpu.memory_space<vmem>> -> memref<32x768xf32, #tpu.memory_space<vmem>>
      %dma_start3A_2142 = arith.constant 0 : i32
      %dma_start3A_2143 = tpu.memref_slice %run_scoped3A_5[%dma_start3A_2142] : memref<64xi32, #tpu.memory_space<vmem>> -> memref<32xi32, #tpu.memory_space<vmem>>
      %dma_start3A_2144 = arith.constant 0 : i32
      %dma_start3A_2145 = arith.constant 0 : i32
      %dma_start3A_2146 = tpu.memref_slice %arg3[%dma_start3A_2144, %dma_start3A_2145] : memref<512x768xf32, #tpu.memory_space<hbm>> -> memref<512x768xf32, #tpu.memory_space<hbm>>
      tpu.enqueue_indirect_dma source(%dma_start3A_2146 : memref<512x768xf32, #tpu.memory_space<hbm>>) target(%dma_start3A_2141 : memref<32x768xf32, #tpu.memory_space<vmem>>) offsets(%dma_start3A_2143 : memref<32xi32, #tpu.memory_space<vmem>>) semaphore(%run_scoped3A_8 : memref<!tpu.dma_semaphore, #tpu.memory_space<semaphore_mem>>)
      %dma_wait3A_2147 = arith.constant 0 : i32
      %dma_wait3A_2148 = arith.constant 0 : i32
      %dma_wait3A_2149 = tpu.memref_slice %run_scoped3A_1[%dma_wait3A_2147, %dma_wait3A_2148] : memref<32x768xf32, #tpu.memory_space<vmem>> -> memref<32x768xf32, #tpu.memory_space<vmem>>
      %dma_wait3A_2150 = arith.constant 0 : i32
      %dma_wait3A_2151 = tpu.memref_slice %run_scoped3A_5[%dma_wait3A_2150] : memref<64xi32, #tpu.memory_space<vmem>> -> memref<32xi32, #tpu.memory_space<vmem>>
      %dma_wait3A_2152 = arith.constant 0 : i32
      %dma_wait3A_2153 = arith.constant 0 : i32
      %dma_wait3A_2154 = tpu.memref_slice %arg3[%dma_wait3A_2152, %dma_wait3A_2153] : memref<512x768xf32, #tpu.memory_space<hbm>> -> memref<512x768xf32, #tpu.memory_space<hbm>>
      tpu.wait_indirect_dma semaphore(%run_scoped3A_8 : memref<!tpu.dma_semaphore, #tpu.memory_space<semaphore_mem>>) src(%dma_wait3A_2154 : memref<512x768xf32, #tpu.memory_space<hbm>>) dst(%dma_wait3A_2149 : memref<32x768xf32, #tpu.memory_space<vmem>>)
      %mul3A_2155 = arith.constant 8 : i32
      %mul3A_2156 = arith.muli %add3A_1112, %mul3A_2155 : i32
      %dma_start3A_2157 = arith.constant 0 : i32
      %dma_start3A_2158 = arith.constant 0 : i32
      %dma_start3A_2159 = tpu.memref_slice %run_scoped3A_1[%dma_start3A_2157, %dma_start3A_2158] : memref<32x768xf32, #tpu.memory_space<vmem>> -> memref<32x768xf32, #tpu.memory_space<vmem>>
      %dma_start3A_2160 = arith.constant 0 : i32
      %dma_start3A_2161 = tpu.memref_slice %arg8[%mul3A_2156, %dma_start3A_2160] : memref<2048x768xf32, #tpu.memory_space<hbm>> -> memref<32x768xf32, #tpu.memory_space<hbm>>
      %dma_start3A_2162 = arith.constant 0 : i32
      %dma_start3A_2163 = tpu.memref_slice %arg8[%mul3A_2156, %dma_start3A_2162] : memref<2048x768xf32, #tpu.memory_space<hbm>> -> memref<32x768xf32, #tpu.memory_space<hbm>>
      %dma_start3A_2164 = arith.constant 0 : i32
      %dma_start3A_2165 = arith.constant 0 : i32
      %dma_start3A_2166 = tpu.memref_slice %run_scoped3A_1[%dma_start3A_2164, %dma_start3A_2165] : memref<32x768xf32, #tpu.memory_space<vmem>> -> memref<32x768xf32, #tpu.memory_space<vmem>>
      tpu.enqueue_dma source(%dma_start3A_2166 : memref<32x768xf32, #tpu.memory_space<vmem>>) target(%dma_start3A_2163 : memref<32x768xf32, #tpu.memory_space<hbm>>) target_semaphore(%run_scoped3A_9 : memref<!tpu.dma_semaphore, #tpu.memory_space<semaphore_mem>>)
      %dma_wait3A_2167 = arith.constant 192 : i32
      %dma_wait3A_2168 = arith.constant 0 : i32
      %dma_wait3A_2169 = tpu.memref_slice %arg7[%add3A_1108, %dma_wait3A_2167, %dma_wait3A_2168] : memref<356x256x768xf32, #tpu.memory_space<hbm>> -> memref<1x32x768xf32, #tpu.memory_space<hbm>>
      %dma_wait3A_2170 = tpu.memref_squeeze %dma_wait3A_2169 : memref<1x32x768xf32, #tpu.memory_space<hbm>> -> memref<32x768xf32, #tpu.memory_space<hbm>>
      %dma_wait3A_2171 = arith.constant 192 : i32
      %dma_wait3A_2172 = arith.constant 0 : i32
      %dma_wait3A_2173 = tpu.memref_slice %arg7[%add3A_1108, %dma_wait3A_2171, %dma_wait3A_2172] : memref<356x256x768xf32, #tpu.memory_space<hbm>> -> memref<1x32x768xf32, #tpu.memory_space<hbm>>
      %dma_wait3A_2174 = tpu.memref_squeeze %dma_wait3A_2173 : memref<1x32x768xf32, #tpu.memory_space<hbm>> -> memref<32x768xf32, #tpu.memory_space<hbm>>
      tpu.wait_dma2 semaphore(%run_scoped3A_9 : memref<!tpu.dma_semaphore, #tpu.memory_space<semaphore_mem>>) src(%run_scoped3A_2 : memref<32x768xf32, #tpu.memory_space<vmem>>) dst(%dma_wait3A_2174 : memref<32x768xf32, #tpu.memory_space<hbm>>)
      %dma_start3A_2175 = arith.constant 0 : i32
      %dma_start3A_2176 = arith.constant 0 : i32
      %dma_start3A_2177 = tpu.memref_slice %run_scoped3A_2[%dma_start3A_2175, %dma_start3A_2176] : memref<32x768xf32, #tpu.memory_space<vmem>> -> memref<32x768xf32, #tpu.memory_space<vmem>>
      %dma_start3A_2178 = arith.constant 32 : i32
      %dma_start3A_2179 = tpu.memref_slice %run_scoped3A_5[%dma_start3A_2178] : memref<64xi32, #tpu.memory_space<vmem>> -> memref<32xi32, #tpu.memory_space<vmem>>
      %dma_start3A_2180 = arith.constant 0 : i32
      %dma_start3A_2181 = arith.constant 0 : i32
      %dma_start3A_2182 = tpu.memref_slice %arg3[%dma_start3A_2180, %dma_start3A_2181] : memref<512x768xf32, #tpu.memory_space<hbm>> -> memref<512x768xf32, #tpu.memory_space<hbm>>
      tpu.enqueue_indirect_dma source(%dma_start3A_2182 : memref<512x768xf32, #tpu.memory_space<hbm>>) target(%dma_start3A_2177 : memref<32x768xf32, #tpu.memory_space<vmem>>) offsets(%dma_start3A_2179 : memref<32xi32, #tpu.memory_space<vmem>>) semaphore(%run_scoped3A_8 : memref<!tpu.dma_semaphore, #tpu.memory_space<semaphore_mem>>)
      %dma_wait3A_2183 = arith.constant 0 : i32
      %dma_wait3A_2184 = arith.constant 0 : i32
      %dma_wait3A_2185 = tpu.memref_slice %run_scoped3A_2[%dma_wait3A_2183, %dma_wait3A_2184] : memref<32x768xf32, #tpu.memory_space<vmem>> -> memref<32x768xf32, #tpu.memory_space<vmem>>
      %dma_wait3A_2186 = arith.constant 32 : i32
      %dma_wait3A_2187 = tpu.memref_slice %run_scoped3A_5[%dma_wait3A_2186] : memref<64xi32, #tpu.memory_space<vmem>> -> memref<32xi32, #tpu.memory_space<vmem>>
      %dma_wait3A_2188 = arith.constant 0 : i32
      %dma_wait3A_2189 = arith.constant 0 : i32
      %dma_wait3A_2190 = tpu.memref_slice %arg3[%dma_wait3A_2188, %dma_wait3A_2189] : memref<512x768xf32, #tpu.memory_space<hbm>> -> memref<512x768xf32, #tpu.memory_space<hbm>>
      tpu.wait_indirect_dma semaphore(%run_scoped3A_8 : memref<!tpu.dma_semaphore, #tpu.memory_space<semaphore_mem>>) src(%dma_wait3A_2190 : memref<512x768xf32, #tpu.memory_space<hbm>>) dst(%dma_wait3A_2185 : memref<32x768xf32, #tpu.memory_space<vmem>>)
      %mul3A_2191 = arith.constant 8 : i32
      %mul3A_2192 = arith.muli %add3A_1116, %mul3A_2191 : i32
      %dma_start3A_2193 = arith.constant 0 : i32
      %dma_start3A_2194 = arith.constant 0 : i32
      %dma_start3A_2195 = tpu.memref_slice %run_scoped3A_2[%dma_start3A_2193, %dma_start3A_2194] : memref<32x768xf32, #tpu.memory_space<vmem>> -> memref<32x768xf32, #tpu.memory_space<vmem>>
      %dma_start3A_2196 = arith.constant 0 : i32
      %dma_start3A_2197 = tpu.memref_slice %arg8[%mul3A_2192, %dma_start3A_2196] : memref<2048x768xf32, #tpu.memory_space<hbm>> -> memref<32x768xf32, #tpu.memory_space<hbm>>
      %dma_start3A_2198 = arith.constant 0 : i32
      %dma_start3A_2199 = tpu.memref_slice %arg8[%mul3A_2192, %dma_start3A_2198] : memref<2048x768xf32, #tpu.memory_space<hbm>> -> memref<32x768xf32, #tpu.memory_space<hbm>>
      %dma_start3A_2200 = arith.constant 0 : i32
      %dma_start3A_2201 = arith.constant 0 : i32
      %dma_start3A_2202 = tpu.memref_slice %run_scoped3A_2[%dma_start3A_2200, %dma_start3A_2201] : memref<32x768xf32, #tpu.memory_space<vmem>> -> memref<32x768xf32, #tpu.memory_space<vmem>>
      tpu.enqueue_dma source(%dma_start3A_2202 : memref<32x768xf32, #tpu.memory_space<vmem>>) target(%dma_start3A_2199 : memref<32x768xf32, #tpu.memory_space<hbm>>) target_semaphore(%run_scoped3A_9 : memref<!tpu.dma_semaphore, #tpu.memory_space<semaphore_mem>>)
      %dma_wait3A_2203 = arith.constant 224 : i32
      %dma_wait3A_2204 = arith.constant 0 : i32
      %dma_wait3A_2205 = tpu.memref_slice %arg7[%add3A_1108, %dma_wait3A_2203, %dma_wait3A_2204] : memref<356x256x768xf32, #tpu.memory_space<hbm>> -> memref<1x32x768xf32, #tpu.memory_space<hbm>>
      %dma_wait3A_2206 = tpu.memref_squeeze %dma_wait3A_2205 : memref<1x32x768xf32, #tpu.memory_space<hbm>> -> memref<32x768xf32, #tpu.memory_space<hbm>>
      %dma_wait3A_2207 = arith.constant 224 : i32
      %dma_wait3A_2208 = arith.constant 0 : i32
      %dma_wait3A_2209 = tpu.memref_slice %arg7[%add3A_1108, %dma_wait3A_2207, %dma_wait3A_2208] : memref<356x256x768xf32, #tpu.memory_space<hbm>> -> memref<1x32x768xf32, #tpu.memory_space<hbm>>
      %dma_wait3A_2210 = tpu.memref_squeeze %dma_wait3A_2209 : memref<1x32x768xf32, #tpu.memory_space<hbm>> -> memref<32x768xf32, #tpu.memory_space<hbm>>
      tpu.wait_dma2 semaphore(%run_scoped3A_9 : memref<!tpu.dma_semaphore, #tpu.memory_space<semaphore_mem>>) src(%run_scoped3A : memref<32x768xf32, #tpu.memory_space<vmem>>) dst(%dma_wait3A_2210 : memref<32x768xf32, #tpu.memory_space<hbm>>)
      %dma_wait3A_2211 = arith.constant 0 : i32
      %dma_wait3A_2212 = arith.constant 0 : i32
      %dma_wait3A_2213 = tpu.memref_slice %run_scoped3A_1[%dma_wait3A_2211, %dma_wait3A_2212] : memref<32x768xf32, #tpu.memory_space<vmem>> -> memref<32x768xf32, #tpu.memory_space<vmem>>
      %dma_wait3A_2214 = arith.constant 0 : i32
      %dma_wait3A_2215 = tpu.memref_slice %arg8[%mul3A_2156, %dma_wait3A_2214] : memref<2048x768xf32, #tpu.memory_space<hbm>> -> memref<32x768xf32, #tpu.memory_space<hbm>>
      %dma_wait3A_2216 = arith.constant 0 : i32
      %dma_wait3A_2217 = tpu.memref_slice %arg8[%mul3A_2156, %dma_wait3A_2216] : memref<2048x768xf32, #tpu.memory_space<hbm>> -> memref<32x768xf32, #tpu.memory_space<hbm>>
      %dma_wait3A_2218 = arith.constant 0 : i32
      %dma_wait3A_2219 = arith.constant 0 : i32
      %dma_wait3A_2220 = tpu.memref_slice %run_scoped3A_1[%dma_wait3A_2218, %dma_wait3A_2219] : memref<32x768xf32, #tpu.memory_space<vmem>> -> memref<32x768xf32, #tpu.memory_space<vmem>>
      tpu.wait_dma2 semaphore(%run_scoped3A_9 : memref<!tpu.dma_semaphore, #tpu.memory_space<semaphore_mem>>) src(%dma_wait3A_2220 : memref<32x768xf32, #tpu.memory_space<vmem>>) dst(%dma_wait3A_2217 : memref<32x768xf32, #tpu.memory_space<hbm>>)
      %dma_wait3A_2221 = arith.constant 0 : i32
      %dma_wait3A_2222 = arith.constant 0 : i32
      %dma_wait3A_2223 = tpu.memref_slice %run_scoped3A_2[%dma_wait3A_2221, %dma_wait3A_2222] : memref<32x768xf32, #tpu.memory_space<vmem>> -> memref<32x768xf32, #tpu.memory_space<vmem>>
      %dma_wait3A_2224 = arith.constant 0 : i32
      %dma_wait3A_2225 = tpu.memref_slice %arg8[%mul3A_2192, %dma_wait3A_2224] : memref<2048x768xf32, #tpu.memory_space<hbm>> -> memref<32x768xf32, #tpu.memory_space<hbm>>
      %dma_wait3A_2226 = arith.constant 0 : i32
      %dma_wait3A_2227 = tpu.memref_slice %arg8[%mul3A_2192, %dma_wait3A_2226] : memref<2048x768xf32, #tpu.memory_space<hbm>> -> memref<32x768xf32, #tpu.memory_space<hbm>>
      %dma_wait3A_2228 = arith.constant 0 : i32
      %dma_wait3A_2229 = arith.constant 0 : i32
      %dma_wait3A_2230 = tpu.memref_slice %run_scoped3A_2[%dma_wait3A_2228, %dma_wait3A_2229] : memref<32x768xf32, #tpu.memory_space<vmem>> -> memref<32x768xf32, #tpu.memory_space<vmem>>
      tpu.wait_dma2 semaphore(%run_scoped3A_9 : memref<!tpu.dma_semaphore, #tpu.memory_space<semaphore_mem>>) src(%dma_wait3A_2230 : memref<32x768xf32, #tpu.memory_space<vmem>>) dst(%dma_wait3A_2227 : memref<32x768xf32, #tpu.memory_space<hbm>>)
      tpu.yield
    }) : () -> ()
    return
  }
}

module attributes {stable_mosaic.version = 14 : i64} {
  func.func @_topk_kernel(%arg0: memref<256x512xf32, #tpu.memory_space<vmem>>, %arg1: memref<256x8xi32, #tpu.memory_space<vmem>>, %arg2: memref<1x1xf32, #tpu.memory_space<vmem>>) attributes {dimension_semantics = [], scalar_prefetch = 0 : i64, scratch_operands = 0 : i64, tpu.core_type = #tpu.core_type<tc>} {
    %get3A = arith.constant 0 : index
    %get3A_0 = arith.constant 0 : index
    %get3A_1 = vector.load %arg0[%get3A, %get3A_0] : memref<256x512xf32, #tpu.memory_space<vmem>>, vector<256x512xf32>
    %iota3A = tpu.iota {dimensions = array<i32: 1>} : vector<256x512xi32>
    %iota3A_2 = tpu.iota {dimensions = array<i32: 1>} : vector<256x8xi32>
    %broadcast_in_dim3A = arith.constant 0 : i32
    %broadcast_in_dim3A_3 = vector.broadcast %broadcast_in_dim3A : i32 to vector<256x8xi32>
    %reduce_max3A = arith.constant dense<0xFF800000> : vector<256xf32>
    %reduce_max3A_4 = vector.multi_reduction <maximumf>, %get3A_1, %reduce_max3A [1] : vector<256x512xf32> to vector<256xf32>
    %broadcast_in_dim3A_5 = vector.shape_cast %reduce_max3A_4 : vector<256xf32> to vector<256x1xf32>
    %eq3A = vector.broadcast %broadcast_in_dim3A_5 : vector<256x1xf32> to vector<256x512xf32>
    %eq3A_6 = arith.cmpf oeq, %get3A_1, %eq3A : vector<256x512xf32>
    %jit3A = arith.constant 512 : i32
    %broadcast_in_dim3A_7 = vector.broadcast %jit3A : i32 to vector<256x512xi32>
    %select_n3A = arith.select %eq3A_6, %iota3A, %broadcast_in_dim3A_7 : vector<256x512xi1>, vector<256x512xi32>
    %reduce_min3A = arith.constant dense<2147483647> : vector<256xi32>
    %reduce_min3A_8 = vector.multi_reduction <minsi>, %select_n3A, %reduce_min3A [1] : vector<256x512xi32> to vector<256xi32>
    %broadcast_in_dim3A_9 = vector.shape_cast %reduce_min3A_8 : vector<256xi32> to vector<256x1xi32>
    %eq3A_10 = arith.constant 0 : i32
    %eq3A_11 = vector.broadcast %eq3A_10 : i32 to vector<256x8xi32>
    %eq3A_12 = arith.cmpi eq, %iota3A_2, %eq3A_11 : vector<256x8xi32>
    %broadcast_in_dim3A_13 = vector.shape_cast %broadcast_in_dim3A_9 : vector<256x1xi32> to vector<256x1xi32>
    %broadcast_in_dim3A_14 = vector.broadcast %broadcast_in_dim3A_13 : vector<256x1xi32> to vector<256x8xi32>
    %select_n3A_15 = arith.select %eq3A_12, %broadcast_in_dim3A_14, %broadcast_in_dim3A_3 : vector<256x8xi1>, vector<256x8xi32>
    %reduce_sum3A = vector.shape_cast %broadcast_in_dim3A_5 : vector<256x1xf32> to vector<1x256x1xf32>
    %reduce_sum3A_16 = arith.constant dense<0.000000e+00> : vector<1xf32>
    %reduce_sum3A_17 = vector.multi_reduction <add>, %reduce_sum3A, %reduce_sum3A_16 [1, 2] : vector<1x256x1xf32> to vector<1xf32>
    %reduce_sum3A_18 = vector.shape_cast %reduce_sum3A_17 : vector<1xf32> to vector<1x1x1xf32>
    %reduce_sum3A_19 = vector.extract %reduce_sum3A_18[0, 0, 0] : f32 from vector<1x1x1xf32>
    %add3A = arith.constant 0.000000e+00 : f32
    %add3A_20 = arith.addf %add3A, %reduce_sum3A_19 : f32
    %eq3A_21 = vector.broadcast %broadcast_in_dim3A_9 : vector<256x1xi32> to vector<256x512xi32>
    %eq3A_22 = arith.cmpi eq, %iota3A, %eq3A_21 : vector<256x512xi32>
    %jit3A_23 = arith.constant 0xFF800000 : f32
    %broadcast_in_dim3A_24 = vector.broadcast %jit3A_23 : f32 to vector<256x512xf32>
    %select_n3A_25 = arith.select %eq3A_22, %broadcast_in_dim3A_24, %get3A_1 : vector<256x512xi1>, vector<256x512xf32>
    %reduce_max3A_26 = arith.constant dense<0xFF800000> : vector<256xf32>
    %reduce_max3A_27 = vector.multi_reduction <maximumf>, %select_n3A_25, %reduce_max3A_26 [1] : vector<256x512xf32> to vector<256xf32>
    %broadcast_in_dim3A_28 = vector.shape_cast %reduce_max3A_27 : vector<256xf32> to vector<256x1xf32>
    %eq3A_29 = vector.broadcast %broadcast_in_dim3A_28 : vector<256x1xf32> to vector<256x512xf32>
    %eq3A_30 = arith.cmpf oeq, %select_n3A_25, %eq3A_29 : vector<256x512xf32>
    %jit3A_31 = arith.constant 512 : i32
    %broadcast_in_dim3A_32 = vector.broadcast %jit3A_31 : i32 to vector<256x512xi32>
    %select_n3A_33 = arith.select %eq3A_30, %iota3A, %broadcast_in_dim3A_32 : vector<256x512xi1>, vector<256x512xi32>
    %reduce_min3A_34 = arith.constant dense<2147483647> : vector<256xi32>
    %reduce_min3A_35 = vector.multi_reduction <minsi>, %select_n3A_33, %reduce_min3A_34 [1] : vector<256x512xi32> to vector<256xi32>
    %broadcast_in_dim3A_36 = vector.shape_cast %reduce_min3A_35 : vector<256xi32> to vector<256x1xi32>
    %eq3A_37 = arith.constant 1 : i32
    %eq3A_38 = vector.broadcast %eq3A_37 : i32 to vector<256x8xi32>
    %eq3A_39 = arith.cmpi eq, %iota3A_2, %eq3A_38 : vector<256x8xi32>
    %broadcast_in_dim3A_40 = vector.shape_cast %broadcast_in_dim3A_36 : vector<256x1xi32> to vector<256x1xi32>
    %broadcast_in_dim3A_41 = vector.broadcast %broadcast_in_dim3A_40 : vector<256x1xi32> to vector<256x8xi32>
    %select_n3A_42 = arith.select %eq3A_39, %broadcast_in_dim3A_41, %select_n3A_15 : vector<256x8xi1>, vector<256x8xi32>
    %reduce_sum3A_43 = vector.shape_cast %broadcast_in_dim3A_28 : vector<256x1xf32> to vector<1x256x1xf32>
    %reduce_sum3A_44 = arith.constant dense<0.000000e+00> : vector<1xf32>
    %reduce_sum3A_45 = vector.multi_reduction <add>, %reduce_sum3A_43, %reduce_sum3A_44 [1, 2] : vector<1x256x1xf32> to vector<1xf32>
    %reduce_sum3A_46 = vector.shape_cast %reduce_sum3A_45 : vector<1xf32> to vector<1x1x1xf32>
    %reduce_sum3A_47 = vector.extract %reduce_sum3A_46[0, 0, 0] : f32 from vector<1x1x1xf32>
    %add3A_48 = arith.addf %add3A_20, %reduce_sum3A_47 : f32
    %eq3A_49 = vector.broadcast %broadcast_in_dim3A_36 : vector<256x1xi32> to vector<256x512xi32>
    %eq3A_50 = arith.cmpi eq, %iota3A, %eq3A_49 : vector<256x512xi32>
    %jit3A_51 = arith.constant 0xFF800000 : f32
    %broadcast_in_dim3A_52 = vector.broadcast %jit3A_51 : f32 to vector<256x512xf32>
    %select_n3A_53 = arith.select %eq3A_50, %broadcast_in_dim3A_52, %select_n3A_25 : vector<256x512xi1>, vector<256x512xf32>
    %reduce_max3A_54 = arith.constant dense<0xFF800000> : vector<256xf32>
    %reduce_max3A_55 = vector.multi_reduction <maximumf>, %select_n3A_53, %reduce_max3A_54 [1] : vector<256x512xf32> to vector<256xf32>
    %broadcast_in_dim3A_56 = vector.shape_cast %reduce_max3A_55 : vector<256xf32> to vector<256x1xf32>
    %eq3A_57 = vector.broadcast %broadcast_in_dim3A_56 : vector<256x1xf32> to vector<256x512xf32>
    %eq3A_58 = arith.cmpf oeq, %select_n3A_53, %eq3A_57 : vector<256x512xf32>
    %jit3A_59 = arith.constant 512 : i32
    %broadcast_in_dim3A_60 = vector.broadcast %jit3A_59 : i32 to vector<256x512xi32>
    %select_n3A_61 = arith.select %eq3A_58, %iota3A, %broadcast_in_dim3A_60 : vector<256x512xi1>, vector<256x512xi32>
    %reduce_min3A_62 = arith.constant dense<2147483647> : vector<256xi32>
    %reduce_min3A_63 = vector.multi_reduction <minsi>, %select_n3A_61, %reduce_min3A_62 [1] : vector<256x512xi32> to vector<256xi32>
    %broadcast_in_dim3A_64 = vector.shape_cast %reduce_min3A_63 : vector<256xi32> to vector<256x1xi32>
    %eq3A_65 = arith.constant 2 : i32
    %eq3A_66 = vector.broadcast %eq3A_65 : i32 to vector<256x8xi32>
    %eq3A_67 = arith.cmpi eq, %iota3A_2, %eq3A_66 : vector<256x8xi32>
    %broadcast_in_dim3A_68 = vector.shape_cast %broadcast_in_dim3A_64 : vector<256x1xi32> to vector<256x1xi32>
    %broadcast_in_dim3A_69 = vector.broadcast %broadcast_in_dim3A_68 : vector<256x1xi32> to vector<256x8xi32>
    %select_n3A_70 = arith.select %eq3A_67, %broadcast_in_dim3A_69, %select_n3A_42 : vector<256x8xi1>, vector<256x8xi32>
    %reduce_sum3A_71 = vector.shape_cast %broadcast_in_dim3A_56 : vector<256x1xf32> to vector<1x256x1xf32>
    %reduce_sum3A_72 = arith.constant dense<0.000000e+00> : vector<1xf32>
    %reduce_sum3A_73 = vector.multi_reduction <add>, %reduce_sum3A_71, %reduce_sum3A_72 [1, 2] : vector<1x256x1xf32> to vector<1xf32>
    %reduce_sum3A_74 = vector.shape_cast %reduce_sum3A_73 : vector<1xf32> to vector<1x1x1xf32>
    %reduce_sum3A_75 = vector.extract %reduce_sum3A_74[0, 0, 0] : f32 from vector<1x1x1xf32>
    %add3A_76 = arith.addf %add3A_48, %reduce_sum3A_75 : f32
    %eq3A_77 = vector.broadcast %broadcast_in_dim3A_64 : vector<256x1xi32> to vector<256x512xi32>
    %eq3A_78 = arith.cmpi eq, %iota3A, %eq3A_77 : vector<256x512xi32>
    %jit3A_79 = arith.constant 0xFF800000 : f32
    %broadcast_in_dim3A_80 = vector.broadcast %jit3A_79 : f32 to vector<256x512xf32>
    %select_n3A_81 = arith.select %eq3A_78, %broadcast_in_dim3A_80, %select_n3A_53 : vector<256x512xi1>, vector<256x512xf32>
    %reduce_max3A_82 = arith.constant dense<0xFF800000> : vector<256xf32>
    %reduce_max3A_83 = vector.multi_reduction <maximumf>, %select_n3A_81, %reduce_max3A_82 [1] : vector<256x512xf32> to vector<256xf32>
    %broadcast_in_dim3A_84 = vector.shape_cast %reduce_max3A_83 : vector<256xf32> to vector<256x1xf32>
    %eq3A_85 = vector.broadcast %broadcast_in_dim3A_84 : vector<256x1xf32> to vector<256x512xf32>
    %eq3A_86 = arith.cmpf oeq, %select_n3A_81, %eq3A_85 : vector<256x512xf32>
    %jit3A_87 = arith.constant 512 : i32
    %broadcast_in_dim3A_88 = vector.broadcast %jit3A_87 : i32 to vector<256x512xi32>
    %select_n3A_89 = arith.select %eq3A_86, %iota3A, %broadcast_in_dim3A_88 : vector<256x512xi1>, vector<256x512xi32>
    %reduce_min3A_90 = arith.constant dense<2147483647> : vector<256xi32>
    %reduce_min3A_91 = vector.multi_reduction <minsi>, %select_n3A_89, %reduce_min3A_90 [1] : vector<256x512xi32> to vector<256xi32>
    %broadcast_in_dim3A_92 = vector.shape_cast %reduce_min3A_91 : vector<256xi32> to vector<256x1xi32>
    %eq3A_93 = arith.constant 3 : i32
    %eq3A_94 = vector.broadcast %eq3A_93 : i32 to vector<256x8xi32>
    %eq3A_95 = arith.cmpi eq, %iota3A_2, %eq3A_94 : vector<256x8xi32>
    %broadcast_in_dim3A_96 = vector.shape_cast %broadcast_in_dim3A_92 : vector<256x1xi32> to vector<256x1xi32>
    %broadcast_in_dim3A_97 = vector.broadcast %broadcast_in_dim3A_96 : vector<256x1xi32> to vector<256x8xi32>
    %select_n3A_98 = arith.select %eq3A_95, %broadcast_in_dim3A_97, %select_n3A_70 : vector<256x8xi1>, vector<256x8xi32>
    %reduce_sum3A_99 = vector.shape_cast %broadcast_in_dim3A_84 : vector<256x1xf32> to vector<1x256x1xf32>
    %reduce_sum3A_100 = arith.constant dense<0.000000e+00> : vector<1xf32>
    %reduce_sum3A_101 = vector.multi_reduction <add>, %reduce_sum3A_99, %reduce_sum3A_100 [1, 2] : vector<1x256x1xf32> to vector<1xf32>
    %reduce_sum3A_102 = vector.shape_cast %reduce_sum3A_101 : vector<1xf32> to vector<1x1x1xf32>
    %reduce_sum3A_103 = vector.extract %reduce_sum3A_102[0, 0, 0] : f32 from vector<1x1x1xf32>
    %add3A_104 = arith.addf %add3A_76, %reduce_sum3A_103 : f32
    %eq3A_105 = vector.broadcast %broadcast_in_dim3A_92 : vector<256x1xi32> to vector<256x512xi32>
    %eq3A_106 = arith.cmpi eq, %iota3A, %eq3A_105 : vector<256x512xi32>
    %jit3A_107 = arith.constant 0xFF800000 : f32
    %broadcast_in_dim3A_108 = vector.broadcast %jit3A_107 : f32 to vector<256x512xf32>
    %select_n3A_109 = arith.select %eq3A_106, %broadcast_in_dim3A_108, %select_n3A_81 : vector<256x512xi1>, vector<256x512xf32>
    %reduce_max3A_110 = arith.constant dense<0xFF800000> : vector<256xf32>
    %reduce_max3A_111 = vector.multi_reduction <maximumf>, %select_n3A_109, %reduce_max3A_110 [1] : vector<256x512xf32> to vector<256xf32>
    %broadcast_in_dim3A_112 = vector.shape_cast %reduce_max3A_111 : vector<256xf32> to vector<256x1xf32>
    %eq3A_113 = vector.broadcast %broadcast_in_dim3A_112 : vector<256x1xf32> to vector<256x512xf32>
    %eq3A_114 = arith.cmpf oeq, %select_n3A_109, %eq3A_113 : vector<256x512xf32>
    %jit3A_115 = arith.constant 512 : i32
    %broadcast_in_dim3A_116 = vector.broadcast %jit3A_115 : i32 to vector<256x512xi32>
    %select_n3A_117 = arith.select %eq3A_114, %iota3A, %broadcast_in_dim3A_116 : vector<256x512xi1>, vector<256x512xi32>
    %reduce_min3A_118 = arith.constant dense<2147483647> : vector<256xi32>
    %reduce_min3A_119 = vector.multi_reduction <minsi>, %select_n3A_117, %reduce_min3A_118 [1] : vector<256x512xi32> to vector<256xi32>
    %broadcast_in_dim3A_120 = vector.shape_cast %reduce_min3A_119 : vector<256xi32> to vector<256x1xi32>
    %eq3A_121 = arith.constant 4 : i32
    %eq3A_122 = vector.broadcast %eq3A_121 : i32 to vector<256x8xi32>
    %eq3A_123 = arith.cmpi eq, %iota3A_2, %eq3A_122 : vector<256x8xi32>
    %broadcast_in_dim3A_124 = vector.shape_cast %broadcast_in_dim3A_120 : vector<256x1xi32> to vector<256x1xi32>
    %broadcast_in_dim3A_125 = vector.broadcast %broadcast_in_dim3A_124 : vector<256x1xi32> to vector<256x8xi32>
    %select_n3A_126 = arith.select %eq3A_123, %broadcast_in_dim3A_125, %select_n3A_98 : vector<256x8xi1>, vector<256x8xi32>
    %reduce_sum3A_127 = vector.shape_cast %broadcast_in_dim3A_112 : vector<256x1xf32> to vector<1x256x1xf32>
    %reduce_sum3A_128 = arith.constant dense<0.000000e+00> : vector<1xf32>
    %reduce_sum3A_129 = vector.multi_reduction <add>, %reduce_sum3A_127, %reduce_sum3A_128 [1, 2] : vector<1x256x1xf32> to vector<1xf32>
    %reduce_sum3A_130 = vector.shape_cast %reduce_sum3A_129 : vector<1xf32> to vector<1x1x1xf32>
    %reduce_sum3A_131 = vector.extract %reduce_sum3A_130[0, 0, 0] : f32 from vector<1x1x1xf32>
    %add3A_132 = arith.addf %add3A_104, %reduce_sum3A_131 : f32
    %eq3A_133 = vector.broadcast %broadcast_in_dim3A_120 : vector<256x1xi32> to vector<256x512xi32>
    %eq3A_134 = arith.cmpi eq, %iota3A, %eq3A_133 : vector<256x512xi32>
    %jit3A_135 = arith.constant 0xFF800000 : f32
    %broadcast_in_dim3A_136 = vector.broadcast %jit3A_135 : f32 to vector<256x512xf32>
    %select_n3A_137 = arith.select %eq3A_134, %broadcast_in_dim3A_136, %select_n3A_109 : vector<256x512xi1>, vector<256x512xf32>
    %reduce_max3A_138 = arith.constant dense<0xFF800000> : vector<256xf32>
    %reduce_max3A_139 = vector.multi_reduction <maximumf>, %select_n3A_137, %reduce_max3A_138 [1] : vector<256x512xf32> to vector<256xf32>
    %broadcast_in_dim3A_140 = vector.shape_cast %reduce_max3A_139 : vector<256xf32> to vector<256x1xf32>
    %eq3A_141 = vector.broadcast %broadcast_in_dim3A_140 : vector<256x1xf32> to vector<256x512xf32>
    %eq3A_142 = arith.cmpf oeq, %select_n3A_137, %eq3A_141 : vector<256x512xf32>
    %jit3A_143 = arith.constant 512 : i32
    %broadcast_in_dim3A_144 = vector.broadcast %jit3A_143 : i32 to vector<256x512xi32>
    %select_n3A_145 = arith.select %eq3A_142, %iota3A, %broadcast_in_dim3A_144 : vector<256x512xi1>, vector<256x512xi32>
    %reduce_min3A_146 = arith.constant dense<2147483647> : vector<256xi32>
    %reduce_min3A_147 = vector.multi_reduction <minsi>, %select_n3A_145, %reduce_min3A_146 [1] : vector<256x512xi32> to vector<256xi32>
    %broadcast_in_dim3A_148 = vector.shape_cast %reduce_min3A_147 : vector<256xi32> to vector<256x1xi32>
    %eq3A_149 = arith.constant 5 : i32
    %eq3A_150 = vector.broadcast %eq3A_149 : i32 to vector<256x8xi32>
    %eq3A_151 = arith.cmpi eq, %iota3A_2, %eq3A_150 : vector<256x8xi32>
    %broadcast_in_dim3A_152 = vector.shape_cast %broadcast_in_dim3A_148 : vector<256x1xi32> to vector<256x1xi32>
    %broadcast_in_dim3A_153 = vector.broadcast %broadcast_in_dim3A_152 : vector<256x1xi32> to vector<256x8xi32>
    %select_n3A_154 = arith.select %eq3A_151, %broadcast_in_dim3A_153, %select_n3A_126 : vector<256x8xi1>, vector<256x8xi32>
    %reduce_sum3A_155 = vector.shape_cast %broadcast_in_dim3A_140 : vector<256x1xf32> to vector<1x256x1xf32>
    %reduce_sum3A_156 = arith.constant dense<0.000000e+00> : vector<1xf32>
    %reduce_sum3A_157 = vector.multi_reduction <add>, %reduce_sum3A_155, %reduce_sum3A_156 [1, 2] : vector<1x256x1xf32> to vector<1xf32>
    %reduce_sum3A_158 = vector.shape_cast %reduce_sum3A_157 : vector<1xf32> to vector<1x1x1xf32>
    %reduce_sum3A_159 = vector.extract %reduce_sum3A_158[0, 0, 0] : f32 from vector<1x1x1xf32>
    %add3A_160 = arith.addf %add3A_132, %reduce_sum3A_159 : f32
    %eq3A_161 = vector.broadcast %broadcast_in_dim3A_148 : vector<256x1xi32> to vector<256x512xi32>
    %eq3A_162 = arith.cmpi eq, %iota3A, %eq3A_161 : vector<256x512xi32>
    %jit3A_163 = arith.constant 0xFF800000 : f32
    %broadcast_in_dim3A_164 = vector.broadcast %jit3A_163 : f32 to vector<256x512xf32>
    %select_n3A_165 = arith.select %eq3A_162, %broadcast_in_dim3A_164, %select_n3A_137 : vector<256x512xi1>, vector<256x512xf32>
    %reduce_max3A_166 = arith.constant dense<0xFF800000> : vector<256xf32>
    %reduce_max3A_167 = vector.multi_reduction <maximumf>, %select_n3A_165, %reduce_max3A_166 [1] : vector<256x512xf32> to vector<256xf32>
    %broadcast_in_dim3A_168 = vector.shape_cast %reduce_max3A_167 : vector<256xf32> to vector<256x1xf32>
    %eq3A_169 = vector.broadcast %broadcast_in_dim3A_168 : vector<256x1xf32> to vector<256x512xf32>
    %eq3A_170 = arith.cmpf oeq, %select_n3A_165, %eq3A_169 : vector<256x512xf32>
    %jit3A_171 = arith.constant 512 : i32
    %broadcast_in_dim3A_172 = vector.broadcast %jit3A_171 : i32 to vector<256x512xi32>
    %select_n3A_173 = arith.select %eq3A_170, %iota3A, %broadcast_in_dim3A_172 : vector<256x512xi1>, vector<256x512xi32>
    %reduce_min3A_174 = arith.constant dense<2147483647> : vector<256xi32>
    %reduce_min3A_175 = vector.multi_reduction <minsi>, %select_n3A_173, %reduce_min3A_174 [1] : vector<256x512xi32> to vector<256xi32>
    %broadcast_in_dim3A_176 = vector.shape_cast %reduce_min3A_175 : vector<256xi32> to vector<256x1xi32>
    %eq3A_177 = arith.constant 6 : i32
    %eq3A_178 = vector.broadcast %eq3A_177 : i32 to vector<256x8xi32>
    %eq3A_179 = arith.cmpi eq, %iota3A_2, %eq3A_178 : vector<256x8xi32>
    %broadcast_in_dim3A_180 = vector.shape_cast %broadcast_in_dim3A_176 : vector<256x1xi32> to vector<256x1xi32>
    %broadcast_in_dim3A_181 = vector.broadcast %broadcast_in_dim3A_180 : vector<256x1xi32> to vector<256x8xi32>
    %select_n3A_182 = arith.select %eq3A_179, %broadcast_in_dim3A_181, %select_n3A_154 : vector<256x8xi1>, vector<256x8xi32>
    %reduce_sum3A_183 = vector.shape_cast %broadcast_in_dim3A_168 : vector<256x1xf32> to vector<1x256x1xf32>
    %reduce_sum3A_184 = arith.constant dense<0.000000e+00> : vector<1xf32>
    %reduce_sum3A_185 = vector.multi_reduction <add>, %reduce_sum3A_183, %reduce_sum3A_184 [1, 2] : vector<1x256x1xf32> to vector<1xf32>
    %reduce_sum3A_186 = vector.shape_cast %reduce_sum3A_185 : vector<1xf32> to vector<1x1x1xf32>
    %reduce_sum3A_187 = vector.extract %reduce_sum3A_186[0, 0, 0] : f32 from vector<1x1x1xf32>
    %add3A_188 = arith.addf %add3A_160, %reduce_sum3A_187 : f32
    %eq3A_189 = vector.broadcast %broadcast_in_dim3A_176 : vector<256x1xi32> to vector<256x512xi32>
    %eq3A_190 = arith.cmpi eq, %iota3A, %eq3A_189 : vector<256x512xi32>
    %jit3A_191 = arith.constant 0xFF800000 : f32
    %broadcast_in_dim3A_192 = vector.broadcast %jit3A_191 : f32 to vector<256x512xf32>
    %select_n3A_193 = arith.select %eq3A_190, %broadcast_in_dim3A_192, %select_n3A_165 : vector<256x512xi1>, vector<256x512xf32>
    %reduce_max3A_194 = arith.constant dense<0xFF800000> : vector<256xf32>
    %reduce_max3A_195 = vector.multi_reduction <maximumf>, %select_n3A_193, %reduce_max3A_194 [1] : vector<256x512xf32> to vector<256xf32>
    %broadcast_in_dim3A_196 = vector.shape_cast %reduce_max3A_195 : vector<256xf32> to vector<256x1xf32>
    %eq3A_197 = vector.broadcast %broadcast_in_dim3A_196 : vector<256x1xf32> to vector<256x512xf32>
    %eq3A_198 = arith.cmpf oeq, %select_n3A_193, %eq3A_197 : vector<256x512xf32>
    %jit3A_199 = arith.constant 512 : i32
    %broadcast_in_dim3A_200 = vector.broadcast %jit3A_199 : i32 to vector<256x512xi32>
    %select_n3A_201 = arith.select %eq3A_198, %iota3A, %broadcast_in_dim3A_200 : vector<256x512xi1>, vector<256x512xi32>
    %reduce_min3A_202 = arith.constant dense<2147483647> : vector<256xi32>
    %reduce_min3A_203 = vector.multi_reduction <minsi>, %select_n3A_201, %reduce_min3A_202 [1] : vector<256x512xi32> to vector<256xi32>
    %broadcast_in_dim3A_204 = vector.shape_cast %reduce_min3A_203 : vector<256xi32> to vector<256x1xi32>
    %eq3A_205 = arith.constant 7 : i32
    %eq3A_206 = vector.broadcast %eq3A_205 : i32 to vector<256x8xi32>
    %eq3A_207 = arith.cmpi eq, %iota3A_2, %eq3A_206 : vector<256x8xi32>
    %broadcast_in_dim3A_208 = vector.shape_cast %broadcast_in_dim3A_204 : vector<256x1xi32> to vector<256x1xi32>
    %broadcast_in_dim3A_209 = vector.broadcast %broadcast_in_dim3A_208 : vector<256x1xi32> to vector<256x8xi32>
    %select_n3A_210 = arith.select %eq3A_207, %broadcast_in_dim3A_209, %select_n3A_182 : vector<256x8xi1>, vector<256x8xi32>
    %reduce_sum3A_211 = vector.shape_cast %broadcast_in_dim3A_196 : vector<256x1xf32> to vector<1x256x1xf32>
    %reduce_sum3A_212 = arith.constant dense<0.000000e+00> : vector<1xf32>
    %reduce_sum3A_213 = vector.multi_reduction <add>, %reduce_sum3A_211, %reduce_sum3A_212 [1, 2] : vector<1x256x1xf32> to vector<1xf32>
    %reduce_sum3A_214 = vector.shape_cast %reduce_sum3A_213 : vector<1xf32> to vector<1x1x1xf32>
    %reduce_sum3A_215 = vector.extract %reduce_sum3A_214[0, 0, 0] : f32 from vector<1x1x1xf32>
    %add3A_216 = arith.addf %add3A_188, %reduce_sum3A_215 : f32
    %swap3A = arith.constant 0 : index
    %swap3A_217 = arith.constant 0 : index
    %swap3A_218 = vector.load %arg1[%swap3A, %swap3A_217] : memref<256x8xi32, #tpu.memory_space<vmem>>, vector<256x8xi32>
    tpu.vector_store %arg1[%swap3A, %swap3A_217], %select_n3A_210 {strides = array<i32>} : memref<256x8xi32, #tpu.memory_space<vmem>>, vector<256x8xi32>,
    %div3A = arith.constant 2.560000e+02 : f32
    %div3A_219 = arith.divf %add3A_216, %div3A : f32
    %broadcast_in_dim3A_220 = vector.broadcast %div3A_219 : f32 to vector<1x1xf32>
    %swap3A_221 = arith.constant 0 : index
    %swap3A_222 = arith.constant 0 : index
    %swap3A_223 = vector.load %arg2[%swap3A_221, %swap3A_222] : memref<1x1xf32, #tpu.memory_space<vmem>>, vector<1x1xf32>
    tpu.vector_store %arg2[%swap3A_221, %swap3A_222], %broadcast_in_dim3A_220 {strides = array<i32>} : memref<1x1xf32, #tpu.memory_space<vmem>>, vector<1x1xf32>,
    return
  }
}

module attributes {stable_mosaic.version = 14 : i64} {
  func.func @_copy_kernel(%arg0: i32, %arg1: memref<4x256x768xf32, #tpu.memory_space<vmem>>, %arg2: memref<4x256x768xf32, #tpu.memory_space<vmem>>) attributes {dimension_semantics = [#tpu.dimension_semantics<arbitrary>], iteration_bounds = array<i64: 49>, scalar_prefetch = 0 : i64, scratch_operands = 0 : i64, tpu.core_type = #tpu.core_type<tc>, window_params = [{transform_indices = @transform_0, window_bounds = array<i64: 4, 256, 768>}, {transform_indices = @transform_1, window_bounds = array<i64: 4, 256, 768>}]} {
    %get3A = arith.constant 0 : index
    %get3A_0 = arith.constant 0 : index
    %get3A_1 = arith.constant 0 : index
    %get3A_2 = vector.load %arg1[%get3A, %get3A_0, %get3A_1] : memref<4x256x768xf32, #tpu.memory_space<vmem>>, vector<4x256x768xf32>
    %swap3A = arith.constant 0 : index
    %swap3A_3 = arith.constant 0 : index
    %swap3A_4 = arith.constant 0 : index
    %swap3A_5 = vector.load %arg2[%swap3A, %swap3A_3, %swap3A_4] : memref<4x256x768xf32, #tpu.memory_space<vmem>>, vector<4x256x768xf32>
    tpu.vector_store %arg2[%swap3A, %swap3A_3, %swap3A_4], %get3A_2 {strides = array<i32>} : memref<4x256x768xf32, #tpu.memory_space<vmem>>, vector<4x256x768xf32>,
    return
  }
  func.func @transform_0(%arg0: i32) -> (i32, i32, i32) {
    %c0_i32 = arith.constant 0 : i32
    %c0_i32_0 = arith.constant 0 : i32
    %c0_i32_1 = arith.constant 0 : i32
    return %arg0, %c0_i32, %c0_i32_0 : i32, i32, i32
  }
  func.func @transform_1(%arg0: i32) -> (i32, i32, i32) {
    %add3A = arith.constant 40 : i32
    %add3A_0 = arith.addi %add3A, %arg0 : i32
    %c0_i32 = arith.constant 0 : i32
    %c0_i32_1 = arith.constant 0 : i32
    %c0_i32_2 = arith.constant 0 : i32
    return %add3A_0, %c0_i32, %c0_i32_1 : i32, i32, i32
  }
}

</mosaic_0001>

<sc_bundles>
// kernel: kernel.5.cloned.1.call-start
scs
__scs_entry_jumppad:
0x0: {  	(pc) =	sbr.rel $0x88, $3  }
0x1: {  	(tag) =	ssettag $0x0;
	lr =	simm.s32 $0x1  }
0x2: {  	[smem:$0x3F9E] =	sst lr;
	_ =	strace $0xD0000000  }
0x3: {  	_ = 	snop  }
0x4: {  	_ = 	snop  }
0x5: {  	_ = 	snop  }
0x6: {  	_ = 	snop  }
0x7: {  	_ = 	snop  }
__scs_overlays_trampoline_lowered:
0x8: {  	[smem:$0x3FAD] =	sst s0  }
0x9: {  	[smem:$0x3FAE] =	sst s1  }
0xa: {  	[smem:$0x3FAF] =	sst s2  }
0xb: {  	[smem:$0x3FB0] =	sst s3  }
0xc: {  	[smem:$0x3FB1] =	sst s4  }
0xd: {  	[smem:$0x3FB2] =	sst s5  }
0xe: {  	[smem:$0x3FB3] =	sst s6  }
0xf: {  	[smem:$0x3FB4] =	sst s7  }
0x10: {  	[smem:$0x3FB5] =	sst s8  }
0x11: {  	[smem:$0x3FB6] =	sst s9;
	s0 =	simm.s32 @!p0 $0x0  }
0x12: {  	s1 =	sld [smem:$0x3F9C];
	s0 =	simm.s32 @p0 $0x1  }
0x13: {  	[smem:$0x3FB7] =	sst s0;
	s0 =	simm.s32 @!p1 $0x0  }
0x14: {  	s2 =	sld [smem:$0x3F9B];
	s0 =	simm.s32 @p1 $0x1  }
0x15: {  	[smem:$0x3FB8] =	sst s0;
	s0 =	simm.s32 @!p2 $0x0  }
0x16: {  	s3 =	sld [smem:$0x3FDB];
	s0 =	simm.s32 @p2 $0x1  }
0x17: {  	s4 =	simm.s32 $0x1BF5;
	[smem:$0x3FBA] =	sst s0  }
0x18: {  	s0 =	sld [smem:$0x3F9D];
	_ =	swait.ge [sflag:s4], $0x0  }
0x19: {  	s7 =	sld [smem:$0x3F9E]  }
0x1a: {  	s8 =	sadd.s32 $0xFFFFE003, lr  }
0x1b: {  	s9 =	sadd.s32 $0xFFFFFEF7, lr;
	s5 =	simm.s32 $0xFFFFFFFF;
	p2 =	slt.u32 s8, $0xFFFFF086  }
0x1c: {  	p1 =	slt.u32 s9, $0xF7A;
	s5 =	simm.s32 @!p2 $0x0  }
0x1d: {  	s5 =	simm.s32 @p1 $0x1;
	p0 =	seq.s32 s7, s2  }
0x1e: {  	s7 =	smul.u32 @!p0 $0xF7A, s2;
	p2 =	seq.s32 @!p0 s5, $0x0  }
0x1f: {  	s9 =	smul.u32 $0xF7A, s1;
	s8 =	simm.s32 @!p0 $0x1BF5;
	p2 =	por !p2, p0  }
0x20: {  	[sflag:s8] =	ssyncset.s32 @!p0 $0xFFFFF086;
	s6 =	sadd.s32 @!p0 s3, s7;
	s7 =	simm.s32 @!p0 $0x108  }
0x21: {  	s3 =	sadd.s32 s3, s9;
	s6 =	sadd.s32 @!p0 $0x88, s6;
	s7 =	simm.s32 @p2 $0x1082  }
0x22: {  	[simem:s7], [sflag:s8] =	dma.local @!p0 [hbm:s6], $0xF7A  }
0x23: {  	s9 =	sor.u32 $0xD0000000, s2;
	s6 =	simm.s32 $0x108;
	_ =	swait.ge @!p0 [sflag:s8], $0x0  }
0x24: {  	s3 =	sadd.s32 $0x88, s3;
	s6 =	simm.s32 @!p1 $0x1082;
	[sflag:s4] =	ssyncset.s32 $0xFFFFF086  }
0x25: {  	[simem:s6], [sflag:s4] =	dma.local [hbm:s3], $0xF7A  }
0x26: {  	[smem:$0x3F9E] =	sst s1;
	(tag) =	ssettag s2;
	_ =	strace s9  }
0x27: {  	s1 =	sld [smem:$0x3FAE]  }
0x28: {  	s2 =	sld [smem:$0x3FAF]  }
0x29: {  	s4 =	sld [smem:$0x3FB1]  }
0x2a: {  	p0 =	seq.s32 s5, $0x0;
	s5 =	sld [smem:$0x3FB2]  }
0x2b: {  	s6 =	sld [smem:$0x3FB3]  }
0x2c: {  	s7 =	sld [smem:$0x3FB4]  }
0x2d: {  	s3 =	simm.s32 $0x108;
	s8 =	sld [smem:$0x3FB5]  }
0x2e: {  	s3 =	simm.s32 @!p0 $0x1082;
	s9 =	sld [smem:$0x3FB6]  }
0x2f: {  	lr =	sadd.s32 s0, s3;
	s0 =	sld [smem:$0x3FAD]  }
0x30: {  	s3 =	sld [smem:$0x3FB0]  }
0x31: {  	[smem:$0x3FB9] =	sst s10  }
0x32: {  	s10 =	sld [smem:$0x3FB7];
	_ =	sdelay $0x3  }
0x33: {  	p0 =	seq.s32 s10, $0x1;
	s10 =	sld [smem:$0x3FB9];
	_ =	sdelay $0x3  }
0x34: {  	[smem:$0x3FB9] =	sst s10  }
0x35: {  	s10 =	sld [smem:$0x3FB8];
	_ =	sdelay $0x3  }
0x36: {  	p1 =	seq.s32 s10, $0x1;
	s10 =	sld [smem:$0x3FB9];
	_ =	sdelay $0x3  }
0x37: {  	[smem:$0x3FB9] =	sst s10  }
0x38: {  	s10 =	sld [smem:$0x3FBA]  }
0x39: {  	_ = 	snop;
	(pc) =	sbr.ind lr, $3  }
0x3a: {  	_ = 	snop  }
0x3b: {  	_ = 	snop  }
0x3c: {  	p2 =	seq.s32 s10, $0x1;
	s10 =	sld [smem:$0x3FB9]  }
0x3d: {  	_ =	shalt  }
0x3e: {  	_ =	shalt  }
0x3f: {  	_ =	shalt  }
0x40: {  	_ =	shalt  }
0x41: {  	_ =	shalt  }
0x42: {  	_ =	shalt  }
0x43: {  	_ =	shalt  }
0x44: {  	_ =	shalt  }
0x45: {  	_ =	shalt  }
0x46: {  	_ =	shalt  }
0x47: {  	_ =	shalt  }
0x48: {  	_ =	shalt  }
0x49: {  	_ =	shalt  }
0x4a: {  	_ =	shalt  }
0x4b: {  	_ =	shalt  }
0x4c: {  	_ =	shalt  }
0x4d: {  	_ =	shalt  }
0x4e: {  	_ =	shalt  }
0x4f: {  	_ =	shalt  }
0x50: {  	_ =	shalt  }
0x51: {  	_ =	shalt  }
0x52: {  	_ =	shalt  }
0x53: {  	_ =	shalt  }
0x54: {  	_ =	shalt  }
0x55: {  	_ =	shalt  }
0x56: {  	_ =	shalt  }
0x57: {  	_ =	shalt  }
0x58: {  	_ =	shalt  }
0x59: {  	_ =	shalt  }
0x5a: {  	_ =	shalt  }
0x5b: {  	_ =	shalt  }
0x5c: {  	_ =	shalt  }
0x5d: {  	_ =	shalt  }
0x5e: {  	_ =	shalt  }
0x5f: {  	_ =	shalt  }
0x60: {  	_ =	shalt  }
0x61: {  	_ =	shalt  }
0x62: {  	_ =	shalt  }
0x63: {  	_ =	shalt  }
0x64: {  	_ =	shalt  }
0x65: {  	_ =	shalt  }
0x66: {  	_ =	shalt  }
0x67: {  	_ =	shalt  }
0x68: {  	_ =	shalt  }
0x69: {  	_ =	shalt  }
0x6a: {  	_ =	shalt  }
0x6b: {  	_ =	shalt  }
0x6c: {  	_ =	shalt  }
0x6d: {  	_ =	shalt  }
0x6e: {  	_ =	shalt  }
0x6f: {  	_ =	shalt  }
0x70: {  	_ =	shalt  }
0x71: {  	_ =	shalt  }
0x72: {  	_ =	shalt  }
0x73: {  	_ =	shalt  }
0x74: {  	_ =	shalt  }
0x75: {  	_ =	shalt  }
0x76: {  	_ =	shalt  }
0x77: {  	_ =	shalt  }
0x78: {  	_ =	shalt  }
0x79: {  	_ =	shalt  }
0x7a: {  	_ =	shalt  }
0x7b: {  	_ =	shalt  }
0x7c: {  	_ =	shalt  }
0x7d: {  	_ =	shalt  }
0x7e: {  	_ =	shalt  }
0x7f: {  	_ =	shalt  }
0x80: {  	_ =	shalt  }
0x81: {  	_ =	shalt  }
0x82: {  	_ =	shalt  }
0x83: {  	_ =	shalt  }
0x84: {  	_ =	shalt  }
0x85: {  	_ =	shalt  }
0x86: {  	_ =	shalt  }
0x87: {  	_ =	shalt  }
.Lfunc_end0:
.L_simem_size_0:
called_computation_lowered:
.L_overlay_start_0:
0x88: {  	s2 =	sld [smem:$0x3FD9]  }
0x89: {  	s3 =	sld [smem:$0x3FFE];
	_ =	sdelay $0x1  }
0x8a: {  	s1 =	srdreg.scid  }
0x8b: {  	s0 =	sand.u32 $0x1, s1  }
0x8c: {  	s14 =	sshll.u32 s0, $0xA;
	s2 =	sadd.s32 s3, s2  }
0x8d: {  	s2 =	sadd.s32 s2, s14  }
0x8e: {  	[smem:$0x3FC5] =	sst s2  }
0x8f: {  	_ = 	snop  }
0x90: {  	s2 =	sld [smem:$0x3FD0];
	_ =	sdelay $0x2  }
0x91: {  	s4 =	simm.s32 $0xA;
	s5 =	simm.s32 $0x10;
	s15 =	sld [smem:$0x3FC7]  }
0x92: {  	[smem:s5], [sflag:s4] =	dma.local [hbm:s2], $0x1  }
0x93: {  	_ =	swait.eq [sflag:s4], $0x1  }
0x94: {  	s16 =	sld [smem:$0x10];
	[sflag:s4] =	ssyncset.done $0x0  }
0x95: {  	s17 =	sld [smem:$0x14];
	[sflag:s4] =	ssyncadd.s32 $0xFFFFFFFF  }
0x96: {  	s18 =	sld [smem:$0x16];
	(tm) =	ssettm $0x1  }
0x97: {  	s6 =	sld [smem:$0x3FFB];
	_ =	sdelay $0x3  }
0x98: {  	_ =	strace s6  }
0x99: {  	s6 =	sld [smem:$0x3FFC];
	_ =	sdelay $0x3  }
0x9a: {  	_ =	strace s6  }
0x9b: {  	s6 =	sld [smem:$0x3FFD];
	_ =	sdelay $0x3  }
0x9c: {  	_ =	strace s6  }
0x9d: {  	_ =	strace $0x8FFFFFFF  }
0x9e: {  	s19 =	sld [smem:$0x3FDB];
	_ =	sdelay $0x1  }
0x9f: {  	s7 =	simm.s32 $_scs_section_size  }
0xa0: {  	s8 =	simm.s32 $_size__tile_overlayer_lowered;
	s9 =	simm.s32 $_tile_overlayer_lowered  }
0xa1: {  	s22 =	simm.s32 $0x1BFF;
	s21 =	sshll.u32 s9, $0x1;
	s6 =	sadd.s32 s7, s19  }
0xa2: {  	s10 =	simm.s32 $0x0;
	s20 =	sshll.u32 s8, $0x1;
	s8 =	sadd.s32 s21, s6  }
0xa3: {  	[timem:s10], [sflag:s22] =	dma.local [hbm:s8], s20  }
0xa4: {  	_ =	swait.ge [sflag:s22], s20  }
0xa5: {  	s7 =	ssub.s32 $0x0, s20;
	[sflag:s22] =	ssyncset.done $0x0  }
0xa6: {  	[sflag:s22] =	ssyncadd.s32 s7;
	_ =	sdelay $0x1  }
0xa7: {  	s23 =	simm.s32 $0x1B8B  }
0xa8: {  	_ =	swait.ge [sflag:s23], $0x1  }
0xa9: {  	[sflag:s23] =	ssyncset.done $0x0  }
0xaa: {  	s25 =	simm.s32 $0x1B8E;
	s24 =	sld [smem:$0x3FFE];
	[sflag:s23] =	ssyncadd.s32 $0xFFFFFFFF  }
0xab: {  	s26 =	simm.s32 $execute0_lowered;
	[smem:$0x3FD2] =	sst s25  }
0xac: {  	s8 =	sshll.u32 s26, $0x1;
	_ =	strace $0x80000046;
	[dreg:$0x1] =	wrdreg $0xFFFFFFFF  }
0xad: {  	s28 =	simm.s32 $_size_execute0_lowered;
	s6 =	sadd.s32 s6, s8;
	[dreg:$0x0] =	wrdreg $0x0  }
0xae: {  	s8 =	sshll.u32 s28, $0x1;
	[dreg:$0x2] =	wrdreg s6  }
0xaf: {  	[dreg:$0x3] =	wrdreg s8  }
0xb0: {  	[dreg:$0x4] =	wrdreg $0xC0  }
0xb1: {  	_ =	task [dreg:s10], $0x5FFFF  }
0xb2: {  	[dreg:$0x1] =	wrdreg $0xFFFFFFFF  }
0xb3: {  	[dreg:$0x0] =	wrdreg $0x60  }
0xb4: {  	[dreg:$0x2] =	wrdreg s15  }
0xb5: {  	[dreg:$0x3] =	wrdreg s17  }
0xb6: {  	[dreg:$0x4] =	wrdreg s24  }
0xb7: {  	[dreg:$0x5] =	wrdreg s16  }
0xb8: {  	[dreg:$0x6] =	wrdreg s18  }
0xb9: {  	[dreg:$0x7] =	wrdreg $0x9  }
0xba: {  	_ =	task.clear_ibuf [dreg:s10], $0x8FFFF;
	_ =	strace $0x90000046  }
0xbb: {  	s29 =	simm.s32 $0x9;
	_ =	strace $0x80000048  }
0xbc: {  	_ =	swait.ge [sflag:s29], $0x1  }
0xbd: {  	[sflag:s29] =	ssyncadd.s32 $0xFFFFFFFF  }
0xbe: {  	_ =	strace $0x90000048  }
0xbf: {  	_ =	sfence  }
0xc0: {  	s30 =	sld [smem:$0x0];
	_ =	sdelay $0x2  }
0xc1: {  	s31 =	sshll.u32 s1, $0xD;
	s1 =	sshrl.u32 s1, $0x2  }
0xc2: {  	s3 =	sand.u32 $0x4000, s31;
	s1 =	sadd.s32 s1, s30  }
0xc3: {  	s0 =	sor.u32 s3, s0;
	s1 =	sshll.u32 s1, $0x11  }
0xc4: {  	s0 =	sor.u32 s1, s0  }
0xc5: {  	s0 =	sadd.s32 $0x8F2B, s0  }
0xc6: {  	[sflag:s0] =	ssyncadd.remote.s32 $0x1  }
0xc7: {  	_ =	sfence.sel $0xFFFF  }
0xc8: {  	[dreg:$0x0] =	wrdreg $0xFFFFFFFF;
	(pc) =	sbr.abs _section_cstart, $3  }
0xc9: {  	[dreg:$0x1] =	wrdreg $0xFFFFFFFF  }
0xca: {  	_ =	task.clear_ibuf [dreg:s10], $0x2FFFF;
	_ =	strace $0x9FFFFFFF  }
0xcb: {  	(tm) =	ssettm $0x7FFFFFFF  }
tec
execute0_lowered:
.L_overlay_start_1:
0x0: {  	(tag) =	ssettag $0x1  }
0x1: {  	s1 =	rddreg [dreg:$0x0]  }
0x2: {  	s21 =	rddreg [dreg:$0x1]  }
0x3: {  	s0 =	srdreg.scid;
	s2 =	rddreg [dreg:$0x2]  }
0x4: {  	s9 =	stileid.u32;
	s8 =	rddreg [dreg:$0x3];
	s4 =	simm.s32 $0x0  }
0x5: {  	s6 =	sand.u32 $0x1, s0;
	s23 =	sshll.u32 s9, $0x1;
	s0 =	rddreg [dreg:$0x4]  }
0x6: {  	[smem:$0x7FF] =	sst s4;
	s7 =	sadd.s32 $0xC00, s2;
	s9 =	sshrl.u32 s9, $0x1  }
0x7: {  	s12 =	sadd.s32 $0xA00, s2;
	s2 =	sadd.s32 $0x800, s2;
	s5 =	sor.u32 s6, s23  }
0x8: {  	_ =	strace $0x80000047;
	[dreg:$0x6] =	wrdreg s7;
	s16 =	smul.u32 $0x5, s5  }
0x9: {  	s13 =	smul.u32 $0x7FFFEC, s9;
	[dreg:$0x7] =	wrdreg s12;
	s6 =	ssub.s32 $0x2, s6  }
0xa: {  	[dreg:$0x8] =	wrdreg s2;
	s12 =	smul.u32 $0xF0000, s5;
	s15 =	sadd.s32 $0x1, s16  }
0xb: {  	s24 =	sshrl.u32 s6, $0x1;
	s10 =	sadd.s32 $0x2, s16;
	s3 =	sand.u32 $0xFF, s15  }
0xc: {  	s25 =	sshrl.u32 s12, $0x3;
	s11 =	sand.u32 $0xFF, s10;
	s3 =	smul.u32 $0xCD, s3  }
0xd: {  	s17 =	sadd.s32 s13, s16;
	s22 =	sadd.s32 s8, s25;
	s11 =	smul.u32 $0xCD, s11  }
0xe: {  	s28 =	sadd.s32 $0x2400, s22;
	s30 =	sadd.s32 $0x3000, s22;
	[smem:$0x7E7] =	sst s22  }
0xf: {  	s20 =	sadd.s32 $0x3C00, s22;
	[dreg:$0xb] =	wrdreg s28;
	s7 =	sshrl.u32 s3, $0xC  }
0x10: {  	[dreg:$0xc] =	wrdreg s30;
	s3 =	sshrl.u32 s11, $0xC;
	s14 =	smul.u32 $0x7FFFEC, s7  }
0x11: {  	s31 =	sadd.s32 $0x4800, s22;
	[dreg:$0xd] =	wrdreg s20;
	s11 =	smul.u32 $0x7FFFEC, s3  }
0x12: {  	v0 =	vlaneseq.u32;
	[dreg:$0xe] =	wrdreg s31;
	s20 =	sadd.s32 $0x5400, s22;
	s14 =	sadd.s32 s15, s14  }
0x13: {  	v8 =	vmul.u32 $0x80, v0;
	s13 =	sadd.s32 s10, s11;
	s11 =	sadd.s32 $0xC00, s8;
	s15 =	smul.u32 $0x30000, s15  }
0x14: {  	[dreg:$0xf] =	wrdreg s20;
	s10 =	sadd.s32 $0x1800, s8;
	s19 =	sadd.s32 s25, s11  }
0x15: {  	v1 =	vor.u32 s9, v8;
	v9 =	vor.u32 $0x800, v8;
	s2 =	sadd.s32 s25, s10;
	[dreg:$0x9] =	wrdreg s19;
	s15 =	sshrl.u32 s15, $0x3  }
0x16: {  	v10 =	vor.u32 $0x1000, v8;
	s6 =	ssub.s32 s6, s24;
	[tilespmem:$0x1FD90] =	vst v1;
	v1 =	vor.u32 s9, v9;
	[dreg:$0xa] =	wrdreg s2;
	s23 =	sadd.s32 s15, s11  }
0x17: {  	v11 =	vor.u32 $0x1800, v8;
	s18 =	sadd.s32 $0x3, s16;
	[tilespmem:$0x1FDA0] =	vst v1;
	v1 =	vor.u32 s9, v10;
	s25 =	sadd.s32 s15, s10;
	[dreg:$0x10] =	wrdreg s23  }
0x18: {  	v12 =	vor.u32 $0x2000, v8;
	s26 =	sand.u32 $0xFF, s18;
	[tilespmem:$0x1FDB0] =	vst v1;
	v1 =	vor.u32 s9, v11;
	s24 =	sadd.s32 s8, s15;
	[dreg:$0x11] =	wrdreg s25  }
0x19: {  	v13 =	vor.u32 $0x2800, v8;
	[tilespmem:$0x1FDC0] =	vst v1;
	v1 =	vor.u32 s9, v12;
	s19 =	smul.u32 $0xCD, s26;
	s26 =	sadd.s32 $0x2400, s24;
	[smem:$0x7E8] =	sst s24  }
0x1a: {  	v14 =	vor.u32 $0x3000, v8;
	s16 =	sadd.s32 $0x4, s16;
	[tilespmem:$0x1FDD0] =	vst v1;
	v1 =	vor.u32 s9, v13;
	s28 =	sadd.s32 $0x3000, s24;
	[dreg:$0x12] =	wrdreg s26  }
0x1b: {  	v15 =	vor.u32 $0x3800, v8;
	[tilespmem:$0x1FDE0] =	vst v1;
	v1 =	vor.u32 s9, v14;
	s2 =	sshrl.u32 s19, $0xC;
	s31 =	sadd.s32 $0x3C00, s24;
	[dreg:$0x13] =	wrdreg s28  }
0x1c: {  	v16 =	vor.u32 $0x4000, v8;
	[tilespmem:$0x1FDF0] =	vst v1;
	v1 =	vor.u32 s9, v15;
	s20 =	sadd.s32 $0x4800, s24;
	s23 =	sadd.s32 $0x60000, s12;
	[dreg:$0x14] =	wrdreg s31  }
0x1d: {  	v17 =	vor.u32 $0x4800, v8;
	[tilespmem:$0x1FE00] =	vst v1;
	v1 =	vor.u32 s9, v16;
	s24 =	sadd.s32 $0x5400, s24;
	[dreg:$0x15] =	wrdreg s20;
	s20 =	sshrl.u32 s23, $0x3  }
0x1e: {  	v19 =	vor.u32 $0x5000, v8;
	[tilespmem:$0x1FE10] =	vst v1;
	v1 =	vor.u32 s9, v17;
	s22 =	smul.u32 $0x7FFFEC, s2;
	[dreg:$0x16] =	wrdreg s24;
	s25 =	sadd.s32 s20, s11  }
0x1f: {  	v20 =	vor.u32 $0x5800, v8;
	s30 =	sand.u32 $0xFF, s16;
	[tilespmem:$0x1FE20] =	vst v1;
	v1 =	vor.u32 s9, v19;
	s26 =	sadd.s32 s20, s10;
	[dreg:$0x17] =	wrdreg s25  }
0x20: {  	v21 =	vor.u32 $0x6000, v8;
	[tilespmem:$0x1FE30] =	vst v1;
	v1 =	vor.u32 s9, v20;
	s15 =	sadd.s32 s18, s22;
	s22 =	sadd.s32 s8, s20;
	[dreg:$0x18] =	wrdreg s26  }
0x21: {  	v22 =	vor.u32 $0x6800, v8;
	[tilespmem:$0x1FE40] =	vst v1;
	v1 =	vor.u32 s9, v21;
	s19 =	smul.u32 $0xCD, s30;
	s28 =	sadd.s32 $0x2400, s22;
	[smem:$0x7E9] =	sst s22  }
0x22: {  	v23 =	vor.u32 $0x7000, v8;
	s17 =	sshll.u32 s17, $0x9;
	[tilespmem:$0x1FE50] =	vst v1;
	v1 =	vor.u32 s9, v22;
	s30 =	sadd.s32 $0x3000, s22;
	[dreg:$0x19] =	wrdreg s28  }
0x23: {  	v24 =	vor.u32 $0x7800, v8;
	[tilespmem:$0x1FE60] =	vst v1;
	v1 =	vor.u32 s9, v23;
	s23 =	sshrl.u32 s19, $0xC;
	s19 =	sadd.s32 $0x3C00, s22;
	[dreg:$0x1a] =	wrdreg s30  }
0x24: {  	vm0 =	vmmov $0xffff;
	v2 =	vmov s17;
	s24 =	sadd.s32 $0x90000, s12;
	[tilespmem:$0x1FE70] =	vst v1;
	v1 =	vor.u32 s9, v24;
	s20 =	sadd.s32 $0x4800, s22;
	[dreg:$0x1b] =	wrdreg s19  }
0x25: {  	v43 =	vor.u32 s3, v15;
	v44 =	vor.u32 s3, v16;
	s25 =	sshrl.u32 s24, $0x3;
	[tilespmem:$0x1FE80] =	vst v1;
	v1 =	vor.u32 s7, v8;
	s26 =	sadd.s32 $0x5400, s22;
	[dreg:$0x1c] =	wrdreg s20  }
0x26: {  	v45 =	vor.u32 s3, v17;
	v46 =	vor.u32 s3, v19;
	[tilespmem:$0x1FE90] =	vst v1;
	v1 =	vor.u32 s7, v9;
	[dreg:$0x1d] =	wrdreg s26;
	s28 =	sadd.s32 s25, s11  }
0x27: {  	v47 =	vor.u32 s3, v20;
	v48 =	vor.u32 s3, v21;
	s30 =	sadd.s32 s25, s10;
	[tilespmem:$0x1FEA0] =	vst v1;
	v1 =	vor.u32 s7, v10;
	[dreg:$0x1e] =	wrdreg s28  }
0x28: {  	v49 =	vor.u32 s3, v22;
	v50 =	vor.u32 s3, v23;
	s13 =	sshll.u32 s13, $0x9;
	s19 =	sadd.s32 s8, s25;
	[dreg:$0x1f] =	wrdreg s30;
	[tilespmem:$0x1FEB0] =	vst v1;
	v1 =	vor.u32 s7, v11  }
0x29: {  	v51 =	vor.u32 s3, v24;
	v36 =	vmov s13;
	s12 =	sadd.s32 $0xC0000, s12;
	s22 =	sadd.s32 $0x2400, s19;
	[smem:$0x7EE] =	sst s19;
	[tilespmem:$0x1FEC0] =	vst v1;
	v1 =	vor.u32 s7, v12  }
0x2a: {  	v52 =	vor.u32 s2, v8;
	v54 =	vor.u32 s2, v9;
	s31 =	smul.u32 $0x7FFFEC, s23;
	s24 =	sadd.s32 $0x3000, s19;
	[smem:$0x7EA] =	sst s22;
	[tilespmem:$0x1FED0] =	vst v1;
	v1 =	vor.u32 s7, v13  }
0x2b: {  	v55 =	vor.u32 s2, v10;
	v56 =	vor.u32 s2, v11;
	s15 =	sshll.u32 s15, $0x9;
	s25 =	sadd.s32 $0x3C00, s19;
	[smem:$0x7EB] =	sst s24;
	[tilespmem:$0x1FEE0] =	vst v1;
	v1 =	vor.u32 s7, v14  }
0x2c: {  	v57 =	vor.u32 s2, v12;
	v58 =	vor.u32 s2, v13;
	s16 =	sadd.s32 s16, s31;
	s26 =	sadd.s32 $0x4800, s19;
	[smem:$0x7EC] =	sst s25;
	[tilespmem:$0x1FEF0] =	vst v1;
	v1 =	vor.u32 s7, v15  }
0x2d: {  	v59 =	vor.u32 s2, v14;
	v60 =	vor.u32 s2, v15;
	s28 =	sshrl.u32 s12, $0x3;
	s30 =	sadd.s32 $0x5400, s19;
	[smem:$0x7ED] =	sst s26;
	[tilespmem:$0x1FF00] =	vst v1;
	v1 =	vor.u32 s7, v16  }
0x2e: {  	v61 =	vor.u32 s2, v16;
	v62 =	vor.u32 s2, v17;
	s31 =	sshll.u32 s14, $0x9;
	[smem:$0x7EF] =	sst s30;
	s11 =	sadd.s32 s28, s11;
	[tilespmem:$0x1FF10] =	vst v1;
	v1 =	vor.u32 s7, v17  }
0x2f: {  	v63 =	vor.u32 s2, v19;
	v3 =	vor.u32 s2, v21;
	s20 =	sshll.u32 s16, $0x9;
	s10 =	sadd.s32 s28, s10;
	[smem:$0x7F0] =	sst s11;
	[tilespmem:$0x1FF20] =	vst v1;
	v1 =	vor.u32 s7, v19  }
0x30: {  	v4 =	vor.u32 s2, v22;
	v18 =	vmov s31;
	s22 =	sshll.u32 s5, $0x3;
	s31 =	sadd.s32 s8, s28;
	[smem:$0x7F1] =	sst s10;
	[tilespmem:$0x1FF30] =	vst v1;
	v1 =	vor.u32 s7, v20  }
0x31: {  	v5 =	vor.u32 s2, v23;
	v6 =	vor.u32 s2, v24;
	s26 =	sadd.s32 $0x100, s21;
	s28 =	sadd.s32 $0x200, s21;
	[smem:$0x7F6] =	sst s31;
	[tilespmem:$0x1FF40] =	vst v1;
	v1 =	vor.u32 s7, v21  }
0x32: {  	v53 =	vmov s15;
	s30 =	simm.s32 $0x1A580;
	v7 =	vmov s20;
	s17 =	sor.u32 $0x2, s22;
	[smem:$0x7F8] =	sst s26;
	[tilespmem:$0x1FF50] =	vst v1;
	v1 =	vor.u32 s7, v22  }
0x33: {  	s14 =	sor.u32 $0x4, s22;
	s9 =	sor.u32 $0x6, s22;
	[smem:$0x7FA] =	sst s28;
	v25 =	vmov s22;
	v26 =	vmov s17;
	[tilespmem:$0x1FF60] =	vst v1;
	v1 =	vor.u32 s7, v23  }
0x34: {  	s29 =	simm.s32 $0x1;
	s11 =	sadd.s32 $0x2400, s31;
	[smem:$0x7FC] =	sst s30;
	v27 =	vmov s14;
	v28 =	vmov s9;
	[tilespmem:$0x1FF70] =	vst v1;
	v1 =	vor.u32 s7, v24  }
0x35: {  	s5 =	smul.u32 $0x1800, s5;
	s16 =	sadd.s32 $0x3000, s31;
	[smem:$0x7F2] =	sst s11;
	v15 =	vor.u32 s23, v15;
	v16 =	vor.u32 s23, v16;
	[tilespmem:$0x1FF80] =	vst v1;
	v1 =	vor.u32 s3, v8  }
0x36: {  	s8 =	simm.s32 $0xC000;
	s18 =	sadd.s32 $0x3C00, s31;
	[smem:$0x7F3] =	sst s16;
	v17 =	vor.u32 s23, v17;
	v19 =	vor.u32 s23, v19;
	[tilespmem:$0x1FF90] =	vst v1;
	v1 =	vor.u32 s3, v9  }
0x37: {  	s10 =	sadd.s32 $0x100, s1;
	s19 =	sadd.s32 $0x4800, s31;
	[smem:$0x7F4] =	sst s18;
	v21 =	vor.u32 s23, v21;
	v22 =	vor.u32 s23, v22;
	[tilespmem:$0x1FFA0] =	vst v1;
	v1 =	vor.u32 s3, v10  }
0x38: {  	s24 =	sadd.s32 $0x5400, s31;
	s31 =	simm.s32 $0x1A600;
	[smem:$0x7F5] =	sst s19;
	v23 =	vor.u32 s23, v23;
	v24 =	vor.u32 s23, v24;
	[tilespmem:$0x1FFB0] =	vst v1;
	v1 =	vor.u32 s3, v11  }
0x39: {  	s11 =	sadd.s32 $0x200, s1;
	s25 =	smul.u32 $0x300, s14;
	[smem:$0x7F7] =	sst s24;
	v8 =	vor.u32 s23, v8;
	v9 =	vor.u32 s23, v9;
	[tilespmem:$0x1FFC0] =	vst v1;
	v1 =	vor.u32 s3, v12  }
0x3a: {  	s5 =	sadd.s32 s0, s5;
	[smem:$0x7FD] =	sst s31;
	s16 =	simm.s32 $0x12000;
	v10 =	vor.u32 s23, v10;
	v11 =	vor.u32 s23, v11;
	[tilespmem:$0x1FFD0] =	vst v1;
	v1 =	vor.u32 s3, v13  }
0x3b: {  	[smem:$0x7F9] =	sst s5;
	s5 =	smax.u32 s6, $0x1;
	s0 =	sadd.s32 s0, s25;
	v12 =	vor.u32 s23, v12;
	v13 =	vor.u32 s23, v13;
	[tilespmem:$0x1FFE0] =	vst v1;
	v1 =	vor.u32 s3, v14  }
0x3c: {  	[smem:$0x7FB] =	sst s0;
	s7 =	simm.s32 $0x6000;
	v14 =	vor.u32 s23, v14;
	s3 =	simm.s32 $0x2;
	[tilespmem:$0x1FFF0] =	vst v1;
	v1 =	vor.u32 s2, v20;
	v20 =	vor.u32 s23, v20  }
.LBB2_1:
0x3d: {  	s22 =	sld [smem:$0x7FC]  }
0x3e: {  	[smem:$0x7E6] =	sst s5  }
0x3f: {  	s0 =	rddreg [dreg:$0x7];
	s6 =	simm.s32 $0x3  }
0x40: {  	[tilespmem:s22], [sflag:$0x3] =	stream.linear.gather [hbm4b:s0+s4], $0x80, $0x38;
	[tilespmem:$0x1A680] =	vst v63  }
0x41: {  	_ =	swait.ge [sflag:s6], $0x80  }
0x42: {  	s24 =	sld [smem:$0x7FD]  }
0x43: {  	[sflag:s6] =	ssyncset.done $0x0  }
0x44: {  	s23 =	rddreg [dreg:$0x8];
	[sflag:s6] =	ssyncadd.s32 $0xFFFFFF80  }
0x45: {  	[tilespmem:s24], [sflag:$0x3] =	stream.linear.gather [hbm4b:s23+s4], $0x80, $0x38;
	[tilespmem:$0x1A680] =	vst v63  }
0x46: {  	_ =	swait.ge [sflag:s6], $0x80  }
0x47: {  	[sflag:s6] =	ssyncset.done $0x0  }
0x48: {  	s25 =	rddreg [dreg:$0x6];
	[sflag:s6] =	ssyncadd.s32 $0xFFFFFF80  }
0x49: {  	[tilespmem:s16], [sflag:$0x3] =	stream.linear.gather [hbm4b:s25+s4], $0x8000, $0x38;
	[tilespmem:$0x1A680] =	vst v63  }
0x4a: {  	_ =	swait.ge [sflag:s6], $0x8000  }
0x4b: {  	v29 =	vld [tilespmem:$0x1FD90]  }
0x4c: {  	v30 =	vld [tilespmem:$0x1FDA0]  }
0x4d: {  	v31 =	vld [tilespmem:$0x1FDB0];
	_ =	sdelay $0x3  }
0x4e: {  	[sflag:s6] =	ssyncset.done $0x0  }
0x4f: {  	v32 =	vld [tilespmem:$0x1FDF0];
	[sflag:s6] =	ssyncadd.s32 $0xFFFF8000  }
0x50: {  	v29 =	vld.idx.msk [tilespmem:v29+s16+$0x0], $0xffff  }
0x51: {  	v30 =	vld.idx.msk [tilespmem:v30+s16+$0x0], $0xffff  }
0x52: {  	v31 =	vld.idx.msk [tilespmem:v31+s16+$0x0], $0xffff  }
0x53: {  	v33 =	vld [tilespmem:$0x1FE00]  }
0x54: {  	v34 =	vld [tilespmem:$0x1FE10]  }
0x55: {  	v35 =	vld [tilespmem:$0x1FE20];
	v29 =	vadd.s32 v2, v29  }
0x56: {  	v37 =	vld [tilespmem:$0x1FE30];
	[tilespmem:$0x1A000] =	vst v29;
	v29 =	vadd.s32 v2, v30  }
0x57: {  	v38 =	vld [tilespmem:$0x1FE40];
	[tilespmem:$0x1A010] =	vst v29;
	v29 =	vadd.s32 v2, v31  }
0x58: {  	[tilespmem:$0x1A020] =	vst v29;
	v29 =	vld [tilespmem:$0x1FDC0]  }
0x59: {  	v30 =	vld [tilespmem:$0x1FDD0]  }
0x5a: {  	v31 =	vld [tilespmem:$0x1FDE0]  }
0x5b: {  	v39 =	vld [tilespmem:$0x1FE50]  }
0x5c: {  	v42 =	vld [tilespmem:$0x1FE80]  }
0x5d: {  	v40 =	vld [tilespmem:$0x1FE90]  }
0x5e: {  	v41 =	vld [tilespmem:$0x1FEA0]  }
0x5f: {  	v32 =	vld.idx.msk [tilespmem:v32+s16+$0x0], $0xffff  }
0x60: {  	v29 =	vld.idx.msk [tilespmem:v29+s16+$0x0], $0xffff  }
0x61: {  	v30 =	vld.idx.msk [tilespmem:v30+s16+$0x0], $0xffff  }
0x62: {  	v31 =	vld.idx.msk [tilespmem:v31+s16+$0x0], $0xffff  }
0x63: {  	v33 =	vld.idx.msk [tilespmem:v33+s16+$0x0], $0xffff  }
0x64: {  	v34 =	vld.idx.msk [tilespmem:v34+s16+$0x0], $0xffff  }
0x65: {  	v35 =	vld.idx.msk [tilespmem:v35+s16+$0x0], $0xffff;
	v29 =	vadd.s32 v2, v29  }
0x66: {  	[tilespmem:$0x1A030] =	vst v29;
	v29 =	vadd.s32 v2, v30;
	v30 =	vld [tilespmem:$0x1FE60]  }
0x67: {  	[tilespmem:$0x1A040] =	vst v29;
	v29 =	vadd.s32 v2, v31;
	v31 =	vld [tilespmem:$0x1FE70]  }
0x68: {  	[tilespmem:$0x1A050] =	vst v29;
	v29 =	vadd.s32 v2, v32;
	v32 =	vld.idx.msk [tilespmem:v42+s16+$0x0], $0xffff  }
0x69: {  	v42 =	vld [tilespmem:$0x1FEB0]  }
0x6a: {  	[tilespmem:$0x1A060] =	vst v29;
	v29 =	vadd.s32 v2, v33;
	v33 =	vld.idx.msk [tilespmem:v40+s16+$0x0], $0xffff  }
0x6b: {  	v40 =	vld [tilespmem:$0x1FEC0]  }
0x6c: {  	[tilespmem:$0x1A070] =	vst v29;
	v29 =	vadd.s32 v2, v34;
	v34 =	vld.idx.msk [tilespmem:v41+s16+$0x0], $0xffff  }
0x6d: {  	v41 =	vld [tilespmem:$0x1FED0]  }
0x6e: {  	v37 =	vld.idx.msk [tilespmem:v37+s16+$0x0], $0xffff  }
0x6f: {  	v38 =	vld.idx.msk [tilespmem:v38+s16+$0x0], $0xffff  }
0x70: {  	v39 =	vld.idx.msk [tilespmem:v39+s16+$0x0], $0xffff  }
0x71: {  	v30 =	vld.idx.msk [tilespmem:v30+s16+$0x0], $0xffff  }
0x72: {  	[tilespmem:$0x1A080] =	vst v29;
	v29 =	vadd.s32 v2, v35;
	v31 =	vld.idx.msk [tilespmem:v31+s16+$0x0], $0xffff  }
0x73: {  	[tilespmem:$0x1A090] =	vst v29;
	v29 =	vadd.s32 v2, v37;
	v35 =	vld.idx.msk [tilespmem:v42+s16+$0x0], $0xffff  }
0x74: {  	[tilespmem:$0x1A0A0] =	vst v29;
	v29 =	vadd.s32 v2, v38;
	v37 =	vld.idx.msk [tilespmem:v40+s16+$0x0], $0xffff  }
0x75: {  	v38 =	vld.idx.msk [tilespmem:v41+s16+$0x0], $0xffff;
	[tilespmem:$0x1A0B0] =	vst v29  }
0x76: {  	v42 =	vld [tilespmem:$0x1FEE0];
	_ =	sdelay $0x7  }
0x77: {  	v29 =	vadd.s32 v2, v39;
	v39 =	vld.idx.msk [tilespmem:v42+s16+$0x0], $0xffff  }
0x78: {  	v42 =	vld [tilespmem:$0x1FF10];
	_ =	sdelay $0x1  }
0x79: {  	v40 =	vld [tilespmem:$0x1FF20]  }
0x7a: {  	v41 =	vld [tilespmem:$0x1FF30];
	_ =	sdelay $0x2  }
0x7b: {  	[tilespmem:$0x1A0C0] =	vst v29;
	v29 =	vadd.s32 v2, v30;
	v30 =	vld [tilespmem:$0x1FEF0]  }
0x7c: {  	[tilespmem:$0x1A0D0] =	vst v29;
	v29 =	vadd.s32 v2, v31;
	v31 =	vld [tilespmem:$0x1FF00]  }
0x7d: {  	[tilespmem:$0x1A0E0] =	vst v29;
	v29 =	vadd.s32 v2, v32;
	v32 =	vld.idx.msk [tilespmem:v42+s16+$0x0], $0xffff  }
0x7e: {  	v42 =	vld [tilespmem:$0x1FF40]  }
0x7f: {  	[tilespmem:$0x1A0F0] =	vst v29;
	v29 =	vadd.s32 v18, v33;
	v33 =	vld.idx.msk [tilespmem:v40+s16+$0x0], $0xffff  }
0x80: {  	[tilespmem:$0x1A100] =	vst v29;
	v29 =	vadd.s32 v18, v34;
	v34 =	vld.idx.msk [tilespmem:v41+s16+$0x0], $0xffff  }
0x81: {  	v40 =	vld [tilespmem:$0x1FF50]  }
0x82: {  	v41 =	vld [tilespmem:$0x1FF60];
	_ =	sdelay $0x2  }
0x83: {  	v30 =	vld.idx.msk [tilespmem:v30+s16+$0x0], $0xffff  }
0x84: {  	[tilespmem:$0x1A110] =	vst v29;
	v29 =	vadd.s32 v18, v35;
	v35 =	vld.idx.msk [tilespmem:v42+s16+$0x0], $0xffff  }
0x85: {  	v42 =	vld [tilespmem:$0x1FF70]  }
0x86: {  	v31 =	vld.idx.msk [tilespmem:v31+s16+$0x0], $0xffff  }
0x87: {  	[tilespmem:$0x1A120] =	vst v29;
	v29 =	vadd.s32 v18, v37;
	v37 =	vld.idx.msk [tilespmem:v40+s16+$0x0], $0xffff  }
0x88: {  	[tilespmem:$0x1A130] =	vst v29;
	v29 =	vadd.s32 v18, v38;
	v38 =	vld.idx.msk [tilespmem:v41+s16+$0x0], $0xffff  }
0x89: {  	v40 =	vld [tilespmem:$0x1FFB0]  }
0x8a: {  	v41 =	vld [tilespmem:$0x1FFC0];
	_ =	sdelay $0x2  }
0x8b: {  	[tilespmem:$0x1A140] =	vst v29;
	v29 =	vadd.s32 v18, v39;
	v39 =	vld.idx.msk [tilespmem:v42+s16+$0x0], $0xffff  }
0x8c: {  	[tilespmem:$0x1A150] =	vst v29;
	v29 =	vadd.s32 v18, v30;
	v42 =	vld [tilespmem:$0x1FFA0]  }
0x8d: {  	v30 =	vld [tilespmem:$0x1FF80];
	[tilespmem:$0x1A160] =	vst v29;
	v29 =	vadd.s32 v18, v31  }
0x8e: {  	v31 =	vld [tilespmem:$0x1FF90];
	[tilespmem:$0x1A170] =	vst v29;
	v29 =	vadd.s32 v18, v32  }
0x8f: {  	[tilespmem:$0x1A180] =	vst v29;
	v29 =	vadd.s32 v18, v33;
	v33 =	vld.idx.msk [tilespmem:v40+s16+$0x0], $0xffff  }
0x90: {  	[tilespmem:$0x1A190] =	vst v29;
	v29 =	vadd.s32 v18, v34;
	v34 =	vld.idx.msk [tilespmem:v41+s16+$0x0], $0xffff  }
0x91: {  	v40 =	vld [tilespmem:$0x1FFE0]  }
0x92: {  	v41 =	vld [tilespmem:$0x1FFF0];
	_ =	sdelay $0x1  }
0x93: {  	v32 =	vld.idx.msk [tilespmem:v42+s16+$0x0], $0xffff  }
0x94: {  	v42 =	vld [tilespmem:$0x1FFD0];
	_ =	sdelay $0x1  }
0x95: {  	v30 =	vld.idx.msk [tilespmem:v30+s16+$0x0], $0xffff  }
0x96: {  	v31 =	vld.idx.msk [tilespmem:v31+s16+$0x0], $0xffff;
	[tilespmem:$0x1A1A0] =	vst v29;
	v29 =	vadd.s32 v18, v35  }
0x97: {  	[tilespmem:$0x1A1B0] =	vst v29;
	v29 =	vadd.s32 v18, v37;
	v37 =	vld.idx.msk [tilespmem:v40+s16+$0x0], $0xffff  }
0x98: {  	[tilespmem:$0x1A1C0] =	vst v29;
	v29 =	vadd.s32 v18, v38;
	v38 =	vld.idx.msk [tilespmem:v41+s16+$0x0], $0xffff  }
0x99: {  	v40 =	vld.idx.msk [tilespmem:v14+s16+$0x0], $0xffff  }
0x9a: {  	[tilespmem:$0x1A1D0] =	vst v29;
	v41 =	vld.idx.msk [tilespmem:v15+s16+$0x0], $0xffff;
	v29 =	vadd.s32 v18, v39  }
0x9b: {  	[tilespmem:$0x1A1E0] =	vst v29;
	v29 =	vadd.s32 v18, v30;
	v35 =	vld.idx.msk [tilespmem:v42+s16+$0x0], $0xffff  }
0x9c: {  	v39 =	vld.idx.msk [tilespmem:v43+s16+$0x0], $0xffff;
	[tilespmem:$0x1A1F0] =	vst v29;
	v29 =	vadd.s32 v36, v31  }
0x9d: {  	v30 =	vld.idx.msk [tilespmem:v44+s16+$0x0], $0xffff;
	[tilespmem:$0x1A200] =	vst v29;
	v29 =	vadd.s32 v36, v32  }
0x9e: {  	v31 =	vld.idx.msk [tilespmem:v45+s16+$0x0], $0xffff;
	[tilespmem:$0x1A210] =	vst v29;
	v29 =	vadd.s32 v36, v33  }
0x9f: {  	v32 =	vld.idx.msk [tilespmem:v46+s16+$0x0], $0xffff;
	[tilespmem:$0x1A220] =	vst v29;
	v29 =	vadd.s32 v36, v34  }
0xa0: {  	v33 =	vld.idx.msk [tilespmem:v47+s16+$0x0], $0xffff;
	[tilespmem:$0x1A230] =	vst v29;
	v29 =	vadd.s32 v36, v35  }
0xa1: {  	v34 =	vld.idx.msk [tilespmem:v48+s16+$0x0], $0xffff;
	[tilespmem:$0x1A240] =	vst v29;
	v29 =	vadd.s32 v36, v37  }
0xa2: {  	v42 =	vld.idx.msk [tilespmem:v49+s16+$0x0], $0xffff;
	[tilespmem:$0x1A250] =	vst v29;
	v29 =	vadd.s32 v36, v38  }
0xa3: {  	v37 =	vld.idx.msk [tilespmem:v50+s16+$0x0], $0xffff;
	[tilespmem:$0x1A260] =	vst v29;
	v29 =	vadd.s32 v36, v39  }
0xa4: {  	v38 =	vld.idx.msk [tilespmem:v51+s16+$0x0], $0xffff;
	[tilespmem:$0x1A270] =	vst v29;
	v29 =	vadd.s32 v36, v30  }
0xa5: {  	v39 =	vld.idx.msk [tilespmem:v52+s16+$0x0], $0xffff;
	[tilespmem:$0x1A280] =	vst v29;
	v29 =	vadd.s32 v36, v31  }
0xa6: {  	v30 =	vld.idx.msk [tilespmem:v54+s16+$0x0], $0xffff;
	[tilespmem:$0x1A290] =	vst v29;
	v29 =	vadd.s32 v36, v32  }
0xa7: {  	v31 =	vld.idx.msk [tilespmem:v55+s16+$0x0], $0xffff;
	[tilespmem:$0x1A2A0] =	vst v29;
	v29 =	vadd.s32 v36, v33  }
0xa8: {  	v32 =	vld.idx.msk [tilespmem:v56+s16+$0x0], $0xffff;
	[tilespmem:$0x1A2B0] =	vst v29;
	v29 =	vadd.s32 v36, v34  }
0xa9: {  	v33 =	vld.idx.msk [tilespmem:v57+s16+$0x0], $0xffff;
	[tilespmem:$0x1A2C0] =	vst v29;
	v29 =	vadd.s32 v36, v42  }
0xaa: {  	v34 =	vld.idx.msk [tilespmem:v58+s16+$0x0], $0xffff;
	[tilespmem:$0x1A2D0] =	vst v29;
	v29 =	vadd.s32 v36, v37  }
0xab: {  	v42 =	vld.idx.msk [tilespmem:v59+s16+$0x0], $0xffff;
	[tilespmem:$0x1A2E0] =	vst v29;
	v29 =	vadd.s32 v36, v38  }
0xac: {  	v37 =	vld.idx.msk [tilespmem:v60+s16+$0x0], $0xffff;
	[tilespmem:$0x1A2F0] =	vst v29;
	v29 =	vadd.s32 v53, v39  }
0xad: {  	v38 =	vld.idx.msk [tilespmem:v61+s16+$0x0], $0xffff;
	[tilespmem:$0x1A300] =	vst v29;
	v29 =	vadd.s32 v53, v30  }
0xae: {  	v39 =	vld.idx.msk [tilespmem:v62+s16+$0x0], $0xffff;
	[tilespmem:$0x1A310] =	vst v29;
	v29 =	vadd.s32 v53, v31  }
0xaf: {  	v30 =	vld.idx.msk [tilespmem:v63+s16+$0x0], $0xffff;
	[tilespmem:$0x1A320] =	vst v29;
	v29 =	vadd.s32 v53, v32  }
0xb0: {  	v31 =	vld.idx.msk [tilespmem:v1+s16+$0x0], $0xffff;
	[tilespmem:$0x1A330] =	vst v29;
	v29 =	vadd.s32 v53, v33  }
0xb1: {  	v32 =	vld.idx.msk [tilespmem:v3+s16+$0x0], $0xffff;
	[tilespmem:$0x1A340] =	vst v29;
	v29 =	vadd.s32 v53, v34  }
0xb2: {  	v33 =	vld.idx.msk [tilespmem:v4+s16+$0x0], $0xffff;
	[tilespmem:$0x1A350] =	vst v29;
	v29 =	vadd.s32 v53, v42  }
0xb3: {  	v34 =	vld.idx.msk [tilespmem:v5+s16+$0x0], $0xffff;
	[tilespmem:$0x1A360] =	vst v29;
	v29 =	vadd.s32 v53, v37  }
0xb4: {  	v42 =	vld.idx.msk [tilespmem:v6+s16+$0x0], $0xffff;
	[tilespmem:$0x1A370] =	vst v29;
	v29 =	vadd.s32 v53, v38  }
0xb5: {  	v37 =	vld.idx.msk [tilespmem:v8+s16+$0x0], $0xffff;
	[tilespmem:$0x1A380] =	vst v29;
	v29 =	vadd.s32 v53, v39  }
0xb6: {  	v38 =	vld.idx.msk [tilespmem:v9+s16+$0x0], $0xffff;
	[tilespmem:$0x1A390] =	vst v29;
	v29 =	vadd.s32 v53, v30  }
0xb7: {  	v39 =	vld.idx.msk [tilespmem:v10+s16+$0x0], $0xffff;
	[tilespmem:$0x1A3A0] =	vst v29;
	v29 =	vadd.s32 v53, v31  }
0xb8: {  	v30 =	vld.idx.msk [tilespmem:v11+s16+$0x0], $0xffff;
	[tilespmem:$0x1A3B0] =	vst v29;
	v29 =	vadd.s32 v53, v32  }
0xb9: {  	v31 =	vld.idx.msk [tilespmem:v12+s16+$0x0], $0xffff;
	[tilespmem:$0x1A3C0] =	vst v29;
	v29 =	vadd.s32 v53, v33  }
0xba: {  	v32 =	vld.idx.msk [tilespmem:v13+s16+$0x0], $0xffff;
	[tilespmem:$0x1A3D0] =	vst v29;
	v29 =	vadd.s32 v53, v34  }
0xbb: {  	[tilespmem:$0x1A3E0] =	vst v29;
	v29 =	vadd.s32 v53, v42;
	v42 =	vld.idx.msk [tilespmem:v16+s16+$0x0], $0xffff  }
0xbc: {  	[tilespmem:$0x1A3F0] =	vst v29;
	v29 =	vadd.s32 v7, v37;
	v37 =	vld [tilespmem:$0x1A600]  }
0xbd: {  	[tilespmem:$0x1A400] =	vst v29;
	v29 =	vadd.s32 v7, v38;
	v38 =	vld [tilespmem:$0x1A580]  }
0xbe: {  	[tilespmem:$0x1A410] =	vst v29;
	v29 =	vadd.s32 v7, v39  }
0xbf: {  	v35 =	vld.idx.msk [tilespmem:v20+s16+$0x0], $0xffff;
	[tilespmem:$0x1A420] =	vst v29;
	v29 =	vadd.s32 v7, v30  }
0xc0: {  	v33 =	vadd.s32 v7, v41;
	v30 =	vadd.s32 v7, v32;
	[tilespmem:$0x1A430] =	vst v29;
	v29 =	vadd.s32 v7, v31  }
0xc1: {  	v41 =	vld [tilespmem:$0x1A000];
	v32 =	vadd.s32 v7, v40;
	v39 =	vadd.s32 v25, v37;
	[tilespmem:$0x1A440] =	vst v29;
	v29 =	vadd.s32 v7, v42  }
0xc2: {  	[tilespmem:$0x1A470] =	vst v33;
	v31 =	vld.idx.msk [tilespmem:v17+s16+$0x0], $0xffff;
	v42 =	vadd.s32 v27, v37;
	v40 =	vand.u32 $0xFFFFFF80, v38;
	v39 =	vshll.u32 v39, $0x7  }
0xc3: {  	v34 =	vld.idx.msk [tilespmem:v19+s16+$0x0], $0xffff;
	[tilespmem:$0x1A450] =	vst v30;
	v30 =	vand.u32 $0x7F, v38;
	v38 =	vadd.s32 v40, v39;
	v39 =	vadd.s32 v26, v37  }
0xc4: {  	v33 =	vld.idx.msk [tilespmem:v22+s16+$0x0], $0xffff;
	[tilespmem:$0x1A460] =	vst v32;
	v42 =	vshll.u32 v42, $0x7;
	v39 =	vshll.u32 v39, $0x7  }
0xc5: {  	v32 =	vld.idx.msk [tilespmem:v21+s16+$0x0], $0xffff;
	v37 =	vadd.s32 v28, v37;
	v38 =	vor.u32 v30, v38;
	v39 =	vadd.s32 v40, v39  }
0xc6: {  	[tilespmem:$0x1A480] =	vst v29;
	v37 =	vshll.u32 v37, $0x7;
	v29 =	vor.u32 v30, v39;
	v39 =	vadd.s32 v40, v42  }
0xc7: {  	v31 =	vadd.s32 v7, v31;
	v37 =	vadd.s32 v40, v37;
	v40 =	vld.idx.msk [tilespmem:v23+s16+$0x0], $0xffff;
	v39 =	vor.u32 v30, v39  }
0xc8: {  	[tilespmem:$0x1A490] =	vst v31;
	v31 =	vadd.s32 v7, v34;
	v34 =	vld.idx.msk [tilespmem:v24+s16+$0x0], $0xffff;
	v37 =	vor.u32 v30, v37;
	v30 =	vshrl.u32 v41, $0x3  }
0xc9: {  	[tilespmem:$0x1A4A0] =	vst v31;
	v31 =	vadd.s32 v7, v35;
	v30 =	vmul.u32 $0x30, v30  }
0xca: {  	v42 =	vadd.s32 v7, v33;
	v41 =	vand.u32 $0x7, v41;
	[tilespmem:$0x1A4B0] =	vst v31;
	v31 =	vadd.s32 v7, v32;
	v33 =	vld.idx.msk [tilespmem:v38+s16+$0x0], $0xffff  }
0xcb: {  	[tilespmem:$0x1A4C0] =	vst v31;
	v35 =	vor.u32 v41, v30;
	v30 =	vshrl.u32 v0, $0x3;
	v31 =	vld.idx.msk [tilespmem:v29+s16+$0x0], $0xffff;
	v29 =	vand.u32 $0x7, v0  }
0xcc: {  	[tilespmem:$0x1A4D0] =	vst v42;
	v42 =	vadd.s32 v7, v40;
	v30 =	vmul.u32 $0x8, v30;
	v38 =	vld.idx.msk [tilespmem:v39+s16+$0x0], $0xffff;
	v39 =	vperm.xlane v35, v29  }
0xcd: {  	v41 =	vadd.s32 v7, v34;
	[tilespmem:$0x1A4E0] =	vst v42;
	v42 =	vld.idx.msk [tilespmem:v37+s16+$0x0], $0xffff  }
0xce: {  	[tilespmem:$0x1A4F0] =	vst v41;
	v37 =	vadd.s32 v30, v39  }
0xcf: {  	[tilespmem:$0x1A500] =	vst v33  }
0xd0: {  	[tilespmem:$0x1A510] =	vst v31  }
0xd1: {  	v31 =	vor.u32 $0x8, v0;
	[tilespmem:$0x1A520] =	vst v38  }
0xd2: {  	[tilespmem:$0x1A530] =	vst v42;
	v38 =	vperm.xlane v35, v31  }
0xd3: {  	[tilespmem:s4], [sflag:$0x1] =	stream.indirect_vreg.gather [hbm4b:s1+s4], $0x80, v37, vm0, $0xb8;
	[tilespmem:$0x1A680] =	vst v63  }
0xd4: {  	s26 =	simm.s32 $0x800;
	v33 =	vadd.s32 v30, v38  }
0xd5: {  	[tilespmem:s26], [sflag:$0x1] =	stream.indirect_vreg.gather [hbm4b:s10+s4], $0x80, v37, vm0, $0xb8;
	[tilespmem:$0x1A680] =	vst v63  }
0xd6: {  	s28 =	simm.s32 $0x1000  }
0xd7: {  	[tilespmem:s28], [sflag:$0x1] =	stream.indirect_vreg.gather [hbm4b:s11+s4], $0x80, v37, vm0, $0xb8;
	[tilespmem:$0x1A680] =	vst v63  }
0xd8: {  	s30 =	simm.s32 $0x1800  }
0xd9: {  	[tilespmem:s30], [sflag:$0x1] =	stream.indirect_vreg.gather [hbm4b:s1+s4], $0x80, v33, vm0, $0xb8;
	[tilespmem:$0x1A680] =	vst v63  }
0xda: {  	s31 =	simm.s32 $0x2000  }
0xdb: {  	[tilespmem:s31], [sflag:$0x1] =	stream.indirect_vreg.gather [hbm4b:s10+s4], $0x80, v33, vm0, $0xb8;
	[tilespmem:$0x1A680] =	vst v63  }
0xdc: {  	s9 =	simm.s32 $0x2800  }
0xdd: {  	[tilespmem:s9], [sflag:$0x1] =	stream.indirect_vreg.gather [hbm4b:s11+s4], $0x80, v33, vm0, $0xb8;
	[tilespmem:$0x1A680] =	vst v63  }
0xde: {  	v32 =	vld [tilespmem:$0x1A010];
	_ =	sdelay $0x4  }
0xdf: {  	v39 =	vshrl.u32 v32, $0x3  }
0xe0: {  	v33 =	vmul.u32 $0x30, v39  }
0xe1: {  	v32 =	vand.u32 $0x7, v32  }
0xe2: {  	v32 =	vor.u32 v32, v33  }
0xe3: {  	v33 =	vperm.xlane v32, v29;
	_ =	sdelay $0x1  }
0xe4: {  	v33 =	vadd.s32 v30, v33;
	_ =	sdelay $0x3  }
0xe5: {  	s12 =	simm.s32 $0x3000;
	v32 =	vperm.xlane v32, v31  }
0xe6: {  	[tilespmem:s12], [sflag:$0x1] =	stream.indirect_vreg.gather [hbm4b:s1+s4], $0x80, v33, vm0, $0xb8;
	[tilespmem:$0x1A680] =	vst v63  }
0xe7: {  	s13 =	simm.s32 $0x3800;
	v32 =	vadd.s32 v30, v32  }
0xe8: {  	[tilespmem:s13], [sflag:$0x1] =	stream.indirect_vreg.gather [hbm4b:s10+s4], $0x80, v33, vm0, $0xb8;
	[tilespmem:$0x1A680] =	vst v63  }
0xe9: {  	s15 =	simm.s32 $0x4000  }
0xea: {  	[tilespmem:s15], [sflag:$0x1] =	stream.indirect_vreg.gather [hbm4b:s11+s4], $0x80, v33, vm0, $0xb8;
	[tilespmem:$0x1A680] =	vst v63  }
0xeb: {  	s17 =	simm.s32 $0x4800  }
0xec: {  	[tilespmem:s17], [sflag:$0x1] =	stream.indirect_vreg.gather [hbm4b:s1+s4], $0x80, v32, vm0, $0xb8;
	[tilespmem:$0x1A680] =	vst v63  }
0xed: {  	s18 =	simm.s32 $0x5000  }
0xee: {  	[tilespmem:s18], [sflag:$0x1] =	stream.indirect_vreg.gather [hbm4b:s10+s4], $0x80, v32, vm0, $0xb8;
	[tilespmem:$0x1A680] =	vst v63  }
0xef: {  	s19 =	simm.s32 $0x5800  }
0xf0: {  	[tilespmem:s19], [sflag:$0x1] =	stream.indirect_vreg.gather [hbm4b:s11+s4], $0x80, v32, vm0, $0xb8;
	[tilespmem:$0x1A680] =	vst v63  }
0xf1: {  	_ =	swait.ge [sflag:s29], $0x6000  }
0xf2: {  	s20 =	sld [smem:$0x7E7]  }
0xf3: {  	[sflag:s29] =	ssyncset.done $0x0  }
0xf4: {  	[sflag:s29] =	ssyncadd.s32 $0xFFFFA000  }
0xf5: {  	[hbm4b:s20+s4] =	stream.linear.scatter [tilespmem:s4], [sflag:$0x2], $0x6000, $0x38;
	[tilespmem:$0x1A680] =	vst v63  }
0xf6: {  	v40 =	vld [tilespmem:$0x1A020];
	_ =	sdelay $0x4  }
0xf7: {  	v41 =	vshrl.u32 v40, $0x3  }
0xf8: {  	v33 =	vmul.u32 $0x30, v41  }
0xf9: {  	v32 =	vand.u32 $0x7, v40  }
0xfa: {  	v32 =	vor.u32 v32, v33  }
0xfb: {  	v33 =	vperm.xlane v32, v29;
	_ =	sdelay $0x1  }
0xfc: {  	v33 =	vadd.s32 v30, v33;
	_ =	sdelay $0x3  }
0xfd: {  	v32 =	vperm.xlane v32, v31  }
0xfe: {  	[tilespmem:s7], [sflag:$0x1] =	stream.indirect_vreg.gather [hbm4b:s1+s4], $0x80, v33, vm0, $0xb8;
	[tilespmem:$0x1A680] =	vst v63  }
0xff: {  	s21 =	simm.s32 $0x6800;
	v32 =	vadd.s32 v30, v32  }
0x100: {  	[tilespmem:s21], [sflag:$0x1] =	stream.indirect_vreg.gather [hbm4b:s10+s4], $0x80, v33, vm0, $0xb8;
	[tilespmem:$0x1A680] =	vst v63  }
0x101: {  	s22 =	simm.s32 $0x7000  }
0x102: {  	[tilespmem:s22], [sflag:$0x1] =	stream.indirect_vreg.gather [hbm4b:s11+s4], $0x80, v33, vm0, $0xb8;
	[tilespmem:$0x1A680] =	vst v63  }
0x103: {  	s23 =	simm.s32 $0x7800  }
0x104: {  	[tilespmem:s23], [sflag:$0x1] =	stream.indirect_vreg.gather [hbm4b:s1+s4], $0x80, v32, vm0, $0xb8;
	[tilespmem:$0x1A680] =	vst v63  }
0x105: {  	s24 =	simm.s32 $0x8000  }
0x106: {  	[tilespmem:s24], [sflag:$0x1] =	stream.indirect_vreg.gather [hbm4b:s10+s4], $0x80, v32, vm0, $0xb8;
	[tilespmem:$0x1A680] =	vst v63  }
0x107: {  	s25 =	simm.s32 $0x8800  }
0x108: {  	[tilespmem:s25], [sflag:$0x1] =	stream.indirect_vreg.gather [hbm4b:s11+s4], $0x80, v32, vm0, $0xb8;
	[tilespmem:$0x1A680] =	vst v63  }
0x109: {  	v32 =	vld [tilespmem:$0x1A030];
	_ =	sdelay $0x4  }
0x10a: {  	v42 =	vshrl.u32 v32, $0x3  }
0x10b: {  	v33 =	vmul.u32 $0x30, v42  }
0x10c: {  	v32 =	vand.u32 $0x7, v32  }
0x10d: {  	v32 =	vor.u32 v32, v33  }
0x10e: {  	v33 =	vperm.xlane v32, v29;
	_ =	sdelay $0x1  }
0x10f: {  	v33 =	vadd.s32 v30, v33;
	_ =	sdelay $0x3  }
0x110: {  	s26 =	simm.s32 $0x9000;
	v32 =	vperm.xlane v32, v31  }
0x111: {  	[tilespmem:s26], [sflag:$0x1] =	stream.indirect_vreg.gather [hbm4b:s1+s4], $0x80, v33, vm0, $0xb8;
	[tilespmem:$0x1A680] =	vst v63  }
0x112: {  	s20 =	simm.s32 $0x9800;
	v32 =	vadd.s32 v30, v32  }
0x113: {  	[tilespmem:s20], [sflag:$0x1] =	stream.indirect_vreg.gather [hbm4b:s10+s4], $0x80, v33, vm0, $0xb8;
	[tilespmem:$0x1A680] =	vst v63  }
0x114: {  	s21 =	simm.s32 $0xA000  }
0x115: {  	[tilespmem:s21], [sflag:$0x1] =	stream.indirect_vreg.gather [hbm4b:s11+s4], $0x80, v33, vm0, $0xb8;
	[tilespmem:$0x1A680] =	vst v63  }
0x116: {  	s22 =	simm.s32 $0xA800  }
0x117: {  	[tilespmem:s22], [sflag:$0x1] =	stream.indirect_vreg.gather [hbm4b:s1+s4], $0x80, v32, vm0, $0xb8;
	[tilespmem:$0x1A680] =	vst v63  }
0x118: {  	s23 =	simm.s32 $0xB000  }
0x119: {  	[tilespmem:s23], [sflag:$0x1] =	stream.indirect_vreg.gather [hbm4b:s10+s4], $0x80, v32, vm0, $0xb8;
	[tilespmem:$0x1A680] =	vst v63  }
0x11a: {  	s26 =	simm.s32 $0xB800  }
0x11b: {  	[tilespmem:s26], [sflag:$0x1] =	stream.indirect_vreg.gather [hbm4b:s11+s4], $0x80, v32, vm0, $0xb8;
	[tilespmem:$0x1A680] =	vst v63  }
0x11c: {  	_ =	swait.ge [sflag:s29], $0x6000  }
0x11d: {  	[sflag:s29] =	ssyncset.done $0x0  }
0x11e: {  	s0 =	rddreg [dreg:$0x9];
	[sflag:s29] =	ssyncadd.s32 $0xFFFFA000  }
0x11f: {  	[hbm4b:s0+s4] =	stream.linear.scatter [tilespmem:s7], [sflag:$0x2], $0x6000, $0x38;
	[tilespmem:$0x1A680] =	vst v63  }
0x120: {  	v37 =	vld [tilespmem:$0x1A040];
	_ =	sdelay $0x4  }
0x121: {  	v38 =	vshrl.u32 v37, $0x3  }
0x122: {  	v33 =	vmul.u32 $0x30, v38  }
0x123: {  	v32 =	vand.u32 $0x7, v37  }
0x124: {  	v32 =	vor.u32 v32, v33  }
0x125: {  	v33 =	vperm.xlane v32, v29;
	_ =	sdelay $0x1  }
0x126: {  	v33 =	vadd.s32 v30, v33;
	_ =	sdelay $0x3  }
0x127: {  	v32 =	vperm.xlane v32, v31  }
0x128: {  	[tilespmem:s8], [sflag:$0x1] =	stream.indirect_vreg.gather [hbm4b:s1+s4], $0x80, v33, vm0, $0xb8;
	[tilespmem:$0x1A680] =	vst v63  }
0x129: {  	s0 =	simm.s32 $0xC800;
	v32 =	vadd.s32 v30, v32  }
0x12a: {  	[tilespmem:s0], [sflag:$0x1] =	stream.indirect_vreg.gather [hbm4b:s10+s4], $0x80, v33, vm0, $0xb8;
	[tilespmem:$0x1A680] =	vst v63  }
0x12b: {  	s0 =	simm.s32 $0xD000  }
0x12c: {  	[tilespmem:s0], [sflag:$0x1] =	stream.indirect_vreg.gather [hbm4b:s11+s4], $0x80, v33, vm0, $0xb8;
	[tilespmem:$0x1A680] =	vst v63  }
0x12d: {  	s0 =	simm.s32 $0xD800  }
0x12e: {  	[tilespmem:s0], [sflag:$0x1] =	stream.indirect_vreg.gather [hbm4b:s1+s4], $0x80, v32, vm0, $0xb8;
	[tilespmem:$0x1A680] =	vst v63  }
0x12f: {  	s0 =	simm.s32 $0xE000  }
0x130: {  	[tilespmem:s0], [sflag:$0x1] =	stream.indirect_vreg.gather [hbm4b:s10+s4], $0x80, v32, vm0, $0xb8;
	[tilespmem:$0x1A680] =	vst v63  }
0x131: {  	s0 =	simm.s32 $0xE800  }
0x132: {  	[tilespmem:s0], [sflag:$0x1] =	stream.indirect_vreg.gather [hbm4b:s11+s4], $0x80, v32, vm0, $0xb8;
	[tilespmem:$0x1A680] =	vst v63  }
0x133: {  	v32 =	vld [tilespmem:$0x1A050];
	_ =	sdelay $0x4  }
0x134: {  	v39 =	vshrl.u32 v32, $0x3  }
0x135: {  	v33 =	vmul.u32 $0x30, v39  }
0x136: {  	v32 =	vand.u32 $0x7, v32  }
0x137: {  	v32 =	vor.u32 v32, v33  }
0x138: {  	v33 =	vperm.xlane v32, v29;
	_ =	sdelay $0x1  }
0x139: {  	v33 =	vadd.s32 v30, v33;
	_ =	sdelay $0x3  }
0x13a: {  	s0 =	simm.s32 $0xF000;
	v32 =	vperm.xlane v32, v31  }
0x13b: {  	[tilespmem:s0], [sflag:$0x1] =	stream.indirect_vreg.gather [hbm4b:s1+s4], $0x80, v33, vm0, $0xb8;
	[tilespmem:$0x1A680] =	vst v63  }
0x13c: {  	v32 =	vadd.s32 v30, v32;
	s0 =	simm.s32 $0xF800  }
0x13d: {  	[tilespmem:s0], [sflag:$0x1] =	stream.indirect_vreg.gather [hbm4b:s10+s4], $0x80, v33, vm0, $0xb8;
	[tilespmem:$0x1A680] =	vst v63  }
0x13e: {  	s0 =	simm.s32 $0x10000  }
0x13f: {  	[tilespmem:s0], [sflag:$0x1] =	stream.indirect_vreg.gather [hbm4b:s11+s4], $0x80, v33, vm0, $0xb8;
	[tilespmem:$0x1A680] =	vst v63  }
0x140: {  	s0 =	simm.s32 $0x10800  }
0x141: {  	[tilespmem:s0], [sflag:$0x1] =	stream.indirect_vreg.gather [hbm4b:s1+s4], $0x80, v32, vm0, $0xb8;
	[tilespmem:$0x1A680] =	vst v63  }
0x142: {  	s0 =	simm.s32 $0x11000  }
0x143: {  	[tilespmem:s0], [sflag:$0x1] =	stream.indirect_vreg.gather [hbm4b:s10+s4], $0x80, v32, vm0, $0xb8;
	[tilespmem:$0x1A680] =	vst v63  }
0x144: {  	s0 =	simm.s32 $0x11800  }
0x145: {  	[tilespmem:s0], [sflag:$0x1] =	stream.indirect_vreg.gather [hbm4b:s11+s4], $0x80, v32, vm0, $0xb8;
	[tilespmem:$0x1A680] =	vst v63  }
0x146: {  	_ =	swait.ge [sflag:s29], $0x6000  }
0x147: {  	[sflag:s29] =	ssyncset.done $0x0  }
0x148: {  	s0 =	rddreg [dreg:$0xa];
	[sflag:s29] =	ssyncadd.s32 $0xFFFFA000  }
0x149: {  	[hbm4b:s0+s4] =	stream.linear.scatter [tilespmem:s8], [sflag:$0x2], $0x6000, $0x38;
	[tilespmem:$0x1A680] =	vst v63  }
0x14a: {  	_ =	swait.ge [sflag:s3], $0x6000  }
0x14b: {  	[sflag:s3] =	ssyncset.done $0x0  }
0x14c: {  	[sflag:s3] =	ssyncadd.s32 $0xFFFFA000  }
0x14d: {  	v40 =	vld [tilespmem:$0x1A060];
	_ =	sdelay $0x4  }
0x14e: {  	v41 =	vshrl.u32 v40, $0x3  }
0x14f: {  	v33 =	vmul.u32 $0x30, v41  }
0x150: {  	v32 =	vand.u32 $0x7, v40  }
0x151: {  	v32 =	vor.u32 v32, v33  }
0x152: {  	v33 =	vperm.xlane v32, v29;
	_ =	sdelay $0x1  }
0x153: {  	v33 =	vadd.s32 v30, v33;
	_ =	sdelay $0x3  }
0x154: {  	v32 =	vperm.xlane v32, v31  }
0x155: {  	[tilespmem:s4], [sflag:$0x1] =	stream.indirect_vreg.gather [hbm4b:s1+s4], $0x80, v33, vm0, $0xb8;
	[tilespmem:$0x1A680] =	vst v63  }
0x156: {  	s2 =	simm.s32 $0x800;
	v32 =	vadd.s32 v30, v32  }
0x157: {  	[tilespmem:s2], [sflag:$0x1] =	stream.indirect_vreg.gather [hbm4b:s10+s4], $0x80, v33, vm0, $0xb8;
	[tilespmem:$0x1A680] =	vst v63  }
0x158: {  	s5 =	simm.s32 $0x1000  }
0x159: {  	[tilespmem:s5], [sflag:$0x1] =	stream.indirect_vreg.gather [hbm4b:s11+s4], $0x80, v33, vm0, $0xb8;
	[tilespmem:$0x1A680] =	vst v63  }
0x15a: {  	s6 =	simm.s32 $0x1800  }
0x15b: {  	[tilespmem:s6], [sflag:$0x1] =	stream.indirect_vreg.gather [hbm4b:s1+s4], $0x80, v32, vm0, $0xb8;
	[tilespmem:$0x1A680] =	vst v63  }
0x15c: {  	s14 =	simm.s32 $0x2000  }
0x15d: {  	[tilespmem:s14], [sflag:$0x1] =	stream.indirect_vreg.gather [hbm4b:s10+s4], $0x80, v32, vm0, $0xb8;
	[tilespmem:$0x1A680] =	vst v63  }
0x15e: {  	s28 =	simm.s32 $0x2800  }
0x15f: {  	[tilespmem:s28], [sflag:$0x1] =	stream.indirect_vreg.gather [hbm4b:s11+s4], $0x80, v32, vm0, $0xb8;
	[tilespmem:$0x1A680] =	vst v63  }
0x160: {  	v32 =	vld [tilespmem:$0x1A070];
	_ =	sdelay $0x4  }
0x161: {  	v42 =	vshrl.u32 v32, $0x3  }
0x162: {  	v33 =	vmul.u32 $0x30, v42  }
0x163: {  	v32 =	vand.u32 $0x7, v32  }
0x164: {  	v32 =	vor.u32 v32, v33  }
0x165: {  	v33 =	vperm.xlane v32, v29;
	_ =	sdelay $0x1  }
0x166: {  	v33 =	vadd.s32 v30, v33;
	_ =	sdelay $0x3  }
0x167: {  	s30 =	simm.s32 $0x3000;
	v32 =	vperm.xlane v32, v31  }
0x168: {  	[tilespmem:s30], [sflag:$0x1] =	stream.indirect_vreg.gather [hbm4b:s1+s4], $0x80, v33, vm0, $0xb8;
	[tilespmem:$0x1A680] =	vst v63  }
0x169: {  	s9 =	simm.s32 $0x3800;
	v32 =	vadd.s32 v30, v32  }
0x16a: {  	[tilespmem:s9], [sflag:$0x1] =	stream.indirect_vreg.gather [hbm4b:s10+s4], $0x80, v33, vm0, $0xb8;
	[tilespmem:$0x1A680] =	vst v63  }
0x16b: {  	s12 =	simm.s32 $0x4000  }
0x16c: {  	[tilespmem:s12], [sflag:$0x1] =	stream.indirect_vreg.gather [hbm4b:s11+s4], $0x80, v33, vm0, $0xb8;
	[tilespmem:$0x1A680] =	vst v63  }
0x16d: {  	s13 =	simm.s32 $0x4800  }
0x16e: {  	[tilespmem:s13], [sflag:$0x1] =	stream.indirect_vreg.gather [hbm4b:s1+s4], $0x80, v32, vm0, $0xb8;
	[tilespmem:$0x1A680] =	vst v63  }
0x16f: {  	s17 =	simm.s32 $0x5000  }
0x170: {  	[tilespmem:s17], [sflag:$0x1] =	stream.indirect_vreg.gather [hbm4b:s10+s4], $0x80, v32, vm0, $0xb8;
	[tilespmem:$0x1A680] =	vst v63  }
0x171: {  	s31 =	simm.s32 $0x5800  }
0x172: {  	[tilespmem:s31], [sflag:$0x1] =	stream.indirect_vreg.gather [hbm4b:s11+s4], $0x80, v32, vm0, $0xb8;
	[tilespmem:$0x1A680] =	vst v63  }
0x173: {  	_ =	swait.ge [sflag:s29], $0x6000  }
0x174: {  	[sflag:s29] =	ssyncset.done $0x0  }
0x175: {  	s13 =	rddreg [dreg:$0xb];
	[sflag:s29] =	ssyncadd.s32 $0xFFFFA000  }
0x176: {  	[hbm4b:s13+s4] =	stream.linear.scatter [tilespmem:s4], [sflag:$0x2], $0x6000, $0x38;
	[tilespmem:$0x1A680] =	vst v63  }
0x177: {  	_ =	swait.ge [sflag:s3], $0x6000  }
0x178: {  	[sflag:s3] =	ssyncset.done $0x0  }
0x179: {  	[sflag:s3] =	ssyncadd.s32 $0xFFFFA000  }
0x17a: {  	v37 =	vld [tilespmem:$0x1A080];
	_ =	sdelay $0x4  }
0x17b: {  	v38 =	vshrl.u32 v37, $0x3  }
0x17c: {  	v33 =	vmul.u32 $0x30, v38  }
0x17d: {  	v32 =	vand.u32 $0x7, v37  }
0x17e: {  	v32 =	vor.u32 v32, v33  }
0x17f: {  	v33 =	vperm.xlane v32, v29;
	_ =	sdelay $0x1  }
0x180: {  	v33 =	vadd.s32 v30, v33;
	_ =	sdelay $0x3  }
0x181: {  	v32 =	vperm.xlane v32, v31  }
0x182: {  	[tilespmem:s7], [sflag:$0x1] =	stream.indirect_vreg.gather [hbm4b:s1+s4], $0x80, v33, vm0, $0xb8;
	[tilespmem:$0x1A680] =	vst v63  }
0x183: {  	s14 =	simm.s32 $0x6800;
	v32 =	vadd.s32 v30, v32  }
0x184: {  	[tilespmem:s14], [sflag:$0x1] =	stream.indirect_vreg.gather [hbm4b:s10+s4], $0x80, v33, vm0, $0xb8;
	[tilespmem:$0x1A680] =	vst v63  }
0x185: {  	s15 =	simm.s32 $0x7000  }
0x186: {  	[tilespmem:s15], [sflag:$0x1] =	stream.indirect_vreg.gather [hbm4b:s11+s4], $0x80, v33, vm0, $0xb8;
	[tilespmem:$0x1A680] =	vst v63  }
0x187: {  	s18 =	simm.s32 $0x7800  }
0x188: {  	[tilespmem:s18], [sflag:$0x1] =	stream.indirect_vreg.gather [hbm4b:s1+s4], $0x80, v32, vm0, $0xb8;
	[tilespmem:$0x1A680] =	vst v63  }
0x189: {  	s19 =	simm.s32 $0x8000  }
0x18a: {  	[tilespmem:s19], [sflag:$0x1] =	stream.indirect_vreg.gather [hbm4b:s10+s4], $0x80, v32, vm0, $0xb8;
	[tilespmem:$0x1A680] =	vst v63  }
0x18b: {  	s24 =	simm.s32 $0x8800  }
0x18c: {  	[tilespmem:s24], [sflag:$0x1] =	stream.indirect_vreg.gather [hbm4b:s11+s4], $0x80, v32, vm0, $0xb8;
	[tilespmem:$0x1A680] =	vst v63  }
0x18d: {  	v32 =	vld [tilespmem:$0x1A090];
	_ =	sdelay $0x4  }
0x18e: {  	v39 =	vshrl.u32 v32, $0x3  }
0x18f: {  	v33 =	vmul.u32 $0x30, v39  }
0x190: {  	v32 =	vand.u32 $0x7, v32  }
0x191: {  	v32 =	vor.u32 v32, v33  }
0x192: {  	v33 =	vperm.xlane v32, v29;
	_ =	sdelay $0x1  }
0x193: {  	v33 =	vadd.s32 v30, v33;
	_ =	sdelay $0x3  }
0x194: {  	s25 =	simm.s32 $0x9000;
	v32 =	vperm.xlane v32, v31  }
0x195: {  	[tilespmem:s25], [sflag:$0x1] =	stream.indirect_vreg.gather [hbm4b:s1+s4], $0x80, v33, vm0, $0xb8;
	[tilespmem:$0x1A680] =	vst v63  }
0x196: {  	s20 =	simm.s32 $0x9800;
	v32 =	vadd.s32 v30, v32  }
0x197: {  	[tilespmem:s20], [sflag:$0x1] =	stream.indirect_vreg.gather [hbm4b:s10+s4], $0x80, v33, vm0, $0xb8;
	[tilespmem:$0x1A680] =	vst v63  }
0x198: {  	s21 =	simm.s32 $0xA000  }
0x199: {  	[tilespmem:s21], [sflag:$0x1] =	stream.indirect_vreg.gather [hbm4b:s11+s4], $0x80, v33, vm0, $0xb8;
	[tilespmem:$0x1A680] =	vst v63  }
0x19a: {  	s22 =	simm.s32 $0xA800  }
0x19b: {  	[tilespmem:s22], [sflag:$0x1] =	stream.indirect_vreg.gather [hbm4b:s1+s4], $0x80, v32, vm0, $0xb8;
	[tilespmem:$0x1A680] =	vst v63  }
0x19c: {  	s23 =	simm.s32 $0xB000  }
0x19d: {  	[tilespmem:s23], [sflag:$0x1] =	stream.indirect_vreg.gather [hbm4b:s10+s4], $0x80, v32, vm0, $0xb8;
	[tilespmem:$0x1A680] =	vst v63  }
0x19e: {  	s26 =	simm.s32 $0xB800  }
0x19f: {  	[tilespmem:s26], [sflag:$0x1] =	stream.indirect_vreg.gather [hbm4b:s11+s4], $0x80, v32, vm0, $0xb8;
	[tilespmem:$0x1A680] =	vst v63  }
0x1a0: {  	_ =	swait.ge [sflag:s29], $0x6000  }
0x1a1: {  	[sflag:s29] =	ssyncset.done $0x0  }
0x1a2: {  	s15 =	rddreg [dreg:$0xc];
	[sflag:s29] =	ssyncadd.s32 $0xFFFFA000  }
0x1a3: {  	[hbm4b:s15+s4] =	stream.linear.scatter [tilespmem:s7], [sflag:$0x2], $0x6000, $0x38;
	[tilespmem:$0x1A680] =	vst v63  }
0x1a4: {  	_ =	swait.ge [sflag:s3], $0x6000  }
0x1a5: {  	[sflag:s3] =	ssyncset.done $0x0  }
0x1a6: {  	[sflag:s3] =	ssyncadd.s32 $0xFFFFA000  }
0x1a7: {  	v40 =	vld [tilespmem:$0x1A0A0];
	_ =	sdelay $0x4  }
0x1a8: {  	v41 =	vshrl.u32 v40, $0x3  }
0x1a9: {  	v33 =	vmul.u32 $0x30, v41  }
0x1aa: {  	v32 =	vand.u32 $0x7, v40  }
0x1ab: {  	v32 =	vor.u32 v32, v33  }
0x1ac: {  	v33 =	vperm.xlane v32, v29;
	_ =	sdelay $0x1  }
0x1ad: {  	v33 =	vadd.s32 v30, v33;
	_ =	sdelay $0x3  }
0x1ae: {  	v32 =	vperm.xlane v32, v31  }
0x1af: {  	[tilespmem:s8], [sflag:$0x1] =	stream.indirect_vreg.gather [hbm4b:s1+s4], $0x80, v33, vm0, $0xb8;
	[tilespmem:$0x1A680] =	vst v63  }
0x1b0: {  	s17 =	simm.s32 $0xC800;
	v32 =	vadd.s32 v30, v32  }
0x1b1: {  	[tilespmem:s17], [sflag:$0x1] =	stream.indirect_vreg.gather [hbm4b:s10+s4], $0x80, v33, vm0, $0xb8;
	[tilespmem:$0x1A680] =	vst v63  }
0x1b2: {  	s18 =	simm.s32 $0xD000  }
0x1b3: {  	[tilespmem:s18], [sflag:$0x1] =	stream.indirect_vreg.gather [hbm4b:s11+s4], $0x80, v33, vm0, $0xb8;
	[tilespmem:$0x1A680] =	vst v63  }
0x1b4: {  	s23 =	simm.s32 $0xD800  }
0x1b5: {  	[tilespmem:s23], [sflag:$0x1] =	stream.indirect_vreg.gather [hbm4b:s1+s4], $0x80, v32, vm0, $0xb8;
	[tilespmem:$0x1A680] =	vst v63  }
0x1b6: {  	s24 =	simm.s32 $0xE000  }
0x1b7: {  	[tilespmem:s24], [sflag:$0x1] =	stream.indirect_vreg.gather [hbm4b:s10+s4], $0x80, v32, vm0, $0xb8;
	[tilespmem:$0x1A680] =	vst v63  }
0x1b8: {  	s25 =	simm.s32 $0xE800  }
0x1b9: {  	[tilespmem:s25], [sflag:$0x1] =	stream.indirect_vreg.gather [hbm4b:s11+s4], $0x80, v32, vm0, $0xb8;
	[tilespmem:$0x1A680] =	vst v63  }
0x1ba: {  	v32 =	vld [tilespmem:$0x1A0B0];
	_ =	sdelay $0x4  }
0x1bb: {  	v42 =	vshrl.u32 v32, $0x3  }
0x1bc: {  	v33 =	vmul.u32 $0x30, v42  }
0x1bd: {  	v32 =	vand.u32 $0x7, v32  }
0x1be: {  	v32 =	vor.u32 v32, v33  }
0x1bf: {  	v33 =	vperm.xlane v32, v29;
	_ =	sdelay $0x1  }
0x1c0: {  	v33 =	vadd.s32 v30, v33;
	_ =	sdelay $0x3  }
0x1c1: {  	s12 =	simm.s32 $0xF000;
	v32 =	vperm.xlane v32, v31  }
0x1c2: {  	[tilespmem:s12], [sflag:$0x1] =	stream.indirect_vreg.gather [hbm4b:s1+s4], $0x80, v33, vm0, $0xb8;
	[tilespmem:$0x1A680] =	vst v63  }
0x1c3: {  	s17 =	simm.s32 $0xF800;
	v32 =	vadd.s32 v30, v32  }
0x1c4: {  	[tilespmem:s17], [sflag:$0x1] =	stream.indirect_vreg.gather [hbm4b:s10+s4], $0x80, v33, vm0, $0xb8;
	[tilespmem:$0x1A680] =	vst v63  }
0x1c5: {  	s18 =	simm.s32 $0x10000  }
0x1c6: {  	[tilespmem:s18], [sflag:$0x1] =	stream.indirect_vreg.gather [hbm4b:s11+s4], $0x80, v33, vm0, $0xb8;
	[tilespmem:$0x1A680] =	vst v63  }
0x1c7: {  	s25 =	simm.s32 $0x10800  }
0x1c8: {  	[tilespmem:s25], [sflag:$0x1] =	stream.indirect_vreg.gather [hbm4b:s1+s4], $0x80, v32, vm0, $0xb8;
	[tilespmem:$0x1A680] =	vst v63  }
0x1c9: {  	s12 =	simm.s32 $0x11000  }
0x1ca: {  	[tilespmem:s12], [sflag:$0x1] =	stream.indirect_vreg.gather [hbm4b:s10+s4], $0x80, v32, vm0, $0xb8;
	[tilespmem:$0x1A680] =	vst v63  }
0x1cb: {  	s18 =	simm.s32 $0x11800  }
0x1cc: {  	[tilespmem:s18], [sflag:$0x1] =	stream.indirect_vreg.gather [hbm4b:s11+s4], $0x80, v32, vm0, $0xb8;
	[tilespmem:$0x1A680] =	vst v63  }
0x1cd: {  	_ =	swait.ge [sflag:s29], $0x6000  }
0x1ce: {  	[sflag:s29] =	ssyncset.done $0x0  }
0x1cf: {  	s25 =	rddreg [dreg:$0xd];
	[sflag:s29] =	ssyncadd.s32 $0xFFFFA000  }
0x1d0: {  	[hbm4b:s25+s4] =	stream.linear.scatter [tilespmem:s8], [sflag:$0x2], $0x6000, $0x38;
	[tilespmem:$0x1A680] =	vst v63  }
0x1d1: {  	_ =	swait.ge [sflag:s3], $0x6000  }
0x1d2: {  	[sflag:s3] =	ssyncset.done $0x0  }
0x1d3: {  	[sflag:s3] =	ssyncadd.s32 $0xFFFFA000  }
0x1d4: {  	v37 =	vld [tilespmem:$0x1A0C0];
	_ =	sdelay $0x4  }
0x1d5: {  	v38 =	vshrl.u32 v37, $0x3  }
0x1d6: {  	v33 =	vmul.u32 $0x30, v38  }
0x1d7: {  	v32 =	vand.u32 $0x7, v37  }
0x1d8: {  	v32 =	vor.u32 v32, v33  }
0x1d9: {  	v33 =	vperm.xlane v32, v29;
	_ =	sdelay $0x1  }
0x1da: {  	v33 =	vadd.s32 v30, v33;
	_ =	sdelay $0x3  }
0x1db: {  	v32 =	vperm.xlane v32, v31  }
0x1dc: {  	[tilespmem:s4], [sflag:$0x1] =	stream.indirect_vreg.gather [hbm4b:s1+s4], $0x80, v33, vm0, $0xb8;
	[tilespmem:$0x1A680] =	vst v63  }
0x1dd: {  	s18 =	simm.s32 $0x800;
	v32 =	vadd.s32 v30, v32  }
0x1de: {  	[tilespmem:s18], [sflag:$0x1] =	stream.indirect_vreg.gather [hbm4b:s10+s4], $0x80, v33, vm0, $0xb8;
	[tilespmem:$0x1A680] =	vst v63  }
0x1df: {  	s25 =	simm.s32 $0x1000  }
0x1e0: {  	[tilespmem:s25], [sflag:$0x1] =	stream.indirect_vreg.gather [hbm4b:s11+s4], $0x80, v33, vm0, $0xb8;
	[tilespmem:$0x1A680] =	vst v63  }
0x1e1: {  	s18 =	simm.s32 $0x1800  }
0x1e2: {  	[tilespmem:s18], [sflag:$0x1] =	stream.indirect_vreg.gather [hbm4b:s1+s4], $0x80, v32, vm0, $0xb8;
	[tilespmem:$0x1A680] =	vst v63  }
0x1e3: {  	s25 =	simm.s32 $0x2000  }
0x1e4: {  	[tilespmem:s25], [sflag:$0x1] =	stream.indirect_vreg.gather [hbm4b:s10+s4], $0x80, v32, vm0, $0xb8;
	[tilespmem:$0x1A680] =	vst v63  }
0x1e5: {  	s18 =	simm.s32 $0x2800  }
0x1e6: {  	[tilespmem:s18], [sflag:$0x1] =	stream.indirect_vreg.gather [hbm4b:s11+s4], $0x80, v32, vm0, $0xb8;
	[tilespmem:$0x1A680] =	vst v63  }
0x1e7: {  	v32 =	vld [tilespmem:$0x1A0D0];
	_ =	sdelay $0x4  }
0x1e8: {  	v39 =	vshrl.u32 v32, $0x3  }
0x1e9: {  	v33 =	vmul.u32 $0x30, v39  }
0x1ea: {  	v32 =	vand.u32 $0x7, v32  }
0x1eb: {  	v32 =	vor.u32 v32, v33  }
0x1ec: {  	v33 =	vperm.xlane v32, v29;
	_ =	sdelay $0x1  }
0x1ed: {  	v33 =	vadd.s32 v30, v33;
	_ =	sdelay $0x3  }
0x1ee: {  	s25 =	simm.s32 $0x3000;
	v32 =	vperm.xlane v32, v31  }
0x1ef: {  	[tilespmem:s25], [sflag:$0x1] =	stream.indirect_vreg.gather [hbm4b:s1+s4], $0x80, v33, vm0, $0xb8;
	[tilespmem:$0x1A680] =	vst v63  }
0x1f0: {  	s18 =	simm.s32 $0x3800;
	v32 =	vadd.s32 v30, v32  }
0x1f1: {  	[tilespmem:s18], [sflag:$0x1] =	stream.indirect_vreg.gather [hbm4b:s10+s4], $0x80, v33, vm0, $0xb8;
	[tilespmem:$0x1A680] =	vst v63  }
0x1f2: {  	s25 =	simm.s32 $0x4000  }
0x1f3: {  	[tilespmem:s25], [sflag:$0x1] =	stream.indirect_vreg.gather [hbm4b:s11+s4], $0x80, v33, vm0, $0xb8;
	[tilespmem:$0x1A680] =	vst v63  }
0x1f4: {  	s18 =	simm.s32 $0x4800  }
0x1f5: {  	[tilespmem:s18], [sflag:$0x1] =	stream.indirect_vreg.gather [hbm4b:s1+s4], $0x80, v32, vm0, $0xb8;
	[tilespmem:$0x1A680] =	vst v63  }
0x1f6: {  	s25 =	simm.s32 $0x5000  }
0x1f7: {  	[tilespmem:s25], [sflag:$0x1] =	stream.indirect_vreg.gather [hbm4b:s10+s4], $0x80, v32, vm0, $0xb8;
	[tilespmem:$0x1A680] =	vst v63  }
0x1f8: {  	s31 =	simm.s32 $0x5800  }
0x1f9: {  	[tilespmem:s31], [sflag:$0x1] =	stream.indirect_vreg.gather [hbm4b:s11+s4], $0x80, v32, vm0, $0xb8;
	[tilespmem:$0x1A680] =	vst v63  }
0x1fa: {  	_ =	swait.ge [sflag:s29], $0x6000  }
0x1fb: {  	[sflag:s29] =	ssyncset.done $0x0  }
0x1fc: {  	s31 =	rddreg [dreg:$0xe];
	[sflag:s29] =	ssyncadd.s32 $0xFFFFA000  }
0x1fd: {  	[hbm4b:s31+s4] =	stream.linear.scatter [tilespmem:s4], [sflag:$0x2], $0x6000, $0x38;
	[tilespmem:$0x1A680] =	vst v63  }
0x1fe: {  	_ =	swait.ge [sflag:s3], $0x6000  }
0x1ff: {  	[sflag:s3] =	ssyncset.done $0x0  }
0x200: {  	[sflag:s3] =	ssyncadd.s32 $0xFFFFA000  }
0x201: {  	v40 =	vld [tilespmem:$0x1A0E0];
	_ =	sdelay $0x4  }
0x202: {  	v41 =	vshrl.u32 v40, $0x3  }
0x203: {  	v33 =	vmul.u32 $0x30, v41  }
0x204: {  	v32 =	vand.u32 $0x7, v40  }
0x205: {  	v32 =	vor.u32 v32, v33  }
0x206: {  	v33 =	vperm.xlane v32, v29;
	_ =	sdelay $0x1  }
0x207: {  	v33 =	vadd.s32 v30, v33;
	_ =	sdelay $0x3  }
0x208: {  	v32 =	vperm.xlane v32, v31  }
0x209: {  	[tilespmem:s7], [sflag:$0x1] =	stream.indirect_vreg.gather [hbm4b:s1+s4], $0x80, v33, vm0, $0xb8;
	[tilespmem:$0x1A680] =	vst v63  }
0x20a: {  	s6 =	simm.s32 $0x6800;
	v32 =	vadd.s32 v30, v32  }
0x20b: {  	[tilespmem:s6], [sflag:$0x1] =	stream.indirect_vreg.gather [hbm4b:s10+s4], $0x80, v33, vm0, $0xb8;
	[tilespmem:$0x1A680] =	vst v63  }
0x20c: {  	s2 =	simm.s32 $0x7000  }
0x20d: {  	[tilespmem:s2], [sflag:$0x1] =	stream.indirect_vreg.gather [hbm4b:s11+s4], $0x80, v33, vm0, $0xb8;
	[tilespmem:$0x1A680] =	vst v63  }
0x20e: {  	s5 =	simm.s32 $0x7800  }
0x20f: {  	[tilespmem:s5], [sflag:$0x1] =	stream.indirect_vreg.gather [hbm4b:s1+s4], $0x80, v32, vm0, $0xb8;
	[tilespmem:$0x1A680] =	vst v63  }
0x210: {  	s28 =	simm.s32 $0x8000  }
0x211: {  	[tilespmem:s28], [sflag:$0x1] =	stream.indirect_vreg.gather [hbm4b:s10+s4], $0x80, v32, vm0, $0xb8;
	[tilespmem:$0x1A680] =	vst v63  }
0x212: {  	s30 =	simm.s32 $0x8800  }
0x213: {  	[tilespmem:s30], [sflag:$0x1] =	stream.indirect_vreg.gather [hbm4b:s11+s4], $0x80, v32, vm0, $0xb8;
	[tilespmem:$0x1A680] =	vst v63  }
0x214: {  	v32 =	vld [tilespmem:$0x1A0F0];
	_ =	sdelay $0x4  }
0x215: {  	v42 =	vshrl.u32 v32, $0x3  }
0x216: {  	v33 =	vmul.u32 $0x30, v42  }
0x217: {  	v32 =	vand.u32 $0x7, v32  }
0x218: {  	v32 =	vor.u32 v32, v33  }
0x219: {  	v33 =	vperm.xlane v32, v29;
	_ =	sdelay $0x1  }
0x21a: {  	v33 =	vadd.s32 v30, v33;
	_ =	sdelay $0x3  }
0x21b: {  	s19 =	simm.s32 $0x9000;
	v32 =	vperm.xlane v32, v31  }
0x21c: {  	[tilespmem:s19], [sflag:$0x1] =	stream.indirect_vreg.gather [hbm4b:s1+s4], $0x80, v33, vm0, $0xb8;
	[tilespmem:$0x1A680] =	vst v63  }
0x21d: {  	s20 =	simm.s32 $0x9800;
	v32 =	vadd.s32 v30, v32  }
0x21e: {  	[tilespmem:s20], [sflag:$0x1] =	stream.indirect_vreg.gather [hbm4b:s10+s4], $0x80, v33, vm0, $0xb8;
	[tilespmem:$0x1A680] =	vst v63  }
0x21f: {  	s21 =	simm.s32 $0xA000  }
0x220: {  	[tilespmem:s21], [sflag:$0x1] =	stream.indirect_vreg.gather [hbm4b:s11+s4], $0x80, v33, vm0, $0xb8;
	[tilespmem:$0x1A680] =	vst v63  }
0x221: {  	s22 =	simm.s32 $0xA800  }
0x222: {  	[tilespmem:s22], [sflag:$0x1] =	stream.indirect_vreg.gather [hbm4b:s1+s4], $0x80, v32, vm0, $0xb8;
	[tilespmem:$0x1A680] =	vst v63  }
0x223: {  	s9 =	simm.s32 $0xB000  }
0x224: {  	[tilespmem:s9], [sflag:$0x1] =	stream.indirect_vreg.gather [hbm4b:s10+s4], $0x80, v32, vm0, $0xb8;
	[tilespmem:$0x1A680] =	vst v63  }
0x225: {  	s26 =	simm.s32 $0xB800  }
0x226: {  	[tilespmem:s26], [sflag:$0x1] =	stream.indirect_vreg.gather [hbm4b:s11+s4], $0x80, v32, vm0, $0xb8;
	[tilespmem:$0x1A680] =	vst v63  }
0x227: {  	_ =	swait.ge [sflag:s29], $0x6000  }
0x228: {  	[sflag:s29] =	ssyncset.done $0x0  }
0x229: {  	s9 =	rddreg [dreg:$0xf];
	[sflag:s29] =	ssyncadd.s32 $0xFFFFA000  }
0x22a: {  	[hbm4b:s9+s4] =	stream.linear.scatter [tilespmem:s7], [sflag:$0x2], $0x6000, $0x38;
	[tilespmem:$0x1A680] =	vst v63  }
0x22b: {  	_ =	swait.ge [sflag:s3], $0x6000  }
0x22c: {  	[sflag:s3] =	ssyncset.done $0x0  }
0x22d: {  	[sflag:s3] =	ssyncadd.s32 $0xFFFFA000  }
0x22e: {  	v37 =	vld [tilespmem:$0x1A100];
	_ =	sdelay $0x4  }
0x22f: {  	v38 =	vshrl.u32 v37, $0x3  }
0x230: {  	v33 =	vmul.u32 $0x30, v38  }
0x231: {  	v32 =	vand.u32 $0x7, v37  }
0x232: {  	v32 =	vor.u32 v32, v33  }
0x233: {  	v33 =	vperm.xlane v32, v29;
	_ =	sdelay $0x1  }
0x234: {  	v33 =	vadd.s32 v30, v33;
	_ =	sdelay $0x3  }
0x235: {  	v32 =	vperm.xlane v32, v31  }
0x236: {  	[tilespmem:s8], [sflag:$0x1] =	stream.indirect_vreg.gather [hbm4b:s1+s4], $0x80, v33, vm0, $0xb8;
	[tilespmem:$0x1A680] =	vst v63  }
0x237: {  	s13 =	simm.s32 $0xC800;
	v32 =	vadd.s32 v30, v32  }
0x238: {  	[tilespmem:s13], [sflag:$0x1] =	stream.indirect_vreg.gather [hbm4b:s10+s4], $0x80, v33, vm0, $0xb8;
	[tilespmem:$0x1A680] =	vst v63  }
0x239: {  	s14 =	simm.s32 $0xD000  }
0x23a: {  	[tilespmem:s14], [sflag:$0x1] =	stream.indirect_vreg.gather [hbm4b:s11+s4], $0x80, v33, vm0, $0xb8;
	[tilespmem:$0x1A680] =	vst v63  }
0x23b: {  	s15 =	simm.s32 $0xD800  }
0x23c: {  	[tilespmem:s15], [sflag:$0x1] =	stream.indirect_vreg.gather [hbm4b:s1+s4], $0x80, v32, vm0, $0xb8;
	[tilespmem:$0x1A680] =	vst v63  }
0x23d: {  	s23 =	simm.s32 $0xE000  }
0x23e: {  	[tilespmem:s23], [sflag:$0x1] =	stream.indirect_vreg.gather [hbm4b:s10+s4], $0x80, v32, vm0, $0xb8;
	[tilespmem:$0x1A680] =	vst v63  }
0x23f: {  	s20 =	simm.s32 $0xE800  }
0x240: {  	[tilespmem:s20], [sflag:$0x1] =	stream.indirect_vreg.gather [hbm4b:s11+s4], $0x80, v32, vm0, $0xb8;
	[tilespmem:$0x1A680] =	vst v63  }
0x241: {  	v32 =	vld [tilespmem:$0x1A110];
	_ =	sdelay $0x4  }
0x242: {  	v39 =	vshrl.u32 v32, $0x3  }
0x243: {  	v33 =	vmul.u32 $0x30, v39  }
0x244: {  	v32 =	vand.u32 $0x7, v32  }
0x245: {  	v32 =	vor.u32 v32, v33  }
0x246: {  	v33 =	vperm.xlane v32, v29;
	_ =	sdelay $0x1  }
0x247: {  	v33 =	vadd.s32 v30, v33;
	_ =	sdelay $0x3  }
0x248: {  	s21 =	simm.s32 $0xF000;
	v32 =	vperm.xlane v32, v31  }
0x249: {  	[tilespmem:s21], [sflag:$0x1] =	stream.indirect_vreg.gather [hbm4b:s1+s4], $0x80, v33, vm0, $0xb8;
	[tilespmem:$0x1A680] =	vst v63  }
0x24a: {  	s24 =	simm.s32 $0xF800;
	v32 =	vadd.s32 v30, v32  }
0x24b: {  	[tilespmem:s24], [sflag:$0x1] =	stream.indirect_vreg.gather [hbm4b:s10+s4], $0x80, v33, vm0, $0xb8;
	[tilespmem:$0x1A680] =	vst v63  }
0x24c: {  	s26 =	simm.s32 $0x10000  }
0x24d: {  	[tilespmem:s26], [sflag:$0x1] =	stream.indirect_vreg.gather [hbm4b:s11+s4], $0x80, v33, vm0, $0xb8;
	[tilespmem:$0x1A680] =	vst v63  }
0x24e: {  	s17 =	simm.s32 $0x10800  }
0x24f: {  	[tilespmem:s17], [sflag:$0x1] =	stream.indirect_vreg.gather [hbm4b:s1+s4], $0x80, v32, vm0, $0xb8;
	[tilespmem:$0x1A680] =	vst v63  }
0x250: {  	s12 =	simm.s32 $0x11000  }
0x251: {  	[tilespmem:s12], [sflag:$0x1] =	stream.indirect_vreg.gather [hbm4b:s10+s4], $0x80, v32, vm0, $0xb8;
	[tilespmem:$0x1A680] =	vst v63  }
0x252: {  	s12 =	simm.s32 $0x11800  }
0x253: {  	[tilespmem:s12], [sflag:$0x1] =	stream.indirect_vreg.gather [hbm4b:s11+s4], $0x80, v32, vm0, $0xb8;
	[tilespmem:$0x1A680] =	vst v63  }
0x254: {  	_ =	swait.ge [sflag:s29], $0x6000  }
0x255: {  	s0 =	sld [smem:$0x7E8]  }
0x256: {  	[sflag:s29] =	ssyncset.done $0x0  }
0x257: {  	[sflag:s29] =	ssyncadd.s32 $0xFFFFA000  }
0x258: {  	[hbm4b:s0+s4] =	stream.linear.scatter [tilespmem:s8], [sflag:$0x2], $0x6000, $0x38;
	[tilespmem:$0x1A680] =	vst v63  }
0x259: {  	_ =	swait.ge [sflag:s3], $0x6000  }
0x25a: {  	[sflag:s3] =	ssyncset.done $0x0  }
0x25b: {  	[sflag:s3] =	ssyncadd.s32 $0xFFFFA000  }
0x25c: {  	v40 =	vld [tilespmem:$0x1A120];
	_ =	sdelay $0x4  }
0x25d: {  	v41 =	vshrl.u32 v40, $0x3  }
0x25e: {  	v33 =	vmul.u32 $0x30, v41  }
0x25f: {  	v32 =	vand.u32 $0x7, v40  }
0x260: {  	v32 =	vor.u32 v32, v33  }
0x261: {  	v33 =	vperm.xlane v32, v29;
	_ =	sdelay $0x1  }
0x262: {  	v33 =	vadd.s32 v30, v33;
	_ =	sdelay $0x3  }
0x263: {  	v32 =	vperm.xlane v32, v31  }
0x264: {  	[tilespmem:s4], [sflag:$0x1] =	stream.indirect_vreg.gather [hbm4b:s1+s4], $0x80, v33, vm0, $0xb8;
	[tilespmem:$0x1A680] =	vst v63  }
0x265: {  	s0 =	simm.s32 $0x800;
	v32 =	vadd.s32 v30, v32  }
0x266: {  	[tilespmem:s0], [sflag:$0x1] =	stream.indirect_vreg.gather [hbm4b:s10+s4], $0x80, v33, vm0, $0xb8;
	[tilespmem:$0x1A680] =	vst v63  }
0x267: {  	s0 =	simm.s32 $0x1000  }
0x268: {  	[tilespmem:s0], [sflag:$0x1] =	stream.indirect_vreg.gather [hbm4b:s11+s4], $0x80, v33, vm0, $0xb8;
	[tilespmem:$0x1A680] =	vst v63  }
0x269: {  	s0 =	simm.s32 $0x1800  }
0x26a: {  	[tilespmem:s0], [sflag:$0x1] =	stream.indirect_vreg.gather [hbm4b:s1+s4], $0x80, v32, vm0, $0xb8;
	[tilespmem:$0x1A680] =	vst v63  }
0x26b: {  	s0 =	simm.s32 $0x2000  }
0x26c: {  	[tilespmem:s0], [sflag:$0x1] =	stream.indirect_vreg.gather [hbm4b:s10+s4], $0x80, v32, vm0, $0xb8;
	[tilespmem:$0x1A680] =	vst v63  }
0x26d: {  	s0 =	simm.s32 $0x2800  }
0x26e: {  	[tilespmem:s0], [sflag:$0x1] =	stream.indirect_vreg.gather [hbm4b:s11+s4], $0x80, v32, vm0, $0xb8;
	[tilespmem:$0x1A680] =	vst v63  }
0x26f: {  	v32 =	vld [tilespmem:$0x1A130];
	_ =	sdelay $0x4  }
0x270: {  	v42 =	vshrl.u32 v32, $0x3  }
0x271: {  	v33 =	vmul.u32 $0x30, v42  }
0x272: {  	v32 =	vand.u32 $0x7, v32  }
0x273: {  	v32 =	vor.u32 v32, v33  }
0x274: {  	v33 =	vperm.xlane v32, v29;
	_ =	sdelay $0x1  }
0x275: {  	v33 =	vadd.s32 v30, v33;
	_ =	sdelay $0x3  }
0x276: {  	s0 =	simm.s32 $0x3000;
	v32 =	vperm.xlane v32, v31  }
0x277: {  	[tilespmem:s0], [sflag:$0x1] =	stream.indirect_vreg.gather [hbm4b:s1+s4], $0x80, v33, vm0, $0xb8;
	[tilespmem:$0x1A680] =	vst v63  }
0x278: {  	v32 =	vadd.s32 v30, v32;
	s0 =	simm.s32 $0x3800  }
0x279: {  	[tilespmem:s0], [sflag:$0x1] =	stream.indirect_vreg.gather [hbm4b:s10+s4], $0x80, v33, vm0, $0xb8;
	[tilespmem:$0x1A680] =	vst v63  }
0x27a: {  	s0 =	simm.s32 $0x4000  }
0x27b: {  	[tilespmem:s0], [sflag:$0x1] =	stream.indirect_vreg.gather [hbm4b:s11+s4], $0x80, v33, vm0, $0xb8;
	[tilespmem:$0x1A680] =	vst v63  }
0x27c: {  	s0 =	simm.s32 $0x4800  }
0x27d: {  	[tilespmem:s0], [sflag:$0x1] =	stream.indirect_vreg.gather [hbm4b:s1+s4], $0x80, v32, vm0, $0xb8;
	[tilespmem:$0x1A680] =	vst v63  }
0x27e: {  	s0 =	simm.s32 $0x5000  }
0x27f: {  	[tilespmem:s0], [sflag:$0x1] =	stream.indirect_vreg.gather [hbm4b:s10+s4], $0x80, v32, vm0, $0xb8;
	[tilespmem:$0x1A680] =	vst v63  }
0x280: {  	s0 =	simm.s32 $0x5800  }
0x281: {  	[tilespmem:s0], [sflag:$0x1] =	stream.indirect_vreg.gather [hbm4b:s11+s4], $0x80, v32, vm0, $0xb8;
	[tilespmem:$0x1A680] =	vst v63  }
0x282: {  	_ =	swait.ge [sflag:s29], $0x6000  }
0x283: {  	[sflag:s29] =	ssyncset.done $0x0  }
0x284: {  	s0 =	rddreg [dreg:$0x10];
	[sflag:s29] =	ssyncadd.s32 $0xFFFFA000  }
0x285: {  	[hbm4b:s0+s4] =	stream.linear.scatter [tilespmem:s4], [sflag:$0x2], $0x6000, $0x38;
	[tilespmem:$0x1A680] =	vst v63  }
0x286: {  	_ =	swait.ge [sflag:s3], $0x6000  }
0x287: {  	[sflag:s3] =	ssyncset.done $0x0  }
0x288: {  	[sflag:s3] =	ssyncadd.s32 $0xFFFFA000  }
0x289: {  	v37 =	vld [tilespmem:$0x1A140];
	_ =	sdelay $0x4  }
0x28a: {  	v38 =	vshrl.u32 v37, $0x3  }
0x28b: {  	v33 =	vmul.u32 $0x30, v38  }
0x28c: {  	v32 =	vand.u32 $0x7, v37  }
0x28d: {  	v32 =	vor.u32 v32, v33  }
0x28e: {  	v33 =	vperm.xlane v32, v29;
	_ =	sdelay $0x1  }
0x28f: {  	v33 =	vadd.s32 v30, v33;
	_ =	sdelay $0x3  }
0x290: {  	v32 =	vperm.xlane v32, v31  }
0x291: {  	[tilespmem:s7], [sflag:$0x1] =	stream.indirect_vreg.gather [hbm4b:s1+s4], $0x80, v33, vm0, $0xb8;
	[tilespmem:$0x1A680] =	vst v63  }
0x292: {  	s18 =	simm.s32 $0x6800;
	v32 =	vadd.s32 v30, v32  }
0x293: {  	[tilespmem:s18], [sflag:$0x1] =	stream.indirect_vreg.gather [hbm4b:s10+s4], $0x80, v33, vm0, $0xb8;
	[tilespmem:$0x1A680] =	vst v63  }
0x294: {  	s2 =	simm.s32 $0x7000  }
0x295: {  	[tilespmem:s2], [sflag:$0x1] =	stream.indirect_vreg.gather [hbm4b:s11+s4], $0x80, v33, vm0, $0xb8;
	[tilespmem:$0x1A680] =	vst v63  }
0x296: {  	s5 =	simm.s32 $0x7800  }
0x297: {  	[tilespmem:s5], [sflag:$0x1] =	stream.indirect_vreg.gather [hbm4b:s1+s4], $0x80, v32, vm0, $0xb8;
	[tilespmem:$0x1A680] =	vst v63  }
0x298: {  	s6 =	simm.s32 $0x8000  }
0x299: {  	[tilespmem:s6], [sflag:$0x1] =	stream.indirect_vreg.gather [hbm4b:s10+s4], $0x80, v32, vm0, $0xb8;
	[tilespmem:$0x1A680] =	vst v63  }
0x29a: {  	s28 =	simm.s32 $0x8800  }
0x29b: {  	[tilespmem:s28], [sflag:$0x1] =	stream.indirect_vreg.gather [hbm4b:s11+s4], $0x80, v32, vm0, $0xb8;
	[tilespmem:$0x1A680] =	vst v63  }
0x29c: {  	v32 =	vld [tilespmem:$0x1A150];
	_ =	sdelay $0x4  }
0x29d: {  	v39 =	vshrl.u32 v32, $0x3  }
0x29e: {  	v33 =	vmul.u32 $0x30, v39  }
0x29f: {  	v32 =	vand.u32 $0x7, v32  }
0x2a0: {  	v32 =	vor.u32 v32, v33  }
0x2a1: {  	v33 =	vperm.xlane v32, v29;
	_ =	sdelay $0x1  }
0x2a2: {  	v33 =	vadd.s32 v30, v33;
	_ =	sdelay $0x3  }
0x2a3: {  	s31 =	simm.s32 $0x9000;
	v32 =	vperm.xlane v32, v31  }
0x2a4: {  	[tilespmem:s31], [sflag:$0x1] =	stream.indirect_vreg.gather [hbm4b:s1+s4], $0x80, v33, vm0, $0xb8;
	[tilespmem:$0x1A680] =	vst v63  }
0x2a5: {  	s30 =	simm.s32 $0x9800;
	v32 =	vadd.s32 v30, v32  }
0x2a6: {  	[tilespmem:s30], [sflag:$0x1] =	stream.indirect_vreg.gather [hbm4b:s10+s4], $0x80, v33, vm0, $0xb8;
	[tilespmem:$0x1A680] =	vst v63  }
0x2a7: {  	s19 =	simm.s32 $0xA000  }
0x2a8: {  	[tilespmem:s19], [sflag:$0x1] =	stream.indirect_vreg.gather [hbm4b:s11+s4], $0x80, v33, vm0, $0xb8;
	[tilespmem:$0x1A680] =	vst v63  }
0x2a9: {  	s22 =	simm.s32 $0xA800  }
0x2aa: {  	[tilespmem:s22], [sflag:$0x1] =	stream.indirect_vreg.gather [hbm4b:s1+s4], $0x80, v32, vm0, $0xb8;
	[tilespmem:$0x1A680] =	vst v63  }
0x2ab: {  	s25 =	simm.s32 $0xB000  }
0x2ac: {  	[tilespmem:s25], [sflag:$0x1] =	stream.indirect_vreg.gather [hbm4b:s10+s4], $0x80, v32, vm0, $0xb8;
	[tilespmem:$0x1A680] =	vst v63  }
0x2ad: {  	s19 =	simm.s32 $0xB800  }
0x2ae: {  	[tilespmem:s19], [sflag:$0x1] =	stream.indirect_vreg.gather [hbm4b:s11+s4], $0x80, v32, vm0, $0xb8;
	[tilespmem:$0x1A680] =	vst v63  }
0x2af: {  	_ =	swait.ge [sflag:s29], $0x6000  }
0x2b0: {  	[sflag:s29] =	ssyncset.done $0x0  }
0x2b1: {  	s22 =	rddreg [dreg:$0x11];
	[sflag:s29] =	ssyncadd.s32 $0xFFFFA000  }
0x2b2: {  	[hbm4b:s22+s4] =	stream.linear.scatter [tilespmem:s7], [sflag:$0x2], $0x6000, $0x38;
	[tilespmem:$0x1A680] =	vst v63  }
0x2b3: {  	_ =	swait.ge [sflag:s3], $0x6000  }
0x2b4: {  	[sflag:s3] =	ssyncset.done $0x0  }
0x2b5: {  	[sflag:s3] =	ssyncadd.s32 $0xFFFFA000  }
0x2b6: {  	v40 =	vld [tilespmem:$0x1A160];
	_ =	sdelay $0x4  }
0x2b7: {  	v41 =	vshrl.u32 v40, $0x3  }
0x2b8: {  	v33 =	vmul.u32 $0x30, v41  }
0x2b9: {  	v32 =	vand.u32 $0x7, v40  }
0x2ba: {  	v32 =	vor.u32 v32, v33  }
0x2bb: {  	v33 =	vperm.xlane v32, v29;
	_ =	sdelay $0x1  }
0x2bc: {  	v33 =	vadd.s32 v30, v33;
	_ =	sdelay $0x3  }
0x2bd: {  	v32 =	vperm.xlane v32, v31  }
0x2be: {  	[tilespmem:s8], [sflag:$0x1] =	stream.indirect_vreg.gather [hbm4b:s1+s4], $0x80, v33, vm0, $0xb8;
	[tilespmem:$0x1A680] =	vst v63  }
0x2bf: {  	s9 =	simm.s32 $0xC800;
	v32 =	vadd.s32 v30, v32  }
0x2c0: {  	[tilespmem:s9], [sflag:$0x1] =	stream.indirect_vreg.gather [hbm4b:s10+s4], $0x80, v33, vm0, $0xb8;
	[tilespmem:$0x1A680] =	vst v63  }
0x2c1: {  	s14 =	simm.s32 $0xD000  }
0x2c2: {  	[tilespmem:s14], [sflag:$0x1] =	stream.indirect_vreg.gather [hbm4b:s11+s4], $0x80, v33, vm0, $0xb8;
	[tilespmem:$0x1A680] =	vst v63  }
0x2c3: {  	s15 =	simm.s32 $0xD800  }
0x2c4: {  	[tilespmem:s15], [sflag:$0x1] =	stream.indirect_vreg.gather [hbm4b:s1+s4], $0x80, v32, vm0, $0xb8;
	[tilespmem:$0x1A680] =	vst v63  }
0x2c5: {  	s23 =	simm.s32 $0xE000  }
0x2c6: {  	[tilespmem:s23], [sflag:$0x1] =	stream.indirect_vreg.gather [hbm4b:s10+s4], $0x80, v32, vm0, $0xb8;
	[tilespmem:$0x1A680] =	vst v63  }
0x2c7: {  	s20 =	simm.s32 $0xE800  }
0x2c8: {  	[tilespmem:s20], [sflag:$0x1] =	stream.indirect_vreg.gather [hbm4b:s11+s4], $0x80, v32, vm0, $0xb8;
	[tilespmem:$0x1A680] =	vst v63  }
0x2c9: {  	v32 =	vld [tilespmem:$0x1A170];
	_ =	sdelay $0x4  }
0x2ca: {  	v42 =	vshrl.u32 v32, $0x3  }
0x2cb: {  	v33 =	vmul.u32 $0x30, v42  }
0x2cc: {  	v32 =	vand.u32 $0x7, v32  }
0x2cd: {  	v32 =	vor.u32 v32, v33  }
0x2ce: {  	v33 =	vperm.xlane v32, v29;
	_ =	sdelay $0x1  }
0x2cf: {  	v33 =	vadd.s32 v30, v33;
	_ =	sdelay $0x3  }
0x2d0: {  	s21 =	simm.s32 $0xF000;
	v32 =	vperm.xlane v32, v31  }
0x2d1: {  	[tilespmem:s21], [sflag:$0x1] =	stream.indirect_vreg.gather [hbm4b:s1+s4], $0x80, v33, vm0, $0xb8;
	[tilespmem:$0x1A680] =	vst v63  }
0x2d2: {  	s24 =	simm.s32 $0xF800;
	v32 =	vadd.s32 v30, v32  }
0x2d3: {  	[tilespmem:s24], [sflag:$0x1] =	stream.indirect_vreg.gather [hbm4b:s10+s4], $0x80, v33, vm0, $0xb8;
	[tilespmem:$0x1A680] =	vst v63  }
0x2d4: {  	s26 =	simm.s32 $0x10000  }
0x2d5: {  	[tilespmem:s26], [sflag:$0x1] =	stream.indirect_vreg.gather [hbm4b:s11+s4], $0x80, v33, vm0, $0xb8;
	[tilespmem:$0x1A680] =	vst v63  }
0x2d6: {  	s17 =	simm.s32 $0x10800  }
0x2d7: {  	[tilespmem:s17], [sflag:$0x1] =	stream.indirect_vreg.gather [hbm4b:s1+s4], $0x80, v32, vm0, $0xb8;
	[tilespmem:$0x1A680] =	vst v63  }
0x2d8: {  	s13 =	simm.s32 $0x11000  }
0x2d9: {  	[tilespmem:s13], [sflag:$0x1] =	stream.indirect_vreg.gather [hbm4b:s10+s4], $0x80, v32, vm0, $0xb8;
	[tilespmem:$0x1A680] =	vst v63  }
0x2da: {  	s12 =	simm.s32 $0x11800  }
0x2db: {  	[tilespmem:s12], [sflag:$0x1] =	stream.indirect_vreg.gather [hbm4b:s11+s4], $0x80, v32, vm0, $0xb8;
	[tilespmem:$0x1A680] =	vst v63  }
0x2dc: {  	_ =	swait.ge [sflag:s29], $0x6000  }
0x2dd: {  	[sflag:s29] =	ssyncset.done $0x0  }
0x2de: {  	s17 =	rddreg [dreg:$0x12];
	[sflag:s29] =	ssyncadd.s32 $0xFFFFA000  }
0x2df: {  	[hbm4b:s17+s4] =	stream.linear.scatter [tilespmem:s8], [sflag:$0x2], $0x6000, $0x38;
	[tilespmem:$0x1A680] =	vst v63  }
0x2e0: {  	_ =	swait.ge [sflag:s3], $0x6000  }
0x2e1: {  	[sflag:s3] =	ssyncset.done $0x0  }
0x2e2: {  	[sflag:s3] =	ssyncadd.s32 $0xFFFFA000  }
0x2e3: {  	v37 =	vld [tilespmem:$0x1A180];
	_ =	sdelay $0x4  }
0x2e4: {  	v38 =	vshrl.u32 v37, $0x3  }
0x2e5: {  	v33 =	vmul.u32 $0x30, v38  }
0x2e6: {  	v32 =	vand.u32 $0x7, v37  }
0x2e7: {  	v32 =	vor.u32 v32, v33  }
0x2e8: {  	v33 =	vperm.xlane v32, v29;
	_ =	sdelay $0x1  }
0x2e9: {  	v33 =	vadd.s32 v30, v33;
	_ =	sdelay $0x3  }
0x2ea: {  	v32 =	vperm.xlane v32, v31  }
0x2eb: {  	[tilespmem:s4], [sflag:$0x1] =	stream.indirect_vreg.gather [hbm4b:s1+s4], $0x80, v33, vm0, $0xb8;
	[tilespmem:$0x1A680] =	vst v63  }
0x2ec: {  	s12 =	simm.s32 $0x800;
	v32 =	vadd.s32 v30, v32  }
0x2ed: {  	[tilespmem:s12], [sflag:$0x1] =	stream.indirect_vreg.gather [hbm4b:s10+s4], $0x80, v33, vm0, $0xb8;
	[tilespmem:$0x1A680] =	vst v63  }
0x2ee: {  	s17 =	simm.s32 $0x1000  }
0x2ef: {  	[tilespmem:s17], [sflag:$0x1] =	stream.indirect_vreg.gather [hbm4b:s11+s4], $0x80, v33, vm0, $0xb8;
	[tilespmem:$0x1A680] =	vst v63  }
0x2f0: {  	s12 =	simm.s32 $0x1800  }
0x2f1: {  	[tilespmem:s12], [sflag:$0x1] =	stream.indirect_vreg.gather [hbm4b:s1+s4], $0x80, v32, vm0, $0xb8;
	[tilespmem:$0x1A680] =	vst v63  }
0x2f2: {  	s17 =	simm.s32 $0x2000  }
0x2f3: {  	[tilespmem:s17], [sflag:$0x1] =	stream.indirect_vreg.gather [hbm4b:s10+s4], $0x80, v32, vm0, $0xb8;
	[tilespmem:$0x1A680] =	vst v63  }
0x2f4: {  	s12 =	simm.s32 $0x2800  }
0x2f5: {  	[tilespmem:s12], [sflag:$0x1] =	stream.indirect_vreg.gather [hbm4b:s11+s4], $0x80, v32, vm0, $0xb8;
	[tilespmem:$0x1A680] =	vst v63  }
0x2f6: {  	v32 =	vld [tilespmem:$0x1A190];
	_ =	sdelay $0x4  }
0x2f7: {  	v39 =	vshrl.u32 v32, $0x3  }
0x2f8: {  	v33 =	vmul.u32 $0x30, v39  }
0x2f9: {  	v32 =	vand.u32 $0x7, v32  }
0x2fa: {  	v32 =	vor.u32 v32, v33  }
0x2fb: {  	v33 =	vperm.xlane v32, v29;
	_ =	sdelay $0x1  }
0x2fc: {  	v33 =	vadd.s32 v30, v33;
	_ =	sdelay $0x3  }
0x2fd: {  	s17 =	simm.s32 $0x3000;
	v32 =	vperm.xlane v32, v31  }
0x2fe: {  	[tilespmem:s17], [sflag:$0x1] =	stream.indirect_vreg.gather [hbm4b:s1+s4], $0x80, v33, vm0, $0xb8;
	[tilespmem:$0x1A680] =	vst v63  }
0x2ff: {  	s12 =	simm.s32 $0x3800;
	v32 =	vadd.s32 v30, v32  }
0x300: {  	[tilespmem:s12], [sflag:$0x1] =	stream.indirect_vreg.gather [hbm4b:s10+s4], $0x80, v33, vm0, $0xb8;
	[tilespmem:$0x1A680] =	vst v63  }
0x301: {  	s17 =	simm.s32 $0x4000  }
0x302: {  	[tilespmem:s17], [sflag:$0x1] =	stream.indirect_vreg.gather [hbm4b:s11+s4], $0x80, v33, vm0, $0xb8;
	[tilespmem:$0x1A680] =	vst v63  }
0x303: {  	s12 =	simm.s32 $0x4800  }
0x304: {  	[tilespmem:s12], [sflag:$0x1] =	stream.indirect_vreg.gather [hbm4b:s1+s4], $0x80, v32, vm0, $0xb8;
	[tilespmem:$0x1A680] =	vst v63  }
0x305: {  	s17 =	simm.s32 $0x5000  }
0x306: {  	[tilespmem:s17], [sflag:$0x1] =	stream.indirect_vreg.gather [hbm4b:s10+s4], $0x80, v32, vm0, $0xb8;
	[tilespmem:$0x1A680] =	vst v63  }
0x307: {  	s12 =	simm.s32 $0x5800  }
0x308: {  	[tilespmem:s12], [sflag:$0x1] =	stream.indirect_vreg.gather [hbm4b:s11+s4], $0x80, v32, vm0, $0xb8;
	[tilespmem:$0x1A680] =	vst v63  }
0x309: {  	_ =	swait.ge [sflag:s29], $0x6000  }
0x30a: {  	[sflag:s29] =	ssyncset.done $0x0  }
0x30b: {  	s17 =	rddreg [dreg:$0x13];
	[sflag:s29] =	ssyncadd.s32 $0xFFFFA000  }
0x30c: {  	[hbm4b:s17+s4] =	stream.linear.scatter [tilespmem:s4], [sflag:$0x2], $0x6000, $0x38;
	[tilespmem:$0x1A680] =	vst v63  }
0x30d: {  	_ =	swait.ge [sflag:s3], $0x6000  }
0x30e: {  	[sflag:s3] =	ssyncset.done $0x0  }
0x30f: {  	[sflag:s3] =	ssyncadd.s32 $0xFFFFA000  }
0x310: {  	v40 =	vld [tilespmem:$0x1A1A0];
	_ =	sdelay $0x4  }
0x311: {  	v41 =	vshrl.u32 v40, $0x3  }
0x312: {  	v33 =	vmul.u32 $0x30, v41  }
0x313: {  	v32 =	vand.u32 $0x7, v40  }
0x314: {  	v32 =	vor.u32 v32, v33  }
0x315: {  	v33 =	vperm.xlane v32, v29;
	_ =	sdelay $0x1  }
0x316: {  	v33 =	vadd.s32 v30, v33;
	_ =	sdelay $0x3  }
0x317: {  	v32 =	vperm.xlane v32, v31  }
0x318: {  	[tilespmem:s7], [sflag:$0x1] =	stream.indirect_vreg.gather [hbm4b:s1+s4], $0x80, v33, vm0, $0xb8;
	[tilespmem:$0x1A680] =	vst v63  }
0x319: {  	s18 =	simm.s32 $0x6800;
	v32 =	vadd.s32 v30, v32  }
0x31a: {  	[tilespmem:s18], [sflag:$0x1] =	stream.indirect_vreg.gather [hbm4b:s10+s4], $0x80, v33, vm0, $0xb8;
	[tilespmem:$0x1A680] =	vst v63  }
0x31b: {  	s2 =	simm.s32 $0x7000  }
0x31c: {  	[tilespmem:s2], [sflag:$0x1] =	stream.indirect_vreg.gather [hbm4b:s11+s4], $0x80, v33, vm0, $0xb8;
	[tilespmem:$0x1A680] =	vst v63  }
0x31d: {  	s5 =	simm.s32 $0x7800  }
0x31e: {  	[tilespmem:s5], [sflag:$0x1] =	stream.indirect_vreg.gather [hbm4b:s1+s4], $0x80, v32, vm0, $0xb8;
	[tilespmem:$0x1A680] =	vst v63  }
0x31f: {  	s6 =	simm.s32 $0x8000  }
0x320: {  	[tilespmem:s6], [sflag:$0x1] =	stream.indirect_vreg.gather [hbm4b:s10+s4], $0x80, v32, vm0, $0xb8;
	[tilespmem:$0x1A680] =	vst v63  }
0x321: {  	s2 =	simm.s32 $0x8800  }
0x322: {  	[tilespmem:s2], [sflag:$0x1] =	stream.indirect_vreg.gather [hbm4b:s11+s4], $0x80, v32, vm0, $0xb8;
	[tilespmem:$0x1A680] =	vst v63  }
0x323: {  	v32 =	vld [tilespmem:$0x1A1B0];
	_ =	sdelay $0x4  }
0x324: {  	v42 =	vshrl.u32 v32, $0x3  }
0x325: {  	v33 =	vmul.u32 $0x30, v42  }
0x326: {  	v32 =	vand.u32 $0x7, v32  }
0x327: {  	v32 =	vor.u32 v32, v33  }
0x328: {  	v33 =	vperm.xlane v32, v29;
	_ =	sdelay $0x1  }
0x329: {  	v33 =	vadd.s32 v30, v33;
	_ =	sdelay $0x3  }
0x32a: {  	s5 =	simm.s32 $0x9000;
	v32 =	vperm.xlane v32, v31  }
0x32b: {  	[tilespmem:s5], [sflag:$0x1] =	stream.indirect_vreg.gather [hbm4b:s1+s4], $0x80, v33, vm0, $0xb8;
	[tilespmem:$0x1A680] =	vst v63  }
0x32c: {  	s30 =	simm.s32 $0x9800;
	v32 =	vadd.s32 v30, v32  }
0x32d: {  	[tilespmem:s30], [sflag:$0x1] =	stream.indirect_vreg.gather [hbm4b:s10+s4], $0x80, v33, vm0, $0xb8;
	[tilespmem:$0x1A680] =	vst v63  }
0x32e: {  	s31 =	simm.s32 $0xA000  }
0x32f: {  	[tilespmem:s31], [sflag:$0x1] =	stream.indirect_vreg.gather [hbm4b:s11+s4], $0x80, v33, vm0, $0xb8;
	[tilespmem:$0x1A680] =	vst v63  }
0x330: {  	s28 =	simm.s32 $0xA800  }
0x331: {  	[tilespmem:s28], [sflag:$0x1] =	stream.indirect_vreg.gather [hbm4b:s1+s4], $0x80, v32, vm0, $0xb8;
	[tilespmem:$0x1A680] =	vst v63  }
0x332: {  	s25 =	simm.s32 $0xB000  }
0x333: {  	[tilespmem:s25], [sflag:$0x1] =	stream.indirect_vreg.gather [hbm4b:s10+s4], $0x80, v32, vm0, $0xb8;
	[tilespmem:$0x1A680] =	vst v63  }
0x334: {  	s6 =	simm.s32 $0xB800  }
0x335: {  	[tilespmem:s6], [sflag:$0x1] =	stream.indirect_vreg.gather [hbm4b:s11+s4], $0x80, v32, vm0, $0xb8;
	[tilespmem:$0x1A680] =	vst v63  }
0x336: {  	_ =	swait.ge [sflag:s29], $0x6000  }
0x337: {  	[sflag:s29] =	ssyncset.done $0x0  }
0x338: {  	s12 =	rddreg [dreg:$0x14];
	[sflag:s29] =	ssyncadd.s32 $0xFFFFA000  }
0x339: {  	[hbm4b:s12+s4] =	stream.linear.scatter [tilespmem:s7], [sflag:$0x2], $0x6000, $0x38;
	[tilespmem:$0x1A680] =	vst v63  }
0x33a: {  	_ =	swait.ge [sflag:s3], $0x6000  }
0x33b: {  	[sflag:s3] =	ssyncset.done $0x0  }
0x33c: {  	[sflag:s3] =	ssyncadd.s32 $0xFFFFA000  }
0x33d: {  	v37 =	vld [tilespmem:$0x1A1C0];
	_ =	sdelay $0x4  }
0x33e: {  	v38 =	vshrl.u32 v37, $0x3  }
0x33f: {  	v33 =	vmul.u32 $0x30, v38  }
0x340: {  	v32 =	vand.u32 $0x7, v37  }
0x341: {  	v32 =	vor.u32 v32, v33  }
0x342: {  	v33 =	vperm.xlane v32, v29;
	_ =	sdelay $0x1  }
0x343: {  	v33 =	vadd.s32 v30, v33;
	_ =	sdelay $0x3  }
0x344: {  	v32 =	vperm.xlane v32, v31  }
0x345: {  	[tilespmem:s8], [sflag:$0x1] =	stream.indirect_vreg.gather [hbm4b:s1+s4], $0x80, v33, vm0, $0xb8;
	[tilespmem:$0x1A680] =	vst v63  }
0x346: {  	s22 =	simm.s32 $0xC800;
	v32 =	vadd.s32 v30, v32  }
0x347: {  	[tilespmem:s22], [sflag:$0x1] =	stream.indirect_vreg.gather [hbm4b:s10+s4], $0x80, v33, vm0, $0xb8;
	[tilespmem:$0x1A680] =	vst v63  }
0x348: {  	s9 =	simm.s32 $0xD000  }
0x349: {  	[tilespmem:s9], [sflag:$0x1] =	stream.indirect_vreg.gather [hbm4b:s11+s4], $0x80, v33, vm0, $0xb8;
	[tilespmem:$0x1A680] =	vst v63  }
0x34a: {  	s15 =	simm.s32 $0xD800  }
0x34b: {  	[tilespmem:s15], [sflag:$0x1] =	stream.indirect_vreg.gather [hbm4b:s1+s4], $0x80, v32, vm0, $0xb8;
	[tilespmem:$0x1A680] =	vst v63  }
0x34c: {  	s23 =	simm.s32 $0xE000  }
0x34d: {  	[tilespmem:s23], [sflag:$0x1] =	stream.indirect_vreg.gather [hbm4b:s10+s4], $0x80, v32, vm0, $0xb8;
	[tilespmem:$0x1A680] =	vst v63  }
0x34e: {  	s20 =	simm.s32 $0xE800  }
0x34f: {  	[tilespmem:s20], [sflag:$0x1] =	stream.indirect_vreg.gather [hbm4b:s11+s4], $0x80, v32, vm0, $0xb8;
	[tilespmem:$0x1A680] =	vst v63  }
0x350: {  	v32 =	vld [tilespmem:$0x1A1D0];
	_ =	sdelay $0x4  }
0x351: {  	v39 =	vshrl.u32 v32, $0x3  }
0x352: {  	v33 =	vmul.u32 $0x30, v39  }
0x353: {  	v32 =	vand.u32 $0x7, v32  }
0x354: {  	v32 =	vor.u32 v32, v33  }
0x355: {  	v33 =	vperm.xlane v32, v29;
	_ =	sdelay $0x1  }
0x356: {  	v33 =	vadd.s32 v30, v33;
	_ =	sdelay $0x3  }
0x357: {  	s21 =	simm.s32 $0xF000;
	v32 =	vperm.xlane v32, v31  }
0x358: {  	[tilespmem:s21], [sflag:$0x1] =	stream.indirect_vreg.gather [hbm4b:s1+s4], $0x80, v33, vm0, $0xb8;
	[tilespmem:$0x1A680] =	vst v63  }
0x359: {  	s24 =	simm.s32 $0xF800;
	v32 =	vadd.s32 v30, v32  }
0x35a: {  	[tilespmem:s24], [sflag:$0x1] =	stream.indirect_vreg.gather [hbm4b:s10+s4], $0x80, v33, vm0, $0xb8;
	[tilespmem:$0x1A680] =	vst v63  }
0x35b: {  	s26 =	simm.s32 $0x10000  }
0x35c: {  	[tilespmem:s26], [sflag:$0x1] =	stream.indirect_vreg.gather [hbm4b:s11+s4], $0x80, v33, vm0, $0xb8;
	[tilespmem:$0x1A680] =	vst v63  }
0x35d: {  	s19 =	simm.s32 $0x10800  }
0x35e: {  	[tilespmem:s19], [sflag:$0x1] =	stream.indirect_vreg.gather [hbm4b:s1+s4], $0x80, v32, vm0, $0xb8;
	[tilespmem:$0x1A680] =	vst v63  }
0x35f: {  	s14 =	simm.s32 $0x11000  }
0x360: {  	[tilespmem:s14], [sflag:$0x1] =	stream.indirect_vreg.gather [hbm4b:s10+s4], $0x80, v32, vm0, $0xb8;
	[tilespmem:$0x1A680] =	vst v63  }
0x361: {  	s13 =	simm.s32 $0x11800  }
0x362: {  	[tilespmem:s13], [sflag:$0x1] =	stream.indirect_vreg.gather [hbm4b:s11+s4], $0x80, v32, vm0, $0xb8;
	[tilespmem:$0x1A680] =	vst v63  }
0x363: {  	_ =	swait.ge [sflag:s29], $0x6000  }
0x364: {  	[sflag:s29] =	ssyncset.done $0x0  }
0x365: {  	s13 =	rddreg [dreg:$0x15];
	[sflag:s29] =	ssyncadd.s32 $0xFFFFA000  }
0x366: {  	[hbm4b:s13+s4] =	stream.linear.scatter [tilespmem:s8], [sflag:$0x2], $0x6000, $0x38;
	[tilespmem:$0x1A680] =	vst v63  }
0x367: {  	_ =	swait.ge [sflag:s3], $0x6000  }
0x368: {  	[sflag:s3] =	ssyncset.done $0x0  }
0x369: {  	[sflag:s3] =	ssyncadd.s32 $0xFFFFA000  }
0x36a: {  	v40 =	vld [tilespmem:$0x1A1E0];
	_ =	sdelay $0x4  }
0x36b: {  	v41 =	vshrl.u32 v40, $0x3  }
0x36c: {  	v33 =	vmul.u32 $0x30, v41  }
0x36d: {  	v32 =	vand.u32 $0x7, v40  }
0x36e: {  	v32 =	vor.u32 v32, v33  }
0x36f: {  	v33 =	vperm.xlane v32, v29;
	_ =	sdelay $0x1  }
0x370: {  	v33 =	vadd.s32 v30, v33;
	_ =	sdelay $0x3  }
0x371: {  	v32 =	vperm.xlane v32, v31  }
0x372: {  	[tilespmem:s4], [sflag:$0x1] =	stream.indirect_vreg.gather [hbm4b:s1+s4], $0x80, v33, vm0, $0xb8;
	[tilespmem:$0x1A680] =	vst v63  }
0x373: {  	s14 =	simm.s32 $0x800;
	v32 =	vadd.s32 v30, v32  }
0x374: {  	[tilespmem:s14], [sflag:$0x1] =	stream.indirect_vreg.gather [hbm4b:s10+s4], $0x80, v33, vm0, $0xb8;
	[tilespmem:$0x1A680] =	vst v63  }
0x375: {  	s15 =	simm.s32 $0x1000  }
0x376: {  	[tilespmem:s15], [sflag:$0x1] =	stream.indirect_vreg.gather [hbm4b:s11+s4], $0x80, v33, vm0, $0xb8;
	[tilespmem:$0x1A680] =	vst v63  }
0x377: {  	s19 =	simm.s32 $0x1800  }
0x378: {  	[tilespmem:s19], [sflag:$0x1] =	stream.indirect_vreg.gather [hbm4b:s1+s4], $0x80, v32, vm0, $0xb8;
	[tilespmem:$0x1A680] =	vst v63  }
0x379: {  	s24 =	simm.s32 $0x2000  }
0x37a: {  	[tilespmem:s24], [sflag:$0x1] =	stream.indirect_vreg.gather [hbm4b:s10+s4], $0x80, v32, vm0, $0xb8;
	[tilespmem:$0x1A680] =	vst v63  }
0x37b: {  	s26 =	simm.s32 $0x2800  }
0x37c: {  	[tilespmem:s26], [sflag:$0x1] =	stream.indirect_vreg.gather [hbm4b:s11+s4], $0x80, v32, vm0, $0xb8;
	[tilespmem:$0x1A680] =	vst v63  }
0x37d: {  	v32 =	vld [tilespmem:$0x1A1F0];
	_ =	sdelay $0x4  }
0x37e: {  	v42 =	vshrl.u32 v32, $0x3  }
0x37f: {  	v33 =	vmul.u32 $0x30, v42  }
0x380: {  	v32 =	vand.u32 $0x7, v32  }
0x381: {  	v32 =	vor.u32 v32, v33  }
0x382: {  	v33 =	vperm.xlane v32, v29;
	_ =	sdelay $0x1  }
0x383: {  	v33 =	vadd.s32 v30, v33;
	_ =	sdelay $0x3  }
0x384: {  	s28 =	simm.s32 $0x3000;
	v32 =	vperm.xlane v32, v31  }
0x385: {  	[tilespmem:s28], [sflag:$0x1] =	stream.indirect_vreg.gather [hbm4b:s1+s4], $0x80, v33, vm0, $0xb8;
	[tilespmem:$0x1A680] =	vst v63  }
0x386: {  	s30 =	simm.s32 $0x3800;
	v32 =	vadd.s32 v30, v32  }
0x387: {  	[tilespmem:s30], [sflag:$0x1] =	stream.indirect_vreg.gather [hbm4b:s10+s4], $0x80, v33, vm0, $0xb8;
	[tilespmem:$0x1A680] =	vst v63  }
0x388: {  	s13 =	simm.s32 $0x4000  }
0x389: {  	[tilespmem:s13], [sflag:$0x1] =	stream.indirect_vreg.gather [hbm4b:s11+s4], $0x80, v33, vm0, $0xb8;
	[tilespmem:$0x1A680] =	vst v63  }
0x38a: {  	s14 =	simm.s32 $0x4800  }
0x38b: {  	[tilespmem:s14], [sflag:$0x1] =	stream.indirect_vreg.gather [hbm4b:s1+s4], $0x80, v32, vm0, $0xb8;
	[tilespmem:$0x1A680] =	vst v63  }
0x38c: {  	s15 =	simm.s32 $0x5000  }
0x38d: {  	[tilespmem:s15], [sflag:$0x1] =	stream.indirect_vreg.gather [hbm4b:s10+s4], $0x80, v32, vm0, $0xb8;
	[tilespmem:$0x1A680] =	vst v63  }
0x38e: {  	s19 =	simm.s32 $0x5800  }
0x38f: {  	[tilespmem:s19], [sflag:$0x1] =	stream.indirect_vreg.gather [hbm4b:s11+s4], $0x80, v32, vm0, $0xb8;
	[tilespmem:$0x1A680] =	vst v63  }
0x390: {  	_ =	swait.ge [sflag:s29], $0x6000  }
0x391: {  	[sflag:s29] =	ssyncset.done $0x0  }
0x392: {  	s24 =	rddreg [dreg:$0x16];
	[sflag:s29] =	ssyncadd.s32 $0xFFFFA000  }
0x393: {  	[hbm4b:s24+s4] =	stream.linear.scatter [tilespmem:s4], [sflag:$0x2], $0x6000, $0x38;
	[tilespmem:$0x1A680] =	vst v63  }
0x394: {  	_ =	swait.ge [sflag:s3], $0x6000  }
0x395: {  	[sflag:s3] =	ssyncset.done $0x0  }
0x396: {  	[sflag:s3] =	ssyncadd.s32 $0xFFFFA000  }
0x397: {  	v37 =	vld [tilespmem:$0x1A200];
	_ =	sdelay $0x4  }
0x398: {  	v38 =	vshrl.u32 v37, $0x3  }
0x399: {  	v33 =	vmul.u32 $0x30, v38  }
0x39a: {  	v32 =	vand.u32 $0x7, v37  }
0x39b: {  	v32 =	vor.u32 v32, v33  }
0x39c: {  	v33 =	vperm.xlane v32, v29;
	_ =	sdelay $0x1  }
0x39d: {  	v33 =	vadd.s32 v30, v33;
	_ =	sdelay $0x3  }
0x39e: {  	v32 =	vperm.xlane v32, v31  }
0x39f: {  	[tilespmem:s7], [sflag:$0x1] =	stream.indirect_vreg.gather [hbm4b:s1+s4], $0x80, v33, vm0, $0xb8;
	[tilespmem:$0x1A680] =	vst v63  }
0x3a0: {  	s26 =	simm.s32 $0x6800;
	v32 =	vadd.s32 v30, v32  }
0x3a1: {  	[tilespmem:s26], [sflag:$0x1] =	stream.indirect_vreg.gather [hbm4b:s10+s4], $0x80, v33, vm0, $0xb8;
	[tilespmem:$0x1A680] =	vst v63  }
0x3a2: {  	s18 =	simm.s32 $0x7000  }
0x3a3: {  	[tilespmem:s18], [sflag:$0x1] =	stream.indirect_vreg.gather [hbm4b:s11+s4], $0x80, v33, vm0, $0xb8;
	[tilespmem:$0x1A680] =	vst v63  }
0x3a4: {  	s28 =	simm.s32 $0x7800  }
0x3a5: {  	[tilespmem:s28], [sflag:$0x1] =	stream.indirect_vreg.gather [hbm4b:s1+s4], $0x80, v32, vm0, $0xb8;
	[tilespmem:$0x1A680] =	vst v63  }
0x3a6: {  	s30 =	simm.s32 $0x8000  }
0x3a7: {  	[tilespmem:s30], [sflag:$0x1] =	stream.indirect_vreg.gather [hbm4b:s10+s4], $0x80, v32, vm0, $0xb8;
	[tilespmem:$0x1A680] =	vst v63  }
0x3a8: {  	s15 =	simm.s32 $0x8800  }
0x3a9: {  	[tilespmem:s15], [sflag:$0x1] =	stream.indirect_vreg.gather [hbm4b:s11+s4], $0x80, v32, vm0, $0xb8;
	[tilespmem:$0x1A680] =	vst v63  }
0x3aa: {  	v32 =	vld [tilespmem:$0x1A210];
	_ =	sdelay $0x4  }
0x3ab: {  	v39 =	vshrl.u32 v32, $0x3  }
0x3ac: {  	v33 =	vmul.u32 $0x30, v39  }
0x3ad: {  	v32 =	vand.u32 $0x7, v32  }
0x3ae: {  	v32 =	vor.u32 v32, v33  }
0x3af: {  	v33 =	vperm.xlane v32, v29;
	_ =	sdelay $0x1  }
0x3b0: {  	v33 =	vadd.s32 v30, v33;
	_ =	sdelay $0x3  }
0x3b1: {  	s19 =	simm.s32 $0x9000;
	v32 =	vperm.xlane v32, v31  }
0x3b2: {  	[tilespmem:s19], [sflag:$0x1] =	stream.indirect_vreg.gather [hbm4b:s1+s4], $0x80, v33, vm0, $0xb8;
	[tilespmem:$0x1A680] =	vst v63  }
0x3b3: {  	s17 =	simm.s32 $0x9800;
	v32 =	vadd.s32 v30, v32  }
0x3b4: {  	[tilespmem:s17], [sflag:$0x1] =	stream.indirect_vreg.gather [hbm4b:s10+s4], $0x80, v33, vm0, $0xb8;
	[tilespmem:$0x1A680] =	vst v63  }
0x3b5: {  	s24 =	simm.s32 $0xA000  }
0x3b6: {  	[tilespmem:s24], [sflag:$0x1] =	stream.indirect_vreg.gather [hbm4b:s11+s4], $0x80, v33, vm0, $0xb8;
	[tilespmem:$0x1A680] =	vst v63  }
0x3b7: {  	s17 =	simm.s32 $0xA800  }
0x3b8: {  	[tilespmem:s17], [sflag:$0x1] =	stream.indirect_vreg.gather [hbm4b:s1+s4], $0x80, v32, vm0, $0xb8;
	[tilespmem:$0x1A680] =	vst v63  }
0x3b9: {  	s24 =	simm.s32 $0xB000  }
0x3ba: {  	[tilespmem:s24], [sflag:$0x1] =	stream.indirect_vreg.gather [hbm4b:s10+s4], $0x80, v32, vm0, $0xb8;
	[tilespmem:$0x1A680] =	vst v63  }
0x3bb: {  	s0 =	simm.s32 $0xB800  }
0x3bc: {  	[tilespmem:s0], [sflag:$0x1] =	stream.indirect_vreg.gather [hbm4b:s11+s4], $0x80, v32, vm0, $0xb8;
	[tilespmem:$0x1A680] =	vst v63  }
0x3bd: {  	_ =	swait.ge [sflag:s29], $0x6000  }
0x3be: {  	s0 =	sld [smem:$0x7E9]  }
0x3bf: {  	[sflag:s29] =	ssyncset.done $0x0  }
0x3c0: {  	[sflag:s29] =	ssyncadd.s32 $0xFFFFA000  }
0x3c1: {  	[hbm4b:s0+s4] =	stream.linear.scatter [tilespmem:s7], [sflag:$0x2], $0x6000, $0x38;
	[tilespmem:$0x1A680] =	vst v63  }
0x3c2: {  	_ =	swait.ge [sflag:s3], $0x6000  }
0x3c3: {  	[sflag:s3] =	ssyncset.done $0x0  }
0x3c4: {  	[sflag:s3] =	ssyncadd.s32 $0xFFFFA000  }
0x3c5: {  	v40 =	vld [tilespmem:$0x1A220];
	_ =	sdelay $0x4  }
0x3c6: {  	v41 =	vshrl.u32 v40, $0x3  }
0x3c7: {  	v33 =	vmul.u32 $0x30, v41  }
0x3c8: {  	v32 =	vand.u32 $0x7, v40  }
0x3c9: {  	v32 =	vor.u32 v32, v33  }
0x3ca: {  	v33 =	vperm.xlane v32, v29;
	_ =	sdelay $0x1  }
0x3cb: {  	v33 =	vadd.s32 v30, v33;
	_ =	sdelay $0x3  }
0x3cc: {  	v32 =	vperm.xlane v32, v31  }
0x3cd: {  	[tilespmem:s8], [sflag:$0x1] =	stream.indirect_vreg.gather [hbm4b:s1+s4], $0x80, v33, vm0, $0xb8;
	[tilespmem:$0x1A680] =	vst v63  }
0x3ce: {  	s31 =	simm.s32 $0xC800;
	v32 =	vadd.s32 v30, v32  }
0x3cf: {  	[tilespmem:s31], [sflag:$0x1] =	stream.indirect_vreg.gather [hbm4b:s10+s4], $0x80, v33, vm0, $0xb8;
	[tilespmem:$0x1A680] =	vst v63  }
0x3d0: {  	s2 =	simm.s32 $0xD000  }
0x3d1: {  	[tilespmem:s2], [sflag:$0x1] =	stream.indirect_vreg.gather [hbm4b:s11+s4], $0x80, v33, vm0, $0xb8;
	[tilespmem:$0x1A680] =	vst v63  }
0x3d2: {  	s9 =	simm.s32 $0xD800  }
0x3d3: {  	[tilespmem:s9], [sflag:$0x1] =	stream.indirect_vreg.gather [hbm4b:s1+s4], $0x80, v32, vm0, $0xb8;
	[tilespmem:$0x1A680] =	vst v63  }
0x3d4: {  	s12 =	simm.s32 $0xE000  }
0x3d5: {  	[tilespmem:s12], [sflag:$0x1] =	stream.indirect_vreg.gather [hbm4b:s10+s4], $0x80, v32, vm0, $0xb8;
	[tilespmem:$0x1A680] =	vst v63  }
0x3d6: {  	s23 =	simm.s32 $0xE800  }
0x3d7: {  	[tilespmem:s23], [sflag:$0x1] =	stream.indirect_vreg.gather [hbm4b:s11+s4], $0x80, v32, vm0, $0xb8;
	[tilespmem:$0x1A680] =	vst v63  }
0x3d8: {  	v32 =	vld [tilespmem:$0x1A230];
	_ =	sdelay $0x4  }
0x3d9: {  	v42 =	vshrl.u32 v32, $0x3  }
0x3da: {  	v33 =	vmul.u32 $0x30, v42  }
0x3db: {  	v32 =	vand.u32 $0x7, v32  }
0x3dc: {  	v32 =	vor.u32 v32, v33  }
0x3dd: {  	v33 =	vperm.xlane v32, v29;
	_ =	sdelay $0x1  }
0x3de: {  	v33 =	vadd.s32 v30, v33;
	_ =	sdelay $0x3  }
0x3df: {  	s21 =	simm.s32 $0xF000;
	v32 =	vperm.xlane v32, v31  }
0x3e0: {  	[tilespmem:s21], [sflag:$0x1] =	stream.indirect_vreg.gather [hbm4b:s1+s4], $0x80, v33, vm0, $0xb8;
	[tilespmem:$0x1A680] =	vst v63  }
0x3e1: {  	s22 =	simm.s32 $0xF800;
	v32 =	vadd.s32 v30, v32  }
0x3e2: {  	[tilespmem:s22], [sflag:$0x1] =	stream.indirect_vreg.gather [hbm4b:s10+s4], $0x80, v33, vm0, $0xb8;
	[tilespmem:$0x1A680] =	vst v63  }
0x3e3: {  	s25 =	simm.s32 $0x10000  }
0x3e4: {  	[tilespmem:s25], [sflag:$0x1] =	stream.indirect_vreg.gather [hbm4b:s11+s4], $0x80, v33, vm0, $0xb8;
	[tilespmem:$0x1A680] =	vst v63  }
0x3e5: {  	s20 =	simm.s32 $0x10800  }
0x3e6: {  	[tilespmem:s20], [sflag:$0x1] =	stream.indirect_vreg.gather [hbm4b:s1+s4], $0x80, v32, vm0, $0xb8;
	[tilespmem:$0x1A680] =	vst v63  }
0x3e7: {  	s6 =	simm.s32 $0x11000  }
0x3e8: {  	[tilespmem:s6], [sflag:$0x1] =	stream.indirect_vreg.gather [hbm4b:s10+s4], $0x80, v32, vm0, $0xb8;
	[tilespmem:$0x1A680] =	vst v63  }
0x3e9: {  	s5 =	simm.s32 $0x11800  }
0x3ea: {  	[tilespmem:s5], [sflag:$0x1] =	stream.indirect_vreg.gather [hbm4b:s11+s4], $0x80, v32, vm0, $0xb8;
	[tilespmem:$0x1A680] =	vst v63  }
0x3eb: {  	_ =	swait.ge [sflag:s29], $0x6000  }
0x3ec: {  	[sflag:s29] =	ssyncset.done $0x0  }
0x3ed: {  	s5 =	rddreg [dreg:$0x17];
	[sflag:s29] =	ssyncadd.s32 $0xFFFFA000  }
0x3ee: {  	[hbm4b:s5+s4] =	stream.linear.scatter [tilespmem:s8], [sflag:$0x2], $0x6000, $0x38;
	[tilespmem:$0x1A680] =	vst v63  }
0x3ef: {  	_ =	swait.ge [sflag:s3], $0x6000  }
0x3f0: {  	[sflag:s3] =	ssyncset.done $0x0  }
0x3f1: {  	[sflag:s3] =	ssyncadd.s32 $0xFFFFA000  }
0x3f2: {  	v37 =	vld [tilespmem:$0x1A240];
	_ =	sdelay $0x4  }
0x3f3: {  	v38 =	vshrl.u32 v37, $0x3  }
0x3f4: {  	v33 =	vmul.u32 $0x30, v38  }
0x3f5: {  	v32 =	vand.u32 $0x7, v37  }
0x3f6: {  	v32 =	vor.u32 v32, v33  }
0x3f7: {  	v33 =	vperm.xlane v32, v29;
	_ =	sdelay $0x1  }
0x3f8: {  	v33 =	vadd.s32 v30, v33;
	_ =	sdelay $0x3  }
0x3f9: {  	v32 =	vperm.xlane v32, v31  }
0x3fa: {  	[tilespmem:s4], [sflag:$0x1] =	stream.indirect_vreg.gather [hbm4b:s1+s4], $0x80, v33, vm0, $0xb8;
	[tilespmem:$0x1A680] =	vst v63  }
0x3fb: {  	s5 =	simm.s32 $0x800;
	v32 =	vadd.s32 v30, v32  }
0x3fc: {  	[tilespmem:s5], [sflag:$0x1] =	stream.indirect_vreg.gather [hbm4b:s10+s4], $0x80, v33, vm0, $0xb8;
	[tilespmem:$0x1A680] =	vst v63  }
0x3fd: {  	s5 =	simm.s32 $0x1000  }
0x3fe: {  	[tilespmem:s5], [sflag:$0x1] =	stream.indirect_vreg.gather [hbm4b:s11+s4], $0x80, v33, vm0, $0xb8;
	[tilespmem:$0x1A680] =	vst v63  }
0x3ff: {  	s5 =	simm.s32 $0x1800  }
0x400: {  	[tilespmem:s5], [sflag:$0x1] =	stream.indirect_vreg.gather [hbm4b:s1+s4], $0x80, v32, vm0, $0xb8;
	[tilespmem:$0x1A680] =	vst v63  }
0x401: {  	s5 =	simm.s32 $0x2000  }
0x402: {  	[tilespmem:s5], [sflag:$0x1] =	stream.indirect_vreg.gather [hbm4b:s10+s4], $0x80, v32, vm0, $0xb8;
	[tilespmem:$0x1A680] =	vst v63  }
0x403: {  	s5 =	simm.s32 $0x2800  }
0x404: {  	[tilespmem:s5], [sflag:$0x1] =	stream.indirect_vreg.gather [hbm4b:s11+s4], $0x80, v32, vm0, $0xb8;
	[tilespmem:$0x1A680] =	vst v63  }
0x405: {  	v32 =	vld [tilespmem:$0x1A250];
	_ =	sdelay $0x4  }
0x406: {  	v39 =	vshrl.u32 v32, $0x3  }
0x407: {  	v33 =	vmul.u32 $0x30, v39  }
0x408: {  	v32 =	vand.u32 $0x7, v32  }
0x409: {  	v32 =	vor.u32 v32, v33  }
0x40a: {  	v33 =	vperm.xlane v32, v29;
	_ =	sdelay $0x1  }
0x40b: {  	v33 =	vadd.s32 v30, v33;
	_ =	sdelay $0x3  }
0x40c: {  	s5 =	simm.s32 $0x3000;
	v32 =	vperm.xlane v32, v31  }
0x40d: {  	[tilespmem:s5], [sflag:$0x1] =	stream.indirect_vreg.gather [hbm4b:s1+s4], $0x80, v33, vm0, $0xb8;
	[tilespmem:$0x1A680] =	vst v63  }
0x40e: {  	v32 =	vadd.s32 v30, v32;
	s5 =	simm.s32 $0x3800  }
0x40f: {  	[tilespmem:s5], [sflag:$0x1] =	stream.indirect_vreg.gather [hbm4b:s10+s4], $0x80, v33, vm0, $0xb8;
	[tilespmem:$0x1A680] =	vst v63  }
0x410: {  	s5 =	simm.s32 $0x4000  }
0x411: {  	[tilespmem:s5], [sflag:$0x1] =	stream.indirect_vreg.gather [hbm4b:s11+s4], $0x80, v33, vm0, $0xb8;
	[tilespmem:$0x1A680] =	vst v63  }
0x412: {  	s5 =	simm.s32 $0x4800  }
0x413: {  	[tilespmem:s5], [sflag:$0x1] =	stream.indirect_vreg.gather [hbm4b:s1+s4], $0x80, v32, vm0, $0xb8;
	[tilespmem:$0x1A680] =	vst v63  }
0x414: {  	s5 =	simm.s32 $0x5000  }
0x415: {  	[tilespmem:s5], [sflag:$0x1] =	stream.indirect_vreg.gather [hbm4b:s10+s4], $0x80, v32, vm0, $0xb8;
	[tilespmem:$0x1A680] =	vst v63  }
0x416: {  	s5 =	simm.s32 $0x5800  }
0x417: {  	[tilespmem:s5], [sflag:$0x1] =	stream.indirect_vreg.gather [hbm4b:s11+s4], $0x80, v32, vm0, $0xb8;
	[tilespmem:$0x1A680] =	vst v63  }
0x418: {  	_ =	swait.ge [sflag:s29], $0x6000  }
0x419: {  	[sflag:s29] =	ssyncset.done $0x0  }
0x41a: {  	s5 =	rddreg [dreg:$0x18];
	[sflag:s29] =	ssyncadd.s32 $0xFFFFA000  }
0x41b: {  	[hbm4b:s5+s4] =	stream.linear.scatter [tilespmem:s4], [sflag:$0x2], $0x6000, $0x38;
	[tilespmem:$0x1A680] =	vst v63  }
0x41c: {  	_ =	swait.ge [sflag:s3], $0x6000  }
0x41d: {  	[sflag:s3] =	ssyncset.done $0x0  }
0x41e: {  	[sflag:s3] =	ssyncadd.s32 $0xFFFFA000  }
0x41f: {  	v40 =	vld [tilespmem:$0x1A260];
	_ =	sdelay $0x4  }
0x420: {  	v41 =	vshrl.u32 v40, $0x3  }
0x421: {  	v33 =	vmul.u32 $0x30, v41  }
0x422: {  	v32 =	vand.u32 $0x7, v40  }
0x423: {  	v32 =	vor.u32 v32, v33  }
0x424: {  	v33 =	vperm.xlane v32, v29;
	_ =	sdelay $0x1  }
0x425: {  	v33 =	vadd.s32 v30, v33;
	_ =	sdelay $0x3  }
0x426: {  	v32 =	vperm.xlane v32, v31  }
0x427: {  	[tilespmem:s7], [sflag:$0x1] =	stream.indirect_vreg.gather [hbm4b:s1+s4], $0x80, v33, vm0, $0xb8;
	[tilespmem:$0x1A680] =	vst v63  }
0x428: {  	s14 =	simm.s32 $0x6800;
	v32 =	vadd.s32 v30, v32  }
0x429: {  	[tilespmem:s14], [sflag:$0x1] =	stream.indirect_vreg.gather [hbm4b:s10+s4], $0x80, v33, vm0, $0xb8;
	[tilespmem:$0x1A680] =	vst v63  }
0x42a: {  	s13 =	simm.s32 $0x7000  }
0x42b: {  	[tilespmem:s13], [sflag:$0x1] =	stream.indirect_vreg.gather [hbm4b:s11+s4], $0x80, v33, vm0, $0xb8;
	[tilespmem:$0x1A680] =	vst v63  }
0x42c: {  	s26 =	simm.s32 $0x7800  }
0x42d: {  	[tilespmem:s26], [sflag:$0x1] =	stream.indirect_vreg.gather [hbm4b:s1+s4], $0x80, v32, vm0, $0xb8;
	[tilespmem:$0x1A680] =	vst v63  }
0x42e: {  	s18 =	simm.s32 $0x8000  }
0x42f: {  	[tilespmem:s18], [sflag:$0x1] =	stream.indirect_vreg.gather [hbm4b:s10+s4], $0x80, v32, vm0, $0xb8;
	[tilespmem:$0x1A680] =	vst v63  }
0x430: {  	s28 =	simm.s32 $0x8800  }
0x431: {  	[tilespmem:s28], [sflag:$0x1] =	stream.indirect_vreg.gather [hbm4b:s11+s4], $0x80, v32, vm0, $0xb8;
	[tilespmem:$0x1A680] =	vst v63  }
0x432: {  	v32 =	vld [tilespmem:$0x1A270];
	_ =	sdelay $0x4  }
0x433: {  	v42 =	vshrl.u32 v32, $0x3  }
0x434: {  	v33 =	vmul.u32 $0x30, v42  }
0x435: {  	v32 =	vand.u32 $0x7, v32  }
0x436: {  	v32 =	vor.u32 v32, v33  }
0x437: {  	v33 =	vperm.xlane v32, v29;
	_ =	sdelay $0x1  }
0x438: {  	v33 =	vadd.s32 v30, v33;
	_ =	sdelay $0x3  }
0x439: {  	s30 =	simm.s32 $0x9000;
	v32 =	vperm.xlane v32, v31  }
0x43a: {  	[tilespmem:s30], [sflag:$0x1] =	stream.indirect_vreg.gather [hbm4b:s1+s4], $0x80, v33, vm0, $0xb8;
	[tilespmem:$0x1A680] =	vst v63  }
0x43b: {  	s15 =	simm.s32 $0x9800;
	v32 =	vadd.s32 v30, v32  }
0x43c: {  	[tilespmem:s15], [sflag:$0x1] =	stream.indirect_vreg.gather [hbm4b:s10+s4], $0x80, v33, vm0, $0xb8;
	[tilespmem:$0x1A680] =	vst v63  }
0x43d: {  	s19 =	simm.s32 $0xA000  }
0x43e: {  	[tilespmem:s19], [sflag:$0x1] =	stream.indirect_vreg.gather [hbm4b:s11+s4], $0x80, v33, vm0, $0xb8;
	[tilespmem:$0x1A680] =	vst v63  }
0x43f: {  	s17 =	simm.s32 $0xA800  }
0x440: {  	[tilespmem:s17], [sflag:$0x1] =	stream.indirect_vreg.gather [hbm4b:s1+s4], $0x80, v32, vm0, $0xb8;
	[tilespmem:$0x1A680] =	vst v63  }
0x441: {  	s24 =	simm.s32 $0xB000  }
0x442: {  	[tilespmem:s24], [sflag:$0x1] =	stream.indirect_vreg.gather [hbm4b:s10+s4], $0x80, v32, vm0, $0xb8;
	[tilespmem:$0x1A680] =	vst v63  }
0x443: {  	s24 =	simm.s32 $0xB800  }
0x444: {  	[tilespmem:s24], [sflag:$0x1] =	stream.indirect_vreg.gather [hbm4b:s11+s4], $0x80, v32, vm0, $0xb8;
	[tilespmem:$0x1A680] =	vst v63  }
0x445: {  	_ =	swait.ge [sflag:s29], $0x6000  }
0x446: {  	[sflag:s29] =	ssyncset.done $0x0  }
0x447: {  	s17 =	rddreg [dreg:$0x19];
	[sflag:s29] =	ssyncadd.s32 $0xFFFFA000  }
0x448: {  	[hbm4b:s17+s4] =	stream.linear.scatter [tilespmem:s7], [sflag:$0x2], $0x6000, $0x38;
	[tilespmem:$0x1A680] =	vst v63  }
0x449: {  	_ =	swait.ge [sflag:s3], $0x6000  }
0x44a: {  	[sflag:s3] =	ssyncset.done $0x0  }
0x44b: {  	[sflag:s3] =	ssyncadd.s32 $0xFFFFA000  }
0x44c: {  	v37 =	vld [tilespmem:$0x1A280];
	_ =	sdelay $0x4  }
0x44d: {  	v38 =	vshrl.u32 v37, $0x3  }
0x44e: {  	v33 =	vmul.u32 $0x30, v38  }
0x44f: {  	v32 =	vand.u32 $0x7, v37  }
0x450: {  	v32 =	vor.u32 v32, v33  }
0x451: {  	v33 =	vperm.xlane v32, v29;
	_ =	sdelay $0x1  }
0x452: {  	v33 =	vadd.s32 v30, v33;
	_ =	sdelay $0x3  }
0x453: {  	v32 =	vperm.xlane v32, v31  }
0x454: {  	[tilespmem:s8], [sflag:$0x1] =	stream.indirect_vreg.gather [hbm4b:s1+s4], $0x80, v33, vm0, $0xb8;
	[tilespmem:$0x1A680] =	vst v63  }
0x455: {  	s31 =	simm.s32 $0xC800;
	v32 =	vadd.s32 v30, v32  }
0x456: {  	[tilespmem:s31], [sflag:$0x1] =	stream.indirect_vreg.gather [hbm4b:s10+s4], $0x80, v33, vm0, $0xb8;
	[tilespmem:$0x1A680] =	vst v63  }
0x457: {  	s19 =	simm.s32 $0xD000  }
0x458: {  	[tilespmem:s19], [sflag:$0x1] =	stream.indirect_vreg.gather [hbm4b:s11+s4], $0x80, v33, vm0, $0xb8;
	[tilespmem:$0x1A680] =	vst v63  }
0x459: {  	s9 =	simm.s32 $0xD800  }
0x45a: {  	[tilespmem:s9], [sflag:$0x1] =	stream.indirect_vreg.gather [hbm4b:s1+s4], $0x80, v32, vm0, $0xb8;
	[tilespmem:$0x1A680] =	vst v63  }
0x45b: {  	s12 =	simm.s32 $0xE000  }
0x45c: {  	[tilespmem:s12], [sflag:$0x1] =	stream.indirect_vreg.gather [hbm4b:s10+s4], $0x80, v32, vm0, $0xb8;
	[tilespmem:$0x1A680] =	vst v63  }
0x45d: {  	s23 =	simm.s32 $0xE800  }
0x45e: {  	[tilespmem:s23], [sflag:$0x1] =	stream.indirect_vreg.gather [hbm4b:s11+s4], $0x80, v32, vm0, $0xb8;
	[tilespmem:$0x1A680] =	vst v63  }
0x45f: {  	v32 =	vld [tilespmem:$0x1A290];
	_ =	sdelay $0x4  }
0x460: {  	v39 =	vshrl.u32 v32, $0x3  }
0x461: {  	v33 =	vmul.u32 $0x30, v39  }
0x462: {  	v32 =	vand.u32 $0x7, v32  }
0x463: {  	v32 =	vor.u32 v32, v33  }
0x464: {  	v33 =	vperm.xlane v32, v29;
	_ =	sdelay $0x1  }
0x465: {  	v33 =	vadd.s32 v30, v33;
	_ =	sdelay $0x3  }
0x466: {  	s21 =	simm.s32 $0xF000;
	v32 =	vperm.xlane v32, v31  }
0x467: {  	[tilespmem:s21], [sflag:$0x1] =	stream.indirect_vreg.gather [hbm4b:s1+s4], $0x80, v33, vm0, $0xb8;
	[tilespmem:$0x1A680] =	vst v63  }
0x468: {  	s22 =	simm.s32 $0xF800;
	v32 =	vadd.s32 v30, v32  }
0x469: {  	[tilespmem:s22], [sflag:$0x1] =	stream.indirect_vreg.gather [hbm4b:s10+s4], $0x80, v33, vm0, $0xb8;
	[tilespmem:$0x1A680] =	vst v63  }
0x46a: {  	s25 =	simm.s32 $0x10000  }
0x46b: {  	[tilespmem:s25], [sflag:$0x1] =	stream.indirect_vreg.gather [hbm4b:s11+s4], $0x80, v33, vm0, $0xb8;
	[tilespmem:$0x1A680] =	vst v63  }
0x46c: {  	s20 =	simm.s32 $0x10800  }
0x46d: {  	[tilespmem:s20], [sflag:$0x1] =	stream.indirect_vreg.gather [hbm4b:s1+s4], $0x80, v32, vm0, $0xb8;
	[tilespmem:$0x1A680] =	vst v63  }
0x46e: {  	s6 =	simm.s32 $0x11000  }
0x46f: {  	[tilespmem:s6], [sflag:$0x1] =	stream.indirect_vreg.gather [hbm4b:s10+s4], $0x80, v32, vm0, $0xb8;
	[tilespmem:$0x1A680] =	vst v63  }
0x470: {  	s2 =	simm.s32 $0x11800  }
0x471: {  	[tilespmem:s2], [sflag:$0x1] =	stream.indirect_vreg.gather [hbm4b:s11+s4], $0x80, v32, vm0, $0xb8;
	[tilespmem:$0x1A680] =	vst v63  }
0x472: {  	_ =	swait.ge [sflag:s29], $0x6000  }
0x473: {  	[sflag:s29] =	ssyncset.done $0x0  }
0x474: {  	s20 =	rddreg [dreg:$0x1a];
	[sflag:s29] =	ssyncadd.s32 $0xFFFFA000  }
0x475: {  	[hbm4b:s20+s4] =	stream.linear.scatter [tilespmem:s8], [sflag:$0x2], $0x6000, $0x38;
	[tilespmem:$0x1A680] =	vst v63  }
0x476: {  	_ =	swait.ge [sflag:s3], $0x6000  }
0x477: {  	[sflag:s3] =	ssyncset.done $0x0  }
0x478: {  	[sflag:s3] =	ssyncadd.s32 $0xFFFFA000  }
0x479: {  	v40 =	vld [tilespmem:$0x1A2A0];
	_ =	sdelay $0x4  }
0x47a: {  	v41 =	vshrl.u32 v40, $0x3  }
0x47b: {  	v33 =	vmul.u32 $0x30, v41  }
0x47c: {  	v32 =	vand.u32 $0x7, v40  }
0x47d: {  	v32 =	vor.u32 v32, v33  }
0x47e: {  	v33 =	vperm.xlane v32, v29;
	_ =	sdelay $0x1  }
0x47f: {  	v33 =	vadd.s32 v30, v33;
	_ =	sdelay $0x3  }
0x480: {  	v32 =	vperm.xlane v32, v31  }
0x481: {  	[tilespmem:s4], [sflag:$0x1] =	stream.indirect_vreg.gather [hbm4b:s1+s4], $0x80, v33, vm0, $0xb8;
	[tilespmem:$0x1A680] =	vst v63  }
0x482: {  	s22 =	simm.s32 $0x800;
	v32 =	vadd.s32 v30, v32  }
0x483: {  	[tilespmem:s22], [sflag:$0x1] =	stream.indirect_vreg.gather [hbm4b:s10+s4], $0x80, v33, vm0, $0xb8;
	[tilespmem:$0x1A680] =	vst v63  }
0x484: {  	s2 =	simm.s32 $0x1000  }
0x485: {  	[tilespmem:s2], [sflag:$0x1] =	stream.indirect_vreg.gather [hbm4b:s11+s4], $0x80, v33, vm0, $0xb8;
	[tilespmem:$0x1A680] =	vst v63  }
0x486: {  	s6 =	simm.s32 $0x1800  }
0x487: {  	[tilespmem:s6], [sflag:$0x1] =	stream.indirect_vreg.gather [hbm4b:s1+s4], $0x80, v32, vm0, $0xb8;
	[tilespmem:$0x1A680] =	vst v63  }
0x488: {  	s9 =	simm.s32 $0x2000  }
0x489: {  	[tilespmem:s9], [sflag:$0x1] =	stream.indirect_vreg.gather [hbm4b:s10+s4], $0x80, v32, vm0, $0xb8;
	[tilespmem:$0x1A680] =	vst v63  }
0x48a: {  	s12 =	simm.s32 $0x2800  }
0x48b: {  	[tilespmem:s12], [sflag:$0x1] =	stream.indirect_vreg.gather [hbm4b:s11+s4], $0x80, v32, vm0, $0xb8;
	[tilespmem:$0x1A680] =	vst v63  }
0x48c: {  	v32 =	vld [tilespmem:$0x1A2B0];
	_ =	sdelay $0x4  }
0x48d: {  	v42 =	vshrl.u32 v32, $0x3  }
0x48e: {  	v33 =	vmul.u32 $0x30, v42  }
0x48f: {  	v32 =	vand.u32 $0x7, v32  }
0x490: {  	v32 =	vor.u32 v32, v33  }
0x491: {  	v33 =	vperm.xlane v32, v29;
	_ =	sdelay $0x1  }
0x492: {  	v33 =	vadd.s32 v30, v33;
	_ =	sdelay $0x3  }
0x493: {  	s19 =	simm.s32 $0x3000;
	v32 =	vperm.xlane v32, v31  }
0x494: {  	[tilespmem:s19], [sflag:$0x1] =	stream.indirect_vreg.gather [hbm4b:s1+s4], $0x80, v33, vm0, $0xb8;
	[tilespmem:$0x1A680] =	vst v63  }
0x495: {  	s20 =	simm.s32 $0x3800;
	v32 =	vadd.s32 v30, v32  }
0x496: {  	[tilespmem:s20], [sflag:$0x1] =	stream.indirect_vreg.gather [hbm4b:s10+s4], $0x80, v33, vm0, $0xb8;
	[tilespmem:$0x1A680] =	vst v63  }
0x497: {  	s22 =	simm.s32 $0x4000  }
0x498: {  	[tilespmem:s22], [sflag:$0x1] =	stream.indirect_vreg.gather [hbm4b:s11+s4], $0x80, v33, vm0, $0xb8;
	[tilespmem:$0x1A680] =	vst v63  }
0x499: {  	s2 =	simm.s32 $0x4800  }
0x49a: {  	[tilespmem:s2], [sflag:$0x1] =	stream.indirect_vreg.gather [hbm4b:s1+s4], $0x80, v32, vm0, $0xb8;
	[tilespmem:$0x1A680] =	vst v63  }
0x49b: {  	s6 =	simm.s32 $0x5000  }
0x49c: {  	[tilespmem:s6], [sflag:$0x1] =	stream.indirect_vreg.gather [hbm4b:s10+s4], $0x80, v32, vm0, $0xb8;
	[tilespmem:$0x1A680] =	vst v63  }
0x49d: {  	s9 =	simm.s32 $0x5800  }
0x49e: {  	[tilespmem:s9], [sflag:$0x1] =	stream.indirect_vreg.gather [hbm4b:s11+s4], $0x80, v32, vm0, $0xb8;
	[tilespmem:$0x1A680] =	vst v63  }
0x49f: {  	_ =	swait.ge [sflag:s29], $0x6000  }
0x4a0: {  	[sflag:s29] =	ssyncset.done $0x0  }
0x4a1: {  	s12 =	rddreg [dreg:$0x1b];
	[sflag:s29] =	ssyncadd.s32 $0xFFFFA000  }
0x4a2: {  	[hbm4b:s12+s4] =	stream.linear.scatter [tilespmem:s4], [sflag:$0x2], $0x6000, $0x38;
	[tilespmem:$0x1A680] =	vst v63  }
0x4a3: {  	_ =	swait.ge [sflag:s3], $0x6000  }
0x4a4: {  	[sflag:s3] =	ssyncset.done $0x0  }
0x4a5: {  	[sflag:s3] =	ssyncadd.s32 $0xFFFFA000  }
0x4a6: {  	v37 =	vld [tilespmem:$0x1A2C0];
	_ =	sdelay $0x4  }
0x4a7: {  	v38 =	vshrl.u32 v37, $0x3  }
0x4a8: {  	v33 =	vmul.u32 $0x30, v38  }
0x4a9: {  	v32 =	vand.u32 $0x7, v37  }
0x4aa: {  	v32 =	vor.u32 v32, v33  }
0x4ab: {  	v33 =	vperm.xlane v32, v29;
	_ =	sdelay $0x1  }
0x4ac: {  	v33 =	vadd.s32 v30, v33;
	_ =	sdelay $0x3  }
0x4ad: {  	v32 =	vperm.xlane v32, v31  }
0x4ae: {  	[tilespmem:s7], [sflag:$0x1] =	stream.indirect_vreg.gather [hbm4b:s1+s4], $0x80, v33, vm0, $0xb8;
	[tilespmem:$0x1A680] =	vst v63  }
0x4af: {  	s5 =	simm.s32 $0x6800;
	v32 =	vadd.s32 v30, v32  }
0x4b0: {  	[tilespmem:s5], [sflag:$0x1] =	stream.indirect_vreg.gather [hbm4b:s10+s4], $0x80, v33, vm0, $0xb8;
	[tilespmem:$0x1A680] =	vst v63  }
0x4b1: {  	s13 =	simm.s32 $0x7000  }
0x4b2: {  	[tilespmem:s13], [sflag:$0x1] =	stream.indirect_vreg.gather [hbm4b:s11+s4], $0x80, v33, vm0, $0xb8;
	[tilespmem:$0x1A680] =	vst v63  }
0x4b3: {  	s14 =	simm.s32 $0x7800  }
0x4b4: {  	[tilespmem:s14], [sflag:$0x1] =	stream.indirect_vreg.gather [hbm4b:s1+s4], $0x80, v32, vm0, $0xb8;
	[tilespmem:$0x1A680] =	vst v63  }
0x4b5: {  	s14 =	simm.s32 $0x8000  }
0x4b6: {  	[tilespmem:s14], [sflag:$0x1] =	stream.indirect_vreg.gather [hbm4b:s10+s4], $0x80, v32, vm0, $0xb8;
	[tilespmem:$0x1A680] =	vst v63  }
0x4b7: {  	s28 =	simm.s32 $0x8800  }
0x4b8: {  	[tilespmem:s28], [sflag:$0x1] =	stream.indirect_vreg.gather [hbm4b:s11+s4], $0x80, v32, vm0, $0xb8;
	[tilespmem:$0x1A680] =	vst v63  }
0x4b9: {  	v32 =	vld [tilespmem:$0x1A2D0];
	_ =	sdelay $0x4  }
0x4ba: {  	v39 =	vshrl.u32 v32, $0x3  }
0x4bb: {  	v33 =	vmul.u32 $0x30, v39  }
0x4bc: {  	v32 =	vand.u32 $0x7, v32  }
0x4bd: {  	v32 =	vor.u32 v32, v33  }
0x4be: {  	v33 =	vperm.xlane v32, v29;
	_ =	sdelay $0x1  }
0x4bf: {  	v33 =	vadd.s32 v30, v33;
	_ =	sdelay $0x3  }
0x4c0: {  	s30 =	simm.s32 $0x9000;
	v32 =	vperm.xlane v32, v31  }
0x4c1: {  	[tilespmem:s30], [sflag:$0x1] =	stream.indirect_vreg.gather [hbm4b:s1+s4], $0x80, v33, vm0, $0xb8;
	[tilespmem:$0x1A680] =	vst v63  }
0x4c2: {  	s15 =	simm.s32 $0x9800;
	v32 =	vadd.s32 v30, v32  }
0x4c3: {  	[tilespmem:s15], [sflag:$0x1] =	stream.indirect_vreg.gather [hbm4b:s10+s4], $0x80, v33, vm0, $0xb8;
	[tilespmem:$0x1A680] =	vst v63  }
0x4c4: {  	s18 =	simm.s32 $0xA000  }
0x4c5: {  	[tilespmem:s18], [sflag:$0x1] =	stream.indirect_vreg.gather [hbm4b:s11+s4], $0x80, v33, vm0, $0xb8;
	[tilespmem:$0x1A680] =	vst v63  }
0x4c6: {  	s26 =	simm.s32 $0xA800  }
0x4c7: {  	[tilespmem:s26], [sflag:$0x1] =	stream.indirect_vreg.gather [hbm4b:s1+s4], $0x80, v32, vm0, $0xb8;
	[tilespmem:$0x1A680] =	vst v63  }
0x4c8: {  	s18 =	simm.s32 $0xB000  }
0x4c9: {  	[tilespmem:s18], [sflag:$0x1] =	stream.indirect_vreg.gather [hbm4b:s10+s4], $0x80, v32, vm0, $0xb8;
	[tilespmem:$0x1A680] =	vst v63  }
0x4ca: {  	s20 =	simm.s32 $0xB800  }
0x4cb: {  	[tilespmem:s20], [sflag:$0x1] =	stream.indirect_vreg.gather [hbm4b:s11+s4], $0x80, v32, vm0, $0xb8;
	[tilespmem:$0x1A680] =	vst v63  }
0x4cc: {  	_ =	swait.ge [sflag:s29], $0x6000  }
0x4cd: {  	[sflag:s29] =	ssyncset.done $0x0  }
0x4ce: {  	s22 =	rddreg [dreg:$0x1c];
	[sflag:s29] =	ssyncadd.s32 $0xFFFFA000  }
0x4cf: {  	[hbm4b:s22+s4] =	stream.linear.scatter [tilespmem:s7], [sflag:$0x2], $0x6000, $0x38;
	[tilespmem:$0x1A680] =	vst v63  }
0x4d0: {  	_ =	swait.ge [sflag:s3], $0x6000  }
0x4d1: {  	[sflag:s3] =	ssyncset.done $0x0  }
0x4d2: {  	[sflag:s3] =	ssyncadd.s32 $0xFFFFA000  }
0x4d3: {  	v40 =	vld [tilespmem:$0x1A2E0];
	_ =	sdelay $0x4  }
0x4d4: {  	v41 =	vshrl.u32 v40, $0x3  }
0x4d5: {  	v33 =	vmul.u32 $0x30, v41  }
0x4d6: {  	v32 =	vand.u32 $0x7, v40  }
0x4d7: {  	v32 =	vor.u32 v32, v33  }
0x4d8: {  	v33 =	vperm.xlane v32, v29;
	_ =	sdelay $0x1  }
0x4d9: {  	v33 =	vadd.s32 v30, v33;
	_ =	sdelay $0x3  }
0x4da: {  	v32 =	vperm.xlane v32, v31  }
0x4db: {  	[tilespmem:s8], [sflag:$0x1] =	stream.indirect_vreg.gather [hbm4b:s1+s4], $0x80, v33, vm0, $0xb8;
	[tilespmem:$0x1A680] =	vst v63  }
0x4dc: {  	s24 =	simm.s32 $0xC800;
	v32 =	vadd.s32 v30, v32  }
0x4dd: {  	[tilespmem:s24], [sflag:$0x1] =	stream.indirect_vreg.gather [hbm4b:s10+s4], $0x80, v33, vm0, $0xb8;
	[tilespmem:$0x1A680] =	vst v63  }
0x4de: {  	s24 =	simm.s32 $0xD000  }
0x4df: {  	[tilespmem:s24], [sflag:$0x1] =	stream.indirect_vreg.gather [hbm4b:s11+s4], $0x80, v33, vm0, $0xb8;
	[tilespmem:$0x1A680] =	vst v63  }
0x4e0: {  	s17 =	simm.s32 $0xD800  }
0x4e1: {  	[tilespmem:s17], [sflag:$0x1] =	stream.indirect_vreg.gather [hbm4b:s1+s4], $0x80, v32, vm0, $0xb8;
	[tilespmem:$0x1A680] =	vst v63  }
0x4e2: {  	s14 =	simm.s32 $0xE000  }
0x4e3: {  	[tilespmem:s14], [sflag:$0x1] =	stream.indirect_vreg.gather [hbm4b:s10+s4], $0x80, v32, vm0, $0xb8;
	[tilespmem:$0x1A680] =	vst v63  }
0x4e4: {  	s23 =	simm.s32 $0xE800  }
0x4e5: {  	[tilespmem:s23], [sflag:$0x1] =	stream.indirect_vreg.gather [hbm4b:s11+s4], $0x80, v32, vm0, $0xb8;
	[tilespmem:$0x1A680] =	vst v63  }
0x4e6: {  	v32 =	vld [tilespmem:$0x1A2F0];
	_ =	sdelay $0x4  }
0x4e7: {  	v42 =	vshrl.u32 v32, $0x3  }
0x4e8: {  	v33 =	vmul.u32 $0x30, v42  }
0x4e9: {  	v32 =	vand.u32 $0x7, v32  }
0x4ea: {  	v32 =	vor.u32 v32, v33  }
0x4eb: {  	v33 =	vperm.xlane v32, v29;
	_ =	sdelay $0x1  }
0x4ec: {  	v33 =	vadd.s32 v30, v33;
	_ =	sdelay $0x3  }
0x4ed: {  	s31 =	simm.s32 $0xF000;
	v32 =	vperm.xlane v32, v31  }
0x4ee: {  	[tilespmem:s31], [sflag:$0x1] =	stream.indirect_vreg.gather [hbm4b:s1+s4], $0x80, v33, vm0, $0xb8;
	[tilespmem:$0x1A680] =	vst v63  }
0x4ef: {  	s21 =	simm.s32 $0xF800;
	v32 =	vadd.s32 v30, v32  }
0x4f0: {  	[tilespmem:s21], [sflag:$0x1] =	stream.indirect_vreg.gather [hbm4b:s10+s4], $0x80, v33, vm0, $0xb8;
	[tilespmem:$0x1A680] =	vst v63  }
0x4f1: {  	s25 =	simm.s32 $0x10000  }
0x4f2: {  	[tilespmem:s25], [sflag:$0x1] =	stream.indirect_vreg.gather [hbm4b:s11+s4], $0x80, v33, vm0, $0xb8;
	[tilespmem:$0x1A680] =	vst v63  }
0x4f3: {  	s18 =	simm.s32 $0x10800  }
0x4f4: {  	[tilespmem:s18], [sflag:$0x1] =	stream.indirect_vreg.gather [hbm4b:s1+s4], $0x80, v32, vm0, $0xb8;
	[tilespmem:$0x1A680] =	vst v63  }
0x4f5: {  	s21 =	simm.s32 $0x11000  }
0x4f6: {  	[tilespmem:s21], [sflag:$0x1] =	stream.indirect_vreg.gather [hbm4b:s10+s4], $0x80, v32, vm0, $0xb8;
	[tilespmem:$0x1A680] =	vst v63  }
0x4f7: {  	s18 =	simm.s32 $0x11800  }
0x4f8: {  	[tilespmem:s18], [sflag:$0x1] =	stream.indirect_vreg.gather [hbm4b:s11+s4], $0x80, v32, vm0, $0xb8;
	[tilespmem:$0x1A680] =	vst v63  }
0x4f9: {  	_ =	swait.ge [sflag:s29], $0x6000  }
0x4fa: {  	[sflag:s29] =	ssyncset.done $0x0  }
0x4fb: {  	s0 =	rddreg [dreg:$0x1d];
	[sflag:s29] =	ssyncadd.s32 $0xFFFFA000  }
0x4fc: {  	[hbm4b:s0+s4] =	stream.linear.scatter [tilespmem:s8], [sflag:$0x2], $0x6000, $0x38;
	[tilespmem:$0x1A680] =	vst v63  }
0x4fd: {  	_ =	swait.ge [sflag:s3], $0x6000  }
0x4fe: {  	[sflag:s3] =	ssyncset.done $0x0  }
0x4ff: {  	[sflag:s3] =	ssyncadd.s32 $0xFFFFA000  }
0x500: {  	v37 =	vld [tilespmem:$0x1A300];
	_ =	sdelay $0x4  }
0x501: {  	v38 =	vshrl.u32 v37, $0x3  }
0x502: {  	v33 =	vmul.u32 $0x30, v38  }
0x503: {  	v32 =	vand.u32 $0x7, v37  }
0x504: {  	v32 =	vor.u32 v32, v33  }
0x505: {  	v33 =	vperm.xlane v32, v29;
	_ =	sdelay $0x1  }
0x506: {  	v33 =	vadd.s32 v30, v33;
	_ =	sdelay $0x3  }
0x507: {  	v32 =	vperm.xlane v32, v31  }
0x508: {  	[tilespmem:s4], [sflag:$0x1] =	stream.indirect_vreg.gather [hbm4b:s1+s4], $0x80, v33, vm0, $0xb8;
	[tilespmem:$0x1A680] =	vst v63  }
0x509: {  	s0 =	simm.s32 $0x800;
	v32 =	vadd.s32 v30, v32  }
0x50a: {  	[tilespmem:s0], [sflag:$0x1] =	stream.indirect_vreg.gather [hbm4b:s10+s4], $0x80, v33, vm0, $0xb8;
	[tilespmem:$0x1A680] =	vst v63  }
0x50b: {  	s0 =	simm.s32 $0x1000  }
0x50c: {  	[tilespmem:s0], [sflag:$0x1] =	stream.indirect_vreg.gather [hbm4b:s11+s4], $0x80, v33, vm0, $0xb8;
	[tilespmem:$0x1A680] =	vst v63  }
0x50d: {  	s0 =	simm.s32 $0x1800  }
0x50e: {  	[tilespmem:s0], [sflag:$0x1] =	stream.indirect_vreg.gather [hbm4b:s1+s4], $0x80, v32, vm0, $0xb8;
	[tilespmem:$0x1A680] =	vst v63  }
0x50f: {  	s0 =	simm.s32 $0x2000  }
0x510: {  	[tilespmem:s0], [sflag:$0x1] =	stream.indirect_vreg.gather [hbm4b:s10+s4], $0x80, v32, vm0, $0xb8;
	[tilespmem:$0x1A680] =	vst v63  }
0x511: {  	s0 =	simm.s32 $0x2800  }
0x512: {  	[tilespmem:s0], [sflag:$0x1] =	stream.indirect_vreg.gather [hbm4b:s11+s4], $0x80, v32, vm0, $0xb8;
	[tilespmem:$0x1A680] =	vst v63  }
0x513: {  	v32 =	vld [tilespmem:$0x1A310];
	_ =	sdelay $0x4  }
0x514: {  	v39 =	vshrl.u32 v32, $0x3  }
0x515: {  	v33 =	vmul.u32 $0x30, v39  }
0x516: {  	v32 =	vand.u32 $0x7, v32  }
0x517: {  	v32 =	vor.u32 v32, v33  }
0x518: {  	v33 =	vperm.xlane v32, v29;
	_ =	sdelay $0x1  }
0x519: {  	v33 =	vadd.s32 v30, v33;
	_ =	sdelay $0x3  }
0x51a: {  	s0 =	simm.s32 $0x3000;
	v32 =	vperm.xlane v32, v31  }
0x51b: {  	[tilespmem:s0], [sflag:$0x1] =	stream.indirect_vreg.gather [hbm4b:s1+s4], $0x80, v33, vm0, $0xb8;
	[tilespmem:$0x1A680] =	vst v63  }
0x51c: {  	v32 =	vadd.s32 v30, v32;
	s0 =	simm.s32 $0x3800  }
0x51d: {  	[tilespmem:s0], [sflag:$0x1] =	stream.indirect_vreg.gather [hbm4b:s10+s4], $0x80, v33, vm0, $0xb8;
	[tilespmem:$0x1A680] =	vst v63  }
0x51e: {  	s0 =	simm.s32 $0x4000  }
0x51f: {  	[tilespmem:s0], [sflag:$0x1] =	stream.indirect_vreg.gather [hbm4b:s11+s4], $0x80, v33, vm0, $0xb8;
	[tilespmem:$0x1A680] =	vst v63  }
0x520: {  	s0 =	simm.s32 $0x4800  }
0x521: {  	[tilespmem:s0], [sflag:$0x1] =	stream.indirect_vreg.gather [hbm4b:s1+s4], $0x80, v32, vm0, $0xb8;
	[tilespmem:$0x1A680] =	vst v63  }
0x522: {  	s0 =	simm.s32 $0x5000  }
0x523: {  	[tilespmem:s0], [sflag:$0x1] =	stream.indirect_vreg.gather [hbm4b:s10+s4], $0x80, v32, vm0, $0xb8;
	[tilespmem:$0x1A680] =	vst v63  }
0x524: {  	s0 =	simm.s32 $0x5800  }
0x525: {  	[tilespmem:s0], [sflag:$0x1] =	stream.indirect_vreg.gather [hbm4b:s11+s4], $0x80, v32, vm0, $0xb8;
	[tilespmem:$0x1A680] =	vst v63  }
0x526: {  	_ =	swait.ge [sflag:s29], $0x6000  }
0x527: {  	s0 =	sld [smem:$0x7EE]  }
0x528: {  	[sflag:s29] =	ssyncset.done $0x0  }
0x529: {  	[sflag:s29] =	ssyncadd.s32 $0xFFFFA000  }
0x52a: {  	[hbm4b:s0+s4] =	stream.linear.scatter [tilespmem:s4], [sflag:$0x2], $0x6000, $0x38;
	[tilespmem:$0x1A680] =	vst v63  }
0x52b: {  	_ =	swait.ge [sflag:s3], $0x6000  }
0x52c: {  	[sflag:s3] =	ssyncset.done $0x0  }
0x52d: {  	[sflag:s3] =	ssyncadd.s32 $0xFFFFA000  }
0x52e: {  	v40 =	vld [tilespmem:$0x1A320];
	_ =	sdelay $0x4  }
0x52f: {  	v41 =	vshrl.u32 v40, $0x3  }
0x530: {  	v33 =	vmul.u32 $0x30, v41  }
0x531: {  	v32 =	vand.u32 $0x7, v40  }
0x532: {  	v32 =	vor.u32 v32, v33  }
0x533: {  	v33 =	vperm.xlane v32, v29;
	_ =	sdelay $0x1  }
0x534: {  	v33 =	vadd.s32 v30, v33;
	_ =	sdelay $0x3  }
0x535: {  	v32 =	vperm.xlane v32, v31  }
0x536: {  	[tilespmem:s7], [sflag:$0x1] =	stream.indirect_vreg.gather [hbm4b:s1+s4], $0x80, v33, vm0, $0xb8;
	[tilespmem:$0x1A680] =	vst v63  }
0x537: {  	s5 =	simm.s32 $0x6800;
	v32 =	vadd.s32 v30, v32  }
0x538: {  	[tilespmem:s5], [sflag:$0x1] =	stream.indirect_vreg.gather [hbm4b:s10+s4], $0x80, v33, vm0, $0xb8;
	[tilespmem:$0x1A680] =	vst v63  }
0x539: {  	s9 =	simm.s32 $0x7000  }
0x53a: {  	[tilespmem:s9], [sflag:$0x1] =	stream.indirect_vreg.gather [hbm4b:s11+s4], $0x80, v33, vm0, $0xb8;
	[tilespmem:$0x1A680] =	vst v63  }
0x53b: {  	s12 =	simm.s32 $0x7800  }
0x53c: {  	[tilespmem:s12], [sflag:$0x1] =	stream.indirect_vreg.gather [hbm4b:s1+s4], $0x80, v32, vm0, $0xb8;
	[tilespmem:$0x1A680] =	vst v63  }
0x53d: {  	s6 =	simm.s32 $0x8000  }
0x53e: {  	[tilespmem:s6], [sflag:$0x1] =	stream.indirect_vreg.gather [hbm4b:s10+s4], $0x80, v32, vm0, $0xb8;
	[tilespmem:$0x1A680] =	vst v63  }
0x53f: {  	s28 =	simm.s32 $0x8800  }
0x540: {  	[tilespmem:s28], [sflag:$0x1] =	stream.indirect_vreg.gather [hbm4b:s11+s4], $0x80, v32, vm0, $0xb8;
	[tilespmem:$0x1A680] =	vst v63  }
0x541: {  	v32 =	vld [tilespmem:$0x1A330];
	_ =	sdelay $0x4  }
0x542: {  	v42 =	vshrl.u32 v32, $0x3  }
0x543: {  	v33 =	vmul.u32 $0x30, v42  }
0x544: {  	v32 =	vand.u32 $0x7, v32  }
0x545: {  	v32 =	vor.u32 v32, v33  }
0x546: {  	v33 =	vperm.xlane v32, v29;
	_ =	sdelay $0x1  }
0x547: {  	v33 =	vadd.s32 v30, v33;
	_ =	sdelay $0x3  }
0x548: {  	s30 =	simm.s32 $0x9000;
	v32 =	vperm.xlane v32, v31  }
0x549: {  	[tilespmem:s30], [sflag:$0x1] =	stream.indirect_vreg.gather [hbm4b:s1+s4], $0x80, v33, vm0, $0xb8;
	[tilespmem:$0x1A680] =	vst v63  }
0x54a: {  	s13 =	simm.s32 $0x9800;
	v32 =	vadd.s32 v30, v32  }
0x54b: {  	[tilespmem:s13], [sflag:$0x1] =	stream.indirect_vreg.gather [hbm4b:s10+s4], $0x80, v33, vm0, $0xb8;
	[tilespmem:$0x1A680] =	vst v63  }
0x54c: {  	s19 =	simm.s32 $0xA000  }
0x54d: {  	[tilespmem:s19], [sflag:$0x1] =	stream.indirect_vreg.gather [hbm4b:s11+s4], $0x80, v33, vm0, $0xb8;
	[tilespmem:$0x1A680] =	vst v63  }
0x54e: {  	s15 =	simm.s32 $0xA800  }
0x54f: {  	[tilespmem:s15], [sflag:$0x1] =	stream.indirect_vreg.gather [hbm4b:s1+s4], $0x80, v32, vm0, $0xb8;
	[tilespmem:$0x1A680] =	vst v63  }
0x550: {  	s26 =	simm.s32 $0xB000  }
0x551: {  	[tilespmem:s26], [sflag:$0x1] =	stream.indirect_vreg.gather [hbm4b:s10+s4], $0x80, v32, vm0, $0xb8;
	[tilespmem:$0x1A680] =	vst v63  }
0x552: {  	s15 =	simm.s32 $0xB800  }
0x553: {  	[tilespmem:s15], [sflag:$0x1] =	stream.indirect_vreg.gather [hbm4b:s11+s4], $0x80, v32, vm0, $0xb8;
	[tilespmem:$0x1A680] =	vst v63  }
0x554: {  	_ =	swait.ge [sflag:s29], $0x6000  }
0x555: {  	[sflag:s29] =	ssyncset.done $0x0  }
0x556: {  	s28 =	rddreg [dreg:$0x1e];
	[sflag:s29] =	ssyncadd.s32 $0xFFFFA000  }
0x557: {  	[hbm4b:s28+s4] =	stream.linear.scatter [tilespmem:s7], [sflag:$0x2], $0x6000, $0x38;
	[tilespmem:$0x1A680] =	vst v63  }
0x558: {  	_ =	swait.ge [sflag:s3], $0x6000  }
0x559: {  	[sflag:s3] =	ssyncset.done $0x0  }
0x55a: {  	[sflag:s3] =	ssyncadd.s32 $0xFFFFA000  }
0x55b: {  	v37 =	vld [tilespmem:$0x1A340];
	_ =	sdelay $0x4  }
0x55c: {  	v38 =	vshrl.u32 v37, $0x3  }
0x55d: {  	v33 =	vmul.u32 $0x30, v38  }
0x55e: {  	v32 =	vand.u32 $0x7, v37  }
0x55f: {  	v32 =	vor.u32 v32, v33  }
0x560: {  	v33 =	vperm.xlane v32, v29;
	_ =	sdelay $0x1  }
0x561: {  	v33 =	vadd.s32 v30, v33;
	_ =	sdelay $0x3  }
0x562: {  	v32 =	vperm.xlane v32, v31  }
0x563: {  	[tilespmem:s8], [sflag:$0x1] =	stream.indirect_vreg.gather [hbm4b:s1+s4], $0x80, v33, vm0, $0xb8;
	[tilespmem:$0x1A680] =	vst v63  }
0x564: {  	s2 =	simm.s32 $0xC800;
	v32 =	vadd.s32 v30, v32  }
0x565: {  	[tilespmem:s2], [sflag:$0x1] =	stream.indirect_vreg.gather [hbm4b:s10+s4], $0x80, v33, vm0, $0xb8;
	[tilespmem:$0x1A680] =	vst v63  }
0x566: {  	s24 =	simm.s32 $0xD000  }
0x567: {  	[tilespmem:s24], [sflag:$0x1] =	stream.indirect_vreg.gather [hbm4b:s11+s4], $0x80, v33, vm0, $0xb8;
	[tilespmem:$0x1A680] =	vst v63  }
0x568: {  	s17 =	simm.s32 $0xD800  }
0x569: {  	[tilespmem:s17], [sflag:$0x1] =	stream.indirect_vreg.gather [hbm4b:s1+s4], $0x80, v32, vm0, $0xb8;
	[tilespmem:$0x1A680] =	vst v63  }
0x56a: {  	s14 =	simm.s32 $0xE000  }
0x56b: {  	[tilespmem:s14], [sflag:$0x1] =	stream.indirect_vreg.gather [hbm4b:s10+s4], $0x80, v32, vm0, $0xb8;
	[tilespmem:$0x1A680] =	vst v63  }
0x56c: {  	s22 =	simm.s32 $0xE800  }
0x56d: {  	[tilespmem:s22], [sflag:$0x1] =	stream.indirect_vreg.gather [hbm4b:s11+s4], $0x80, v32, vm0, $0xb8;
	[tilespmem:$0x1A680] =	vst v63  }
0x56e: {  	v32 =	vld [tilespmem:$0x1A350];
	_ =	sdelay $0x4  }
0x56f: {  	v39 =	vshrl.u32 v32, $0x3  }
0x570: {  	v33 =	vmul.u32 $0x30, v39  }
0x571: {  	v32 =	vand.u32 $0x7, v32  }
0x572: {  	v32 =	vor.u32 v32, v33  }
0x573: {  	v33 =	vperm.xlane v32, v29;
	_ =	sdelay $0x1  }
0x574: {  	v33 =	vadd.s32 v30, v33;
	_ =	sdelay $0x3  }
0x575: {  	s20 =	simm.s32 $0xF000;
	v32 =	vperm.xlane v32, v31  }
0x576: {  	[tilespmem:s20], [sflag:$0x1] =	stream.indirect_vreg.gather [hbm4b:s1+s4], $0x80, v33, vm0, $0xb8;
	[tilespmem:$0x1A680] =	vst v63  }
0x577: {  	s23 =	simm.s32 $0xF800;
	v32 =	vadd.s32 v30, v32  }
0x578: {  	[tilespmem:s23], [sflag:$0x1] =	stream.indirect_vreg.gather [hbm4b:s10+s4], $0x80, v33, vm0, $0xb8;
	[tilespmem:$0x1A680] =	vst v63  }
0x579: {  	s31 =	simm.s32 $0x10000  }
0x57a: {  	[tilespmem:s31], [sflag:$0x1] =	stream.indirect_vreg.gather [hbm4b:s11+s4], $0x80, v33, vm0, $0xb8;
	[tilespmem:$0x1A680] =	vst v63  }
0x57b: {  	s25 =	simm.s32 $0x10800  }
0x57c: {  	[tilespmem:s25], [sflag:$0x1] =	stream.indirect_vreg.gather [hbm4b:s1+s4], $0x80, v32, vm0, $0xb8;
	[tilespmem:$0x1A680] =	vst v63  }
0x57d: {  	s21 =	simm.s32 $0x11000  }
0x57e: {  	[tilespmem:s21], [sflag:$0x1] =	stream.indirect_vreg.gather [hbm4b:s10+s4], $0x80, v32, vm0, $0xb8;
	[tilespmem:$0x1A680] =	vst v63  }
0x57f: {  	s18 =	simm.s32 $0x11800  }
0x580: {  	[tilespmem:s18], [sflag:$0x1] =	stream.indirect_vreg.gather [hbm4b:s11+s4], $0x80, v32, vm0, $0xb8;
	[tilespmem:$0x1A680] =	vst v63  }
0x581: {  	_ =	swait.ge [sflag:s29], $0x6000  }
0x582: {  	[sflag:s29] =	ssyncset.done $0x0  }
0x583: {  	s31 =	rddreg [dreg:$0x1f];
	[sflag:s29] =	ssyncadd.s32 $0xFFFFA000  }
0x584: {  	[hbm4b:s31+s4] =	stream.linear.scatter [tilespmem:s8], [sflag:$0x2], $0x6000, $0x38;
	[tilespmem:$0x1A680] =	vst v63  }
0x585: {  	_ =	swait.ge [sflag:s3], $0x6000  }
0x586: {  	[sflag:s3] =	ssyncset.done $0x0  }
0x587: {  	[sflag:s3] =	ssyncadd.s32 $0xFFFFA000  }
0x588: {  	v40 =	vld [tilespmem:$0x1A360];
	_ =	sdelay $0x4  }
0x589: {  	v41 =	vshrl.u32 v40, $0x3  }
0x58a: {  	v33 =	vmul.u32 $0x30, v41  }
0x58b: {  	v32 =	vand.u32 $0x7, v40  }
0x58c: {  	v32 =	vor.u32 v32, v33  }
0x58d: {  	v33 =	vperm.xlane v32, v29;
	_ =	sdelay $0x1  }
0x58e: {  	v33 =	vadd.s32 v30, v33;
	_ =	sdelay $0x3  }
0x58f: {  	v32 =	vperm.xlane v32, v31  }
0x590: {  	[tilespmem:s4], [sflag:$0x1] =	stream.indirect_vreg.gather [hbm4b:s1+s4], $0x80, v33, vm0, $0xb8;
	[tilespmem:$0x1A680] =	vst v63  }
0x591: {  	s21 =	simm.s32 $0x800;
	v32 =	vadd.s32 v30, v32  }
0x592: {  	[tilespmem:s21], [sflag:$0x1] =	stream.indirect_vreg.gather [hbm4b:s10+s4], $0x80, v33, vm0, $0xb8;
	[tilespmem:$0x1A680] =	vst v63  }
0x593: {  	s31 =	simm.s32 $0x1000  }
0x594: {  	[tilespmem:s31], [sflag:$0x1] =	stream.indirect_vreg.gather [hbm4b:s11+s4], $0x80, v33, vm0, $0xb8;
	[tilespmem:$0x1A680] =	vst v63  }
0x595: {  	s21 =	simm.s32 $0x1800  }
0x596: {  	[tilespmem:s21], [sflag:$0x1] =	stream.indirect_vreg.gather [hbm4b:s1+s4], $0x80, v32, vm0, $0xb8;
	[tilespmem:$0x1A680] =	vst v63  }
0x597: {  	s31 =	simm.s32 $0x2000  }
0x598: {  	[tilespmem:s31], [sflag:$0x1] =	stream.indirect_vreg.gather [hbm4b:s10+s4], $0x80, v32, vm0, $0xb8;
	[tilespmem:$0x1A680] =	vst v63  }
0x599: {  	s21 =	simm.s32 $0x2800  }
0x59a: {  	[tilespmem:s21], [sflag:$0x1] =	stream.indirect_vreg.gather [hbm4b:s11+s4], $0x80, v32, vm0, $0xb8;
	[tilespmem:$0x1A680] =	vst v63  }
0x59b: {  	v32 =	vld [tilespmem:$0x1A370];
	_ =	sdelay $0x4  }
0x59c: {  	v42 =	vshrl.u32 v32, $0x3  }
0x59d: {  	v33 =	vmul.u32 $0x30, v42  }
0x59e: {  	v32 =	vand.u32 $0x7, v32  }
0x59f: {  	v32 =	vor.u32 v32, v33  }
0x5a0: {  	v33 =	vperm.xlane v32, v29;
	_ =	sdelay $0x1  }
0x5a1: {  	v33 =	vadd.s32 v30, v33;
	_ =	sdelay $0x3  }
0x5a2: {  	s31 =	simm.s32 $0x3000;
	v32 =	vperm.xlane v32, v31  }
0x5a3: {  	[tilespmem:s31], [sflag:$0x1] =	stream.indirect_vreg.gather [hbm4b:s1+s4], $0x80, v33, vm0, $0xb8;
	[tilespmem:$0x1A680] =	vst v63  }
0x5a4: {  	s21 =	simm.s32 $0x3800;
	v32 =	vadd.s32 v30, v32  }
0x5a5: {  	[tilespmem:s21], [sflag:$0x1] =	stream.indirect_vreg.gather [hbm4b:s10+s4], $0x80, v33, vm0, $0xb8;
	[tilespmem:$0x1A680] =	vst v63  }
0x5a6: {  	s31 =	simm.s32 $0x4000  }
0x5a7: {  	[tilespmem:s31], [sflag:$0x1] =	stream.indirect_vreg.gather [hbm4b:s11+s4], $0x80, v33, vm0, $0xb8;
	[tilespmem:$0x1A680] =	vst v63  }
0x5a8: {  	s21 =	simm.s32 $0x4800  }
0x5a9: {  	[tilespmem:s21], [sflag:$0x1] =	stream.indirect_vreg.gather [hbm4b:s1+s4], $0x80, v32, vm0, $0xb8;
	[tilespmem:$0x1A680] =	vst v63  }
0x5aa: {  	s31 =	simm.s32 $0x5000  }
0x5ab: {  	[tilespmem:s31], [sflag:$0x1] =	stream.indirect_vreg.gather [hbm4b:s10+s4], $0x80, v32, vm0, $0xb8;
	[tilespmem:$0x1A680] =	vst v63  }
0x5ac: {  	s21 =	simm.s32 $0x5800  }
0x5ad: {  	[tilespmem:s21], [sflag:$0x1] =	stream.indirect_vreg.gather [hbm4b:s11+s4], $0x80, v32, vm0, $0xb8;
	[tilespmem:$0x1A680] =	vst v63  }
0x5ae: {  	_ =	swait.ge [sflag:s29], $0x6000  }
0x5af: {  	s31 =	sld [smem:$0x7EA]  }
0x5b0: {  	[sflag:s29] =	ssyncset.done $0x0  }
0x5b1: {  	[sflag:s29] =	ssyncadd.s32 $0xFFFFA000  }
0x5b2: {  	[hbm4b:s31+s4] =	stream.linear.scatter [tilespmem:s4], [sflag:$0x2], $0x6000, $0x38;
	[tilespmem:$0x1A680] =	vst v63  }
0x5b3: {  	_ =	swait.ge [sflag:s3], $0x6000  }
0x5b4: {  	[sflag:s3] =	ssyncset.done $0x0  }
0x5b5: {  	[sflag:s3] =	ssyncadd.s32 $0xFFFFA000  }
0x5b6: {  	v37 =	vld [tilespmem:$0x1A380];
	_ =	sdelay $0x4  }
0x5b7: {  	v38 =	vshrl.u32 v37, $0x3  }
0x5b8: {  	v33 =	vmul.u32 $0x30, v38  }
0x5b9: {  	v32 =	vand.u32 $0x7, v37  }
0x5ba: {  	v32 =	vor.u32 v32, v33  }
0x5bb: {  	v33 =	vperm.xlane v32, v29;
	_ =	sdelay $0x1  }
0x5bc: {  	v33 =	vadd.s32 v30, v33;
	_ =	sdelay $0x3  }
0x5bd: {  	v32 =	vperm.xlane v32, v31  }
0x5be: {  	[tilespmem:s7], [sflag:$0x1] =	stream.indirect_vreg.gather [hbm4b:s1+s4], $0x80, v33, vm0, $0xb8;
	[tilespmem:$0x1A680] =	vst v63  }
0x5bf: {  	s5 =	simm.s32 $0x6800;
	v32 =	vadd.s32 v30, v32  }
0x5c0: {  	[tilespmem:s5], [sflag:$0x1] =	stream.indirect_vreg.gather [hbm4b:s10+s4], $0x80, v33, vm0, $0xb8;
	[tilespmem:$0x1A680] =	vst v63  }
0x5c1: {  	s9 =	simm.s32 $0x7000  }
0x5c2: {  	[tilespmem:s9], [sflag:$0x1] =	stream.indirect_vreg.gather [hbm4b:s11+s4], $0x80, v33, vm0, $0xb8;
	[tilespmem:$0x1A680] =	vst v63  }
0x5c3: {  	s12 =	simm.s32 $0x7800  }
0x5c4: {  	[tilespmem:s12], [sflag:$0x1] =	stream.indirect_vreg.gather [hbm4b:s1+s4], $0x80, v32, vm0, $0xb8;
	[tilespmem:$0x1A680] =	vst v63  }
0x5c5: {  	s6 =	simm.s32 $0x8000  }
0x5c6: {  	[tilespmem:s6], [sflag:$0x1] =	stream.indirect_vreg.gather [hbm4b:s10+s4], $0x80, v32, vm0, $0xb8;
	[tilespmem:$0x1A680] =	vst v63  }
0x5c7: {  	s21 =	simm.s32 $0x8800  }
0x5c8: {  	[tilespmem:s21], [sflag:$0x1] =	stream.indirect_vreg.gather [hbm4b:s11+s4], $0x80, v32, vm0, $0xb8;
	[tilespmem:$0x1A680] =	vst v63  }
0x5c9: {  	v32 =	vld [tilespmem:$0x1A390];
	_ =	sdelay $0x4  }
0x5ca: {  	v39 =	vshrl.u32 v32, $0x3  }
0x5cb: {  	v33 =	vmul.u32 $0x30, v39  }
0x5cc: {  	v32 =	vand.u32 $0x7, v32  }
0x5cd: {  	v32 =	vor.u32 v32, v33  }
0x5ce: {  	v33 =	vperm.xlane v32, v29;
	_ =	sdelay $0x1  }
0x5cf: {  	v33 =	vadd.s32 v30, v33;
	_ =	sdelay $0x3  }
0x5d0: {  	s6 =	simm.s32 $0x9000;
	v32 =	vperm.xlane v32, v31  }
0x5d1: {  	[tilespmem:s6], [sflag:$0x1] =	stream.indirect_vreg.gather [hbm4b:s1+s4], $0x80, v33, vm0, $0xb8;
	[tilespmem:$0x1A680] =	vst v63  }
0x5d2: {  	s13 =	simm.s32 $0x9800;
	v32 =	vadd.s32 v30, v32  }
0x5d3: {  	[tilespmem:s13], [sflag:$0x1] =	stream.indirect_vreg.gather [hbm4b:s10+s4], $0x80, v33, vm0, $0xb8;
	[tilespmem:$0x1A680] =	vst v63  }
0x5d4: {  	s19 =	simm.s32 $0xA000  }
0x5d5: {  	[tilespmem:s19], [sflag:$0x1] =	stream.indirect_vreg.gather [hbm4b:s11+s4], $0x80, v33, vm0, $0xb8;
	[tilespmem:$0x1A680] =	vst v63  }
0x5d6: {  	s30 =	simm.s32 $0xA800  }
0x5d7: {  	[tilespmem:s30], [sflag:$0x1] =	stream.indirect_vreg.gather [hbm4b:s1+s4], $0x80, v32, vm0, $0xb8;
	[tilespmem:$0x1A680] =	vst v63  }
0x5d8: {  	s26 =	simm.s32 $0xB000  }
0x5d9: {  	[tilespmem:s26], [sflag:$0x1] =	stream.indirect_vreg.gather [hbm4b:s10+s4], $0x80, v32, vm0, $0xb8;
	[tilespmem:$0x1A680] =	vst v63  }
0x5da: {  	s19 =	simm.s32 $0xB800  }
0x5db: {  	[tilespmem:s19], [sflag:$0x1] =	stream.indirect_vreg.gather [hbm4b:s11+s4], $0x80, v32, vm0, $0xb8;
	[tilespmem:$0x1A680] =	vst v63  }
0x5dc: {  	_ =	swait.ge [sflag:s29], $0x6000  }
0x5dd: {  	s21 =	sld [smem:$0x7EB]  }
0x5de: {  	[sflag:s29] =	ssyncset.done $0x0  }
0x5df: {  	[sflag:s29] =	ssyncadd.s32 $0xFFFFA000  }
0x5e0: {  	[hbm4b:s21+s4] =	stream.linear.scatter [tilespmem:s7], [sflag:$0x2], $0x6000, $0x38;
	[tilespmem:$0x1A680] =	vst v63  }
0x5e1: {  	_ =	swait.ge [sflag:s3], $0x6000  }
0x5e2: {  	[sflag:s3] =	ssyncset.done $0x0  }
0x5e3: {  	[sflag:s3] =	ssyncadd.s32 $0xFFFFA000  }
0x5e4: {  	v40 =	vld [tilespmem:$0x1A3A0];
	_ =	sdelay $0x4  }
0x5e5: {  	v41 =	vshrl.u32 v40, $0x3  }
0x5e6: {  	v33 =	vmul.u32 $0x30, v41  }
0x5e7: {  	v32 =	vand.u32 $0x7, v40  }
0x5e8: {  	v32 =	vor.u32 v32, v33  }
0x5e9: {  	v33 =	vperm.xlane v32, v29;
	_ =	sdelay $0x1  }
0x5ea: {  	v33 =	vadd.s32 v30, v33;
	_ =	sdelay $0x3  }
0x5eb: {  	v32 =	vperm.xlane v32, v31  }
0x5ec: {  	[tilespmem:s8], [sflag:$0x1] =	stream.indirect_vreg.gather [hbm4b:s1+s4], $0x80, v33, vm0, $0xb8;
	[tilespmem:$0x1A680] =	vst v63  }
0x5ed: {  	s15 =	simm.s32 $0xC800;
	v32 =	vadd.s32 v30, v32  }
0x5ee: {  	[tilespmem:s15], [sflag:$0x1] =	stream.indirect_vreg.gather [hbm4b:s10+s4], $0x80, v33, vm0, $0xb8;
	[tilespmem:$0x1A680] =	vst v63  }
0x5ef: {  	s28 =	simm.s32 $0xD000  }
0x5f0: {  	[tilespmem:s28], [sflag:$0x1] =	stream.indirect_vreg.gather [hbm4b:s11+s4], $0x80, v33, vm0, $0xb8;
	[tilespmem:$0x1A680] =	vst v63  }
0x5f1: {  	s17 =	simm.s32 $0xD800  }
0x5f2: {  	[tilespmem:s17], [sflag:$0x1] =	stream.indirect_vreg.gather [hbm4b:s1+s4], $0x80, v32, vm0, $0xb8;
	[tilespmem:$0x1A680] =	vst v63  }
0x5f3: {  	s2 =	simm.s32 $0xE000  }
0x5f4: {  	[tilespmem:s2], [sflag:$0x1] =	stream.indirect_vreg.gather [hbm4b:s10+s4], $0x80, v32, vm0, $0xb8;
	[tilespmem:$0x1A680] =	vst v63  }
0x5f5: {  	s24 =	simm.s32 $0xE800  }
0x5f6: {  	[tilespmem:s24], [sflag:$0x1] =	stream.indirect_vreg.gather [hbm4b:s11+s4], $0x80, v32, vm0, $0xb8;
	[tilespmem:$0x1A680] =	vst v63  }
0x5f7: {  	v32 =	vld [tilespmem:$0x1A3B0];
	_ =	sdelay $0x4  }
0x5f8: {  	v42 =	vshrl.u32 v32, $0x3  }
0x5f9: {  	v33 =	vmul.u32 $0x30, v42  }
0x5fa: {  	v32 =	vand.u32 $0x7, v32  }
0x5fb: {  	v32 =	vor.u32 v32, v33  }
0x5fc: {  	v33 =	vperm.xlane v32, v29;
	_ =	sdelay $0x1  }
0x5fd: {  	v33 =	vadd.s32 v30, v33;
	_ =	sdelay $0x3  }
0x5fe: {  	s22 =	simm.s32 $0xF000;
	v32 =	vperm.xlane v32, v31  }
0x5ff: {  	[tilespmem:s22], [sflag:$0x1] =	stream.indirect_vreg.gather [hbm4b:s1+s4], $0x80, v33, vm0, $0xb8;
	[tilespmem:$0x1A680] =	vst v63  }
0x600: {  	s20 =	simm.s32 $0xF800;
	v32 =	vadd.s32 v30, v32  }
0x601: {  	[tilespmem:s20], [sflag:$0x1] =	stream.indirect_vreg.gather [hbm4b:s10+s4], $0x80, v33, vm0, $0xb8;
	[tilespmem:$0x1A680] =	vst v63  }
0x602: {  	s23 =	simm.s32 $0x10000  }
0x603: {  	[tilespmem:s23], [sflag:$0x1] =	stream.indirect_vreg.gather [hbm4b:s11+s4], $0x80, v33, vm0, $0xb8;
	[tilespmem:$0x1A680] =	vst v63  }
0x604: {  	s25 =	simm.s32 $0x10800  }
0x605: {  	[tilespmem:s25], [sflag:$0x1] =	stream.indirect_vreg.gather [hbm4b:s1+s4], $0x80, v32, vm0, $0xb8;
	[tilespmem:$0x1A680] =	vst v63  }
0x606: {  	s14 =	simm.s32 $0x11000  }
0x607: {  	[tilespmem:s14], [sflag:$0x1] =	stream.indirect_vreg.gather [hbm4b:s10+s4], $0x80, v32, vm0, $0xb8;
	[tilespmem:$0x1A680] =	vst v63  }
0x608: {  	s18 =	simm.s32 $0x11800  }
0x609: {  	[tilespmem:s18], [sflag:$0x1] =	stream.indirect_vreg.gather [hbm4b:s11+s4], $0x80, v32, vm0, $0xb8;
	[tilespmem:$0x1A680] =	vst v63  }
0x60a: {  	_ =	swait.ge [sflag:s29], $0x6000  }
0x60b: {  	s25 =	sld [smem:$0x7EC]  }
0x60c: {  	[sflag:s29] =	ssyncset.done $0x0  }
0x60d: {  	[sflag:s29] =	ssyncadd.s32 $0xFFFFA000  }
0x60e: {  	[hbm4b:s25+s4] =	stream.linear.scatter [tilespmem:s8], [sflag:$0x2], $0x6000, $0x38;
	[tilespmem:$0x1A680] =	vst v63  }
0x60f: {  	_ =	swait.ge [sflag:s3], $0x6000  }
0x610: {  	[sflag:s3] =	ssyncset.done $0x0  }
0x611: {  	[sflag:s3] =	ssyncadd.s32 $0xFFFFA000  }
0x612: {  	v37 =	vld [tilespmem:$0x1A3C0];
	_ =	sdelay $0x4  }
0x613: {  	v38 =	vshrl.u32 v37, $0x3  }
0x614: {  	v33 =	vmul.u32 $0x30, v38  }
0x615: {  	v32 =	vand.u32 $0x7, v37  }
0x616: {  	v32 =	vor.u32 v32, v33  }
0x617: {  	v33 =	vperm.xlane v32, v29;
	_ =	sdelay $0x1  }
0x618: {  	v33 =	vadd.s32 v30, v33;
	_ =	sdelay $0x3  }
0x619: {  	v32 =	vperm.xlane v32, v31  }
0x61a: {  	[tilespmem:s4], [sflag:$0x1] =	stream.indirect_vreg.gather [hbm4b:s1+s4], $0x80, v33, vm0, $0xb8;
	[tilespmem:$0x1A680] =	vst v63  }
0x61b: {  	s28 =	simm.s32 $0x800;
	v32 =	vadd.s32 v30, v32  }
0x61c: {  	[tilespmem:s28], [sflag:$0x1] =	stream.indirect_vreg.gather [hbm4b:s10+s4], $0x80, v33, vm0, $0xb8;
	[tilespmem:$0x1A680] =	vst v63  }
0x61d: {  	s2 =	simm.s32 $0x1000  }
0x61e: {  	[tilespmem:s2], [sflag:$0x1] =	stream.indirect_vreg.gather [hbm4b:s11+s4], $0x80, v33, vm0, $0xb8;
	[tilespmem:$0x1A680] =	vst v63  }
0x61f: {  	s18 =	simm.s32 $0x1800  }
0x620: {  	[tilespmem:s18], [sflag:$0x1] =	stream.indirect_vreg.gather [hbm4b:s1+s4], $0x80, v32, vm0, $0xb8;
	[tilespmem:$0x1A680] =	vst v63  }
0x621: {  	s20 =	simm.s32 $0x2000  }
0x622: {  	[tilespmem:s20], [sflag:$0x1] =	stream.indirect_vreg.gather [hbm4b:s10+s4], $0x80, v32, vm0, $0xb8;
	[tilespmem:$0x1A680] =	vst v63  }
0x623: {  	s23 =	simm.s32 $0x2800  }
0x624: {  	[tilespmem:s23], [sflag:$0x1] =	stream.indirect_vreg.gather [hbm4b:s11+s4], $0x80, v32, vm0, $0xb8;
	[tilespmem:$0x1A680] =	vst v63  }
0x625: {  	v32 =	vld [tilespmem:$0x1A3D0];
	_ =	sdelay $0x4  }
0x626: {  	v39 =	vshrl.u32 v32, $0x3  }
0x627: {  	v33 =	vmul.u32 $0x30, v39  }
0x628: {  	v32 =	vand.u32 $0x7, v32  }
0x629: {  	v32 =	vor.u32 v32, v33  }
0x62a: {  	v33 =	vperm.xlane v32, v29;
	_ =	sdelay $0x1  }
0x62b: {  	v33 =	vadd.s32 v30, v33;
	_ =	sdelay $0x3  }
0x62c: {  	s24 =	simm.s32 $0x3000;
	v32 =	vperm.xlane v32, v31  }
0x62d: {  	[tilespmem:s24], [sflag:$0x1] =	stream.indirect_vreg.gather [hbm4b:s1+s4], $0x80, v33, vm0, $0xb8;
	[tilespmem:$0x1A680] =	vst v63  }
0x62e: {  	s25 =	simm.s32 $0x3800;
	v32 =	vadd.s32 v30, v32  }
0x62f: {  	[tilespmem:s25], [sflag:$0x1] =	stream.indirect_vreg.gather [hbm4b:s10+s4], $0x80, v33, vm0, $0xb8;
	[tilespmem:$0x1A680] =	vst v63  }
0x630: {  	s28 =	simm.s32 $0x4000  }
0x631: {  	[tilespmem:s28], [sflag:$0x1] =	stream.indirect_vreg.gather [hbm4b:s11+s4], $0x80, v33, vm0, $0xb8;
	[tilespmem:$0x1A680] =	vst v63  }
0x632: {  	s2 =	simm.s32 $0x4800  }
0x633: {  	[tilespmem:s2], [sflag:$0x1] =	stream.indirect_vreg.gather [hbm4b:s1+s4], $0x80, v32, vm0, $0xb8;
	[tilespmem:$0x1A680] =	vst v63  }
0x634: {  	s18 =	simm.s32 $0x5000  }
0x635: {  	[tilespmem:s18], [sflag:$0x1] =	stream.indirect_vreg.gather [hbm4b:s10+s4], $0x80, v32, vm0, $0xb8;
	[tilespmem:$0x1A680] =	vst v63  }
0x636: {  	s20 =	simm.s32 $0x5800  }
0x637: {  	[tilespmem:s20], [sflag:$0x1] =	stream.indirect_vreg.gather [hbm4b:s11+s4], $0x80, v32, vm0, $0xb8;
	[tilespmem:$0x1A680] =	vst v63  }
0x638: {  	_ =	swait.ge [sflag:s29], $0x6000  }
0x639: {  	s23 =	sld [smem:$0x7ED]  }
0x63a: {  	[sflag:s29] =	ssyncset.done $0x0  }
0x63b: {  	[sflag:s29] =	ssyncadd.s32 $0xFFFFA000  }
0x63c: {  	[hbm4b:s23+s4] =	stream.linear.scatter [tilespmem:s4], [sflag:$0x2], $0x6000, $0x38;
	[tilespmem:$0x1A680] =	vst v63  }
0x63d: {  	_ =	swait.ge [sflag:s3], $0x6000  }
0x63e: {  	[sflag:s3] =	ssyncset.done $0x0  }
0x63f: {  	[sflag:s3] =	ssyncadd.s32 $0xFFFFA000  }
0x640: {  	v40 =	vld [tilespmem:$0x1A3E0];
	_ =	sdelay $0x4  }
0x641: {  	v41 =	vshrl.u32 v40, $0x3  }
0x642: {  	v33 =	vmul.u32 $0x30, v41  }
0x643: {  	v32 =	vand.u32 $0x7, v40  }
0x644: {  	v32 =	vor.u32 v32, v33  }
0x645: {  	v33 =	vperm.xlane v32, v29;
	_ =	sdelay $0x1  }
0x646: {  	v33 =	vadd.s32 v30, v33;
	_ =	sdelay $0x3  }
0x647: {  	v32 =	vperm.xlane v32, v31  }
0x648: {  	[tilespmem:s7], [sflag:$0x1] =	stream.indirect_vreg.gather [hbm4b:s1+s4], $0x80, v33, vm0, $0xb8;
	[tilespmem:$0x1A680] =	vst v63  }
0x649: {  	s5 =	simm.s32 $0x6800;
	v32 =	vadd.s32 v30, v32  }
0x64a: {  	[tilespmem:s5], [sflag:$0x1] =	stream.indirect_vreg.gather [hbm4b:s10+s4], $0x80, v33, vm0, $0xb8;
	[tilespmem:$0x1A680] =	vst v63  }
0x64b: {  	s9 =	simm.s32 $0x7000  }
0x64c: {  	[tilespmem:s9], [sflag:$0x1] =	stream.indirect_vreg.gather [hbm4b:s11+s4], $0x80, v33, vm0, $0xb8;
	[tilespmem:$0x1A680] =	vst v63  }
0x64d: {  	s12 =	simm.s32 $0x7800  }
0x64e: {  	[tilespmem:s12], [sflag:$0x1] =	stream.indirect_vreg.gather [hbm4b:s1+s4], $0x80, v32, vm0, $0xb8;
	[tilespmem:$0x1A680] =	vst v63  }
0x64f: {  	s31 =	simm.s32 $0x8000  }
0x650: {  	[tilespmem:s31], [sflag:$0x1] =	stream.indirect_vreg.gather [hbm4b:s10+s4], $0x80, v32, vm0, $0xb8;
	[tilespmem:$0x1A680] =	vst v63  }
0x651: {  	s24 =	simm.s32 $0x8800  }
0x652: {  	[tilespmem:s24], [sflag:$0x1] =	stream.indirect_vreg.gather [hbm4b:s11+s4], $0x80, v32, vm0, $0xb8;
	[tilespmem:$0x1A680] =	vst v63  }
0x653: {  	v32 =	vld [tilespmem:$0x1A3F0];
	_ =	sdelay $0x4  }
0x654: {  	v42 =	vshrl.u32 v32, $0x3  }
0x655: {  	v33 =	vmul.u32 $0x30, v42  }
0x656: {  	v32 =	vand.u32 $0x7, v32  }
0x657: {  	v32 =	vor.u32 v32, v33  }
0x658: {  	v33 =	vperm.xlane v32, v29;
	_ =	sdelay $0x1  }
0x659: {  	v33 =	vadd.s32 v30, v33;
	_ =	sdelay $0x3  }
0x65a: {  	s25 =	simm.s32 $0x9000;
	v32 =	vperm.xlane v32, v31  }
0x65b: {  	[tilespmem:s25], [sflag:$0x1] =	stream.indirect_vreg.gather [hbm4b:s1+s4], $0x80, v33, vm0, $0xb8;
	[tilespmem:$0x1A680] =	vst v63  }
0x65c: {  	s13 =	simm.s32 $0x9800;
	v32 =	vadd.s32 v30, v32  }
0x65d: {  	[tilespmem:s13], [sflag:$0x1] =	stream.indirect_vreg.gather [hbm4b:s10+s4], $0x80, v33, vm0, $0xb8;
	[tilespmem:$0x1A680] =	vst v63  }
0x65e: {  	s6 =	simm.s32 $0xA000  }
0x65f: {  	[tilespmem:s6], [sflag:$0x1] =	stream.indirect_vreg.gather [hbm4b:s11+s4], $0x80, v33, vm0, $0xb8;
	[tilespmem:$0x1A680] =	vst v63  }
0x660: {  	s30 =	simm.s32 $0xA800  }
0x661: {  	[tilespmem:s30], [sflag:$0x1] =	stream.indirect_vreg.gather [hbm4b:s1+s4], $0x80, v32, vm0, $0xb8;
	[tilespmem:$0x1A680] =	vst v63  }
0x662: {  	s28 =	simm.s32 $0xB000  }
0x663: {  	[tilespmem:s28], [sflag:$0x1] =	stream.indirect_vreg.gather [hbm4b:s10+s4], $0x80, v32, vm0, $0xb8;
	[tilespmem:$0x1A680] =	vst v63  }
0x664: {  	s2 =	simm.s32 $0xB800  }
0x665: {  	[tilespmem:s2], [sflag:$0x1] =	stream.indirect_vreg.gather [hbm4b:s11+s4], $0x80, v32, vm0, $0xb8;
	[tilespmem:$0x1A680] =	vst v63  }
0x666: {  	_ =	swait.ge [sflag:s29], $0x6000  }
0x667: {  	s13 =	sld [smem:$0x7EF]  }
0x668: {  	[sflag:s29] =	ssyncset.done $0x0  }
0x669: {  	[sflag:s29] =	ssyncadd.s32 $0xFFFFA000  }
0x66a: {  	[hbm4b:s13+s4] =	stream.linear.scatter [tilespmem:s7], [sflag:$0x2], $0x6000, $0x38;
	[tilespmem:$0x1A680] =	vst v63  }
0x66b: {  	_ =	swait.ge [sflag:s3], $0x6000  }
0x66c: {  	[sflag:s3] =	ssyncset.done $0x0  }
0x66d: {  	[sflag:s3] =	ssyncadd.s32 $0xFFFFA000  }
0x66e: {  	v37 =	vld [tilespmem:$0x1A400];
	_ =	sdelay $0x4  }
0x66f: {  	v38 =	vshrl.u32 v37, $0x3  }
0x670: {  	v33 =	vmul.u32 $0x30, v38  }
0x671: {  	v32 =	vand.u32 $0x7, v37  }
0x672: {  	v32 =	vor.u32 v32, v33  }
0x673: {  	v33 =	vperm.xlane v32, v29;
	_ =	sdelay $0x1  }
0x674: {  	v33 =	vadd.s32 v30, v33;
	_ =	sdelay $0x3  }
0x675: {  	v32 =	vperm.xlane v32, v31  }
0x676: {  	[tilespmem:s8], [sflag:$0x1] =	stream.indirect_vreg.gather [hbm4b:s1+s4], $0x80, v33, vm0, $0xb8;
	[tilespmem:$0x1A680] =	vst v63  }
0x677: {  	s21 =	simm.s32 $0xC800;
	v32 =	vadd.s32 v30, v32  }
0x678: {  	[tilespmem:s21], [sflag:$0x1] =	stream.indirect_vreg.gather [hbm4b:s10+s4], $0x80, v33, vm0, $0xb8;
	[tilespmem:$0x1A680] =	vst v63  }
0x679: {  	s26 =	simm.s32 $0xD000  }
0x67a: {  	[tilespmem:s26], [sflag:$0x1] =	stream.indirect_vreg.gather [hbm4b:s11+s4], $0x80, v33, vm0, $0xb8;
	[tilespmem:$0x1A680] =	vst v63  }
0x67b: {  	s15 =	simm.s32 $0xD800  }
0x67c: {  	[tilespmem:s15], [sflag:$0x1] =	stream.indirect_vreg.gather [hbm4b:s1+s4], $0x80, v32, vm0, $0xb8;
	[tilespmem:$0x1A680] =	vst v63  }
0x67d: {  	s17 =	simm.s32 $0xE000  }
0x67e: {  	[tilespmem:s17], [sflag:$0x1] =	stream.indirect_vreg.gather [hbm4b:s10+s4], $0x80, v32, vm0, $0xb8;
	[tilespmem:$0x1A680] =	vst v63  }
0x67f: {  	s17 =	simm.s32 $0xE800  }
0x680: {  	[tilespmem:s17], [sflag:$0x1] =	stream.indirect_vreg.gather [hbm4b:s11+s4], $0x80, v32, vm0, $0xb8;
	[tilespmem:$0x1A680] =	vst v63  }
0x681: {  	v32 =	vld [tilespmem:$0x1A410];
	_ =	sdelay $0x4  }
0x682: {  	v39 =	vshrl.u32 v32, $0x3  }
0x683: {  	v33 =	vmul.u32 $0x30, v39  }
0x684: {  	v32 =	vand.u32 $0x7, v32  }
0x685: {  	v32 =	vor.u32 v32, v33  }
0x686: {  	v33 =	vperm.xlane v32, v29;
	_ =	sdelay $0x1  }
0x687: {  	v33 =	vadd.s32 v30, v33;
	_ =	sdelay $0x3  }
0x688: {  	s19 =	simm.s32 $0xF000;
	v32 =	vperm.xlane v32, v31  }
0x689: {  	[tilespmem:s19], [sflag:$0x1] =	stream.indirect_vreg.gather [hbm4b:s1+s4], $0x80, v33, vm0, $0xb8;
	[tilespmem:$0x1A680] =	vst v63  }
0x68a: {  	s22 =	simm.s32 $0xF800;
	v32 =	vadd.s32 v30, v32  }
0x68b: {  	[tilespmem:s22], [sflag:$0x1] =	stream.indirect_vreg.gather [hbm4b:s10+s4], $0x80, v33, vm0, $0xb8;
	[tilespmem:$0x1A680] =	vst v63  }
0x68c: {  	s19 =	simm.s32 $0x10000  }
0x68d: {  	[tilespmem:s19], [sflag:$0x1] =	stream.indirect_vreg.gather [hbm4b:s11+s4], $0x80, v33, vm0, $0xb8;
	[tilespmem:$0x1A680] =	vst v63  }
0x68e: {  	s22 =	simm.s32 $0x10800  }
0x68f: {  	[tilespmem:s22], [sflag:$0x1] =	stream.indirect_vreg.gather [hbm4b:s1+s4], $0x80, v32, vm0, $0xb8;
	[tilespmem:$0x1A680] =	vst v63  }
0x690: {  	s13 =	simm.s32 $0x11000  }
0x691: {  	[tilespmem:s13], [sflag:$0x1] =	stream.indirect_vreg.gather [hbm4b:s10+s4], $0x80, v32, vm0, $0xb8;
	[tilespmem:$0x1A680] =	vst v63  }
0x692: {  	s14 =	simm.s32 $0x11800  }
0x693: {  	[tilespmem:s14], [sflag:$0x1] =	stream.indirect_vreg.gather [hbm4b:s11+s4], $0x80, v32, vm0, $0xb8;
	[tilespmem:$0x1A680] =	vst v63  }
0x694: {  	_ =	swait.ge [sflag:s29], $0x6000  }
0x695: {  	s0 =	sld [smem:$0x7F6]  }
0x696: {  	[sflag:s29] =	ssyncset.done $0x0  }
0x697: {  	[sflag:s29] =	ssyncadd.s32 $0xFFFFA000  }
0x698: {  	[hbm4b:s0+s4] =	stream.linear.scatter [tilespmem:s8], [sflag:$0x2], $0x6000, $0x38;
	[tilespmem:$0x1A680] =	vst v63  }
0x699: {  	_ =	swait.ge [sflag:s3], $0x6000  }
0x69a: {  	[sflag:s3] =	ssyncset.done $0x0  }
0x69b: {  	[sflag:s3] =	ssyncadd.s32 $0xFFFFA000  }
0x69c: {  	v40 =	vld [tilespmem:$0x1A420];
	_ =	sdelay $0x4  }
0x69d: {  	v41 =	vshrl.u32 v40, $0x3  }
0x69e: {  	v33 =	vmul.u32 $0x30, v41  }
0x69f: {  	v32 =	vand.u32 $0x7, v40  }
0x6a0: {  	v32 =	vor.u32 v32, v33  }
0x6a1: {  	v33 =	vperm.xlane v32, v29;
	_ =	sdelay $0x1  }
0x6a2: {  	v33 =	vadd.s32 v30, v33;
	_ =	sdelay $0x3  }
0x6a3: {  	v32 =	vperm.xlane v32, v31  }
0x6a4: {  	[tilespmem:s4], [sflag:$0x1] =	stream.indirect_vreg.gather [hbm4b:s1+s4], $0x80, v33, vm0, $0xb8;
	[tilespmem:$0x1A680] =	vst v63  }
0x6a5: {  	s0 =	simm.s32 $0x800;
	v32 =	vadd.s32 v30, v32  }
0x6a6: {  	[tilespmem:s0], [sflag:$0x1] =	stream.indirect_vreg.gather [hbm4b:s10+s4], $0x80, v33, vm0, $0xb8;
	[tilespmem:$0x1A680] =	vst v63  }
0x6a7: {  	s0 =	simm.s32 $0x1000  }
0x6a8: {  	[tilespmem:s0], [sflag:$0x1] =	stream.indirect_vreg.gather [hbm4b:s11+s4], $0x80, v33, vm0, $0xb8;
	[tilespmem:$0x1A680] =	vst v63  }
0x6a9: {  	s0 =	simm.s32 $0x1800  }
0x6aa: {  	[tilespmem:s0], [sflag:$0x1] =	stream.indirect_vreg.gather [hbm4b:s1+s4], $0x80, v32, vm0, $0xb8;
	[tilespmem:$0x1A680] =	vst v63  }
0x6ab: {  	s0 =	simm.s32 $0x2000  }
0x6ac: {  	[tilespmem:s0], [sflag:$0x1] =	stream.indirect_vreg.gather [hbm4b:s10+s4], $0x80, v32, vm0, $0xb8;
	[tilespmem:$0x1A680] =	vst v63  }
0x6ad: {  	s0 =	simm.s32 $0x2800  }
0x6ae: {  	[tilespmem:s0], [sflag:$0x1] =	stream.indirect_vreg.gather [hbm4b:s11+s4], $0x80, v32, vm0, $0xb8;
	[tilespmem:$0x1A680] =	vst v63  }
0x6af: {  	v32 =	vld [tilespmem:$0x1A430];
	_ =	sdelay $0x4  }
0x6b0: {  	v42 =	vshrl.u32 v32, $0x3  }
0x6b1: {  	v33 =	vmul.u32 $0x30, v42  }
0x6b2: {  	v32 =	vand.u32 $0x7, v32  }
0x6b3: {  	v32 =	vor.u32 v32, v33  }
0x6b4: {  	v33 =	vperm.xlane v32, v29;
	_ =	sdelay $0x1  }
0x6b5: {  	v33 =	vadd.s32 v30, v33;
	_ =	sdelay $0x3  }
0x6b6: {  	s0 =	simm.s32 $0x3000;
	v32 =	vperm.xlane v32, v31  }
0x6b7: {  	[tilespmem:s0], [sflag:$0x1] =	stream.indirect_vreg.gather [hbm4b:s1+s4], $0x80, v33, vm0, $0xb8;
	[tilespmem:$0x1A680] =	vst v63  }
0x6b8: {  	v32 =	vadd.s32 v30, v32;
	s0 =	simm.s32 $0x3800  }
0x6b9: {  	[tilespmem:s0], [sflag:$0x1] =	stream.indirect_vreg.gather [hbm4b:s10+s4], $0x80, v33, vm0, $0xb8;
	[tilespmem:$0x1A680] =	vst v63  }
0x6ba: {  	s0 =	simm.s32 $0x4000  }
0x6bb: {  	[tilespmem:s0], [sflag:$0x1] =	stream.indirect_vreg.gather [hbm4b:s11+s4], $0x80, v33, vm0, $0xb8;
	[tilespmem:$0x1A680] =	vst v63  }
0x6bc: {  	s0 =	simm.s32 $0x4800  }
0x6bd: {  	[tilespmem:s0], [sflag:$0x1] =	stream.indirect_vreg.gather [hbm4b:s1+s4], $0x80, v32, vm0, $0xb8;
	[tilespmem:$0x1A680] =	vst v63  }
0x6be: {  	s0 =	simm.s32 $0x5000  }
0x6bf: {  	[tilespmem:s0], [sflag:$0x1] =	stream.indirect_vreg.gather [hbm4b:s10+s4], $0x80, v32, vm0, $0xb8;
	[tilespmem:$0x1A680] =	vst v63  }
0x6c0: {  	s0 =	simm.s32 $0x5800  }
0x6c1: {  	[tilespmem:s0], [sflag:$0x1] =	stream.indirect_vreg.gather [hbm4b:s11+s4], $0x80, v32, vm0, $0xb8;
	[tilespmem:$0x1A680] =	vst v63  }
0x6c2: {  	_ =	swait.ge [sflag:s29], $0x6000  }
0x6c3: {  	s0 =	sld [smem:$0x7F0]  }
0x6c4: {  	[sflag:s29] =	ssyncset.done $0x0  }
0x6c5: {  	[sflag:s29] =	ssyncadd.s32 $0xFFFFA000  }
0x6c6: {  	[hbm4b:s0+s4] =	stream.linear.scatter [tilespmem:s4], [sflag:$0x2], $0x6000, $0x38;
	[tilespmem:$0x1A680] =	vst v63  }
0x6c7: {  	_ =	swait.ge [sflag:s3], $0x6000  }
0x6c8: {  	[sflag:s3] =	ssyncset.done $0x0  }
0x6c9: {  	[sflag:s3] =	ssyncadd.s32 $0xFFFFA000  }
0x6ca: {  	v37 =	vld [tilespmem:$0x1A440];
	_ =	sdelay $0x4  }
0x6cb: {  	v38 =	vshrl.u32 v37, $0x3  }
0x6cc: {  	v33 =	vmul.u32 $0x30, v38  }
0x6cd: {  	v32 =	vand.u32 $0x7, v37  }
0x6ce: {  	v32 =	vor.u32 v32, v33  }
0x6cf: {  	v33 =	vperm.xlane v32, v29;
	_ =	sdelay $0x1  }
0x6d0: {  	v33 =	vadd.s32 v30, v33;
	_ =	sdelay $0x3  }
0x6d1: {  	v32 =	vperm.xlane v32, v31  }
0x6d2: {  	[tilespmem:s7], [sflag:$0x1] =	stream.indirect_vreg.gather [hbm4b:s1+s4], $0x80, v33, vm0, $0xb8;
	[tilespmem:$0x1A680] =	vst v63  }
0x6d3: {  	s5 =	simm.s32 $0x6800;
	v32 =	vadd.s32 v30, v32  }
0x6d4: {  	[tilespmem:s5], [sflag:$0x1] =	stream.indirect_vreg.gather [hbm4b:s10+s4], $0x80, v33, vm0, $0xb8;
	[tilespmem:$0x1A680] =	vst v63  }
0x6d5: {  	s18 =	simm.s32 $0x7000  }
0x6d6: {  	[tilespmem:s18], [sflag:$0x1] =	stream.indirect_vreg.gather [hbm4b:s11+s4], $0x80, v33, vm0, $0xb8;
	[tilespmem:$0x1A680] =	vst v63  }
0x6d7: {  	s12 =	simm.s32 $0x7800  }
0x6d8: {  	[tilespmem:s12], [sflag:$0x1] =	stream.indirect_vreg.gather [hbm4b:s1+s4], $0x80, v32, vm0, $0xb8;
	[tilespmem:$0x1A680] =	vst v63  }
0x6d9: {  	s31 =	simm.s32 $0x8000  }
0x6da: {  	[tilespmem:s31], [sflag:$0x1] =	stream.indirect_vreg.gather [hbm4b:s10+s4], $0x80, v32, vm0, $0xb8;
	[tilespmem:$0x1A680] =	vst v63  }
0x6db: {  	s24 =	simm.s32 $0x8800  }
0x6dc: {  	[tilespmem:s24], [sflag:$0x1] =	stream.indirect_vreg.gather [hbm4b:s11+s4], $0x80, v32, vm0, $0xb8;
	[tilespmem:$0x1A680] =	vst v63  }
0x6dd: {  	v32 =	vld [tilespmem:$0x1A450];
	_ =	sdelay $0x4  }
0x6de: {  	v39 =	vshrl.u32 v32, $0x3  }
0x6df: {  	v33 =	vmul.u32 $0x30, v39  }
0x6e0: {  	v32 =	vand.u32 $0x7, v32  }
0x6e1: {  	v32 =	vor.u32 v32, v33  }
0x6e2: {  	v33 =	vperm.xlane v32, v29;
	_ =	sdelay $0x1  }
0x6e3: {  	v33 =	vadd.s32 v30, v33;
	_ =	sdelay $0x3  }
0x6e4: {  	s25 =	simm.s32 $0x9000;
	v32 =	vperm.xlane v32, v31  }
0x6e5: {  	[tilespmem:s25], [sflag:$0x1] =	stream.indirect_vreg.gather [hbm4b:s1+s4], $0x80, v33, vm0, $0xb8;
	[tilespmem:$0x1A680] =	vst v63  }
0x6e6: {  	s9 =	simm.s32 $0x9800;
	v32 =	vadd.s32 v30, v32  }
0x6e7: {  	[tilespmem:s9], [sflag:$0x1] =	stream.indirect_vreg.gather [hbm4b:s10+s4], $0x80, v33, vm0, $0xb8;
	[tilespmem:$0x1A680] =	vst v63  }
0x6e8: {  	s6 =	simm.s32 $0xA000  }
0x6e9: {  	[tilespmem:s6], [sflag:$0x1] =	stream.indirect_vreg.gather [hbm4b:s11+s4], $0x80, v33, vm0, $0xb8;
	[tilespmem:$0x1A680] =	vst v63  }
0x6ea: {  	s30 =	simm.s32 $0xA800  }
0x6eb: {  	[tilespmem:s30], [sflag:$0x1] =	stream.indirect_vreg.gather [hbm4b:s1+s4], $0x80, v32, vm0, $0xb8;
	[tilespmem:$0x1A680] =	vst v63  }
0x6ec: {  	s23 =	simm.s32 $0xB000  }
0x6ed: {  	[tilespmem:s23], [sflag:$0x1] =	stream.indirect_vreg.gather [hbm4b:s10+s4], $0x80, v32, vm0, $0xb8;
	[tilespmem:$0x1A680] =	vst v63  }
0x6ee: {  	s30 =	simm.s32 $0xB800  }
0x6ef: {  	[tilespmem:s30], [sflag:$0x1] =	stream.indirect_vreg.gather [hbm4b:s11+s4], $0x80, v32, vm0, $0xb8;
	[tilespmem:$0x1A680] =	vst v63  }
0x6f0: {  	_ =	swait.ge [sflag:s29], $0x6000  }
0x6f1: {  	s6 =	sld [smem:$0x7F1]  }
0x6f2: {  	[sflag:s29] =	ssyncset.done $0x0  }
0x6f3: {  	[sflag:s29] =	ssyncadd.s32 $0xFFFFA000  }
0x6f4: {  	[hbm4b:s6+s4] =	stream.linear.scatter [tilespmem:s7], [sflag:$0x2], $0x6000, $0x38;
	[tilespmem:$0x1A680] =	vst v63  }
0x6f5: {  	_ =	swait.ge [sflag:s3], $0x6000  }
0x6f6: {  	[sflag:s3] =	ssyncset.done $0x0  }
0x6f7: {  	[sflag:s3] =	ssyncadd.s32 $0xFFFFA000  }
0x6f8: {  	v40 =	vld [tilespmem:$0x1A460];
	_ =	sdelay $0x4  }
0x6f9: {  	v41 =	vshrl.u32 v40, $0x3  }
0x6fa: {  	v33 =	vmul.u32 $0x30, v41  }
0x6fb: {  	v32 =	vand.u32 $0x7, v40  }
0x6fc: {  	v32 =	vor.u32 v32, v33  }
0x6fd: {  	v33 =	vperm.xlane v32, v29;
	_ =	sdelay $0x1  }
0x6fe: {  	v33 =	vadd.s32 v30, v33;
	_ =	sdelay $0x3  }
0x6ff: {  	v32 =	vperm.xlane v32, v31  }
0x700: {  	[tilespmem:s8], [sflag:$0x1] =	stream.indirect_vreg.gather [hbm4b:s1+s4], $0x80, v33, vm0, $0xb8;
	[tilespmem:$0x1A680] =	vst v63  }
0x701: {  	s21 =	simm.s32 $0xC800;
	v32 =	vadd.s32 v30, v32  }
0x702: {  	[tilespmem:s21], [sflag:$0x1] =	stream.indirect_vreg.gather [hbm4b:s10+s4], $0x80, v33, vm0, $0xb8;
	[tilespmem:$0x1A680] =	vst v63  }
0x703: {  	s2 =	simm.s32 $0xD000  }
0x704: {  	[tilespmem:s2], [sflag:$0x1] =	stream.indirect_vreg.gather [hbm4b:s11+s4], $0x80, v33, vm0, $0xb8;
	[tilespmem:$0x1A680] =	vst v63  }
0x705: {  	s28 =	simm.s32 $0xD800  }
0x706: {  	[tilespmem:s28], [sflag:$0x1] =	stream.indirect_vreg.gather [hbm4b:s1+s4], $0x80, v32, vm0, $0xb8;
	[tilespmem:$0x1A680] =	vst v63  }
0x707: {  	s15 =	simm.s32 $0xE000  }
0x708: {  	[tilespmem:s15], [sflag:$0x1] =	stream.indirect_vreg.gather [hbm4b:s10+s4], $0x80, v32, vm0, $0xb8;
	[tilespmem:$0x1A680] =	vst v63  }
0x709: {  	s20 =	simm.s32 $0xE800  }
0x70a: {  	[tilespmem:s20], [sflag:$0x1] =	stream.indirect_vreg.gather [hbm4b:s11+s4], $0x80, v32, vm0, $0xb8;
	[tilespmem:$0x1A680] =	vst v63  }
0x70b: {  	v32 =	vld [tilespmem:$0x1A470];
	_ =	sdelay $0x4  }
0x70c: {  	v42 =	vshrl.u32 v32, $0x3  }
0x70d: {  	v33 =	vmul.u32 $0x30, v42  }
0x70e: {  	v32 =	vand.u32 $0x7, v32  }
0x70f: {  	v32 =	vor.u32 v32, v33  }
0x710: {  	v33 =	vperm.xlane v32, v29;
	_ =	sdelay $0x1  }
0x711: {  	v33 =	vadd.s32 v30, v33;
	_ =	sdelay $0x3  }
0x712: {  	s26 =	simm.s32 $0xF000;
	v32 =	vperm.xlane v32, v31  }
0x713: {  	[tilespmem:s26], [sflag:$0x1] =	stream.indirect_vreg.gather [hbm4b:s1+s4], $0x80, v33, vm0, $0xb8;
	[tilespmem:$0x1A680] =	vst v63  }
0x714: {  	s17 =	simm.s32 $0xF800;
	v32 =	vadd.s32 v30, v32  }
0x715: {  	[tilespmem:s17], [sflag:$0x1] =	stream.indirect_vreg.gather [hbm4b:s10+s4], $0x80, v33, vm0, $0xb8;
	[tilespmem:$0x1A680] =	vst v63  }
0x716: {  	s19 =	simm.s32 $0x10000  }
0x717: {  	[tilespmem:s19], [sflag:$0x1] =	stream.indirect_vreg.gather [hbm4b:s11+s4], $0x80, v33, vm0, $0xb8;
	[tilespmem:$0x1A680] =	vst v63  }
0x718: {  	s22 =	simm.s32 $0x10800  }
0x719: {  	[tilespmem:s22], [sflag:$0x1] =	stream.indirect_vreg.gather [hbm4b:s1+s4], $0x80, v32, vm0, $0xb8;
	[tilespmem:$0x1A680] =	vst v63  }
0x71a: {  	s13 =	simm.s32 $0x11000  }
0x71b: {  	[tilespmem:s13], [sflag:$0x1] =	stream.indirect_vreg.gather [hbm4b:s10+s4], $0x80, v32, vm0, $0xb8;
	[tilespmem:$0x1A680] =	vst v63  }
0x71c: {  	s14 =	simm.s32 $0x11800  }
0x71d: {  	[tilespmem:s14], [sflag:$0x1] =	stream.indirect_vreg.gather [hbm4b:s11+s4], $0x80, v32, vm0, $0xb8;
	[tilespmem:$0x1A680] =	vst v63  }
0x71e: {  	_ =	swait.ge [sflag:s29], $0x6000  }
0x71f: {  	s22 =	sld [smem:$0x7F2]  }
0x720: {  	[sflag:s29] =	ssyncset.done $0x0  }
0x721: {  	[sflag:s29] =	ssyncadd.s32 $0xFFFFA000  }
0x722: {  	[hbm4b:s22+s4] =	stream.linear.scatter [tilespmem:s8], [sflag:$0x2], $0x6000, $0x38;
	[tilespmem:$0x1A680] =	vst v63  }
0x723: {  	_ =	swait.ge [sflag:s3], $0x6000  }
0x724: {  	[sflag:s3] =	ssyncset.done $0x0  }
0x725: {  	[sflag:s3] =	ssyncadd.s32 $0xFFFFA000  }
0x726: {  	v37 =	vld [tilespmem:$0x1A480];
	_ =	sdelay $0x4  }
0x727: {  	v38 =	vshrl.u32 v37, $0x3  }
0x728: {  	v33 =	vmul.u32 $0x30, v38  }
0x729: {  	v32 =	vand.u32 $0x7, v37  }
0x72a: {  	v32 =	vor.u32 v32, v33  }
0x72b: {  	v33 =	vperm.xlane v32, v29;
	_ =	sdelay $0x1  }
0x72c: {  	v33 =	vadd.s32 v30, v33;
	_ =	sdelay $0x3  }
0x72d: {  	v32 =	vperm.xlane v32, v31  }
0x72e: {  	[tilespmem:s4], [sflag:$0x1] =	stream.indirect_vreg.gather [hbm4b:s1+s4], $0x80, v33, vm0, $0xb8;
	[tilespmem:$0x1A680] =	vst v63  }
0x72f: {  	s26 =	simm.s32 $0x800;
	v32 =	vadd.s32 v30, v32  }
0x730: {  	[tilespmem:s26], [sflag:$0x1] =	stream.indirect_vreg.gather [hbm4b:s10+s4], $0x80, v33, vm0, $0xb8;
	[tilespmem:$0x1A680] =	vst v63  }
0x731: {  	s28 =	simm.s32 $0x1000  }
0x732: {  	[tilespmem:s28], [sflag:$0x1] =	stream.indirect_vreg.gather [hbm4b:s11+s4], $0x80, v33, vm0, $0xb8;
	[tilespmem:$0x1A680] =	vst v63  }
0x733: {  	s6 =	simm.s32 $0x1800  }
0x734: {  	[tilespmem:s6], [sflag:$0x1] =	stream.indirect_vreg.gather [hbm4b:s1+s4], $0x80, v32, vm0, $0xb8;
	[tilespmem:$0x1A680] =	vst v63  }
0x735: {  	s14 =	simm.s32 $0x2000  }
0x736: {  	[tilespmem:s14], [sflag:$0x1] =	stream.indirect_vreg.gather [hbm4b:s10+s4], $0x80, v32, vm0, $0xb8;
	[tilespmem:$0x1A680] =	vst v63  }
0x737: {  	s19 =	simm.s32 $0x2800  }
0x738: {  	[tilespmem:s19], [sflag:$0x1] =	stream.indirect_vreg.gather [hbm4b:s11+s4], $0x80, v32, vm0, $0xb8;
	[tilespmem:$0x1A680] =	vst v63  }
0x739: {  	v32 =	vld [tilespmem:$0x1A490];
	_ =	sdelay $0x4  }
0x73a: {  	v39 =	vshrl.u32 v32, $0x3  }
0x73b: {  	v33 =	vmul.u32 $0x30, v39  }
0x73c: {  	v32 =	vand.u32 $0x7, v32  }
0x73d: {  	v32 =	vor.u32 v32, v33  }
0x73e: {  	v33 =	vperm.xlane v32, v29;
	_ =	sdelay $0x1  }
0x73f: {  	v33 =	vadd.s32 v30, v33;
	_ =	sdelay $0x3  }
0x740: {  	s20 =	simm.s32 $0x3000;
	v32 =	vperm.xlane v32, v31  }
0x741: {  	[tilespmem:s20], [sflag:$0x1] =	stream.indirect_vreg.gather [hbm4b:s1+s4], $0x80, v33, vm0, $0xb8;
	[tilespmem:$0x1A680] =	vst v63  }
0x742: {  	s22 =	simm.s32 $0x3800;
	v32 =	vadd.s32 v30, v32  }
0x743: {  	[tilespmem:s22], [sflag:$0x1] =	stream.indirect_vreg.gather [hbm4b:s10+s4], $0x80, v33, vm0, $0xb8;
	[tilespmem:$0x1A680] =	vst v63  }
0x744: {  	s26 =	simm.s32 $0x4000  }
0x745: {  	[tilespmem:s26], [sflag:$0x1] =	stream.indirect_vreg.gather [hbm4b:s11+s4], $0x80, v33, vm0, $0xb8;
	[tilespmem:$0x1A680] =	vst v63  }
0x746: {  	s28 =	simm.s32 $0x4800  }
0x747: {  	[tilespmem:s28], [sflag:$0x1] =	stream.indirect_vreg.gather [hbm4b:s1+s4], $0x80, v32, vm0, $0xb8;
	[tilespmem:$0x1A680] =	vst v63  }
0x748: {  	s6 =	simm.s32 $0x5000  }
0x749: {  	[tilespmem:s6], [sflag:$0x1] =	stream.indirect_vreg.gather [hbm4b:s10+s4], $0x80, v32, vm0, $0xb8;
	[tilespmem:$0x1A680] =	vst v63  }
0x74a: {  	s14 =	simm.s32 $0x5800  }
0x74b: {  	[tilespmem:s14], [sflag:$0x1] =	stream.indirect_vreg.gather [hbm4b:s11+s4], $0x80, v32, vm0, $0xb8;
	[tilespmem:$0x1A680] =	vst v63  }
0x74c: {  	_ =	swait.ge [sflag:s29], $0x6000  }
0x74d: {  	s19 =	sld [smem:$0x7F3]  }
0x74e: {  	[sflag:s29] =	ssyncset.done $0x0  }
0x74f: {  	[sflag:s29] =	ssyncadd.s32 $0xFFFFA000  }
0x750: {  	[hbm4b:s19+s4] =	stream.linear.scatter [tilespmem:s4], [sflag:$0x2], $0x6000, $0x38;
	[tilespmem:$0x1A680] =	vst v63  }
0x751: {  	_ =	swait.ge [sflag:s3], $0x6000  }
0x752: {  	[sflag:s3] =	ssyncset.done $0x0  }
0x753: {  	[sflag:s3] =	ssyncadd.s32 $0xFFFFA000  }
0x754: {  	v40 =	vld [tilespmem:$0x1A4A0];
	_ =	sdelay $0x4  }
0x755: {  	v41 =	vshrl.u32 v40, $0x3  }
0x756: {  	v33 =	vmul.u32 $0x30, v41  }
0x757: {  	v32 =	vand.u32 $0x7, v40  }
0x758: {  	v32 =	vor.u32 v32, v33  }
0x759: {  	v33 =	vperm.xlane v32, v29;
	_ =	sdelay $0x1  }
0x75a: {  	v33 =	vadd.s32 v30, v33;
	_ =	sdelay $0x3  }
0x75b: {  	v32 =	vperm.xlane v32, v31  }
0x75c: {  	[tilespmem:s7], [sflag:$0x1] =	stream.indirect_vreg.gather [hbm4b:s1+s4], $0x80, v33, vm0, $0xb8;
	[tilespmem:$0x1A680] =	vst v63  }
0x75d: {  	s5 =	simm.s32 $0x6800;
	v32 =	vadd.s32 v30, v32  }
0x75e: {  	[tilespmem:s5], [sflag:$0x1] =	stream.indirect_vreg.gather [hbm4b:s10+s4], $0x80, v33, vm0, $0xb8;
	[tilespmem:$0x1A680] =	vst v63  }
0x75f: {  	s18 =	simm.s32 $0x7000  }
0x760: {  	[tilespmem:s18], [sflag:$0x1] =	stream.indirect_vreg.gather [hbm4b:s11+s4], $0x80, v33, vm0, $0xb8;
	[tilespmem:$0x1A680] =	vst v63  }
0x761: {  	s20 =	simm.s32 $0x7800  }
0x762: {  	[tilespmem:s20], [sflag:$0x1] =	stream.indirect_vreg.gather [hbm4b:s1+s4], $0x80, v32, vm0, $0xb8;
	[tilespmem:$0x1A680] =	vst v63  }
0x763: {  	s12 =	simm.s32 $0x8000  }
0x764: {  	[tilespmem:s12], [sflag:$0x1] =	stream.indirect_vreg.gather [hbm4b:s10+s4], $0x80, v32, vm0, $0xb8;
	[tilespmem:$0x1A680] =	vst v63  }
0x765: {  	s22 =	simm.s32 $0x8800  }
0x766: {  	[tilespmem:s22], [sflag:$0x1] =	stream.indirect_vreg.gather [hbm4b:s11+s4], $0x80, v32, vm0, $0xb8;
	[tilespmem:$0x1A680] =	vst v63  }
0x767: {  	v32 =	vld [tilespmem:$0x1A4B0];
	_ =	sdelay $0x4  }
0x768: {  	v42 =	vshrl.u32 v32, $0x3  }
0x769: {  	v33 =	vmul.u32 $0x30, v42  }
0x76a: {  	v32 =	vand.u32 $0x7, v32  }
0x76b: {  	v32 =	vor.u32 v32, v33  }
0x76c: {  	v33 =	vperm.xlane v32, v29;
	_ =	sdelay $0x1  }
0x76d: {  	v33 =	vadd.s32 v30, v33;
	_ =	sdelay $0x3  }
0x76e: {  	s26 =	simm.s32 $0x9000;
	v32 =	vperm.xlane v32, v31  }
0x76f: {  	[tilespmem:s26], [sflag:$0x1] =	stream.indirect_vreg.gather [hbm4b:s1+s4], $0x80, v33, vm0, $0xb8;
	[tilespmem:$0x1A680] =	vst v63  }
0x770: {  	s28 =	simm.s32 $0x9800;
	v32 =	vadd.s32 v30, v32  }
0x771: {  	[tilespmem:s28], [sflag:$0x1] =	stream.indirect_vreg.gather [hbm4b:s10+s4], $0x80, v33, vm0, $0xb8;
	[tilespmem:$0x1A680] =	vst v63  }
0x772: {  	s31 =	simm.s32 $0xA000  }
0x773: {  	[tilespmem:s31], [sflag:$0x1] =	stream.indirect_vreg.gather [hbm4b:s11+s4], $0x80, v33, vm0, $0xb8;
	[tilespmem:$0x1A680] =	vst v63  }
0x774: {  	s5 =	simm.s32 $0xA800  }
0x775: {  	[tilespmem:s5], [sflag:$0x1] =	stream.indirect_vreg.gather [hbm4b:s1+s4], $0x80, v32, vm0, $0xb8;
	[tilespmem:$0x1A680] =	vst v63  }
0x776: {  	s9 =	simm.s32 $0xB000  }
0x777: {  	[tilespmem:s9], [sflag:$0x1] =	stream.indirect_vreg.gather [hbm4b:s10+s4], $0x80, v32, vm0, $0xb8;
	[tilespmem:$0x1A680] =	vst v63  }
0x778: {  	s12 =	simm.s32 $0xB800  }
0x779: {  	[tilespmem:s12], [sflag:$0x1] =	stream.indirect_vreg.gather [hbm4b:s11+s4], $0x80, v32, vm0, $0xb8;
	[tilespmem:$0x1A680] =	vst v63  }
0x77a: {  	_ =	swait.ge [sflag:s29], $0x6000  }
0x77b: {  	s19 =	sld [smem:$0x7F4]  }
0x77c: {  	[sflag:s29] =	ssyncset.done $0x0  }
0x77d: {  	[sflag:s29] =	ssyncadd.s32 $0xFFFFA000  }
0x77e: {  	[hbm4b:s19+s4] =	stream.linear.scatter [tilespmem:s7], [sflag:$0x2], $0x6000, $0x38;
	[tilespmem:$0x1A680] =	vst v63  }
0x77f: {  	_ =	swait.ge [sflag:s3], $0x6000  }
0x780: {  	[sflag:s3] =	ssyncset.done $0x0  }
0x781: {  	[sflag:s3] =	ssyncadd.s32 $0xFFFFA000  }
0x782: {  	v37 =	vld [tilespmem:$0x1A4C0];
	_ =	sdelay $0x4  }
0x783: {  	v38 =	vshrl.u32 v37, $0x3  }
0x784: {  	v33 =	vmul.u32 $0x30, v38  }
0x785: {  	v32 =	vand.u32 $0x7, v37  }
0x786: {  	v32 =	vor.u32 v32, v33  }
0x787: {  	v33 =	vperm.xlane v32, v29;
	_ =	sdelay $0x1  }
0x788: {  	v33 =	vadd.s32 v30, v33;
	_ =	sdelay $0x3  }
0x789: {  	v32 =	vperm.xlane v32, v31  }
0x78a: {  	[tilespmem:s8], [sflag:$0x1] =	stream.indirect_vreg.gather [hbm4b:s1+s4], $0x80, v33, vm0, $0xb8;
	[tilespmem:$0x1A680] =	vst v63  }
0x78b: {  	s25 =	simm.s32 $0xC800;
	v32 =	vadd.s32 v30, v32  }
0x78c: {  	[tilespmem:s25], [sflag:$0x1] =	stream.indirect_vreg.gather [hbm4b:s10+s4], $0x80, v33, vm0, $0xb8;
	[tilespmem:$0x1A680] =	vst v63  }
0x78d: {  	s24 =	simm.s32 $0xD000  }
0x78e: {  	[tilespmem:s24], [sflag:$0x1] =	stream.indirect_vreg.gather [hbm4b:s11+s4], $0x80, v33, vm0, $0xb8;
	[tilespmem:$0x1A680] =	vst v63  }
0x78f: {  	s31 =	simm.s32 $0xD800  }
0x790: {  	[tilespmem:s31], [sflag:$0x1] =	stream.indirect_vreg.gather [hbm4b:s1+s4], $0x80, v32, vm0, $0xb8;
	[tilespmem:$0x1A680] =	vst v63  }
0x791: {  	s23 =	simm.s32 $0xE000  }
0x792: {  	[tilespmem:s23], [sflag:$0x1] =	stream.indirect_vreg.gather [hbm4b:s10+s4], $0x80, v32, vm0, $0xb8;
	[tilespmem:$0x1A680] =	vst v63  }
0x793: {  	s2 =	simm.s32 $0xE800  }
0x794: {  	[tilespmem:s2], [sflag:$0x1] =	stream.indirect_vreg.gather [hbm4b:s11+s4], $0x80, v32, vm0, $0xb8;
	[tilespmem:$0x1A680] =	vst v63  }
0x795: {  	v32 =	vld [tilespmem:$0x1A4D0];
	_ =	sdelay $0x4  }
0x796: {  	v39 =	vshrl.u32 v32, $0x3  }
0x797: {  	v33 =	vmul.u32 $0x30, v39  }
0x798: {  	v32 =	vand.u32 $0x7, v32  }
0x799: {  	v32 =	vor.u32 v32, v33  }
0x79a: {  	v33 =	vperm.xlane v32, v29;
	_ =	sdelay $0x1  }
0x79b: {  	v33 =	vadd.s32 v30, v33;
	_ =	sdelay $0x3  }
0x79c: {  	s30 =	simm.s32 $0xF000;
	v32 =	vperm.xlane v32, v31  }
0x79d: {  	[tilespmem:s30], [sflag:$0x1] =	stream.indirect_vreg.gather [hbm4b:s1+s4], $0x80, v33, vm0, $0xb8;
	[tilespmem:$0x1A680] =	vst v63  }
0x79e: {  	s21 =	simm.s32 $0xF800;
	v32 =	vadd.s32 v30, v32  }
0x79f: {  	[tilespmem:s21], [sflag:$0x1] =	stream.indirect_vreg.gather [hbm4b:s10+s4], $0x80, v33, vm0, $0xb8;
	[tilespmem:$0x1A680] =	vst v63  }
0x7a0: {  	s17 =	simm.s32 $0x10000  }
0x7a1: {  	[tilespmem:s17], [sflag:$0x1] =	stream.indirect_vreg.gather [hbm4b:s11+s4], $0x80, v33, vm0, $0xb8;
	[tilespmem:$0x1A680] =	vst v63  }
0x7a2: {  	s5 =	simm.s32 $0x10800  }
0x7a3: {  	[tilespmem:s5], [sflag:$0x1] =	stream.indirect_vreg.gather [hbm4b:s1+s4], $0x80, v32, vm0, $0xb8;
	[tilespmem:$0x1A680] =	vst v63  }
0x7a4: {  	s13 =	simm.s32 $0x11000  }
0x7a5: {  	[tilespmem:s13], [sflag:$0x1] =	stream.indirect_vreg.gather [hbm4b:s10+s4], $0x80, v32, vm0, $0xb8;
	[tilespmem:$0x1A680] =	vst v63  }
0x7a6: {  	s15 =	simm.s32 $0x11800  }
0x7a7: {  	[tilespmem:s15], [sflag:$0x1] =	stream.indirect_vreg.gather [hbm4b:s11+s4], $0x80, v32, vm0, $0xb8;
	[tilespmem:$0x1A680] =	vst v63  }
0x7a8: {  	_ =	swait.ge [sflag:s29], $0x6000  }
0x7a9: {  	s15 =	sld [smem:$0x7F5]  }
0x7aa: {  	[sflag:s29] =	ssyncset.done $0x0  }
0x7ab: {  	[sflag:s29] =	ssyncadd.s32 $0xFFFFA000  }
0x7ac: {  	[hbm4b:s15+s4] =	stream.linear.scatter [tilespmem:s8], [sflag:$0x2], $0x6000, $0x38;
	[tilespmem:$0x1A680] =	vst v63  }
0x7ad: {  	_ =	swait.ge [sflag:s3], $0x6000  }
0x7ae: {  	[sflag:s3] =	ssyncset.done $0x0  }
0x7af: {  	[sflag:s3] =	ssyncadd.s32 $0xFFFFA000  }
0x7b0: {  	v40 =	vld [tilespmem:$0x1A4E0];
	_ =	sdelay $0x4  }
0x7b1: {  	v41 =	vshrl.u32 v40, $0x3  }
0x7b2: {  	v33 =	vmul.u32 $0x30, v41  }
0x7b3: {  	v32 =	vand.u32 $0x7, v40  }
0x7b4: {  	v32 =	vor.u32 v32, v33  }
0x7b5: {  	v33 =	vperm.xlane v32, v29;
	_ =	sdelay $0x1  }
0x7b6: {  	v33 =	vadd.s32 v30, v33;
	_ =	sdelay $0x3  }
0x7b7: {  	v32 =	vperm.xlane v32, v31  }
0x7b8: {  	[tilespmem:s4], [sflag:$0x1] =	stream.indirect_vreg.gather [hbm4b:s1+s4], $0x80, v33, vm0, $0xb8;
	[tilespmem:$0x1A680] =	vst v63  }
0x7b9: {  	s30 =	simm.s32 $0x800;
	v32 =	vadd.s32 v30, v32  }
0x7ba: {  	[tilespmem:s30], [sflag:$0x1] =	stream.indirect_vreg.gather [hbm4b:s10+s4], $0x80, v33, vm0, $0xb8;
	[tilespmem:$0x1A680] =	vst v63  }
0x7bb: {  	s2 =	simm.s32 $0x1000  }
0x7bc: {  	[tilespmem:s2], [sflag:$0x1] =	stream.indirect_vreg.gather [hbm4b:s11+s4], $0x80, v33, vm0, $0xb8;
	[tilespmem:$0x1A680] =	vst v63  }
0x7bd: {  	s5 =	simm.s32 $0x1800  }
0x7be: {  	[tilespmem:s5], [sflag:$0x1] =	stream.indirect_vreg.gather [hbm4b:s1+s4], $0x80, v32, vm0, $0xb8;
	[tilespmem:$0x1A680] =	vst v63  }
0x7bf: {  	s15 =	simm.s32 $0x2000  }
0x7c0: {  	[tilespmem:s15], [sflag:$0x1] =	stream.indirect_vreg.gather [hbm4b:s10+s4], $0x80, v32, vm0, $0xb8;
	[tilespmem:$0x1A680] =	vst v63  }
0x7c1: {  	s30 =	simm.s32 $0x2800  }
0x7c2: {  	[tilespmem:s30], [sflag:$0x1] =	stream.indirect_vreg.gather [hbm4b:s11+s4], $0x80, v32, vm0, $0xb8;
	[tilespmem:$0x1A680] =	vst v63  }
0x7c3: {  	v32 =	vld [tilespmem:$0x1A4F0];
	_ =	sdelay $0x4  }
0x7c4: {  	v42 =	vshrl.u32 v32, $0x3  }
0x7c5: {  	v33 =	vmul.u32 $0x30, v42  }
0x7c6: {  	v32 =	vand.u32 $0x7, v32  }
0x7c7: {  	v32 =	vor.u32 v32, v33  }
0x7c8: {  	v33 =	vperm.xlane v32, v29;
	_ =	sdelay $0x1  }
0x7c9: {  	v33 =	vadd.s32 v30, v33;
	_ =	sdelay $0x3  }
0x7ca: {  	s2 =	simm.s32 $0x3000;
	v32 =	vperm.xlane v32, v31  }
0x7cb: {  	[tilespmem:s2], [sflag:$0x1] =	stream.indirect_vreg.gather [hbm4b:s1+s4], $0x80, v33, vm0, $0xb8;
	[tilespmem:$0x1A680] =	vst v63  }
0x7cc: {  	s5 =	simm.s32 $0x3800;
	v32 =	vadd.s32 v30, v32  }
0x7cd: {  	[tilespmem:s5], [sflag:$0x1] =	stream.indirect_vreg.gather [hbm4b:s10+s4], $0x80, v33, vm0, $0xb8;
	[tilespmem:$0x1A680] =	vst v63  }
0x7ce: {  	s15 =	simm.s32 $0x4000  }
0x7cf: {  	[tilespmem:s15], [sflag:$0x1] =	stream.indirect_vreg.gather [hbm4b:s11+s4], $0x80, v33, vm0, $0xb8;
	[tilespmem:$0x1A680] =	vst v63  }
0x7d0: {  	s30 =	simm.s32 $0x4800  }
0x7d1: {  	[tilespmem:s30], [sflag:$0x1] =	stream.indirect_vreg.gather [hbm4b:s1+s4], $0x80, v32, vm0, $0xb8;
	[tilespmem:$0x1A680] =	vst v63  }
0x7d2: {  	s2 =	simm.s32 $0x5000  }
0x7d3: {  	[tilespmem:s2], [sflag:$0x1] =	stream.indirect_vreg.gather [hbm4b:s10+s4], $0x80, v32, vm0, $0xb8;
	[tilespmem:$0x1A680] =	vst v63  }
0x7d4: {  	s5 =	simm.s32 $0x5800  }
0x7d5: {  	[tilespmem:s5], [sflag:$0x1] =	stream.indirect_vreg.gather [hbm4b:s11+s4], $0x80, v32, vm0, $0xb8;
	[tilespmem:$0x1A680] =	vst v63  }
0x7d6: {  	_ =	swait.ge [sflag:s29], $0x6000  }
0x7d7: {  	s15 =	sld [smem:$0x7F7]  }
0x7d8: {  	[sflag:s29] =	ssyncset.done $0x0  }
0x7d9: {  	[sflag:s29] =	ssyncadd.s32 $0xFFFFA000  }
0x7da: {  	[hbm4b:s15+s4] =	stream.linear.scatter [tilespmem:s4], [sflag:$0x2], $0x6000, $0x38;
	[tilespmem:$0x1A680] =	vst v63  }
0x7db: {  	_ =	swait.ge [sflag:s3], $0x6000  }
0x7dc: {  	[sflag:s3] =	ssyncset.done $0x0  }
0x7dd: {  	[sflag:s3] =	ssyncadd.s32 $0xFFFFA000  }
0x7de: {  	v37 =	vld [tilespmem:$0x1A500];
	_ =	sdelay $0x4  }
0x7df: {  	v38 =	vshrl.u32 v37, $0x3  }
0x7e0: {  	v33 =	vmul.u32 $0x30, v38  }
0x7e1: {  	v32 =	vand.u32 $0x7, v37  }
0x7e2: {  	v32 =	vor.u32 v32, v33  }
0x7e3: {  	v33 =	vperm.xlane v32, v29;
	_ =	sdelay $0x1  }
0x7e4: {  	v33 =	vadd.s32 v30, v33;
	_ =	sdelay $0x2  }
0x7e5: {  	s2 =	sld [smem:$0x7F8]  }
0x7e6: {  	s30 =	rddreg [dreg:$0x1]  }
0x7e7: {  	[tilespmem:s7], [sflag:$0x1] =	stream.indirect_vreg.gather [hbm4b:s30+s4], $0x80, v33, vm0, $0xb8;
	[tilespmem:$0x1A680] =	vst v63  }
0x7e8: {  	s6 =	simm.s32 $0x6800;
	v32 =	vperm.xlane v32, v31  }
0x7e9: {  	[tilespmem:s6], [sflag:$0x1] =	stream.indirect_vreg.gather [hbm4b:s2+s4], $0x80, v33, vm0, $0xb8;
	[tilespmem:$0x1A680] =	vst v63  }
0x7ea: {  	v32 =	vadd.s32 v30, v32;
	s6 =	sld [smem:$0x7FA];
	_ =	sdelay $0x1  }
0x7eb: {  	s14 =	simm.s32 $0x7000  }
0x7ec: {  	[tilespmem:s14], [sflag:$0x1] =	stream.indirect_vreg.gather [hbm4b:s6+s4], $0x80, v33, vm0, $0xb8;
	[tilespmem:$0x1A680] =	vst v63  }
0x7ed: {  	s20 =	simm.s32 $0x7800  }
0x7ee: {  	[tilespmem:s20], [sflag:$0x1] =	stream.indirect_vreg.gather [hbm4b:s30+s4], $0x80, v32, vm0, $0xb8;
	[tilespmem:$0x1A680] =	vst v63  }
0x7ef: {  	s18 =	simm.s32 $0x8000  }
0x7f0: {  	[tilespmem:s18], [sflag:$0x1] =	stream.indirect_vreg.gather [hbm4b:s2+s4], $0x80, v32, vm0, $0xb8;
	[tilespmem:$0x1A680] =	vst v63  }
0x7f1: {  	s15 =	simm.s32 $0x8800  }
0x7f2: {  	[tilespmem:s15], [sflag:$0x1] =	stream.indirect_vreg.gather [hbm4b:s6+s4], $0x80, v32, vm0, $0xb8;
	[tilespmem:$0x1A680] =	vst v63  }
0x7f3: {  	v32 =	vld [tilespmem:$0x1A510];
	_ =	sdelay $0x4  }
0x7f4: {  	v39 =	vshrl.u32 v32, $0x3  }
0x7f5: {  	v33 =	vmul.u32 $0x30, v39  }
0x7f6: {  	v32 =	vand.u32 $0x7, v32  }
0x7f7: {  	v32 =	vor.u32 v32, v33  }
0x7f8: {  	v33 =	vperm.xlane v32, v29;
	_ =	sdelay $0x1  }
0x7f9: {  	v33 =	vadd.s32 v30, v33;
	_ =	sdelay $0x3  }
0x7fa: {  	s18 =	simm.s32 $0x9000;
	v32 =	vperm.xlane v32, v31  }
0x7fb: {  	[tilespmem:s18], [sflag:$0x1] =	stream.indirect_vreg.gather [hbm4b:s30+s4], $0x80, v33, vm0, $0xb8;
	[tilespmem:$0x1A680] =	vst v63  }
0x7fc: {  	s28 =	simm.s32 $0x9800;
	v32 =	vadd.s32 v30, v32  }
0x7fd: {  	[tilespmem:s28], [sflag:$0x1] =	stream.indirect_vreg.gather [hbm4b:s2+s4], $0x80, v33, vm0, $0xb8;
	[tilespmem:$0x1A680] =	vst v63  }
0x7fe: {  	s26 =	simm.s32 $0xA000  }
0x7ff: {  	[tilespmem:s26], [sflag:$0x1] =	stream.indirect_vreg.gather [hbm4b:s6+s4], $0x80, v33, vm0, $0xb8;
	[tilespmem:$0x1A680] =	vst v63  }
0x800: {  	s20 =	simm.s32 $0xA800  }
0x801: {  	[tilespmem:s20], [sflag:$0x1] =	stream.indirect_vreg.gather [hbm4b:s30+s4], $0x80, v32, vm0, $0xb8;
	[tilespmem:$0x1A680] =	vst v63  }
0x802: {  	s22 =	simm.s32 $0xB000  }
0x803: {  	[tilespmem:s22], [sflag:$0x1] =	stream.indirect_vreg.gather [hbm4b:s2+s4], $0x80, v32, vm0, $0xb8;
	[tilespmem:$0x1A680] =	vst v63  }
0x804: {  	s22 =	simm.s32 $0xB800  }
0x805: {  	[tilespmem:s22], [sflag:$0x1] =	stream.indirect_vreg.gather [hbm4b:s6+s4], $0x80, v32, vm0, $0xb8;
	[tilespmem:$0x1A680] =	vst v63  }
0x806: {  	_ =	swait.ge [sflag:s29], $0x6000  }
0x807: {  	s26 =	sld [smem:$0x7F9]  }
0x808: {  	[sflag:s29] =	ssyncset.done $0x0  }
0x809: {  	[sflag:s29] =	ssyncadd.s32 $0xFFFFA000  }
0x80a: {  	[hbm4b:s26+s4] =	stream.linear.scatter [tilespmem:s7], [sflag:$0x2], $0x6000, $0x38;
	[tilespmem:$0x1A680] =	vst v63  }
0x80b: {  	_ =	swait.ge [sflag:s3], $0x6000  }
0x80c: {  	[sflag:s3] =	ssyncset.done $0x0  }
0x80d: {  	[sflag:s3] =	ssyncadd.s32 $0xFFFFA000  }
0x80e: {  	v40 =	vld [tilespmem:$0x1A520];
	_ =	sdelay $0x4  }
0x80f: {  	v41 =	vshrl.u32 v40, $0x3  }
0x810: {  	v33 =	vmul.u32 $0x30, v41  }
0x811: {  	v32 =	vand.u32 $0x7, v40  }
0x812: {  	v32 =	vor.u32 v32, v33  }
0x813: {  	v33 =	vperm.xlane v32, v29;
	_ =	sdelay $0x1  }
0x814: {  	v33 =	vadd.s32 v30, v33;
	_ =	sdelay $0x3  }
0x815: {  	v32 =	vperm.xlane v32, v31  }
0x816: {  	[tilespmem:s8], [sflag:$0x1] =	stream.indirect_vreg.gather [hbm4b:s30+s4], $0x80, v33, vm0, $0xb8;
	[tilespmem:$0x1A680] =	vst v63  }
0x817: {  	s25 =	simm.s32 $0xC800;
	v32 =	vadd.s32 v30, v32  }
0x818: {  	[tilespmem:s25], [sflag:$0x1] =	stream.indirect_vreg.gather [hbm4b:s2+s4], $0x80, v33, vm0, $0xb8;
	[tilespmem:$0x1A680] =	vst v63  }
0x819: {  	s24 =	simm.s32 $0xD000  }
0x81a: {  	[tilespmem:s24], [sflag:$0x1] =	stream.indirect_vreg.gather [hbm4b:s6+s4], $0x80, v33, vm0, $0xb8;
	[tilespmem:$0x1A680] =	vst v63  }
0x81b: {  	s28 =	simm.s32 $0xD800  }
0x81c: {  	[tilespmem:s28], [sflag:$0x1] =	stream.indirect_vreg.gather [hbm4b:s30+s4], $0x80, v32, vm0, $0xb8;
	[tilespmem:$0x1A680] =	vst v63  }
0x81d: {  	s23 =	simm.s32 $0xE000  }
0x81e: {  	[tilespmem:s23], [sflag:$0x1] =	stream.indirect_vreg.gather [hbm4b:s2+s4], $0x80, v32, vm0, $0xb8;
	[tilespmem:$0x1A680] =	vst v63  }
0x81f: {  	s12 =	simm.s32 $0xE800  }
0x820: {  	[tilespmem:s12], [sflag:$0x1] =	stream.indirect_vreg.gather [hbm4b:s6+s4], $0x80, v32, vm0, $0xb8;
	[tilespmem:$0x1A680] =	vst v63  }
0x821: {  	v32 =	vld [tilespmem:$0x1A530];
	_ =	sdelay $0x4  }
0x822: {  	v42 =	vshrl.u32 v32, $0x3  }
0x823: {  	v33 =	vmul.u32 $0x30, v42  }
0x824: {  	v32 =	vand.u32 $0x7, v32  }
0x825: {  	v32 =	vor.u32 v32, v33  }
0x826: {  	v29 =	vperm.xlane v32, v29;
	_ =	sdelay $0x1  }
0x827: {  	v29 =	vadd.s32 v30, v29;
	_ =	sdelay $0x3  }
0x828: {  	s31 =	simm.s32 $0xF000;
	v31 =	vperm.xlane v32, v31  }
0x829: {  	[tilespmem:s31], [sflag:$0x1] =	stream.indirect_vreg.gather [hbm4b:s30+s4], $0x80, v29, vm0, $0xb8;
	[tilespmem:$0x1A680] =	vst v63  }
0x82a: {  	s19 =	simm.s32 $0xF800;
	v30 =	vadd.s32 v30, v31  }
0x82b: {  	[tilespmem:s19], [sflag:$0x1] =	stream.indirect_vreg.gather [hbm4b:s2+s4], $0x80, v29, vm0, $0xb8;
	[tilespmem:$0x1A680] =	vst v63  }
0x82c: {  	s9 =	simm.s32 $0x10000  }
0x82d: {  	[tilespmem:s9], [sflag:$0x1] =	stream.indirect_vreg.gather [hbm4b:s6+s4], $0x80, v29, vm0, $0xb8;
	[tilespmem:$0x1A680] =	vst v63  }
0x82e: {  	s21 =	simm.s32 $0x10800  }
0x82f: {  	[tilespmem:s21], [sflag:$0x1] =	stream.indirect_vreg.gather [hbm4b:s30+s4], $0x80, v30, vm0, $0xb8;
	[tilespmem:$0x1A680] =	vst v63  }
0x830: {  	s17 =	simm.s32 $0x11000  }
0x831: {  	[tilespmem:s17], [sflag:$0x1] =	stream.indirect_vreg.gather [hbm4b:s2+s4], $0x80, v30, vm0, $0xb8;
	[tilespmem:$0x1A680] =	vst v63  }
0x832: {  	s13 =	simm.s32 $0x11800  }
0x833: {  	[tilespmem:s13], [sflag:$0x1] =	stream.indirect_vreg.gather [hbm4b:s6+s4], $0x80, v30, vm0, $0xb8;
	[tilespmem:$0x1A680] =	vst v63  }
0x834: {  	s30 =	sld [smem:$0x7E6];
	_ =	swait.ge [sflag:s29], $0x6000  }
0x835: {  	s31 =	sld [smem:$0x7FB]  }
0x836: {  	[sflag:s29] =	ssyncset.done $0x0  }
0x837: {  	[sflag:s29] =	ssyncadd.s32 $0xFFFFA000  }
0x838: {  	[hbm4b:s31+s4] =	stream.linear.scatter [tilespmem:s8], [sflag:$0x2], $0x6000, $0x38;
	[tilespmem:$0x1A680] =	vst v63  }
0x839: {  	_ =	swait.ge [sflag:s3], $0x6000  }
0x83a: {  	[sflag:s3] =	ssyncset.done $0x0  }
0x83b: {  	[sflag:s3] =	ssyncadd.s32 $0xFFFFA000  }
0x83c: {  	p0 =	sne.s32 s30, $0x1;
	_ =	swait.ge [sflag:s3], $0x6000  }
.Ltmp0:
0x83d: {  	[sflag:s3] =	ssyncset.done $0x0;
	(pc) =	sbr.rel @p0 .LBB2_1-.Ltmp0, $4  }
0x83e: {  	[sflag:s3] =	ssyncadd.s32 $0xFFFFA000  }
0x83f: {  	_ =	swait.ge [sflag:s3], $0x6000  }
0x840: {  	[sflag:s3] =	ssyncset.done $0x0  }
0x841: {  	s5 =	sadd.s32 $0xFFFFFFFF, s30;
	[sflag:s3] =	ssyncadd.s32 $0xFFFFA000  }
0x842: {  	_ =	sfence.sel $0x180000  }
0x843: {  	[bflag:$0x0] =	sbarrier.arrive $0xFFFF  }
0x844: {  	_ =	strace $0x90000047  }
0x845: {  	s0 =	stileid.u32;
	[bflag:$0x2] =	sbarrier.arrive $0xFFFF  }
0x846: {  	p0 =	sne.s32 s0, $0x0;
	s0 =	rddreg [dreg:$0x5]  }
0x847: {  	s0 =	sadd.s32 @!p0 $0x100000, s0  }
0x848: {  	[sflag:s0] =	ssyncadd.tile.s32 @!p0 $0x1;
	_ =	shalt  }
.Lfunc_end2:
_tile_overlayer_lowered:
.L_overlay_start_2:
0x849: {  	(tag) =	ssettag $0x2  }
0x84a: {  	s0 =	rddreg [dreg:$0x0];
	s2 =	stileid.u32  }
0x84b: {  	s1 =	rddreg [dreg:$0x1];
	p0 =	sne.s32 s2, $0x0  }
0x84c: {  	s3 =	rddreg [dreg:$0x2];
	[bflag:$0x3] =	sbarrier.arrive $0xFFFF;
	s2 =	simm.s32 @!p0 $0x1C01  }
0x84d: {  	[timem:s3], [sflag:s2] =	dma.local @!p0 [hbm:s0], s1  }
0x84e: {  	s0 =	simm.s32 @!p0 $0x1  }
0x84f: {  	_ =	swait.ge @!p0 [sflag:s0], s1  }
0x850: {  	s1 =	ssub.s32 @!p0 $0x0, s1;
	[sflag:s0] =	ssyncset.done @!p0 $0x0  }
0x851: {  	[sflag:s0] =	ssyncadd.s32 @!p0 s1  }
0x852: {  	[bflag:$0x3] =	sbarrier.arrive $0xFFFF  }
0x853: {  	_ =	shalt  }

</sc_bundles>
